<compile_context>
chip_gen: v7x
topology: tpu7x:2x2x1
jax: 0.10.2.dev20260603
libtpu: 0.0.44.dev20260713+nightly
codegen_flags: <defaults>
</compile_context>

<pallas_src>
import jax
import jax.numpy as jnp
from jax import lax
from jax.experimental import pallas as pl
from jax.experimental.pallas import tpu as pltpu
from jax.experimental.pallas import tpu_sc as plsc

N = 10000
E = 160000
NC = 2
NS = 16
NW = NC * NS
CHUNK = 128
CPW = 40
NPAD = 10240
RPW = NPAD // NS
K = 2
NG = CPW // K
TCH = NW * CPW
EPP = TCH * CHUNK
GRT = N // NS
NH = NPAD // 2
RH = 1000
GRIDH = 5

f32 = jnp.float32
i32 = jnp.int32

_mesh = plsc.VectorSubcoreMesh(core_axis_name="c", subcore_axis_name="s")


def _make_sc_scatter(width, do_gather):

  def body(*refs):
    if do_gather:
      (g_hbm, srcs_hbm, dsts_hbm, out_hbm,
       src_v, dst_v, rows_v, acc_sh, g_sh, gsems, ssems) = refs
    else:
      (dsts_hbm, out_hbm, dst_v, rows_v, acc_sh, gsems, ssems) = refs
    c = lax.axis_index("c")
    s = lax.axis_index("s")
    wid = c * NS + s
    off = wid * CPW

    if do_gather:
      pltpu.sync_copy(srcs_hbm.at[pl.ds(off, CPW)], src_v)
      pltpu.sync_copy(g_hbm.at[pl.ds(s * GRT, GRT)], g_sh.at[pl.ds(s * GRT, GRT)])
    pltpu.sync_copy(dsts_hbm.at[pl.ds(off, CPW)], dst_v)

    def zfill(r, carry):
      for cc in range(width // 16):
        rows_v[0, r, pl.ds(cc * 16, 16)] = jnp.zeros((16,), f32)
      return carry
    lax.fori_loop(0, CHUNK, zfill, 0)
    base = s * RPW
    for k in range(RPW // CHUNK):
      pltpu.sync_copy(rows_v.at[0], acc_sh.at[pl.ds(base + k * CHUNK, CHUNK)])

    if not do_gather:
      def ofill(r, carry):
        for b in range(2 * K):
          rows_v[b, r, :] = jnp.ones((16,), f32)
        return carry
      lax.fori_loop(0, CHUNK, ofill, 0)

    plsc.subcore_barrier()

    def gchunk(g, k):
      return (g * K + k) % CPW
    def fire_gather(g, bank):
      for k in range(K):
        pltpu.async_copy(g_sh.at[src_v.at[gchunk(g, k)]],
                         rows_v.at[bank * K + k], gsems.at[bank])
    def wait_gather(g, bank):
      for k in range(K):
        pltpu.make_async_copy(g_sh.at[src_v.at[gchunk(g, k)]],
                              rows_v.at[bank * K + k], gsems.at[bank]).wait()
    def fire_scatter(g, bank):
      for k in range(K):
        pltpu.async_copy(rows_v.at[bank * K + k],
                         acc_sh.at[dst_v.at[g * K + k]], ssems.at[bank],
                         add=True)
    def wait_scatter(g, bank):
      for k in range(K):
        pltpu.make_async_copy(rows_v.at[bank * K + k],
                              acc_sh.at[dst_v.at[g * K + k]],
                              ssems.at[bank]).wait()

    if do_gather:
      def step(i, carry):
        wait_gather(2 * i, 0)
        wait_scatter(2 * i - 1, 1)
        fire_gather(2 * i + 1, 1)
        fire_scatter(2 * i, 0)
        wait_gather(2 * i + 1, 1)
        wait_scatter(2 * i, 0)
        fire_gather(2 * i + 2, 0)
        fire_scatter(2 * i + 1, 1)
        return carry
      fire_gather(0, 0)
      wait_gather(0, 0)
      fire_gather(1, 1)
      fire_scatter(0, 0)
      wait_gather(1, 1)
      wait_scatter(0, 0)
      fire_gather(2, 0)
      fire_scatter(1, 1)
      lax.fori_loop(1, NG // 2, step, 0)
      wait_gather(NG, 0)
      wait_scatter(NG - 1, 1)
    else:
      def dstep(i, carry):
        fire_scatter(2 * i, 0)
        fire_scatter(2 * i + 1, 1)
        wait_scatter(2 * i, 0)
        wait_scatter(2 * i + 1, 1)
        return carry
      lax.fori_loop(0, NG // 2, dstep, 0)

    plsc.subcore_barrier()
    pltpu.sync_copy(acc_sh.at[pl.ds(base, RPW)], out_hbm.at[c, pl.ds(base, RPW)])

  if do_gather:
    scratch = [
        pltpu.VMEM((CPW, CHUNK), i32),
        pltpu.VMEM((CPW, CHUNK), i32),
        pltpu.VMEM((2 * K, CHUNK, width), f32),
        pltpu.VMEM_SHARED((NPAD, width), f32),
        pltpu.VMEM_SHARED((N, width), f32),
        pltpu.SemaphoreType.DMA((2,)),
        pltpu.SemaphoreType.DMA((2,)),
    ]
  else:
    scratch = [
        pltpu.VMEM((CPW, CHUNK), i32),
        pltpu.VMEM((2 * K, CHUNK, width), f32),
        pltpu.VMEM_SHARED((NPAD, width), f32),
        pltpu.SemaphoreType.DMA((2,)),
        pltpu.SemaphoreType.DMA((2,)),
    ]
  return pl.kernel(
      body,
      out_type=jax.ShapeDtypeStruct((NC, NPAD, width), f32),
      mesh=_mesh,
      scratch_types=scratch,
      compiler_params=pltpu.CompilerParams(use_tc_tiling_on_sc=False),
  )


_sc_propagate = _make_sc_scatter(64, True)
_sc_degree = _make_sc_scatter(16, False)

R = 1000
GRID = N // R


def _tc_call(body, out_widths, in_specs):
  return pl.pallas_call(
      body,
      grid=(GRID,),
      in_specs=in_specs,
      out_specs=[pl.BlockSpec((R, w), lambda i: (i, 0)) for w in out_widths],
      out_shape=[jax.ShapeDtypeStruct((N, w), f32) for w in out_widths],
  )


def _rows(w):
  return pl.BlockSpec((R, w), lambda i: (i, 0))


def _part(core, w):
  return pl.BlockSpec((1, R, w), lambda i, core=core: (core, i, 0))


def _full(shape):
  return pl.BlockSpec(shape, lambda i: tuple(0 for _ in shape))


def _mm1_body(x_ref, w1_ref, mm_ref):
  mm_ref[...] = jnp.dot(x_ref[...], w1_ref[...], preferred_element_type=f32)


def _scale1_body(mm_ref, d0_ref, d1_ref, g1_ref, dinv_ref):
  deg = (d0_ref[0] + d1_ref[0] + 1.0)[:, :1]
  dinv = lax.rsqrt(deg)
  dd = dinv.reshape(RH, 2, 1)
  de = dd[:, 0, :]
  do = dd[:, 1, :]
  dinv_ref[...] = jnp.concatenate(
      [jnp.broadcast_to(de, (RH, 64)), jnp.broadcast_to(do, (RH, 64))], axis=1)
  mm = mm_ref[...].reshape(RH, 2, 64)
  g1_ref[...] = jnp.concatenate([de * mm[:, 0, :], do * mm[:, 1, :]], axis=1)


def _layer2_body(s0_ref, s1_ref, g1_ref, dv_ref, w2_ref, b1_ref, g2_ref):
  dv = dv_ref[...]
  h1 = jnp.maximum(dv * (s0_ref[0] + s1_ref[0] + g1_ref[...]) + b1_ref[...], 0.0)
  mme = jnp.dot(h1[:, :64], w2_ref[...], preferred_element_type=f32)
  mmo = jnp.dot(h1[:, 64:], w2_ref[...], preferred_element_type=f32)
  g2_ref[...] = jnp.concatenate(
      [dv[:, :1] * mme, dv[:, 64:65] * mmo], axis=1)


def _layer3_body(s0_ref, s1_ref, g2_ref, dv_ref, b2_ref, g3_ref):
  dv = dv_ref[...]
  h2 = jnp.maximum(dv * (s0_ref[0] + s1_ref[0] + g2_ref[...]) + b2_ref[...], 0.0)
  g3_ref[...] = dv * h2


def _zfin_body(s0_ref, s1_ref, g3_ref, dv_ref, z_ref):
  z_ref[...] = dv_ref[...] * (s0_ref[0] + s1_ref[0] + g3_ref[...])


def _mm3_body(z_ref, w3_ref, b3_ref, out_ref):
  out_ref[...] = jnp.dot(z_ref[...], w3_ref[...],
                         preferred_element_type=f32) + b3_ref[...]


def _prows(w):
  return pl.BlockSpec((RH, w), lambda i: (i, 0))


_mm1 = _tc_call(_mm1_body, [64], [_rows(640), _full((640, 64))])
_scale1 = pl.pallas_call(
    _scale1_body,
    grid=(GRIDH,),
    in_specs=[pl.BlockSpec((2 * RH, 64), lambda i: (i, 0)),
              pl.BlockSpec((1, 2 * RH, 16), lambda i: (0, i, 0)),
              pl.BlockSpec((1, 2 * RH, 16), lambda i: (1, i, 0))],
    out_specs=[pl.BlockSpec((RH, 128), lambda i: (i, 0)),
               pl.BlockSpec((RH, 128), lambda i: (i, 0))],
    out_shape=[jax.ShapeDtypeStruct((NH, 128), f32),
               jax.ShapeDtypeStruct((NH, 128), f32)],
)


def _ppart(core):
  return pl.BlockSpec((1, RH, 128), lambda i, core=core: (core, i, 0))


_layer2 = pl.pallas_call(
    _layer2_body,
    grid=(GRIDH,),
    in_specs=[_ppart(0), _ppart(1), _prows(128), _prows(128),
              _full((64, 64)), _full((1, 128))],
    out_specs=[pl.BlockSpec((RH, 128), lambda i: (i, 0))],
    out_shape=[jax.ShapeDtypeStruct((NH, 128), f32)],
)
_layer3 = pl.pallas_call(
    _layer3_body,
    grid=(GRIDH,),
    in_specs=[_ppart(0), _ppart(1), _prows(128), _prows(128), _full((1, 128))],
    out_specs=[pl.BlockSpec((RH, 128), lambda i: (i, 0))],
    out_shape=[jax.ShapeDtypeStruct((NH, 128), f32)],
)
_zfin = pl.pallas_call(
    _zfin_body,
    grid=(GRIDH,),
    in_specs=[_ppart(0), _ppart(1), _prows(128), _prows(128)],
    out_specs=[pl.BlockSpec((RH, 128), lambda i: (i, 0))],
    out_shape=[jax.ShapeDtypeStruct((NH, 128), f32)],
)
_mm3 = pl.pallas_call(
    _mm3_body,
    grid=(GRID,),
    in_specs=[pl.BlockSpec((R, 64), lambda i: (i, 0)),
              _full((64, 640)), _full((1, 640))],
    out_specs=[pl.BlockSpec((R, 640), lambda i: (i, 0))],
    out_shape=[jax.ShapeDtypeStruct((N, 640), f32)],
)


@jax.jit
def kernel(x, edges, W1, b1, W2, b2, W3, b3):
  src = edges[:, 0].astype(i32)
  dst = edges[:, 1].astype(i32)
  srcs = jnp.concatenate([src, jnp.zeros((EPP - E,), i32)]).reshape(TCH, CHUNK)
  dsts = jnp.concatenate([dst, jnp.full((EPP - E,), N, i32)]).reshape(TCH, CHUNK)
  b1p = jnp.concatenate([b1, b1]).reshape(1, 128)
  b2p = jnp.concatenate([b2, b2]).reshape(1, 128)

  (mm,) = _mm1(x, W1)
  degp = _sc_degree(dsts)
  g1p, dinvp = _scale1(mm, degp, degp)

  s1 = _sc_propagate(g1p.reshape(NPAD, 64), srcs, dsts)
  (g2p,) = _layer2(s1.reshape(NC, NH, 128), s1.reshape(NC, NH, 128),
                   g1p, dinvp, W2, b1p)

  s2 = _sc_propagate(g2p.reshape(NPAD, 64), srcs, dsts)
  (g3p,) = _layer3(s2.reshape(NC, NH, 128), s2.reshape(NC, NH, 128),
                   g2p, dinvp, b2p)

  s3 = _sc_propagate(g3p.reshape(NPAD, 64), srcs, dsts)
  (zp,) = _zfin(s3.reshape(NC, NH, 128), s3.reshape(NC, NH, 128), g3p, dinvp)
  (out,) = _mm3(zp.reshape(NPAD, 64), W3, b3.reshape(1, 640))
  return out

# --- scband reference (transcript-rebuilt; emitter-appended) ---
"""Pipeline reference for scband-gnn-7748121002245 (READ-ONLY COPY).

The authoritative reference and input builder live on the scoring server;
editing this copy changes nothing except your own understanding.
"""

import jax, jax.numpy as jnp
import numpy as np

N_NODES = 10000
N_EDGES = 160000


def gcn_conv(x, src, dst, W, b, n_nodes):
    # PyG GCNConv: x' = D^{-1/2} (A + I) D^{-1/2} X W + b
    h = x @ W
    loop = jnp.arange(n_nodes, dtype=src.dtype)
    s = jnp.concatenate([src, loop])
    d = jnp.concatenate([dst, loop])
    ones = jnp.ones(s.shape[0], dtype=h.dtype)
    deg = jnp.zeros(n_nodes, dtype=h.dtype).at[d].add(ones)
    dinv = jnp.where(deg > 0, deg ** -0.5, 0.0)
    norm = dinv[s] * dinv[d]
    msg = h[s] * norm[:, None]
    out = jnp.zeros((n_nodes, h.shape[1]), dtype=h.dtype).at[d].add(msg)
    return out + b


def setup_inputs(seed: int = 0) -> dict:
    key = jax.random.key(seed)
    k = jax.random.split(key, 8)
    x = jax.random.normal(k[0], (N_NODES, 640), dtype=jnp.float32)
    edges = jax.random.randint(k[1], (N_EDGES, 2), 0, N_NODES, dtype=jnp.int64 if jax.config.jax_enable_x64 else jnp.int32)
    def glorot(kk, fan_in, fan_out):
        lim = float(np.sqrt(6.0 / (fan_in + fan_out)))
        return jax.random.uniform(kk, (fan_in, fan_out), minval=-lim, maxval=lim, dtype=jnp.float32)
    W1 = glorot(k[2], 640, 64)
    b1 = jnp.zeros((64,), dtype=jnp.float32)
    W2 = glorot(k[3], 64, 64)
    b2 = jnp.zeros((64,), dtype=jnp.float32)
    W3 = glorot(k[4], 64, 640)
    b3 = jnp.zeros((640,), dtype=jnp.float32)
    return {"x": x, "edges": edges, "W1": W1, "b1": b1, "W2": W2, "b2": b2, "W3": W3, "b3": b3}


def reference(x, edges, W1, b1, W2, b2, W3, b3):
    # module does edges.T -> edge_index [2, E]
    edge_index = edges.T
    src = edge_index[0]
    dst = edge_index[1]
    n = x.shape[0]
    h = gcn_conv(x, src, dst, W1, b1, n)
    h = jax.nn.relu(h)
    h = gcn_conv(h, src, dst, W2, b2, n)
    h = jax.nn.relu(h)
    h = gcn_conv(h, src, dst, W3, b3, n)
    return h

if __name__ == "__main__":
    import jax
    _d = setup_inputs()
    print(jax.jit(kernel)(*tuple(_d.values())))

</pallas_src>

<mosaic_0001>
#map = affine_map<(d0, d1) -> (0, 0)>
#map1 = affine_map<(d0, d1) -> (0, 0, 0)>
module attributes {stable_mosaic.version = 14 : i64} {
  func.func @body(%arg0: i32, %arg1: i32, %arg2: memref<10240x64xf32, #tpu.memory_space<hbm>>, %arg3: memref<1280x128xi32, #tpu.memory_space<hbm>>, %arg4: memref<1280x128xi32, #tpu.memory_space<hbm>>, %arg5: memref<2x10240x64xf32, #tpu.memory_space<hbm>>, %arg6: memref<40x128xi32, #tpu.memory_space<vmem>>, %arg7: memref<40x128xi32, #tpu.memory_space<vmem>>, %arg8: memref<4x128x64xf32, #tpu.memory_space<vmem>>, %arg9: memref<10240x64xf32, #tpu.memory_space<vmem_shared>>, %arg10: memref<10000x64xf32, #tpu.memory_space<vmem_shared>>, %arg11: memref<2x!tpu.dma_semaphore, #tpu.memory_space<semaphore_mem>>, %arg12: memref<2x!tpu.dma_semaphore, #tpu.memory_space<semaphore_mem>>) attributes {dimension_semantics = [#tpu.dimension_semantics<core_parallel>, #tpu.dimension_semantics<subcore_parallel>], iteration_bounds = array<i64: 2, 16>, scalar_prefetch = 0 : i64, scratch_operands = 7 : i64, tpu.core_type = #tpu.core_type<sc_vector_subcore>, window_params = [{transform_indices = #map}, {transform_indices = #map}, {transform_indices = #map}, {transform_indices = #map1}]} {
    %mul3A = arith.constant 16 : i32
    %mul3A_0 = arith.muli %arg0, %mul3A : i32
    %add3A = arith.addi %mul3A_0, %arg1 : i32
    %mul3A_1 = arith.constant 40 : i32
    %mul3A_2 = arith.muli %add3A, %mul3A_1 : i32
    "tpu.region"() ({
      %run_scoped3A_333 = tpu.sem_alloc : memref<!tpu.dma_semaphore, #tpu.memory_space<semaphore_mem>>
      %dma_start3A_334 = arith.constant 0 : i32
      %dma_start3A_335 = tpu.memref_slice %arg3[%mul3A_2, %dma_start3A_334] : memref<1280x128xi32, #tpu.memory_space<hbm>> -> memref<40x128xi32, #tpu.memory_space<hbm>>
      %dma_start3A_336 = arith.constant 0 : i32
      %dma_start3A_337 = tpu.memref_slice %arg3[%mul3A_2, %dma_start3A_336] : memref<1280x128xi32, #tpu.memory_space<hbm>> -> memref<40x128xi32, #tpu.memory_space<hbm>>
      tpu.enqueue_dma source(%dma_start3A_337 : memref<40x128xi32, #tpu.memory_space<hbm>>) target(%arg6 : memref<40x128xi32, #tpu.memory_space<vmem>>) target_semaphore(%run_scoped3A_333 : memref<!tpu.dma_semaphore, #tpu.memory_space<semaphore_mem>>)
      %dma_wait3A_338 = arith.constant 0 : i32
      %dma_wait3A_339 = tpu.memref_slice %arg3[%mul3A_2, %dma_wait3A_338] : memref<1280x128xi32, #tpu.memory_space<hbm>> -> memref<40x128xi32, #tpu.memory_space<hbm>>
      %dma_wait3A_340 = arith.constant 0 : i32
      %dma_wait3A_341 = tpu.memref_slice %arg3[%mul3A_2, %dma_wait3A_340] : memref<1280x128xi32, #tpu.memory_space<hbm>> -> memref<40x128xi32, #tpu.memory_space<hbm>>
      tpu.wait_dma2 semaphore(%run_scoped3A_333 : memref<!tpu.dma_semaphore, #tpu.memory_space<semaphore_mem>>) src(%dma_wait3A_341 : memref<40x128xi32, #tpu.memory_space<hbm>>) dst(%arg6 : memref<40x128xi32, #tpu.memory_space<vmem>>)
      tpu.yield
    }) : () -> ()
    %mul3A_3 = arith.constant 625 : i32
    %mul3A_4 = arith.muli %arg1, %mul3A_3 : i32
    %mul3A_5 = arith.constant 625 : i32
    %mul3A_6 = arith.muli %arg1, %mul3A_5 : i32
    "tpu.region"() ({
      %run_scoped3A_333 = tpu.sem_alloc : memref<!tpu.dma_semaphore, #tpu.memory_space<semaphore_mem>>
      %dma_start3A_334 = arith.constant 0 : i32
      %dma_start3A_335 = tpu.memref_slice %arg10[%mul3A_6, %dma_start3A_334] : memref<10000x64xf32, #tpu.memory_space<vmem_shared>> -> memref<625x64xf32, #tpu.memory_space<vmem_shared>>
      %dma_start3A_336 = arith.constant 0 : i32
      %dma_start3A_337 = tpu.memref_slice %arg2[%mul3A_4, %dma_start3A_336] : memref<10240x64xf32, #tpu.memory_space<hbm>> -> memref<625x64xf32, #tpu.memory_space<hbm>>
      tpu.enqueue_dma source(%dma_start3A_337 : memref<625x64xf32, #tpu.memory_space<hbm>>) target(%dma_start3A_335 : memref<625x64xf32, #tpu.memory_space<vmem_shared>>) target_semaphore(%run_scoped3A_333 : memref<!tpu.dma_semaphore, #tpu.memory_space<semaphore_mem>>)
      %dma_wait3A_338 = arith.constant 0 : i32
      %dma_wait3A_339 = tpu.memref_slice %arg10[%mul3A_6, %dma_wait3A_338] : memref<10000x64xf32, #tpu.memory_space<vmem_shared>> -> memref<625x64xf32, #tpu.memory_space<vmem_shared>>
      %dma_wait3A_340 = arith.constant 0 : i32
      %dma_wait3A_341 = tpu.memref_slice %arg2[%mul3A_4, %dma_wait3A_340] : memref<10240x64xf32, #tpu.memory_space<hbm>> -> memref<625x64xf32, #tpu.memory_space<hbm>>
      tpu.wait_dma2 semaphore(%run_scoped3A_333 : memref<!tpu.dma_semaphore, #tpu.memory_space<semaphore_mem>>) src(%dma_wait3A_341 : memref<625x64xf32, #tpu.memory_space<hbm>>) dst(%dma_wait3A_339 : memref<625x64xf32, #tpu.memory_space<vmem_shared>>)
      tpu.yield
    }) : () -> ()
    "tpu.region"() ({
      %run_scoped3A_333 = tpu.sem_alloc : memref<!tpu.dma_semaphore, #tpu.memory_space<semaphore_mem>>
      %dma_start3A_334 = arith.constant 0 : i32
      %dma_start3A_335 = tpu.memref_slice %arg4[%mul3A_2, %dma_start3A_334] : memref<1280x128xi32, #tpu.memory_space<hbm>> -> memref<40x128xi32, #tpu.memory_space<hbm>>
      %dma_start3A_336 = arith.constant 0 : i32
      %dma_start3A_337 = tpu.memref_slice %arg4[%mul3A_2, %dma_start3A_336] : memref<1280x128xi32, #tpu.memory_space<hbm>> -> memref<40x128xi32, #tpu.memory_space<hbm>>
      tpu.enqueue_dma source(%dma_start3A_337 : memref<40x128xi32, #tpu.memory_space<hbm>>) target(%arg7 : memref<40x128xi32, #tpu.memory_space<vmem>>) target_semaphore(%run_scoped3A_333 : memref<!tpu.dma_semaphore, #tpu.memory_space<semaphore_mem>>)
      %dma_wait3A_338 = arith.constant 0 : i32
      %dma_wait3A_339 = tpu.memref_slice %arg4[%mul3A_2, %dma_wait3A_338] : memref<1280x128xi32, #tpu.memory_space<hbm>> -> memref<40x128xi32, #tpu.memory_space<hbm>>
      %dma_wait3A_340 = arith.constant 0 : i32
      %dma_wait3A_341 = tpu.memref_slice %arg4[%mul3A_2, %dma_wait3A_340] : memref<1280x128xi32, #tpu.memory_space<hbm>> -> memref<40x128xi32, #tpu.memory_space<hbm>>
      tpu.wait_dma2 semaphore(%run_scoped3A_333 : memref<!tpu.dma_semaphore, #tpu.memory_space<semaphore_mem>>) src(%dma_wait3A_341 : memref<40x128xi32, #tpu.memory_space<hbm>>) dst(%arg7 : memref<40x128xi32, #tpu.memory_space<vmem>>)
      tpu.yield
    }) : () -> ()
    %scan3A = arith.constant 0 : i32
    %scan3A_7 = arith.constant 0 : i32
    %scan3A_8 = arith.constant 128 : i32
    %scan3A_9 = arith.addi %scan3A_7, %scan3A_8 : i32
    %scan3A_10 = arith.constant 1 : i32
    scf.for %scan3A_333 = %scan3A_7 to %scan3A_9 step %scan3A_10  : i32 {
      %broadcast_in_dim3A = arith.constant 0.000000e+00 : f32
      %broadcast_in_dim3A_334 = vector.broadcast %broadcast_in_dim3A : f32 to vector<16xf32>
      %swap3A = arith.constant 0 : i32
      %swap3A_335 = arith.index_cast %swap3A : i32 to index
      %swap3A_336 = arith.index_cast %scan3A_333 : i32 to index
      %swap3A_337 = arith.constant 0 : index
      %swap3A_338 = tpu.vector_load %arg8[%swap3A_335, %swap3A_336, %swap3A_337] {strides = array<i32>} : memref<4x128x64xf32, #tpu.memory_space<vmem>>, vector<1x1x16xf32>,
      %swap3A_339 = vector.shape_cast %swap3A_338 : vector<1x1x16xf32> to vector<16xf32>
      %swap3A_340 = vector.shape_cast %broadcast_in_dim3A_334 : vector<16xf32> to vector<1x1x16xf32>
      tpu.vector_store %arg8[%swap3A_335, %swap3A_336, %swap3A_337], %swap3A_340 {strides = array<i32>} : memref<4x128x64xf32, #tpu.memory_space<vmem>>, vector<1x1x16xf32>,
      %broadcast_in_dim3A_341 = arith.constant 0.000000e+00 : f32
      %broadcast_in_dim3A_342 = vector.broadcast %broadcast_in_dim3A_341 : f32 to vector<16xf32>
      %swap3A_343 = arith.constant 0 : i32
      %swap3A_344 = arith.index_cast %swap3A_343 : i32 to index
      %swap3A_345 = arith.index_cast %scan3A_333 : i32 to index
      %swap3A_346 = arith.constant 16 : index
      %swap3A_347 = tpu.vector_load %arg8[%swap3A_344, %swap3A_345, %swap3A_346] {strides = array<i32>} : memref<4x128x64xf32, #tpu.memory_space<vmem>>, vector<1x1x16xf32>,
      %swap3A_348 = vector.shape_cast %swap3A_347 : vector<1x1x16xf32> to vector<16xf32>
      %swap3A_349 = vector.shape_cast %broadcast_in_dim3A_342 : vector<16xf32> to vector<1x1x16xf32>
      tpu.vector_store %arg8[%swap3A_344, %swap3A_345, %swap3A_346], %swap3A_349 {strides = array<i32>} : memref<4x128x64xf32, #tpu.memory_space<vmem>>, vector<1x1x16xf32>,
      %broadcast_in_dim3A_350 = arith.constant 0.000000e+00 : f32
      %broadcast_in_dim3A_351 = vector.broadcast %broadcast_in_dim3A_350 : f32 to vector<16xf32>
      %swap3A_352 = arith.constant 0 : i32
      %swap3A_353 = arith.index_cast %swap3A_352 : i32 to index
      %swap3A_354 = arith.index_cast %scan3A_333 : i32 to index
      %swap3A_355 = arith.constant 32 : index
      %swap3A_356 = tpu.vector_load %arg8[%swap3A_353, %swap3A_354, %swap3A_355] {strides = array<i32>} : memref<4x128x64xf32, #tpu.memory_space<vmem>>, vector<1x1x16xf32>,
      %swap3A_357 = vector.shape_cast %swap3A_356 : vector<1x1x16xf32> to vector<16xf32>
      %swap3A_358 = vector.shape_cast %broadcast_in_dim3A_351 : vector<16xf32> to vector<1x1x16xf32>
      tpu.vector_store %arg8[%swap3A_353, %swap3A_354, %swap3A_355], %swap3A_358 {strides = array<i32>} : memref<4x128x64xf32, #tpu.memory_space<vmem>>, vector<1x1x16xf32>,
      %broadcast_in_dim3A_359 = arith.constant 0.000000e+00 : f32
      %broadcast_in_dim3A_360 = vector.broadcast %broadcast_in_dim3A_359 : f32 to vector<16xf32>
      %swap3A_361 = arith.constant 0 : i32
      %swap3A_362 = arith.index_cast %swap3A_361 : i32 to index
      %swap3A_363 = arith.index_cast %scan3A_333 : i32 to index
      %swap3A_364 = arith.constant 48 : index
      %swap3A_365 = tpu.vector_load %arg8[%swap3A_362, %swap3A_363, %swap3A_364] {strides = array<i32>} : memref<4x128x64xf32, #tpu.memory_space<vmem>>, vector<1x1x16xf32>,
      %swap3A_366 = vector.shape_cast %swap3A_365 : vector<1x1x16xf32> to vector<16xf32>
      %swap3A_367 = vector.shape_cast %broadcast_in_dim3A_360 : vector<16xf32> to vector<1x1x16xf32>
      tpu.vector_store %arg8[%swap3A_362, %swap3A_363, %swap3A_364], %swap3A_367 {strides = array<i32>} : memref<4x128x64xf32, #tpu.memory_space<vmem>>, vector<1x1x16xf32>,
    }
    %scan3A_11 = arith.constant 128 : i32
    %mul3A_12 = arith.constant 640 : i32
    %mul3A_13 = arith.muli %arg1, %mul3A_12 : i32
    %add3A_14 = arith.constant 0 : i32
    %add3A_15 = arith.addi %mul3A_13, %add3A_14 : i32
    %run_scoped3A = arith.constant 0 : i32
    "tpu.region"() ({
      %run_scoped3A_333 = tpu.sem_alloc : memref<!tpu.dma_semaphore, #tpu.memory_space<semaphore_mem>>
      %dma_start3A_334 = arith.constant 0 : i32
      %dma_start3A_335 = arith.constant 0 : i32
      %dma_start3A_336 = tpu.memref_slice %arg8[%run_scoped3A, %dma_start3A_334, %dma_start3A_335] : memref<4x128x64xf32, #tpu.memory_space<vmem>> -> memref<1x128x64xf32, #tpu.memory_space<vmem>>
      %dma_start3A_337 = tpu.memref_squeeze %dma_start3A_336 : memref<1x128x64xf32, #tpu.memory_space<vmem>> -> memref<128x64xf32, #tpu.memory_space<vmem>>
      %dma_start3A_338 = arith.constant 0 : i32
      %dma_start3A_339 = tpu.memref_slice %arg9[%add3A_15, %dma_start3A_338] : memref<10240x64xf32, #tpu.memory_space<vmem_shared>> -> memref<128x64xf32, #tpu.memory_space<vmem_shared>>
      %dma_start3A_340 = arith.constant 0 : i32
      %dma_start3A_341 = tpu.memref_slice %arg9[%add3A_15, %dma_start3A_340] : memref<10240x64xf32, #tpu.memory_space<vmem_shared>> -> memref<128x64xf32, #tpu.memory_space<vmem_shared>>
      %dma_start3A_342 = arith.constant 0 : i32
      %dma_start3A_343 = arith.constant 0 : i32
      %dma_start3A_344 = tpu.memref_slice %arg8[%run_scoped3A, %dma_start3A_342, %dma_start3A_343] : memref<4x128x64xf32, #tpu.memory_space<vmem>> -> memref<1x128x64xf32, #tpu.memory_space<vmem>>
      %dma_start3A_345 = tpu.memref_squeeze %dma_start3A_344 : memref<1x128x64xf32, #tpu.memory_space<vmem>> -> memref<128x64xf32, #tpu.memory_space<vmem>>
      tpu.enqueue_dma source(%dma_start3A_345 : memref<128x64xf32, #tpu.memory_space<vmem>>) target(%dma_start3A_341 : memref<128x64xf32, #tpu.memory_space<vmem_shared>>) target_semaphore(%run_scoped3A_333 : memref<!tpu.dma_semaphore, #tpu.memory_space<semaphore_mem>>)
      %dma_wait3A_346 = arith.constant 0 : i32
      %dma_wait3A_347 = arith.constant 0 : i32
      %dma_wait3A_348 = tpu.memref_slice %arg8[%run_scoped3A, %dma_wait3A_346, %dma_wait3A_347] : memref<4x128x64xf32, #tpu.memory_space<vmem>> -> memref<1x128x64xf32, #tpu.memory_space<vmem>>
      %dma_wait3A_349 = tpu.memref_squeeze %dma_wait3A_348 : memref<1x128x64xf32, #tpu.memory_space<vmem>> -> memref<128x64xf32, #tpu.memory_space<vmem>>
      %dma_wait3A_350 = arith.constant 0 : i32
      %dma_wait3A_351 = tpu.memref_slice %arg9[%add3A_15, %dma_wait3A_350] : memref<10240x64xf32, #tpu.memory_space<vmem_shared>> -> memref<128x64xf32, #tpu.memory_space<vmem_shared>>
      %dma_wait3A_352 = arith.constant 0 : i32
      %dma_wait3A_353 = tpu.memref_slice %arg9[%add3A_15, %dma_wait3A_352] : memref<10240x64xf32, #tpu.memory_space<vmem_shared>> -> memref<128x64xf32, #tpu.memory_space<vmem_shared>>
      %dma_wait3A_354 = arith.constant 0 : i32
      %dma_wait3A_355 = arith.constant 0 : i32
      %dma_wait3A_356 = tpu.memref_slice %arg8[%run_scoped3A, %dma_wait3A_354, %dma_wait3A_355] : memref<4x128x64xf32, #tpu.memory_space<vmem>> -> memref<1x128x64xf32, #tpu.memory_space<vmem>>
      %dma_wait3A_357 = tpu.memref_squeeze %dma_wait3A_356 : memref<1x128x64xf32, #tpu.memory_space<vmem>> -> memref<128x64xf32, #tpu.memory_space<vmem>>
      tpu.wait_dma2 semaphore(%run_scoped3A_333 : memref<!tpu.dma_semaphore, #tpu.memory_space<semaphore_mem>>) src(%dma_wait3A_357 : memref<128x64xf32, #tpu.memory_space<vmem>>) dst(%dma_wait3A_353 : memref<128x64xf32, #tpu.memory_space<vmem_shared>>)
      tpu.yield
    }) : () -> ()
    %add3A_16 = arith.constant 128 : i32
    %add3A_17 = arith.addi %mul3A_13, %add3A_16 : i32
    %run_scoped3A_18 = arith.constant 0 : i32
    "tpu.region"() ({
      %run_scoped3A_333 = tpu.sem_alloc : memref<!tpu.dma_semaphore, #tpu.memory_space<semaphore_mem>>
      %dma_start3A_334 = arith.constant 0 : i32
      %dma_start3A_335 = arith.constant 0 : i32
      %dma_start3A_336 = tpu.memref_slice %arg8[%run_scoped3A_18, %dma_start3A_334, %dma_start3A_335] : memref<4x128x64xf32, #tpu.memory_space<vmem>> -> memref<1x128x64xf32, #tpu.memory_space<vmem>>
      %dma_start3A_337 = tpu.memref_squeeze %dma_start3A_336 : memref<1x128x64xf32, #tpu.memory_space<vmem>> -> memref<128x64xf32, #tpu.memory_space<vmem>>
      %dma_start3A_338 = arith.constant 0 : i32
      %dma_start3A_339 = tpu.memref_slice %arg9[%add3A_17, %dma_start3A_338] : memref<10240x64xf32, #tpu.memory_space<vmem_shared>> -> memref<128x64xf32, #tpu.memory_space<vmem_shared>>
      %dma_start3A_340 = arith.constant 0 : i32
      %dma_start3A_341 = tpu.memref_slice %arg9[%add3A_17, %dma_start3A_340] : memref<10240x64xf32, #tpu.memory_space<vmem_shared>> -> memref<128x64xf32, #tpu.memory_space<vmem_shared>>
      %dma_start3A_342 = arith.constant 0 : i32
      %dma_start3A_343 = arith.constant 0 : i32
      %dma_start3A_344 = tpu.memref_slice %arg8[%run_scoped3A_18, %dma_start3A_342, %dma_start3A_343] : memref<4x128x64xf32, #tpu.memory_space<vmem>> -> memref<1x128x64xf32, #tpu.memory_space<vmem>>
      %dma_start3A_345 = tpu.memref_squeeze %dma_start3A_344 : memref<1x128x64xf32, #tpu.memory_space<vmem>> -> memref<128x64xf32, #tpu.memory_space<vmem>>
      tpu.enqueue_dma source(%dma_start3A_345 : memref<128x64xf32, #tpu.memory_space<vmem>>) target(%dma_start3A_341 : memref<128x64xf32, #tpu.memory_space<vmem_shared>>) target_semaphore(%run_scoped3A_333 : memref<!tpu.dma_semaphore, #tpu.memory_space<semaphore_mem>>)
      %dma_wait3A_346 = arith.constant 0 : i32
      %dma_wait3A_347 = arith.constant 0 : i32
      %dma_wait3A_348 = tpu.memref_slice %arg8[%run_scoped3A_18, %dma_wait3A_346, %dma_wait3A_347] : memref<4x128x64xf32, #tpu.memory_space<vmem>> -> memref<1x128x64xf32, #tpu.memory_space<vmem>>
      %dma_wait3A_349 = tpu.memref_squeeze %dma_wait3A_348 : memref<1x128x64xf32, #tpu.memory_space<vmem>> -> memref<128x64xf32, #tpu.memory_space<vmem>>
      %dma_wait3A_350 = arith.constant 0 : i32
      %dma_wait3A_351 = tpu.memref_slice %arg9[%add3A_17, %dma_wait3A_350] : memref<10240x64xf32, #tpu.memory_space<vmem_shared>> -> memref<128x64xf32, #tpu.memory_space<vmem_shared>>
      %dma_wait3A_352 = arith.constant 0 : i32
      %dma_wait3A_353 = tpu.memref_slice %arg9[%add3A_17, %dma_wait3A_352] : memref<10240x64xf32, #tpu.memory_space<vmem_shared>> -> memref<128x64xf32, #tpu.memory_space<vmem_shared>>
      %dma_wait3A_354 = arith.constant 0 : i32
      %dma_wait3A_355 = arith.constant 0 : i32
      %dma_wait3A_356 = tpu.memref_slice %arg8[%run_scoped3A_18, %dma_wait3A_354, %dma_wait3A_355] : memref<4x128x64xf32, #tpu.memory_space<vmem>> -> memref<1x128x64xf32, #tpu.memory_space<vmem>>
      %dma_wait3A_357 = tpu.memref_squeeze %dma_wait3A_356 : memref<1x128x64xf32, #tpu.memory_space<vmem>> -> memref<128x64xf32, #tpu.memory_space<vmem>>
      tpu.wait_dma2 semaphore(%run_scoped3A_333 : memref<!tpu.dma_semaphore, #tpu.memory_space<semaphore_mem>>) src(%dma_wait3A_357 : memref<128x64xf32, #tpu.memory_space<vmem>>) dst(%dma_wait3A_353 : memref<128x64xf32, #tpu.memory_space<vmem_shared>>)
      tpu.yield
    }) : () -> ()
    %add3A_19 = arith.constant 256 : i32
    %add3A_20 = arith.addi %mul3A_13, %add3A_19 : i32
    %run_scoped3A_21 = arith.constant 0 : i32
    "tpu.region"() ({
      %run_scoped3A_333 = tpu.sem_alloc : memref<!tpu.dma_semaphore, #tpu.memory_space<semaphore_mem>>
      %dma_start3A_334 = arith.constant 0 : i32
      %dma_start3A_335 = arith.constant 0 : i32
      %dma_start3A_336 = tpu.memref_slice %arg8[%run_scoped3A_21, %dma_start3A_334, %dma_start3A_335] : memref<4x128x64xf32, #tpu.memory_space<vmem>> -> memref<1x128x64xf32, #tpu.memory_space<vmem>>
      %dma_start3A_337 = tpu.memref_squeeze %dma_start3A_336 : memref<1x128x64xf32, #tpu.memory_space<vmem>> -> memref<128x64xf32, #tpu.memory_space<vmem>>
      %dma_start3A_338 = arith.constant 0 : i32
      %dma_start3A_339 = tpu.memref_slice %arg9[%add3A_20, %dma_start3A_338] : memref<10240x64xf32, #tpu.memory_space<vmem_shared>> -> memref<128x64xf32, #tpu.memory_space<vmem_shared>>
      %dma_start3A_340 = arith.constant 0 : i32
      %dma_start3A_341 = tpu.memref_slice %arg9[%add3A_20, %dma_start3A_340] : memref<10240x64xf32, #tpu.memory_space<vmem_shared>> -> memref<128x64xf32, #tpu.memory_space<vmem_shared>>
      %dma_start3A_342 = arith.constant 0 : i32
      %dma_start3A_343 = arith.constant 0 : i32
      %dma_start3A_344 = tpu.memref_slice %arg8[%run_scoped3A_21, %dma_start3A_342, %dma_start3A_343] : memref<4x128x64xf32, #tpu.memory_space<vmem>> -> memref<1x128x64xf32, #tpu.memory_space<vmem>>
      %dma_start3A_345 = tpu.memref_squeeze %dma_start3A_344 : memref<1x128x64xf32, #tpu.memory_space<vmem>> -> memref<128x64xf32, #tpu.memory_space<vmem>>
      tpu.enqueue_dma source(%dma_start3A_345 : memref<128x64xf32, #tpu.memory_space<vmem>>) target(%dma_start3A_341 : memref<128x64xf32, #tpu.memory_space<vmem_shared>>) target_semaphore(%run_scoped3A_333 : memref<!tpu.dma_semaphore, #tpu.memory_space<semaphore_mem>>)
      %dma_wait3A_346 = arith.constant 0 : i32
      %dma_wait3A_347 = arith.constant 0 : i32
      %dma_wait3A_348 = tpu.memref_slice %arg8[%run_scoped3A_21, %dma_wait3A_346, %dma_wait3A_347] : memref<4x128x64xf32, #tpu.memory_space<vmem>> -> memref<1x128x64xf32, #tpu.memory_space<vmem>>
      %dma_wait3A_349 = tpu.memref_squeeze %dma_wait3A_348 : memref<1x128x64xf32, #tpu.memory_space<vmem>> -> memref<128x64xf32, #tpu.memory_space<vmem>>
      %dma_wait3A_350 = arith.constant 0 : i32
      %dma_wait3A_351 = tpu.memref_slice %arg9[%add3A_20, %dma_wait3A_350] : memref<10240x64xf32, #tpu.memory_space<vmem_shared>> -> memref<128x64xf32, #tpu.memory_space<vmem_shared>>
      %dma_wait3A_352 = arith.constant 0 : i32
      %dma_wait3A_353 = tpu.memref_slice %arg9[%add3A_20, %dma_wait3A_352] : memref<10240x64xf32, #tpu.memory_space<vmem_shared>> -> memref<128x64xf32, #tpu.memory_space<vmem_shared>>
      %dma_wait3A_354 = arith.constant 0 : i32
      %dma_wait3A_355 = arith.constant 0 : i32
      %dma_wait3A_356 = tpu.memref_slice %arg8[%run_scoped3A_21, %dma_wait3A_354, %dma_wait3A_355] : memref<4x128x64xf32, #tpu.memory_space<vmem>> -> memref<1x128x64xf32, #tpu.memory_space<vmem>>
      %dma_wait3A_357 = tpu.memref_squeeze %dma_wait3A_356 : memref<1x128x64xf32, #tpu.memory_space<vmem>> -> memref<128x64xf32, #tpu.memory_space<vmem>>
      tpu.wait_dma2 semaphore(%run_scoped3A_333 : memref<!tpu.dma_semaphore, #tpu.memory_space<semaphore_mem>>) src(%dma_wait3A_357 : memref<128x64xf32, #tpu.memory_space<vmem>>) dst(%dma_wait3A_353 : memref<128x64xf32, #tpu.memory_space<vmem_shared>>)
      tpu.yield
    }) : () -> ()
    %add3A_22 = arith.constant 384 : i32
    %add3A_23 = arith.addi %mul3A_13, %add3A_22 : i32
    %run_scoped3A_24 = arith.constant 0 : i32
    "tpu.region"() ({
      %run_scoped3A_333 = tpu.sem_alloc : memref<!tpu.dma_semaphore, #tpu.memory_space<semaphore_mem>>
      %dma_start3A_334 = arith.constant 0 : i32
      %dma_start3A_335 = arith.constant 0 : i32
      %dma_start3A_336 = tpu.memref_slice %arg8[%run_scoped3A_24, %dma_start3A_334, %dma_start3A_335] : memref<4x128x64xf32, #tpu.memory_space<vmem>> -> memref<1x128x64xf32, #tpu.memory_space<vmem>>
      %dma_start3A_337 = tpu.memref_squeeze %dma_start3A_336 : memref<1x128x64xf32, #tpu.memory_space<vmem>> -> memref<128x64xf32, #tpu.memory_space<vmem>>
      %dma_start3A_338 = arith.constant 0 : i32
      %dma_start3A_339 = tpu.memref_slice %arg9[%add3A_23, %dma_start3A_338] : memref<10240x64xf32, #tpu.memory_space<vmem_shared>> -> memref<128x64xf32, #tpu.memory_space<vmem_shared>>
      %dma_start3A_340 = arith.constant 0 : i32
      %dma_start3A_341 = tpu.memref_slice %arg9[%add3A_23, %dma_start3A_340] : memref<10240x64xf32, #tpu.memory_space<vmem_shared>> -> memref<128x64xf32, #tpu.memory_space<vmem_shared>>
      %dma_start3A_342 = arith.constant 0 : i32
      %dma_start3A_343 = arith.constant 0 : i32
      %dma_start3A_344 = tpu.memref_slice %arg8[%run_scoped3A_24, %dma_start3A_342, %dma_start3A_343] : memref<4x128x64xf32, #tpu.memory_space<vmem>> -> memref<1x128x64xf32, #tpu.memory_space<vmem>>
      %dma_start3A_345 = tpu.memref_squeeze %dma_start3A_344 : memref<1x128x64xf32, #tpu.memory_space<vmem>> -> memref<128x64xf32, #tpu.memory_space<vmem>>
      tpu.enqueue_dma source(%dma_start3A_345 : memref<128x64xf32, #tpu.memory_space<vmem>>) target(%dma_start3A_341 : memref<128x64xf32, #tpu.memory_space<vmem_shared>>) target_semaphore(%run_scoped3A_333 : memref<!tpu.dma_semaphore, #tpu.memory_space<semaphore_mem>>)
      %dma_wait3A_346 = arith.constant 0 : i32
      %dma_wait3A_347 = arith.constant 0 : i32
      %dma_wait3A_348 = tpu.memref_slice %arg8[%run_scoped3A_24, %dma_wait3A_346, %dma_wait3A_347] : memref<4x128x64xf32, #tpu.memory_space<vmem>> -> memref<1x128x64xf32, #tpu.memory_space<vmem>>
      %dma_wait3A_349 = tpu.memref_squeeze %dma_wait3A_348 : memref<1x128x64xf32, #tpu.memory_space<vmem>> -> memref<128x64xf32, #tpu.memory_space<vmem>>
      %dma_wait3A_350 = arith.constant 0 : i32
      %dma_wait3A_351 = tpu.memref_slice %arg9[%add3A_23, %dma_wait3A_350] : memref<10240x64xf32, #tpu.memory_space<vmem_shared>> -> memref<128x64xf32, #tpu.memory_space<vmem_shared>>
      %dma_wait3A_352 = arith.constant 0 : i32
      %dma_wait3A_353 = tpu.memref_slice %arg9[%add3A_23, %dma_wait3A_352] : memref<10240x64xf32, #tpu.memory_space<vmem_shared>> -> memref<128x64xf32, #tpu.memory_space<vmem_shared>>
      %dma_wait3A_354 = arith.constant 0 : i32
      %dma_wait3A_355 = arith.constant 0 : i32
      %dma_wait3A_356 = tpu.memref_slice %arg8[%run_scoped3A_24, %dma_wait3A_354, %dma_wait3A_355] : memref<4x128x64xf32, #tpu.memory_space<vmem>> -> memref<1x128x64xf32, #tpu.memory_space<vmem>>
      %dma_wait3A_357 = tpu.memref_squeeze %dma_wait3A_356 : memref<1x128x64xf32, #tpu.memory_space<vmem>> -> memref<128x64xf32, #tpu.memory_space<vmem>>
      tpu.wait_dma2 semaphore(%run_scoped3A_333 : memref<!tpu.dma_semaphore, #tpu.memory_space<semaphore_mem>>) src(%dma_wait3A_357 : memref<128x64xf32, #tpu.memory_space<vmem>>) dst(%dma_wait3A_353 : memref<128x64xf32, #tpu.memory_space<vmem_shared>>)
      tpu.yield
    }) : () -> ()
    %add3A_25 = arith.constant 512 : i32
    %add3A_26 = arith.addi %mul3A_13, %add3A_25 : i32
    %run_scoped3A_27 = arith.constant 0 : i32
    "tpu.region"() ({
      %run_scoped3A_333 = tpu.sem_alloc : memref<!tpu.dma_semaphore, #tpu.memory_space<semaphore_mem>>
      %dma_start3A_334 = arith.constant 0 : i32
      %dma_start3A_335 = arith.constant 0 : i32
      %dma_start3A_336 = tpu.memref_slice %arg8[%run_scoped3A_27, %dma_start3A_334, %dma_start3A_335] : memref<4x128x64xf32, #tpu.memory_space<vmem>> -> memref<1x128x64xf32, #tpu.memory_space<vmem>>
      %dma_start3A_337 = tpu.memref_squeeze %dma_start3A_336 : memref<1x128x64xf32, #tpu.memory_space<vmem>> -> memref<128x64xf32, #tpu.memory_space<vmem>>
      %dma_start3A_338 = arith.constant 0 : i32
      %dma_start3A_339 = tpu.memref_slice %arg9[%add3A_26, %dma_start3A_338] : memref<10240x64xf32, #tpu.memory_space<vmem_shared>> -> memref<128x64xf32, #tpu.memory_space<vmem_shared>>
      %dma_start3A_340 = arith.constant 0 : i32
      %dma_start3A_341 = tpu.memref_slice %arg9[%add3A_26, %dma_start3A_340] : memref<10240x64xf32, #tpu.memory_space<vmem_shared>> -> memref<128x64xf32, #tpu.memory_space<vmem_shared>>
      %dma_start3A_342 = arith.constant 0 : i32
      %dma_start3A_343 = arith.constant 0 : i32
      %dma_start3A_344 = tpu.memref_slice %arg8[%run_scoped3A_27, %dma_start3A_342, %dma_start3A_343] : memref<4x128x64xf32, #tpu.memory_space<vmem>> -> memref<1x128x64xf32, #tpu.memory_space<vmem>>
      %dma_start3A_345 = tpu.memref_squeeze %dma_start3A_344 : memref<1x128x64xf32, #tpu.memory_space<vmem>> -> memref<128x64xf32, #tpu.memory_space<vmem>>
      tpu.enqueue_dma source(%dma_start3A_345 : memref<128x64xf32, #tpu.memory_space<vmem>>) target(%dma_start3A_341 : memref<128x64xf32, #tpu.memory_space<vmem_shared>>) target_semaphore(%run_scoped3A_333 : memref<!tpu.dma_semaphore, #tpu.memory_space<semaphore_mem>>)
      %dma_wait3A_346 = arith.constant 0 : i32
      %dma_wait3A_347 = arith.constant 0 : i32
      %dma_wait3A_348 = tpu.memref_slice %arg8[%run_scoped3A_27, %dma_wait3A_346, %dma_wait3A_347] : memref<4x128x64xf32, #tpu.memory_space<vmem>> -> memref<1x128x64xf32, #tpu.memory_space<vmem>>
      %dma_wait3A_349 = tpu.memref_squeeze %dma_wait3A_348 : memref<1x128x64xf32, #tpu.memory_space<vmem>> -> memref<128x64xf32, #tpu.memory_space<vmem>>
      %dma_wait3A_350 = arith.constant 0 : i32
      %dma_wait3A_351 = tpu.memref_slice %arg9[%add3A_26, %dma_wait3A_350] : memref<10240x64xf32, #tpu.memory_space<vmem_shared>> -> memref<128x64xf32, #tpu.memory_space<vmem_shared>>
      %dma_wait3A_352 = arith.constant 0 : i32
      %dma_wait3A_353 = tpu.memref_slice %arg9[%add3A_26, %dma_wait3A_352] : memref<10240x64xf32, #tpu.memory_space<vmem_shared>> -> memref<128x64xf32, #tpu.memory_space<vmem_shared>>
      %dma_wait3A_354 = arith.constant 0 : i32
      %dma_wait3A_355 = arith.constant 0 : i32
      %dma_wait3A_356 = tpu.memref_slice %arg8[%run_scoped3A_27, %dma_wait3A_354, %dma_wait3A_355] : memref<4x128x64xf32, #tpu.memory_space<vmem>> -> memref<1x128x64xf32, #tpu.memory_space<vmem>>
      %dma_wait3A_357 = tpu.memref_squeeze %dma_wait3A_356 : memref<1x128x64xf32, #tpu.memory_space<vmem>> -> memref<128x64xf32, #tpu.memory_space<vmem>>
      tpu.wait_dma2 semaphore(%run_scoped3A_333 : memref<!tpu.dma_semaphore, #tpu.memory_space<semaphore_mem>>) src(%dma_wait3A_357 : memref<128x64xf32, #tpu.memory_space<vmem>>) dst(%dma_wait3A_353 : memref<128x64xf32, #tpu.memory_space<vmem_shared>>)
      tpu.yield
    }) : () -> ()
    %barrier3A = arith.constant 0 : index
    tpu.barrier barrier_id(%barrier3A)
    %dma_start3A = arith.constant 0 : i32
    %dma_start3A_28 = arith.constant 0 : i32
    %dma_start3A_29 = arith.constant 0 : i32
    %dma_start3A_30 = arith.constant 0 : i32
    %dma_start3A_31 = arith.constant 0 : i32
    %dma_start3A_32 = tpu.memref_slice %arg8[%dma_start3A_28, %dma_start3A_30, %dma_start3A_31] : memref<4x128x64xf32, #tpu.memory_space<vmem>> -> memref<1x128x64xf32, #tpu.memory_space<vmem>>
    %dma_start3A_33 = tpu.memref_squeeze %dma_start3A_32 : memref<1x128x64xf32, #tpu.memory_space<vmem>> -> memref<128x64xf32, #tpu.memory_space<vmem>>
    %dma_start3A_34 = arith.constant 0 : i32
    %dma_start3A_35 = tpu.memref_slice %arg6[%dma_start3A, %dma_start3A_34] : memref<40x128xi32, #tpu.memory_space<vmem>> -> memref<1x128xi32, #tpu.memory_space<vmem>>
    %dma_start3A_36 = tpu.memref_squeeze %dma_start3A_35 : memref<1x128xi32, #tpu.memory_space<vmem>> -> memref<128xi32, #tpu.memory_space<vmem>>
    %dma_start3A_37 = arith.constant 0 : i32
    %dma_start3A_38 = arith.constant 0 : i32
    %dma_start3A_39 = tpu.memref_slice %arg10[%dma_start3A_37, %dma_start3A_38] : memref<10000x64xf32, #tpu.memory_space<vmem_shared>> -> memref<10000x64xf32, #tpu.memory_space<vmem_shared>>
    %dma_start3A_40 = tpu.memref_slice %arg11[%dma_start3A_29] : memref<2x!tpu.dma_semaphore, #tpu.memory_space<semaphore_mem>> -> memref<1x!tpu.dma_semaphore, #tpu.memory_space<semaphore_mem>>
    %dma_start3A_41 = tpu.memref_squeeze %dma_start3A_40 : memref<1x!tpu.dma_semaphore, #tpu.memory_space<semaphore_mem>> -> memref<!tpu.dma_semaphore, #tpu.memory_space<semaphore_mem>>
    tpu.enqueue_indirect_dma source(%dma_start3A_39 : memref<10000x64xf32, #tpu.memory_space<vmem_shared>>) target(%dma_start3A_33 : memref<128x64xf32, #tpu.memory_space<vmem>>) offsets(%dma_start3A_36 : memref<128xi32, #tpu.memory_space<vmem>>) semaphore(%dma_start3A_41 : memref<!tpu.dma_semaphore, #tpu.memory_space<semaphore_mem>>)
    %dma_start3A_42 = arith.constant 1 : i32
    %dma_start3A_43 = arith.constant 1 : i32
    %dma_start3A_44 = arith.constant 0 : i32
    %dma_start3A_45 = arith.constant 0 : i32
    %dma_start3A_46 = arith.constant 0 : i32
    %dma_start3A_47 = tpu.memref_slice %arg8[%dma_start3A_43, %dma_start3A_45, %dma_start3A_46] : memref<4x128x64xf32, #tpu.memory_space<vmem>> -> memref<1x128x64xf32, #tpu.memory_space<vmem>>
    %dma_start3A_48 = tpu.memref_squeeze %dma_start3A_47 : memref<1x128x64xf32, #tpu.memory_space<vmem>> -> memref<128x64xf32, #tpu.memory_space<vmem>>
    %dma_start3A_49 = arith.constant 0 : i32
    %dma_start3A_50 = tpu.memref_slice %arg6[%dma_start3A_42, %dma_start3A_49] : memref<40x128xi32, #tpu.memory_space<vmem>> -> memref<1x128xi32, #tpu.memory_space<vmem>>
    %dma_start3A_51 = tpu.memref_squeeze %dma_start3A_50 : memref<1x128xi32, #tpu.memory_space<vmem>> -> memref<128xi32, #tpu.memory_space<vmem>>
    %dma_start3A_52 = arith.constant 0 : i32
    %dma_start3A_53 = arith.constant 0 : i32
    %dma_start3A_54 = tpu.memref_slice %arg10[%dma_start3A_52, %dma_start3A_53] : memref<10000x64xf32, #tpu.memory_space<vmem_shared>> -> memref<10000x64xf32, #tpu.memory_space<vmem_shared>>
    %dma_start3A_55 = tpu.memref_slice %arg11[%dma_start3A_44] : memref<2x!tpu.dma_semaphore, #tpu.memory_space<semaphore_mem>> -> memref<1x!tpu.dma_semaphore, #tpu.memory_space<semaphore_mem>>
    %dma_start3A_56 = tpu.memref_squeeze %dma_start3A_55 : memref<1x!tpu.dma_semaphore, #tpu.memory_space<semaphore_mem>> -> memref<!tpu.dma_semaphore, #tpu.memory_space<semaphore_mem>>
    tpu.enqueue_indirect_dma source(%dma_start3A_54 : memref<10000x64xf32, #tpu.memory_space<vmem_shared>>) target(%dma_start3A_48 : memref<128x64xf32, #tpu.memory_space<vmem>>) offsets(%dma_start3A_51 : memref<128xi32, #tpu.memory_space<vmem>>) semaphore(%dma_start3A_56 : memref<!tpu.dma_semaphore, #tpu.memory_space<semaphore_mem>>)
    %dma_wait3A = arith.constant 0 : i32
    %dma_wait3A_57 = arith.constant 0 : i32
    %dma_wait3A_58 = arith.constant 0 : i32
    %dma_wait3A_59 = arith.constant 0 : i32
    %dma_wait3A_60 = arith.constant 0 : i32
    %dma_wait3A_61 = tpu.memref_slice %arg8[%dma_wait3A_57, %dma_wait3A_59, %dma_wait3A_60] : memref<4x128x64xf32, #tpu.memory_space<vmem>> -> memref<1x128x64xf32, #tpu.memory_space<vmem>>
    %dma_wait3A_62 = tpu.memref_squeeze %dma_wait3A_61 : memref<1x128x64xf32, #tpu.memory_space<vmem>> -> memref<128x64xf32, #tpu.memory_space<vmem>>
    %dma_wait3A_63 = arith.constant 0 : i32
    %dma_wait3A_64 = tpu.memref_slice %arg6[%dma_wait3A, %dma_wait3A_63] : memref<40x128xi32, #tpu.memory_space<vmem>> -> memref<1x128xi32, #tpu.memory_space<vmem>>
    %dma_wait3A_65 = tpu.memref_squeeze %dma_wait3A_64 : memref<1x128xi32, #tpu.memory_space<vmem>> -> memref<128xi32, #tpu.memory_space<vmem>>
    %dma_wait3A_66 = arith.constant 0 : i32
    %dma_wait3A_67 = arith.constant 0 : i32
    %dma_wait3A_68 = tpu.memref_slice %arg10[%dma_wait3A_66, %dma_wait3A_67] : memref<10000x64xf32, #tpu.memory_space<vmem_shared>> -> memref<10000x64xf32, #tpu.memory_space<vmem_shared>>
    %dma_wait3A_69 = tpu.memref_slice %arg11[%dma_wait3A_58] : memref<2x!tpu.dma_semaphore, #tpu.memory_space<semaphore_mem>> -> memref<1x!tpu.dma_semaphore, #tpu.memory_space<semaphore_mem>>
    %dma_wait3A_70 = tpu.memref_squeeze %dma_wait3A_69 : memref<1x!tpu.dma_semaphore, #tpu.memory_space<semaphore_mem>> -> memref<!tpu.dma_semaphore, #tpu.memory_space<semaphore_mem>>
    tpu.wait_indirect_dma semaphore(%dma_wait3A_70 : memref<!tpu.dma_semaphore, #tpu.memory_space<semaphore_mem>>) src(%dma_wait3A_68 : memref<10000x64xf32, #tpu.memory_space<vmem_shared>>) dst(%dma_wait3A_62 : memref<128x64xf32, #tpu.memory_space<vmem>>)
    %dma_wait3A_71 = arith.constant 1 : i32
    %dma_wait3A_72 = arith.constant 1 : i32
    %dma_wait3A_73 = arith.constant 0 : i32
    %dma_wait3A_74 = arith.constant 0 : i32
    %dma_wait3A_75 = arith.constant 0 : i32
    %dma_wait3A_76 = tpu.memref_slice %arg8[%dma_wait3A_72, %dma_wait3A_74, %dma_wait3A_75] : memref<4x128x64xf32, #tpu.memory_space<vmem>> -> memref<1x128x64xf32, #tpu.memory_space<vmem>>
    %dma_wait3A_77 = tpu.memref_squeeze %dma_wait3A_76 : memref<1x128x64xf32, #tpu.memory_space<vmem>> -> memref<128x64xf32, #tpu.memory_space<vmem>>
    %dma_wait3A_78 = arith.constant 0 : i32
    %dma_wait3A_79 = tpu.memref_slice %arg6[%dma_wait3A_71, %dma_wait3A_78] : memref<40x128xi32, #tpu.memory_space<vmem>> -> memref<1x128xi32, #tpu.memory_space<vmem>>
    %dma_wait3A_80 = tpu.memref_squeeze %dma_wait3A_79 : memref<1x128xi32, #tpu.memory_space<vmem>> -> memref<128xi32, #tpu.memory_space<vmem>>
    %dma_wait3A_81 = arith.constant 0 : i32
    %dma_wait3A_82 = arith.constant 0 : i32
    %dma_wait3A_83 = tpu.memref_slice %arg10[%dma_wait3A_81, %dma_wait3A_82] : memref<10000x64xf32, #tpu.memory_space<vmem_shared>> -> memref<10000x64xf32, #tpu.memory_space<vmem_shared>>
    %dma_wait3A_84 = tpu.memref_slice %arg11[%dma_wait3A_73] : memref<2x!tpu.dma_semaphore, #tpu.memory_space<semaphore_mem>> -> memref<1x!tpu.dma_semaphore, #tpu.memory_space<semaphore_mem>>
    %dma_wait3A_85 = tpu.memref_squeeze %dma_wait3A_84 : memref<1x!tpu.dma_semaphore, #tpu.memory_space<semaphore_mem>> -> memref<!tpu.dma_semaphore, #tpu.memory_space<semaphore_mem>>
    tpu.wait_indirect_dma semaphore(%dma_wait3A_85 : memref<!tpu.dma_semaphore, #tpu.memory_space<semaphore_mem>>) src(%dma_wait3A_83 : memref<10000x64xf32, #tpu.memory_space<vmem_shared>>) dst(%dma_wait3A_77 : memref<128x64xf32, #tpu.memory_space<vmem>>)
    %dma_start3A_86 = arith.constant 2 : i32
    %dma_start3A_87 = arith.constant 2 : i32
    %dma_start3A_88 = arith.constant 1 : i32
    %dma_start3A_89 = arith.constant 0 : i32
    %dma_start3A_90 = arith.constant 0 : i32
    %dma_start3A_91 = tpu.memref_slice %arg8[%dma_start3A_87, %dma_start3A_89, %dma_start3A_90] : memref<4x128x64xf32, #tpu.memory_space<vmem>> -> memref<1x128x64xf32, #tpu.memory_space<vmem>>
    %dma_start3A_92 = tpu.memref_squeeze %dma_start3A_91 : memref<1x128x64xf32, #tpu.memory_space<vmem>> -> memref<128x64xf32, #tpu.memory_space<vmem>>
    %dma_start3A_93 = arith.constant 0 : i32
    %dma_start3A_94 = tpu.memref_slice %arg6[%dma_start3A_86, %dma_start3A_93] : memref<40x128xi32, #tpu.memory_space<vmem>> -> memref<1x128xi32, #tpu.memory_space<vmem>>
    %dma_start3A_95 = tpu.memref_squeeze %dma_start3A_94 : memref<1x128xi32, #tpu.memory_space<vmem>> -> memref<128xi32, #tpu.memory_space<vmem>>
    %dma_start3A_96 = arith.constant 0 : i32
    %dma_start3A_97 = arith.constant 0 : i32
    %dma_start3A_98 = tpu.memref_slice %arg10[%dma_start3A_96, %dma_start3A_97] : memref<10000x64xf32, #tpu.memory_space<vmem_shared>> -> memref<10000x64xf32, #tpu.memory_space<vmem_shared>>
    %dma_start3A_99 = tpu.memref_slice %arg11[%dma_start3A_88] : memref<2x!tpu.dma_semaphore, #tpu.memory_space<semaphore_mem>> -> memref<1x!tpu.dma_semaphore, #tpu.memory_space<semaphore_mem>>
    %dma_start3A_100 = tpu.memref_squeeze %dma_start3A_99 : memref<1x!tpu.dma_semaphore, #tpu.memory_space<semaphore_mem>> -> memref<!tpu.dma_semaphore, #tpu.memory_space<semaphore_mem>>
    tpu.enqueue_indirect_dma source(%dma_start3A_98 : memref<10000x64xf32, #tpu.memory_space<vmem_shared>>) target(%dma_start3A_92 : memref<128x64xf32, #tpu.memory_space<vmem>>) offsets(%dma_start3A_95 : memref<128xi32, #tpu.memory_space<vmem>>) semaphore(%dma_start3A_100 : memref<!tpu.dma_semaphore, #tpu.memory_space<semaphore_mem>>)
    %dma_start3A_101 = arith.constant 3 : i32
    %dma_start3A_102 = arith.constant 3 : i32
    %dma_start3A_103 = arith.constant 1 : i32
    %dma_start3A_104 = arith.constant 0 : i32
    %dma_start3A_105 = arith.constant 0 : i32
    %dma_start3A_106 = tpu.memref_slice %arg8[%dma_start3A_102, %dma_start3A_104, %dma_start3A_105] : memref<4x128x64xf32, #tpu.memory_space<vmem>> -> memref<1x128x64xf32, #tpu.memory_space<vmem>>
    %dma_start3A_107 = tpu.memref_squeeze %dma_start3A_106 : memref<1x128x64xf32, #tpu.memory_space<vmem>> -> memref<128x64xf32, #tpu.memory_space<vmem>>
    %dma_start3A_108 = arith.constant 0 : i32
    %dma_start3A_109 = tpu.memref_slice %arg6[%dma_start3A_101, %dma_start3A_108] : memref<40x128xi32, #tpu.memory_space<vmem>> -> memref<1x128xi32, #tpu.memory_space<vmem>>
    %dma_start3A_110 = tpu.memref_squeeze %dma_start3A_109 : memref<1x128xi32, #tpu.memory_space<vmem>> -> memref<128xi32, #tpu.memory_space<vmem>>
    %dma_start3A_111 = arith.constant 0 : i32
    %dma_start3A_112 = arith.constant 0 : i32
    %dma_start3A_113 = tpu.memref_slice %arg10[%dma_start3A_111, %dma_start3A_112] : memref<10000x64xf32, #tpu.memory_space<vmem_shared>> -> memref<10000x64xf32, #tpu.memory_space<vmem_shared>>
    %dma_start3A_114 = tpu.memref_slice %arg11[%dma_start3A_103] : memref<2x!tpu.dma_semaphore, #tpu.memory_space<semaphore_mem>> -> memref<1x!tpu.dma_semaphore, #tpu.memory_space<semaphore_mem>>
    %dma_start3A_115 = tpu.memref_squeeze %dma_start3A_114 : memref<1x!tpu.dma_semaphore, #tpu.memory_space<semaphore_mem>> -> memref<!tpu.dma_semaphore, #tpu.memory_space<semaphore_mem>>
    tpu.enqueue_indirect_dma source(%dma_start3A_113 : memref<10000x64xf32, #tpu.memory_space<vmem_shared>>) target(%dma_start3A_107 : memref<128x64xf32, #tpu.memory_space<vmem>>) offsets(%dma_start3A_110 : memref<128xi32, #tpu.memory_space<vmem>>) semaphore(%dma_start3A_115 : memref<!tpu.dma_semaphore, #tpu.memory_space<semaphore_mem>>)
    %dma_start3A_116 = arith.constant 0 : i32
    %dma_start3A_117 = arith.constant 0 : i32
    %dma_start3A_118 = arith.constant 0 : i32
    %dma_start3A_119 = arith.constant 0 : i32
    %dma_start3A_120 = arith.constant 0 : i32
    %dma_start3A_121 = tpu.memref_slice %arg8[%dma_start3A_116, %dma_start3A_119, %dma_start3A_120] : memref<4x128x64xf32, #tpu.memory_space<vmem>> -> memref<1x128x64xf32, #tpu.memory_space<vmem>>
    %dma_start3A_122 = tpu.memref_squeeze %dma_start3A_121 : memref<1x128x64xf32, #tpu.memory_space<vmem>> -> memref<128x64xf32, #tpu.memory_space<vmem>>
    %dma_start3A_123 = arith.constant 0 : i32
    %dma_start3A_124 = tpu.memref_slice %arg7[%dma_start3A_117, %dma_start3A_123] : memref<40x128xi32, #tpu.memory_space<vmem>> -> memref<1x128xi32, #tpu.memory_space<vmem>>
    %dma_start3A_125 = tpu.memref_squeeze %dma_start3A_124 : memref<1x128xi32, #tpu.memory_space<vmem>> -> memref<128xi32, #tpu.memory_space<vmem>>
    %dma_start3A_126 = arith.constant 0 : i32
    %dma_start3A_127 = arith.constant 0 : i32
    %dma_start3A_128 = tpu.memref_slice %arg9[%dma_start3A_126, %dma_start3A_127] : memref<10240x64xf32, #tpu.memory_space<vmem_shared>> -> memref<10240x64xf32, #tpu.memory_space<vmem_shared>>
    %dma_start3A_129 = tpu.memref_slice %arg12[%dma_start3A_118] : memref<2x!tpu.dma_semaphore, #tpu.memory_space<semaphore_mem>> -> memref<1x!tpu.dma_semaphore, #tpu.memory_space<semaphore_mem>>
    %dma_start3A_130 = tpu.memref_squeeze %dma_start3A_129 : memref<1x!tpu.dma_semaphore, #tpu.memory_space<semaphore_mem>> -> memref<!tpu.dma_semaphore, #tpu.memory_space<semaphore_mem>>
    tpu.enqueue_indirect_dma source(%dma_start3A_122 : memref<128x64xf32, #tpu.memory_space<vmem>>) target(%dma_start3A_128 : memref<10240x64xf32, #tpu.memory_space<vmem_shared>>) offsets(%dma_start3A_125 : memref<128xi32, #tpu.memory_space<vmem>>) semaphore(%dma_start3A_130 : memref<!tpu.dma_semaphore, #tpu.memory_space<semaphore_mem>>) {add = true}
    %dma_start3A_131 = arith.constant 1 : i32
    %dma_start3A_132 = arith.constant 1 : i32
    %dma_start3A_133 = arith.constant 0 : i32
    %dma_start3A_134 = arith.constant 0 : i32
    %dma_start3A_135 = arith.constant 0 : i32
    %dma_start3A_136 = tpu.memref_slice %arg8[%dma_start3A_131, %dma_start3A_134, %dma_start3A_135] : memref<4x128x64xf32, #tpu.memory_space<vmem>> -> memref<1x128x64xf32, #tpu.memory_space<vmem>>
    %dma_start3A_137 = tpu.memref_squeeze %dma_start3A_136 : memref<1x128x64xf32, #tpu.memory_space<vmem>> -> memref<128x64xf32, #tpu.memory_space<vmem>>
    %dma_start3A_138 = arith.constant 0 : i32
    %dma_start3A_139 = tpu.memref_slice %arg7[%dma_start3A_132, %dma_start3A_138] : memref<40x128xi32, #tpu.memory_space<vmem>> -> memref<1x128xi32, #tpu.memory_space<vmem>>
    %dma_start3A_140 = tpu.memref_squeeze %dma_start3A_139 : memref<1x128xi32, #tpu.memory_space<vmem>> -> memref<128xi32, #tpu.memory_space<vmem>>
    %dma_start3A_141 = arith.constant 0 : i32
    %dma_start3A_142 = arith.constant 0 : i32
    %dma_start3A_143 = tpu.memref_slice %arg9[%dma_start3A_141, %dma_start3A_142] : memref<10240x64xf32, #tpu.memory_space<vmem_shared>> -> memref<10240x64xf32, #tpu.memory_space<vmem_shared>>
    %dma_start3A_144 = tpu.memref_slice %arg12[%dma_start3A_133] : memref<2x!tpu.dma_semaphore, #tpu.memory_space<semaphore_mem>> -> memref<1x!tpu.dma_semaphore, #tpu.memory_space<semaphore_mem>>
    %dma_start3A_145 = tpu.memref_squeeze %dma_start3A_144 : memref<1x!tpu.dma_semaphore, #tpu.memory_space<semaphore_mem>> -> memref<!tpu.dma_semaphore, #tpu.memory_space<semaphore_mem>>
    tpu.enqueue_indirect_dma source(%dma_start3A_137 : memref<128x64xf32, #tpu.memory_space<vmem>>) target(%dma_start3A_143 : memref<10240x64xf32, #tpu.memory_space<vmem_shared>>) offsets(%dma_start3A_140 : memref<128xi32, #tpu.memory_space<vmem>>) semaphore(%dma_start3A_145 : memref<!tpu.dma_semaphore, #tpu.memory_space<semaphore_mem>>) {add = true}
    %dma_wait3A_146 = arith.constant 2 : i32
    %dma_wait3A_147 = arith.constant 2 : i32
    %dma_wait3A_148 = arith.constant 1 : i32
    %dma_wait3A_149 = arith.constant 0 : i32
    %dma_wait3A_150 = arith.constant 0 : i32
    %dma_wait3A_151 = tpu.memref_slice %arg8[%dma_wait3A_147, %dma_wait3A_149, %dma_wait3A_150] : memref<4x128x64xf32, #tpu.memory_space<vmem>> -> memref<1x128x64xf32, #tpu.memory_space<vmem>>
    %dma_wait3A_152 = tpu.memref_squeeze %dma_wait3A_151 : memref<1x128x64xf32, #tpu.memory_space<vmem>> -> memref<128x64xf32, #tpu.memory_space<vmem>>
    %dma_wait3A_153 = arith.constant 0 : i32
    %dma_wait3A_154 = tpu.memref_slice %arg6[%dma_wait3A_146, %dma_wait3A_153] : memref<40x128xi32, #tpu.memory_space<vmem>> -> memref<1x128xi32, #tpu.memory_space<vmem>>
    %dma_wait3A_155 = tpu.memref_squeeze %dma_wait3A_154 : memref<1x128xi32, #tpu.memory_space<vmem>> -> memref<128xi32, #tpu.memory_space<vmem>>
    %dma_wait3A_156 = arith.constant 0 : i32
    %dma_wait3A_157 = arith.constant 0 : i32
    %dma_wait3A_158 = tpu.memref_slice %arg10[%dma_wait3A_156, %dma_wait3A_157] : memref<10000x64xf32, #tpu.memory_space<vmem_shared>> -> memref<10000x64xf32, #tpu.memory_space<vmem_shared>>
    %dma_wait3A_159 = tpu.memref_slice %arg11[%dma_wait3A_148] : memref<2x!tpu.dma_semaphore, #tpu.memory_space<semaphore_mem>> -> memref<1x!tpu.dma_semaphore, #tpu.memory_space<semaphore_mem>>
    %dma_wait3A_160 = tpu.memref_squeeze %dma_wait3A_159 : memref<1x!tpu.dma_semaphore, #tpu.memory_space<semaphore_mem>> -> memref<!tpu.dma_semaphore, #tpu.memory_space<semaphore_mem>>
    tpu.wait_indirect_dma semaphore(%dma_wait3A_160 : memref<!tpu.dma_semaphore, #tpu.memory_space<semaphore_mem>>) src(%dma_wait3A_158 : memref<10000x64xf32, #tpu.memory_space<vmem_shared>>) dst(%dma_wait3A_152 : memref<128x64xf32, #tpu.memory_space<vmem>>)
    %dma_wait3A_161 = arith.constant 3 : i32
    %dma_wait3A_162 = arith.constant 3 : i32
    %dma_wait3A_163 = arith.constant 1 : i32
    %dma_wait3A_164 = arith.constant 0 : i32
    %dma_wait3A_165 = arith.constant 0 : i32
    %dma_wait3A_166 = tpu.memref_slice %arg8[%dma_wait3A_162, %dma_wait3A_164, %dma_wait3A_165] : memref<4x128x64xf32, #tpu.memory_space<vmem>> -> memref<1x128x64xf32, #tpu.memory_space<vmem>>
    %dma_wait3A_167 = tpu.memref_squeeze %dma_wait3A_166 : memref<1x128x64xf32, #tpu.memory_space<vmem>> -> memref<128x64xf32, #tpu.memory_space<vmem>>
    %dma_wait3A_168 = arith.constant 0 : i32
    %dma_wait3A_169 = tpu.memref_slice %arg6[%dma_wait3A_161, %dma_wait3A_168] : memref<40x128xi32, #tpu.memory_space<vmem>> -> memref<1x128xi32, #tpu.memory_space<vmem>>
    %dma_wait3A_170 = tpu.memref_squeeze %dma_wait3A_169 : memref<1x128xi32, #tpu.memory_space<vmem>> -> memref<128xi32, #tpu.memory_space<vmem>>
    %dma_wait3A_171 = arith.constant 0 : i32
    %dma_wait3A_172 = arith.constant 0 : i32
    %dma_wait3A_173 = tpu.memref_slice %arg10[%dma_wait3A_171, %dma_wait3A_172] : memref<10000x64xf32, #tpu.memory_space<vmem_shared>> -> memref<10000x64xf32, #tpu.memory_space<vmem_shared>>
    %dma_wait3A_174 = tpu.memref_slice %arg11[%dma_wait3A_163] : memref<2x!tpu.dma_semaphore, #tpu.memory_space<semaphore_mem>> -> memref<1x!tpu.dma_semaphore, #tpu.memory_space<semaphore_mem>>
    %dma_wait3A_175 = tpu.memref_squeeze %dma_wait3A_174 : memref<1x!tpu.dma_semaphore, #tpu.memory_space<semaphore_mem>> -> memref<!tpu.dma_semaphore, #tpu.memory_space<semaphore_mem>>
    tpu.wait_indirect_dma semaphore(%dma_wait3A_175 : memref<!tpu.dma_semaphore, #tpu.memory_space<semaphore_mem>>) src(%dma_wait3A_173 : memref<10000x64xf32, #tpu.memory_space<vmem_shared>>) dst(%dma_wait3A_167 : memref<128x64xf32, #tpu.memory_space<vmem>>)
    %dma_wait3A_176 = arith.constant 0 : i32
    %dma_wait3A_177 = arith.constant 0 : i32
    %dma_wait3A_178 = arith.constant 0 : i32
    %dma_wait3A_179 = arith.constant 0 : i32
    %dma_wait3A_180 = arith.constant 0 : i32
    %dma_wait3A_181 = tpu.memref_slice %arg8[%dma_wait3A_176, %dma_wait3A_179, %dma_wait3A_180] : memref<4x128x64xf32, #tpu.memory_space<vmem>> -> memref<1x128x64xf32, #tpu.memory_space<vmem>>
    %dma_wait3A_182 = tpu.memref_squeeze %dma_wait3A_181 : memref<1x128x64xf32, #tpu.memory_space<vmem>> -> memref<128x64xf32, #tpu.memory_space<vmem>>
    %dma_wait3A_183 = arith.constant 0 : i32
    %dma_wait3A_184 = tpu.memref_slice %arg7[%dma_wait3A_177, %dma_wait3A_183] : memref<40x128xi32, #tpu.memory_space<vmem>> -> memref<1x128xi32, #tpu.memory_space<vmem>>
    %dma_wait3A_185 = tpu.memref_squeeze %dma_wait3A_184 : memref<1x128xi32, #tpu.memory_space<vmem>> -> memref<128xi32, #tpu.memory_space<vmem>>
    %dma_wait3A_186 = arith.constant 0 : i32
    %dma_wait3A_187 = arith.constant 0 : i32
    %dma_wait3A_188 = tpu.memref_slice %arg9[%dma_wait3A_186, %dma_wait3A_187] : memref<10240x64xf32, #tpu.memory_space<vmem_shared>> -> memref<10240x64xf32, #tpu.memory_space<vmem_shared>>
    %dma_wait3A_189 = tpu.memref_slice %arg12[%dma_wait3A_178] : memref<2x!tpu.dma_semaphore, #tpu.memory_space<semaphore_mem>> -> memref<1x!tpu.dma_semaphore, #tpu.memory_space<semaphore_mem>>
    %dma_wait3A_190 = tpu.memref_squeeze %dma_wait3A_189 : memref<1x!tpu.dma_semaphore, #tpu.memory_space<semaphore_mem>> -> memref<!tpu.dma_semaphore, #tpu.memory_space<semaphore_mem>>
    tpu.wait_indirect_dma semaphore(%dma_wait3A_190 : memref<!tpu.dma_semaphore, #tpu.memory_space<semaphore_mem>>) src(%dma_wait3A_182 : memref<128x64xf32, #tpu.memory_space<vmem>>) dst(%dma_wait3A_188 : memref<10240x64xf32, #tpu.memory_space<vmem_shared>>)
    %dma_wait3A_191 = arith.constant 1 : i32
    %dma_wait3A_192 = arith.constant 1 : i32
    %dma_wait3A_193 = arith.constant 0 : i32
    %dma_wait3A_194 = arith.constant 0 : i32
    %dma_wait3A_195 = arith.constant 0 : i32
    %dma_wait3A_196 = tpu.memref_slice %arg8[%dma_wait3A_191, %dma_wait3A_194, %dma_wait3A_195] : memref<4x128x64xf32, #tpu.memory_space<vmem>> -> memref<1x128x64xf32, #tpu.memory_space<vmem>>
    %dma_wait3A_197 = tpu.memref_squeeze %dma_wait3A_196 : memref<1x128x64xf32, #tpu.memory_space<vmem>> -> memref<128x64xf32, #tpu.memory_space<vmem>>
    %dma_wait3A_198 = arith.constant 0 : i32
    %dma_wait3A_199 = tpu.memref_slice %arg7[%dma_wait3A_192, %dma_wait3A_198] : memref<40x128xi32, #tpu.memory_space<vmem>> -> memref<1x128xi32, #tpu.memory_space<vmem>>
    %dma_wait3A_200 = tpu.memref_squeeze %dma_wait3A_199 : memref<1x128xi32, #tpu.memory_space<vmem>> -> memref<128xi32, #tpu.memory_space<vmem>>
    %dma_wait3A_201 = arith.constant 0 : i32
    %dma_wait3A_202 = arith.constant 0 : i32
    %dma_wait3A_203 = tpu.memref_slice %arg9[%dma_wait3A_201, %dma_wait3A_202] : memref<10240x64xf32, #tpu.memory_space<vmem_shared>> -> memref<10240x64xf32, #tpu.memory_space<vmem_shared>>
    %dma_wait3A_204 = tpu.memref_slice %arg12[%dma_wait3A_193] : memref<2x!tpu.dma_semaphore, #tpu.memory_space<semaphore_mem>> -> memref<1x!tpu.dma_semaphore, #tpu.memory_space<semaphore_mem>>
    %dma_wait3A_205 = tpu.memref_squeeze %dma_wait3A_204 : memref<1x!tpu.dma_semaphore, #tpu.memory_space<semaphore_mem>> -> memref<!tpu.dma_semaphore, #tpu.memory_space<semaphore_mem>>
    tpu.wait_indirect_dma semaphore(%dma_wait3A_205 : memref<!tpu.dma_semaphore, #tpu.memory_space<semaphore_mem>>) src(%dma_wait3A_197 : memref<128x64xf32, #tpu.memory_space<vmem>>) dst(%dma_wait3A_203 : memref<10240x64xf32, #tpu.memory_space<vmem_shared>>)
    %dma_start3A_206 = arith.constant 4 : i32
    %dma_start3A_207 = arith.constant 0 : i32
    %dma_start3A_208 = arith.constant 0 : i32
    %dma_start3A_209 = arith.constant 0 : i32
    %dma_start3A_210 = arith.constant 0 : i32
    %dma_start3A_211 = tpu.memref_slice %arg8[%dma_start3A_207, %dma_start3A_209, %dma_start3A_210] : memref<4x128x64xf32, #tpu.memory_space<vmem>> -> memref<1x128x64xf32, #tpu.memory_space<vmem>>
    %dma_start3A_212 = tpu.memref_squeeze %dma_start3A_211 : memref<1x128x64xf32, #tpu.memory_space<vmem>> -> memref<128x64xf32, #tpu.memory_space<vmem>>
    %dma_start3A_213 = arith.constant 0 : i32
    %dma_start3A_214 = tpu.memref_slice %arg6[%dma_start3A_206, %dma_start3A_213] : memref<40x128xi32, #tpu.memory_space<vmem>> -> memref<1x128xi32, #tpu.memory_space<vmem>>
    %dma_start3A_215 = tpu.memref_squeeze %dma_start3A_214 : memref<1x128xi32, #tpu.memory_space<vmem>> -> memref<128xi32, #tpu.memory_space<vmem>>
    %dma_start3A_216 = arith.constant 0 : i32
    %dma_start3A_217 = arith.constant 0 : i32
    %dma_start3A_218 = tpu.memref_slice %arg10[%dma_start3A_216, %dma_start3A_217] : memref<10000x64xf32, #tpu.memory_space<vmem_shared>> -> memref<10000x64xf32, #tpu.memory_space<vmem_shared>>
    %dma_start3A_219 = tpu.memref_slice %arg11[%dma_start3A_208] : memref<2x!tpu.dma_semaphore, #tpu.memory_space<semaphore_mem>> -> memref<1x!tpu.dma_semaphore, #tpu.memory_space<semaphore_mem>>
    %dma_start3A_220 = tpu.memref_squeeze %dma_start3A_219 : memref<1x!tpu.dma_semaphore, #tpu.memory_space<semaphore_mem>> -> memref<!tpu.dma_semaphore, #tpu.memory_space<semaphore_mem>>
    tpu.enqueue_indirect_dma source(%dma_start3A_218 : memref<10000x64xf32, #tpu.memory_space<vmem_shared>>) target(%dma_start3A_212 : memref<128x64xf32, #tpu.memory_space<vmem>>) offsets(%dma_start3A_215 : memref<128xi32, #tpu.memory_space<vmem>>) semaphore(%dma_start3A_220 : memref<!tpu.dma_semaphore, #tpu.memory_space<semaphore_mem>>)
    %dma_start3A_221 = arith.constant 5 : i32
    %dma_start3A_222 = arith.constant 1 : i32
    %dma_start3A_223 = arith.constant 0 : i32
    %dma_start3A_224 = arith.constant 0 : i32
    %dma_start3A_225 = arith.constant 0 : i32
    %dma_start3A_226 = tpu.memref_slice %arg8[%dma_start3A_222, %dma_start3A_224, %dma_start3A_225] : memref<4x128x64xf32, #tpu.memory_space<vmem>> -> memref<1x128x64xf32, #tpu.memory_space<vmem>>
    %dma_start3A_227 = tpu.memref_squeeze %dma_start3A_226 : memref<1x128x64xf32, #tpu.memory_space<vmem>> -> memref<128x64xf32, #tpu.memory_space<vmem>>
    %dma_start3A_228 = arith.constant 0 : i32
    %dma_start3A_229 = tpu.memref_slice %arg6[%dma_start3A_221, %dma_start3A_228] : memref<40x128xi32, #tpu.memory_space<vmem>> -> memref<1x128xi32, #tpu.memory_space<vmem>>
    %dma_start3A_230 = tpu.memref_squeeze %dma_start3A_229 : memref<1x128xi32, #tpu.memory_space<vmem>> -> memref<128xi32, #tpu.memory_space<vmem>>
    %dma_start3A_231 = arith.constant 0 : i32
    %dma_start3A_232 = arith.constant 0 : i32
    %dma_start3A_233 = tpu.memref_slice %arg10[%dma_start3A_231, %dma_start3A_232] : memref<10000x64xf32, #tpu.memory_space<vmem_shared>> -> memref<10000x64xf32, #tpu.memory_space<vmem_shared>>
    %dma_start3A_234 = tpu.memref_slice %arg11[%dma_start3A_223] : memref<2x!tpu.dma_semaphore, #tpu.memory_space<semaphore_mem>> -> memref<1x!tpu.dma_semaphore, #tpu.memory_space<semaphore_mem>>
    %dma_start3A_235 = tpu.memref_squeeze %dma_start3A_234 : memref<1x!tpu.dma_semaphore, #tpu.memory_space<semaphore_mem>> -> memref<!tpu.dma_semaphore, #tpu.memory_space<semaphore_mem>>
    tpu.enqueue_indirect_dma source(%dma_start3A_233 : memref<10000x64xf32, #tpu.memory_space<vmem_shared>>) target(%dma_start3A_227 : memref<128x64xf32, #tpu.memory_space<vmem>>) offsets(%dma_start3A_230 : memref<128xi32, #tpu.memory_space<vmem>>) semaphore(%dma_start3A_235 : memref<!tpu.dma_semaphore, #tpu.memory_space<semaphore_mem>>)
    %dma_start3A_236 = arith.constant 2 : i32
    %dma_start3A_237 = arith.constant 2 : i32
    %dma_start3A_238 = arith.constant 1 : i32
    %dma_start3A_239 = arith.constant 0 : i32
    %dma_start3A_240 = arith.constant 0 : i32
    %dma_start3A_241 = tpu.memref_slice %arg8[%dma_start3A_236, %dma_start3A_239, %dma_start3A_240] : memref<4x128x64xf32, #tpu.memory_space<vmem>> -> memref<1x128x64xf32, #tpu.memory_space<vmem>>
    %dma_start3A_242 = tpu.memref_squeeze %dma_start3A_241 : memref<1x128x64xf32, #tpu.memory_space<vmem>> -> memref<128x64xf32, #tpu.memory_space<vmem>>
    %dma_start3A_243 = arith.constant 0 : i32
    %dma_start3A_244 = tpu.memref_slice %arg7[%dma_start3A_237, %dma_start3A_243] : memref<40x128xi32, #tpu.memory_space<vmem>> -> memref<1x128xi32, #tpu.memory_space<vmem>>
    %dma_start3A_245 = tpu.memref_squeeze %dma_start3A_244 : memref<1x128xi32, #tpu.memory_space<vmem>> -> memref<128xi32, #tpu.memory_space<vmem>>
    %dma_start3A_246 = arith.constant 0 : i32
    %dma_start3A_247 = arith.constant 0 : i32
    %dma_start3A_248 = tpu.memref_slice %arg9[%dma_start3A_246, %dma_start3A_247] : memref<10240x64xf32, #tpu.memory_space<vmem_shared>> -> memref<10240x64xf32, #tpu.memory_space<vmem_shared>>
    %dma_start3A_249 = tpu.memref_slice %arg12[%dma_start3A_238] : memref<2x!tpu.dma_semaphore, #tpu.memory_space<semaphore_mem>> -> memref<1x!tpu.dma_semaphore, #tpu.memory_space<semaphore_mem>>
    %dma_start3A_250 = tpu.memref_squeeze %dma_start3A_249 : memref<1x!tpu.dma_semaphore, #tpu.memory_space<semaphore_mem>> -> memref<!tpu.dma_semaphore, #tpu.memory_space<semaphore_mem>>
    tpu.enqueue_indirect_dma source(%dma_start3A_242 : memref<128x64xf32, #tpu.memory_space<vmem>>) target(%dma_start3A_248 : memref<10240x64xf32, #tpu.memory_space<vmem_shared>>) offsets(%dma_start3A_245 : memref<128xi32, #tpu.memory_space<vmem>>) semaphore(%dma_start3A_250 : memref<!tpu.dma_semaphore, #tpu.memory_space<semaphore_mem>>) {add = true}
    %dma_start3A_251 = arith.constant 3 : i32
    %dma_start3A_252 = arith.constant 3 : i32
    %dma_start3A_253 = arith.constant 1 : i32
    %dma_start3A_254 = arith.constant 0 : i32
    %dma_start3A_255 = arith.constant 0 : i32
    %dma_start3A_256 = tpu.memref_slice %arg8[%dma_start3A_251, %dma_start3A_254, %dma_start3A_255] : memref<4x128x64xf32, #tpu.memory_space<vmem>> -> memref<1x128x64xf32, #tpu.memory_space<vmem>>
    %dma_start3A_257 = tpu.memref_squeeze %dma_start3A_256 : memref<1x128x64xf32, #tpu.memory_space<vmem>> -> memref<128x64xf32, #tpu.memory_space<vmem>>
    %dma_start3A_258 = arith.constant 0 : i32
    %dma_start3A_259 = tpu.memref_slice %arg7[%dma_start3A_252, %dma_start3A_258] : memref<40x128xi32, #tpu.memory_space<vmem>> -> memref<1x128xi32, #tpu.memory_space<vmem>>
    %dma_start3A_260 = tpu.memref_squeeze %dma_start3A_259 : memref<1x128xi32, #tpu.memory_space<vmem>> -> memref<128xi32, #tpu.memory_space<vmem>>
    %dma_start3A_261 = arith.constant 0 : i32
    %dma_start3A_262 = arith.constant 0 : i32
    %dma_start3A_263 = tpu.memref_slice %arg9[%dma_start3A_261, %dma_start3A_262] : memref<10240x64xf32, #tpu.memory_space<vmem_shared>> -> memref<10240x64xf32, #tpu.memory_space<vmem_shared>>
    %dma_start3A_264 = tpu.memref_slice %arg12[%dma_start3A_253] : memref<2x!tpu.dma_semaphore, #tpu.memory_space<semaphore_mem>> -> memref<1x!tpu.dma_semaphore, #tpu.memory_space<semaphore_mem>>
    %dma_start3A_265 = tpu.memref_squeeze %dma_start3A_264 : memref<1x!tpu.dma_semaphore, #tpu.memory_space<semaphore_mem>> -> memref<!tpu.dma_semaphore, #tpu.memory_space<semaphore_mem>>
    tpu.enqueue_indirect_dma source(%dma_start3A_257 : memref<128x64xf32, #tpu.memory_space<vmem>>) target(%dma_start3A_263 : memref<10240x64xf32, #tpu.memory_space<vmem_shared>>) offsets(%dma_start3A_260 : memref<128xi32, #tpu.memory_space<vmem>>) semaphore(%dma_start3A_265 : memref<!tpu.dma_semaphore, #tpu.memory_space<semaphore_mem>>) {add = true}
    %scan3A_266 = arith.constant 0 : i32
    %scan3A_267 = arith.constant 1 : i32
    %scan3A_268 = arith.constant 9 : i32
    %scan3A_269 = arith.addi %scan3A_267, %scan3A_268 : i32
    %scan3A_270 = arith.constant 1 : i32
    scf.for %scan3A_333 = %scan3A_267 to %scan3A_269 step %scan3A_270  : i32 {
      %mul3A_334 = arith.constant 2 : i32
      %mul3A_335 = arith.muli %mul3A_334, %scan3A_333 : i32
      %mul3A_336 = arith.constant 2 : i32
      %mul3A_337 = arith.muli %mul3A_335, %mul3A_336 : i32
      %add3A_338 = arith.constant 0 : i32
      %add3A_339 = arith.addi %mul3A_337, %add3A_338 : i32
      %jit3A = arith.constant 40 : i32
      %eq3A = arith.constant 0 : i32
      %eq3A_340 = arith.cmpi eq, %jit3A, %eq3A : i32
      %jit3A_341 = arith.constant 1 : i32
      %select_n3A = arith.select %eq3A_340, %jit3A_341, %jit3A : i32
      %rem3A = arith.remsi %add3A_339, %select_n3A : i32
      %ne3A = arith.constant 0 : i32
      %ne3A_342 = arith.cmpi ne, %rem3A, %ne3A : i32
      %lt3A = arith.constant 0 : i32
      %lt3A_343 = arith.cmpi slt, %rem3A, %lt3A : i32
      %lt3A_344 = arith.constant 0 : i32
      %lt3A_345 = arith.cmpi slt, %select_n3A, %lt3A_344 : i32
      %ne3A_346 = arith.xori %lt3A_343, %lt3A_345 : i1
      %and3A = arith.andi %ne3A_346, %ne3A_342 : i1
      %add3A_347 = arith.addi %rem3A, %select_n3A : i32
      %select_n3A_348 = arith.select %and3A, %add3A_347, %rem3A : i32
      %dma_wait3A_349 = arith.constant 0 : i32
      %dma_wait3A_350 = arith.constant 0 : i32
      %dma_wait3A_351 = arith.constant 0 : i32
      %dma_wait3A_352 = arith.constant 0 : i32
      %dma_wait3A_353 = tpu.memref_slice %arg8[%dma_wait3A_349, %dma_wait3A_351, %dma_wait3A_352] : memref<4x128x64xf32, #tpu.memory_space<vmem>> -> memref<1x128x64xf32, #tpu.memory_space<vmem>>
      %dma_wait3A_354 = tpu.memref_squeeze %dma_wait3A_353 : memref<1x128x64xf32, #tpu.memory_space<vmem>> -> memref<128x64xf32, #tpu.memory_space<vmem>>
      %dma_wait3A_355 = arith.constant 0 : i32
      %dma_wait3A_356 = tpu.memref_slice %arg6[%select_n3A_348, %dma_wait3A_355] : memref<40x128xi32, #tpu.memory_space<vmem>> -> memref<1x128xi32, #tpu.memory_space<vmem>>
      %dma_wait3A_357 = tpu.memref_squeeze %dma_wait3A_356 : memref<1x128xi32, #tpu.memory_space<vmem>> -> memref<128xi32, #tpu.memory_space<vmem>>
      %dma_wait3A_358 = arith.constant 0 : i32
      %dma_wait3A_359 = arith.constant 0 : i32
      %dma_wait3A_360 = tpu.memref_slice %arg10[%dma_wait3A_358, %dma_wait3A_359] : memref<10000x64xf32, #tpu.memory_space<vmem_shared>> -> memref<10000x64xf32, #tpu.memory_space<vmem_shared>>
      %dma_wait3A_361 = tpu.memref_slice %arg11[%dma_wait3A_350] : memref<2x!tpu.dma_semaphore, #tpu.memory_space<semaphore_mem>> -> memref<1x!tpu.dma_semaphore, #tpu.memory_space<semaphore_mem>>
      %dma_wait3A_362 = tpu.memref_squeeze %dma_wait3A_361 : memref<1x!tpu.dma_semaphore, #tpu.memory_space<semaphore_mem>> -> memref<!tpu.dma_semaphore, #tpu.memory_space<semaphore_mem>>
      tpu.wait_indirect_dma semaphore(%dma_wait3A_362 : memref<!tpu.dma_semaphore, #tpu.memory_space<semaphore_mem>>) src(%dma_wait3A_360 : memref<10000x64xf32, #tpu.memory_space<vmem_shared>>) dst(%dma_wait3A_354 : memref<128x64xf32, #tpu.memory_space<vmem>>)
      %mul3A_363 = arith.constant 2 : i32
      %mul3A_364 = arith.muli %mul3A_335, %mul3A_363 : i32
      %add3A_365 = arith.constant 1 : i32
      %add3A_366 = arith.addi %mul3A_364, %add3A_365 : i32
      %jit3A_367 = arith.constant 40 : i32
      %eq3A_368 = arith.constant 0 : i32
      %eq3A_369 = arith.cmpi eq, %jit3A_367, %eq3A_368 : i32
      %jit3A_370 = arith.constant 1 : i32
      %select_n3A_371 = arith.select %eq3A_369, %jit3A_370, %jit3A_367 : i32
      %rem3A_372 = arith.remsi %add3A_366, %select_n3A_371 : i32
      %ne3A_373 = arith.constant 0 : i32
      %ne3A_374 = arith.cmpi ne, %rem3A_372, %ne3A_373 : i32
      %lt3A_375 = arith.constant 0 : i32
      %lt3A_376 = arith.cmpi slt, %rem3A_372, %lt3A_375 : i32
      %lt3A_377 = arith.constant 0 : i32
      %lt3A_378 = arith.cmpi slt, %select_n3A_371, %lt3A_377 : i32
      %ne3A_379 = arith.xori %lt3A_376, %lt3A_378 : i1
      %and3A_380 = arith.andi %ne3A_379, %ne3A_374 : i1
      %add3A_381 = arith.addi %rem3A_372, %select_n3A_371 : i32
      %select_n3A_382 = arith.select %and3A_380, %add3A_381, %rem3A_372 : i32
      %dma_wait3A_383 = arith.constant 1 : i32
      %dma_wait3A_384 = arith.constant 0 : i32
      %dma_wait3A_385 = arith.constant 0 : i32
      %dma_wait3A_386 = arith.constant 0 : i32
      %dma_wait3A_387 = tpu.memref_slice %arg8[%dma_wait3A_383, %dma_wait3A_385, %dma_wait3A_386] : memref<4x128x64xf32, #tpu.memory_space<vmem>> -> memref<1x128x64xf32, #tpu.memory_space<vmem>>
      %dma_wait3A_388 = tpu.memref_squeeze %dma_wait3A_387 : memref<1x128x64xf32, #tpu.memory_space<vmem>> -> memref<128x64xf32, #tpu.memory_space<vmem>>
      %dma_wait3A_389 = arith.constant 0 : i32
      %dma_wait3A_390 = tpu.memref_slice %arg6[%select_n3A_382, %dma_wait3A_389] : memref<40x128xi32, #tpu.memory_space<vmem>> -> memref<1x128xi32, #tpu.memory_space<vmem>>
      %dma_wait3A_391 = tpu.memref_squeeze %dma_wait3A_390 : memref<1x128xi32, #tpu.memory_space<vmem>> -> memref<128xi32, #tpu.memory_space<vmem>>
      %dma_wait3A_392 = arith.constant 0 : i32
      %dma_wait3A_393 = arith.constant 0 : i32
      %dma_wait3A_394 = tpu.memref_slice %arg10[%dma_wait3A_392, %dma_wait3A_393] : memref<10000x64xf32, #tpu.memory_space<vmem_shared>> -> memref<10000x64xf32, #tpu.memory_space<vmem_shared>>
      %dma_wait3A_395 = tpu.memref_slice %arg11[%dma_wait3A_384] : memref<2x!tpu.dma_semaphore, #tpu.memory_space<semaphore_mem>> -> memref<1x!tpu.dma_semaphore, #tpu.memory_space<semaphore_mem>>
      %dma_wait3A_396 = tpu.memref_squeeze %dma_wait3A_395 : memref<1x!tpu.dma_semaphore, #tpu.memory_space<semaphore_mem>> -> memref<!tpu.dma_semaphore, #tpu.memory_space<semaphore_mem>>
      tpu.wait_indirect_dma semaphore(%dma_wait3A_396 : memref<!tpu.dma_semaphore, #tpu.memory_space<semaphore_mem>>) src(%dma_wait3A_394 : memref<10000x64xf32, #tpu.memory_space<vmem_shared>>) dst(%dma_wait3A_388 : memref<128x64xf32, #tpu.memory_space<vmem>>)
      %mul3A_397 = arith.constant 2 : i32
      %mul3A_398 = arith.muli %mul3A_397, %scan3A_333 : i32
      %sub3A = arith.constant 1 : i32
      %sub3A_399 = arith.subi %mul3A_398, %sub3A : i32
      %mul3A_400 = arith.constant 2 : i32
      %mul3A_401 = arith.muli %sub3A_399, %mul3A_400 : i32
      %add3A_402 = arith.constant 0 : i32
      %add3A_403 = arith.addi %mul3A_401, %add3A_402 : i32
      %dma_wait3A_404 = arith.constant 2 : i32
      %dma_wait3A_405 = arith.constant 1 : i32
      %dma_wait3A_406 = arith.constant 0 : i32
      %dma_wait3A_407 = arith.constant 0 : i32
      %dma_wait3A_408 = tpu.memref_slice %arg8[%dma_wait3A_404, %dma_wait3A_406, %dma_wait3A_407] : memref<4x128x64xf32, #tpu.memory_space<vmem>> -> memref<1x128x64xf32, #tpu.memory_space<vmem>>
      %dma_wait3A_409 = tpu.memref_squeeze %dma_wait3A_408 : memref<1x128x64xf32, #tpu.memory_space<vmem>> -> memref<128x64xf32, #tpu.memory_space<vmem>>
      %dma_wait3A_410 = arith.constant 0 : i32
      %dma_wait3A_411 = tpu.memref_slice %arg7[%add3A_403, %dma_wait3A_410] : memref<40x128xi32, #tpu.memory_space<vmem>> -> memref<1x128xi32, #tpu.memory_space<vmem>>
      %dma_wait3A_412 = tpu.memref_squeeze %dma_wait3A_411 : memref<1x128xi32, #tpu.memory_space<vmem>> -> memref<128xi32, #tpu.memory_space<vmem>>
      %dma_wait3A_413 = arith.constant 0 : i32
      %dma_wait3A_414 = arith.constant 0 : i32
      %dma_wait3A_415 = tpu.memref_slice %arg9[%dma_wait3A_413, %dma_wait3A_414] : memref<10240x64xf32, #tpu.memory_space<vmem_shared>> -> memref<10240x64xf32, #tpu.memory_space<vmem_shared>>
      %dma_wait3A_416 = tpu.memref_slice %arg12[%dma_wait3A_405] : memref<2x!tpu.dma_semaphore, #tpu.memory_space<semaphore_mem>> -> memref<1x!tpu.dma_semaphore, #tpu.memory_space<semaphore_mem>>
      %dma_wait3A_417 = tpu.memref_squeeze %dma_wait3A_416 : memref<1x!tpu.dma_semaphore, #tpu.memory_space<semaphore_mem>> -> memref<!tpu.dma_semaphore, #tpu.memory_space<semaphore_mem>>
      tpu.wait_indirect_dma semaphore(%dma_wait3A_417 : memref<!tpu.dma_semaphore, #tpu.memory_space<semaphore_mem>>) src(%dma_wait3A_409 : memref<128x64xf32, #tpu.memory_space<vmem>>) dst(%dma_wait3A_415 : memref<10240x64xf32, #tpu.memory_space<vmem_shared>>)
      %mul3A_418 = arith.constant 2 : i32
      %mul3A_419 = arith.muli %sub3A_399, %mul3A_418 : i32
      %add3A_420 = arith.constant 1 : i32
      %add3A_421 = arith.addi %mul3A_419, %add3A_420 : i32
      %dma_wait3A_422 = arith.constant 3 : i32
      %dma_wait3A_423 = arith.constant 1 : i32
      %dma_wait3A_424 = arith.constant 0 : i32
      %dma_wait3A_425 = arith.constant 0 : i32
      %dma_wait3A_426 = tpu.memref_slice %arg8[%dma_wait3A_422, %dma_wait3A_424, %dma_wait3A_425] : memref<4x128x64xf32, #tpu.memory_space<vmem>> -> memref<1x128x64xf32, #tpu.memory_space<vmem>>
      %dma_wait3A_427 = tpu.memref_squeeze %dma_wait3A_426 : memref<1x128x64xf32, #tpu.memory_space<vmem>> -> memref<128x64xf32, #tpu.memory_space<vmem>>
      %dma_wait3A_428 = arith.constant 0 : i32
      %dma_wait3A_429 = tpu.memref_slice %arg7[%add3A_421, %dma_wait3A_428] : memref<40x128xi32, #tpu.memory_space<vmem>> -> memref<1x128xi32, #tpu.memory_space<vmem>>
      %dma_wait3A_430 = tpu.memref_squeeze %dma_wait3A_429 : memref<1x128xi32, #tpu.memory_space<vmem>> -> memref<128xi32, #tpu.memory_space<vmem>>
      %dma_wait3A_431 = arith.constant 0 : i32
      %dma_wait3A_432 = arith.constant 0 : i32
      %dma_wait3A_433 = tpu.memref_slice %arg9[%dma_wait3A_431, %dma_wait3A_432] : memref<10240x64xf32, #tpu.memory_space<vmem_shared>> -> memref<10240x64xf32, #tpu.memory_space<vmem_shared>>
      %dma_wait3A_434 = tpu.memref_slice %arg12[%dma_wait3A_423] : memref<2x!tpu.dma_semaphore, #tpu.memory_space<semaphore_mem>> -> memref<1x!tpu.dma_semaphore, #tpu.memory_space<semaphore_mem>>
      %dma_wait3A_435 = tpu.memref_squeeze %dma_wait3A_434 : memref<1x!tpu.dma_semaphore, #tpu.memory_space<semaphore_mem>> -> memref<!tpu.dma_semaphore, #tpu.memory_space<semaphore_mem>>
      tpu.wait_indirect_dma semaphore(%dma_wait3A_435 : memref<!tpu.dma_semaphore, #tpu.memory_space<semaphore_mem>>) src(%dma_wait3A_427 : memref<128x64xf32, #tpu.memory_space<vmem>>) dst(%dma_wait3A_433 : memref<10240x64xf32, #tpu.memory_space<vmem_shared>>)
      %mul3A_436 = arith.constant 2 : i32
      %mul3A_437 = arith.muli %mul3A_436, %scan3A_333 : i32
      %add3A_438 = arith.constant 1 : i32
      %add3A_439 = arith.addi %mul3A_437, %add3A_438 : i32
      %mul3A_440 = arith.constant 2 : i32
      %mul3A_441 = arith.muli %add3A_439, %mul3A_440 : i32
      %add3A_442 = arith.constant 0 : i32
      %add3A_443 = arith.addi %mul3A_441, %add3A_442 : i32
      %jit3A_444 = arith.constant 40 : i32
      %eq3A_445 = arith.constant 0 : i32
      %eq3A_446 = arith.cmpi eq, %jit3A_444, %eq3A_445 : i32
      %jit3A_447 = arith.constant 1 : i32
      %select_n3A_448 = arith.select %eq3A_446, %jit3A_447, %jit3A_444 : i32
      %rem3A_449 = arith.remsi %add3A_443, %select_n3A_448 : i32
      %ne3A_450 = arith.constant 0 : i32
      %ne3A_451 = arith.cmpi ne, %rem3A_449, %ne3A_450 : i32
      %lt3A_452 = arith.constant 0 : i32
      %lt3A_453 = arith.cmpi slt, %rem3A_449, %lt3A_452 : i32
      %lt3A_454 = arith.constant 0 : i32
      %lt3A_455 = arith.cmpi slt, %select_n3A_448, %lt3A_454 : i32
      %ne3A_456 = arith.xori %lt3A_453, %lt3A_455 : i1
      %and3A_457 = arith.andi %ne3A_456, %ne3A_451 : i1
      %add3A_458 = arith.addi %rem3A_449, %select_n3A_448 : i32
      %select_n3A_459 = arith.select %and3A_457, %add3A_458, %rem3A_449 : i32
      %dma_start3A_460 = arith.constant 2 : i32
      %dma_start3A_461 = arith.constant 1 : i32
      %dma_start3A_462 = arith.constant 0 : i32
      %dma_start3A_463 = arith.constant 0 : i32
      %dma_start3A_464 = tpu.memref_slice %arg8[%dma_start3A_460, %dma_start3A_462, %dma_start3A_463] : memref<4x128x64xf32, #tpu.memory_space<vmem>> -> memref<1x128x64xf32, #tpu.memory_space<vmem>>
      %dma_start3A_465 = tpu.memref_squeeze %dma_start3A_464 : memref<1x128x64xf32, #tpu.memory_space<vmem>> -> memref<128x64xf32, #tpu.memory_space<vmem>>
      %dma_start3A_466 = arith.constant 0 : i32
      %dma_start3A_467 = tpu.memref_slice %arg6[%select_n3A_459, %dma_start3A_466] : memref<40x128xi32, #tpu.memory_space<vmem>> -> memref<1x128xi32, #tpu.memory_space<vmem>>
      %dma_start3A_468 = tpu.memref_squeeze %dma_start3A_467 : memref<1x128xi32, #tpu.memory_space<vmem>> -> memref<128xi32, #tpu.memory_space<vmem>>
      %dma_start3A_469 = arith.constant 0 : i32
      %dma_start3A_470 = arith.constant 0 : i32
      %dma_start3A_471 = tpu.memref_slice %arg10[%dma_start3A_469, %dma_start3A_470] : memref<10000x64xf32, #tpu.memory_space<vmem_shared>> -> memref<10000x64xf32, #tpu.memory_space<vmem_shared>>
      %dma_start3A_472 = tpu.memref_slice %arg11[%dma_start3A_461] : memref<2x!tpu.dma_semaphore, #tpu.memory_space<semaphore_mem>> -> memref<1x!tpu.dma_semaphore, #tpu.memory_space<semaphore_mem>>
      %dma_start3A_473 = tpu.memref_squeeze %dma_start3A_472 : memref<1x!tpu.dma_semaphore, #tpu.memory_space<semaphore_mem>> -> memref<!tpu.dma_semaphore, #tpu.memory_space<semaphore_mem>>
      tpu.enqueue_indirect_dma source(%dma_start3A_471 : memref<10000x64xf32, #tpu.memory_space<vmem_shared>>) target(%dma_start3A_465 : memref<128x64xf32, #tpu.memory_space<vmem>>) offsets(%dma_start3A_468 : memref<128xi32, #tpu.memory_space<vmem>>) semaphore(%dma_start3A_473 : memref<!tpu.dma_semaphore, #tpu.memory_space<semaphore_mem>>)
      %mul3A_474 = arith.constant 2 : i32
      %mul3A_475 = arith.muli %add3A_439, %mul3A_474 : i32
      %add3A_476 = arith.constant 1 : i32
      %add3A_477 = arith.addi %mul3A_475, %add3A_476 : i32
      %jit3A_478 = arith.constant 40 : i32
      %eq3A_479 = arith.constant 0 : i32
      %eq3A_480 = arith.cmpi eq, %jit3A_478, %eq3A_479 : i32
      %jit3A_481 = arith.constant 1 : i32
      %select_n3A_482 = arith.select %eq3A_480, %jit3A_481, %jit3A_478 : i32
      %rem3A_483 = arith.remsi %add3A_477, %select_n3A_482 : i32
      %ne3A_484 = arith.constant 0 : i32
      %ne3A_485 = arith.cmpi ne, %rem3A_483, %ne3A_484 : i32
      %lt3A_486 = arith.constant 0 : i32
      %lt3A_487 = arith.cmpi slt, %rem3A_483, %lt3A_486 : i32
      %lt3A_488 = arith.constant 0 : i32
      %lt3A_489 = arith.cmpi slt, %select_n3A_482, %lt3A_488 : i32
      %ne3A_490 = arith.xori %lt3A_487, %lt3A_489 : i1
      %and3A_491 = arith.andi %ne3A_490, %ne3A_485 : i1
      %add3A_492 = arith.addi %rem3A_483, %select_n3A_482 : i32
      %select_n3A_493 = arith.select %and3A_491, %add3A_492, %rem3A_483 : i32
      %dma_start3A_494 = arith.constant 3 : i32
      %dma_start3A_495 = arith.constant 1 : i32
      %dma_start3A_496 = arith.constant 0 : i32
      %dma_start3A_497 = arith.constant 0 : i32
      %dma_start3A_498 = tpu.memref_slice %arg8[%dma_start3A_494, %dma_start3A_496, %dma_start3A_497] : memref<4x128x64xf32, #tpu.memory_space<vmem>> -> memref<1x128x64xf32, #tpu.memory_space<vmem>>
      %dma_start3A_499 = tpu.memref_squeeze %dma_start3A_498 : memref<1x128x64xf32, #tpu.memory_space<vmem>> -> memref<128x64xf32, #tpu.memory_space<vmem>>
      %dma_start3A_500 = arith.constant 0 : i32
      %dma_start3A_501 = tpu.memref_slice %arg6[%select_n3A_493, %dma_start3A_500] : memref<40x128xi32, #tpu.memory_space<vmem>> -> memref<1x128xi32, #tpu.memory_space<vmem>>
      %dma_start3A_502 = tpu.memref_squeeze %dma_start3A_501 : memref<1x128xi32, #tpu.memory_space<vmem>> -> memref<128xi32, #tpu.memory_space<vmem>>
      %dma_start3A_503 = arith.constant 0 : i32
      %dma_start3A_504 = arith.constant 0 : i32
      %dma_start3A_505 = tpu.memref_slice %arg10[%dma_start3A_503, %dma_start3A_504] : memref<10000x64xf32, #tpu.memory_space<vmem_shared>> -> memref<10000x64xf32, #tpu.memory_space<vmem_shared>>
      %dma_start3A_506 = tpu.memref_slice %arg11[%dma_start3A_495] : memref<2x!tpu.dma_semaphore, #tpu.memory_space<semaphore_mem>> -> memref<1x!tpu.dma_semaphore, #tpu.memory_space<semaphore_mem>>
      %dma_start3A_507 = tpu.memref_squeeze %dma_start3A_506 : memref<1x!tpu.dma_semaphore, #tpu.memory_space<semaphore_mem>> -> memref<!tpu.dma_semaphore, #tpu.memory_space<semaphore_mem>>
      tpu.enqueue_indirect_dma source(%dma_start3A_505 : memref<10000x64xf32, #tpu.memory_space<vmem_shared>>) target(%dma_start3A_499 : memref<128x64xf32, #tpu.memory_space<vmem>>) offsets(%dma_start3A_502 : memref<128xi32, #tpu.memory_space<vmem>>) semaphore(%dma_start3A_507 : memref<!tpu.dma_semaphore, #tpu.memory_space<semaphore_mem>>)
      %mul3A_508 = arith.constant 2 : i32
      %mul3A_509 = arith.muli %mul3A_508, %scan3A_333 : i32
      %mul3A_510 = arith.constant 2 : i32
      %mul3A_511 = arith.muli %mul3A_509, %mul3A_510 : i32
      %add3A_512 = arith.constant 0 : i32
      %add3A_513 = arith.addi %mul3A_511, %add3A_512 : i32
      %dma_start3A_514 = arith.constant 0 : i32
      %dma_start3A_515 = arith.constant 0 : i32
      %dma_start3A_516 = arith.constant 0 : i32
      %dma_start3A_517 = arith.constant 0 : i32
      %dma_start3A_518 = tpu.memref_slice %arg8[%dma_start3A_514, %dma_start3A_516, %dma_start3A_517] : memref<4x128x64xf32, #tpu.memory_space<vmem>> -> memref<1x128x64xf32, #tpu.memory_space<vmem>>
      %dma_start3A_519 = tpu.memref_squeeze %dma_start3A_518 : memref<1x128x64xf32, #tpu.memory_space<vmem>> -> memref<128x64xf32, #tpu.memory_space<vmem>>
      %dma_start3A_520 = arith.constant 0 : i32
      %dma_start3A_521 = tpu.memref_slice %arg7[%add3A_513, %dma_start3A_520] : memref<40x128xi32, #tpu.memory_space<vmem>> -> memref<1x128xi32, #tpu.memory_space<vmem>>
      %dma_start3A_522 = tpu.memref_squeeze %dma_start3A_521 : memref<1x128xi32, #tpu.memory_space<vmem>> -> memref<128xi32, #tpu.memory_space<vmem>>
      %dma_start3A_523 = arith.constant 0 : i32
      %dma_start3A_524 = arith.constant 0 : i32
      %dma_start3A_525 = tpu.memref_slice %arg9[%dma_start3A_523, %dma_start3A_524] : memref<10240x64xf32, #tpu.memory_space<vmem_shared>> -> memref<10240x64xf32, #tpu.memory_space<vmem_shared>>
      %dma_start3A_526 = tpu.memref_slice %arg12[%dma_start3A_515] : memref<2x!tpu.dma_semaphore, #tpu.memory_space<semaphore_mem>> -> memref<1x!tpu.dma_semaphore, #tpu.memory_space<semaphore_mem>>
      %dma_start3A_527 = tpu.memref_squeeze %dma_start3A_526 : memref<1x!tpu.dma_semaphore, #tpu.memory_space<semaphore_mem>> -> memref<!tpu.dma_semaphore, #tpu.memory_space<semaphore_mem>>
      tpu.enqueue_indirect_dma source(%dma_start3A_519 : memref<128x64xf32, #tpu.memory_space<vmem>>) target(%dma_start3A_525 : memref<10240x64xf32, #tpu.memory_space<vmem_shared>>) offsets(%dma_start3A_522 : memref<128xi32, #tpu.memory_space<vmem>>) semaphore(%dma_start3A_527 : memref<!tpu.dma_semaphore, #tpu.memory_space<semaphore_mem>>) {add = true}
      %mul3A_528 = arith.constant 2 : i32
      %mul3A_529 = arith.muli %mul3A_509, %mul3A_528 : i32
      %add3A_530 = arith.constant 1 : i32
      %add3A_531 = arith.addi %mul3A_529, %add3A_530 : i32
      %dma_start3A_532 = arith.constant 1 : i32
      %dma_start3A_533 = arith.constant 0 : i32
      %dma_start3A_534 = arith.constant 0 : i32
      %dma_start3A_535 = arith.constant 0 : i32
      %dma_start3A_536 = tpu.memref_slice %arg8[%dma_start3A_532, %dma_start3A_534, %dma_start3A_535] : memref<4x128x64xf32, #tpu.memory_space<vmem>> -> memref<1x128x64xf32, #tpu.memory_space<vmem>>
      %dma_start3A_537 = tpu.memref_squeeze %dma_start3A_536 : memref<1x128x64xf32, #tpu.memory_space<vmem>> -> memref<128x64xf32, #tpu.memory_space<vmem>>
      %dma_start3A_538 = arith.constant 0 : i32
      %dma_start3A_539 = tpu.memref_slice %arg7[%add3A_531, %dma_start3A_538] : memref<40x128xi32, #tpu.memory_space<vmem>> -> memref<1x128xi32, #tpu.memory_space<vmem>>
      %dma_start3A_540 = tpu.memref_squeeze %dma_start3A_539 : memref<1x128xi32, #tpu.memory_space<vmem>> -> memref<128xi32, #tpu.memory_space<vmem>>
      %dma_start3A_541 = arith.constant 0 : i32
      %dma_start3A_542 = arith.constant 0 : i32
      %dma_start3A_543 = tpu.memref_slice %arg9[%dma_start3A_541, %dma_start3A_542] : memref<10240x64xf32, #tpu.memory_space<vmem_shared>> -> memref<10240x64xf32, #tpu.memory_space<vmem_shared>>
      %dma_start3A_544 = tpu.memref_slice %arg12[%dma_start3A_533] : memref<2x!tpu.dma_semaphore, #tpu.memory_space<semaphore_mem>> -> memref<1x!tpu.dma_semaphore, #tpu.memory_space<semaphore_mem>>
      %dma_start3A_545 = tpu.memref_squeeze %dma_start3A_544 : memref<1x!tpu.dma_semaphore, #tpu.memory_space<semaphore_mem>> -> memref<!tpu.dma_semaphore, #tpu.memory_space<semaphore_mem>>
      tpu.enqueue_indirect_dma source(%dma_start3A_537 : memref<128x64xf32, #tpu.memory_space<vmem>>) target(%dma_start3A_543 : memref<10240x64xf32, #tpu.memory_space<vmem_shared>>) offsets(%dma_start3A_540 : memref<128xi32, #tpu.memory_space<vmem>>) semaphore(%dma_start3A_545 : memref<!tpu.dma_semaphore, #tpu.memory_space<semaphore_mem>>) {add = true}
      %mul3A_546 = arith.constant 2 : i32
      %mul3A_547 = arith.muli %mul3A_546, %scan3A_333 : i32
      %add3A_548 = arith.constant 1 : i32
      %add3A_549 = arith.addi %mul3A_547, %add3A_548 : i32
      %mul3A_550 = arith.constant 2 : i32
      %mul3A_551 = arith.muli %add3A_549, %mul3A_550 : i32
      %add3A_552 = arith.constant 0 : i32
      %add3A_553 = arith.addi %mul3A_551, %add3A_552 : i32
      %jit3A_554 = arith.constant 40 : i32
      %eq3A_555 = arith.constant 0 : i32
      %eq3A_556 = arith.cmpi eq, %jit3A_554, %eq3A_555 : i32
      %jit3A_557 = arith.constant 1 : i32
      %select_n3A_558 = arith.select %eq3A_556, %jit3A_557, %jit3A_554 : i32
      %rem3A_559 = arith.remsi %add3A_553, %select_n3A_558 : i32
      %ne3A_560 = arith.constant 0 : i32
      %ne3A_561 = arith.cmpi ne, %rem3A_559, %ne3A_560 : i32
      %lt3A_562 = arith.constant 0 : i32
      %lt3A_563 = arith.cmpi slt, %rem3A_559, %lt3A_562 : i32
      %lt3A_564 = arith.constant 0 : i32
      %lt3A_565 = arith.cmpi slt, %select_n3A_558, %lt3A_564 : i32
      %ne3A_566 = arith.xori %lt3A_563, %lt3A_565 : i1
      %and3A_567 = arith.andi %ne3A_566, %ne3A_561 : i1
      %add3A_568 = arith.addi %rem3A_559, %select_n3A_558 : i32
      %select_n3A_569 = arith.select %and3A_567, %add3A_568, %rem3A_559 : i32
      %dma_wait3A_570 = arith.constant 2 : i32
      %dma_wait3A_571 = arith.constant 1 : i32
      %dma_wait3A_572 = arith.constant 0 : i32
      %dma_wait3A_573 = arith.constant 0 : i32
      %dma_wait3A_574 = tpu.memref_slice %arg8[%dma_wait3A_570, %dma_wait3A_572, %dma_wait3A_573] : memref<4x128x64xf32, #tpu.memory_space<vmem>> -> memref<1x128x64xf32, #tpu.memory_space<vmem>>
      %dma_wait3A_575 = tpu.memref_squeeze %dma_wait3A_574 : memref<1x128x64xf32, #tpu.memory_space<vmem>> -> memref<128x64xf32, #tpu.memory_space<vmem>>
      %dma_wait3A_576 = arith.constant 0 : i32
      %dma_wait3A_577 = tpu.memref_slice %arg6[%select_n3A_569, %dma_wait3A_576] : memref<40x128xi32, #tpu.memory_space<vmem>> -> memref<1x128xi32, #tpu.memory_space<vmem>>
      %dma_wait3A_578 = tpu.memref_squeeze %dma_wait3A_577 : memref<1x128xi32, #tpu.memory_space<vmem>> -> memref<128xi32, #tpu.memory_space<vmem>>
      %dma_wait3A_579 = arith.constant 0 : i32
      %dma_wait3A_580 = arith.constant 0 : i32
      %dma_wait3A_581 = tpu.memref_slice %arg10[%dma_wait3A_579, %dma_wait3A_580] : memref<10000x64xf32, #tpu.memory_space<vmem_shared>> -> memref<10000x64xf32, #tpu.memory_space<vmem_shared>>
      %dma_wait3A_582 = tpu.memref_slice %arg11[%dma_wait3A_571] : memref<2x!tpu.dma_semaphore, #tpu.memory_space<semaphore_mem>> -> memref<1x!tpu.dma_semaphore, #tpu.memory_space<semaphore_mem>>
      %dma_wait3A_583 = tpu.memref_squeeze %dma_wait3A_582 : memref<1x!tpu.dma_semaphore, #tpu.memory_space<semaphore_mem>> -> memref<!tpu.dma_semaphore, #tpu.memory_space<semaphore_mem>>
      tpu.wait_indirect_dma semaphore(%dma_wait3A_583 : memref<!tpu.dma_semaphore, #tpu.memory_space<semaphore_mem>>) src(%dma_wait3A_581 : memref<10000x64xf32, #tpu.memory_space<vmem_shared>>) dst(%dma_wait3A_575 : memref<128x64xf32, #tpu.memory_space<vmem>>)
      %mul3A_584 = arith.constant 2 : i32
      %mul3A_585 = arith.muli %add3A_549, %mul3A_584 : i32
      %add3A_586 = arith.constant 1 : i32
      %add3A_587 = arith.addi %mul3A_585, %add3A_586 : i32
      %jit3A_588 = arith.constant 40 : i32
      %eq3A_589 = arith.constant 0 : i32
      %eq3A_590 = arith.cmpi eq, %jit3A_588, %eq3A_589 : i32
      %jit3A_591 = arith.constant 1 : i32
      %select_n3A_592 = arith.select %eq3A_590, %jit3A_591, %jit3A_588 : i32
      %rem3A_593 = arith.remsi %add3A_587, %select_n3A_592 : i32
      %ne3A_594 = arith.constant 0 : i32
      %ne3A_595 = arith.cmpi ne, %rem3A_593, %ne3A_594 : i32
      %lt3A_596 = arith.constant 0 : i32
      %lt3A_597 = arith.cmpi slt, %rem3A_593, %lt3A_596 : i32
      %lt3A_598 = arith.constant 0 : i32
      %lt3A_599 = arith.cmpi slt, %select_n3A_592, %lt3A_598 : i32
      %ne3A_600 = arith.xori %lt3A_597, %lt3A_599 : i1
      %and3A_601 = arith.andi %ne3A_600, %ne3A_595 : i1
      %add3A_602 = arith.addi %rem3A_593, %select_n3A_592 : i32
      %select_n3A_603 = arith.select %and3A_601, %add3A_602, %rem3A_593 : i32
      %dma_wait3A_604 = arith.constant 3 : i32
      %dma_wait3A_605 = arith.constant 1 : i32
      %dma_wait3A_606 = arith.constant 0 : i32
      %dma_wait3A_607 = arith.constant 0 : i32
      %dma_wait3A_608 = tpu.memref_slice %arg8[%dma_wait3A_604, %dma_wait3A_606, %dma_wait3A_607] : memref<4x128x64xf32, #tpu.memory_space<vmem>> -> memref<1x128x64xf32, #tpu.memory_space<vmem>>
      %dma_wait3A_609 = tpu.memref_squeeze %dma_wait3A_608 : memref<1x128x64xf32, #tpu.memory_space<vmem>> -> memref<128x64xf32, #tpu.memory_space<vmem>>
      %dma_wait3A_610 = arith.constant 0 : i32
      %dma_wait3A_611 = tpu.memref_slice %arg6[%select_n3A_603, %dma_wait3A_610] : memref<40x128xi32, #tpu.memory_space<vmem>> -> memref<1x128xi32, #tpu.memory_space<vmem>>
      %dma_wait3A_612 = tpu.memref_squeeze %dma_wait3A_611 : memref<1x128xi32, #tpu.memory_space<vmem>> -> memref<128xi32, #tpu.memory_space<vmem>>
      %dma_wait3A_613 = arith.constant 0 : i32
      %dma_wait3A_614 = arith.constant 0 : i32
      %dma_wait3A_615 = tpu.memref_slice %arg10[%dma_wait3A_613, %dma_wait3A_614] : memref<10000x64xf32, #tpu.memory_space<vmem_shared>> -> memref<10000x64xf32, #tpu.memory_space<vmem_shared>>
      %dma_wait3A_616 = tpu.memref_slice %arg11[%dma_wait3A_605] : memref<2x!tpu.dma_semaphore, #tpu.memory_space<semaphore_mem>> -> memref<1x!tpu.dma_semaphore, #tpu.memory_space<semaphore_mem>>
      %dma_wait3A_617 = tpu.memref_squeeze %dma_wait3A_616 : memref<1x!tpu.dma_semaphore, #tpu.memory_space<semaphore_mem>> -> memref<!tpu.dma_semaphore, #tpu.memory_space<semaphore_mem>>
      tpu.wait_indirect_dma semaphore(%dma_wait3A_617 : memref<!tpu.dma_semaphore, #tpu.memory_space<semaphore_mem>>) src(%dma_wait3A_615 : memref<10000x64xf32, #tpu.memory_space<vmem_shared>>) dst(%dma_wait3A_609 : memref<128x64xf32, #tpu.memory_space<vmem>>)
      %mul3A_618 = arith.constant 2 : i32
      %mul3A_619 = arith.muli %mul3A_618, %scan3A_333 : i32
      %mul3A_620 = arith.constant 2 : i32
      %mul3A_621 = arith.muli %mul3A_619, %mul3A_620 : i32
      %add3A_622 = arith.constant 0 : i32
      %add3A_623 = arith.addi %mul3A_621, %add3A_622 : i32
      %dma_wait3A_624 = arith.constant 0 : i32
      %dma_wait3A_625 = arith.constant 0 : i32
      %dma_wait3A_626 = arith.constant 0 : i32
      %dma_wait3A_627 = arith.constant 0 : i32
      %dma_wait3A_628 = tpu.memref_slice %arg8[%dma_wait3A_624, %dma_wait3A_626, %dma_wait3A_627] : memref<4x128x64xf32, #tpu.memory_space<vmem>> -> memref<1x128x64xf32, #tpu.memory_space<vmem>>
      %dma_wait3A_629 = tpu.memref_squeeze %dma_wait3A_628 : memref<1x128x64xf32, #tpu.memory_space<vmem>> -> memref<128x64xf32, #tpu.memory_space<vmem>>
      %dma_wait3A_630 = arith.constant 0 : i32
      %dma_wait3A_631 = tpu.memref_slice %arg7[%add3A_623, %dma_wait3A_630] : memref<40x128xi32, #tpu.memory_space<vmem>> -> memref<1x128xi32, #tpu.memory_space<vmem>>
      %dma_wait3A_632 = tpu.memref_squeeze %dma_wait3A_631 : memref<1x128xi32, #tpu.memory_space<vmem>> -> memref<128xi32, #tpu.memory_space<vmem>>
      %dma_wait3A_633 = arith.constant 0 : i32
      %dma_wait3A_634 = arith.constant 0 : i32
      %dma_wait3A_635 = tpu.memref_slice %arg9[%dma_wait3A_633, %dma_wait3A_634] : memref<10240x64xf32, #tpu.memory_space<vmem_shared>> -> memref<10240x64xf32, #tpu.memory_space<vmem_shared>>
      %dma_wait3A_636 = tpu.memref_slice %arg12[%dma_wait3A_625] : memref<2x!tpu.dma_semaphore, #tpu.memory_space<semaphore_mem>> -> memref<1x!tpu.dma_semaphore, #tpu.memory_space<semaphore_mem>>
      %dma_wait3A_637 = tpu.memref_squeeze %dma_wait3A_636 : memref<1x!tpu.dma_semaphore, #tpu.memory_space<semaphore_mem>> -> memref<!tpu.dma_semaphore, #tpu.memory_space<semaphore_mem>>
      tpu.wait_indirect_dma semaphore(%dma_wait3A_637 : memref<!tpu.dma_semaphore, #tpu.memory_space<semaphore_mem>>) src(%dma_wait3A_629 : memref<128x64xf32, #tpu.memory_space<vmem>>) dst(%dma_wait3A_635 : memref<10240x64xf32, #tpu.memory_space<vmem_shared>>)
      %mul3A_638 = arith.constant 2 : i32
      %mul3A_639 = arith.muli %mul3A_619, %mul3A_638 : i32
      %add3A_640 = arith.constant 1 : i32
      %add3A_641 = arith.addi %mul3A_639, %add3A_640 : i32
      %dma_wait3A_642 = arith.constant 1 : i32
      %dma_wait3A_643 = arith.constant 0 : i32
      %dma_wait3A_644 = arith.constant 0 : i32
      %dma_wait3A_645 = arith.constant 0 : i32
      %dma_wait3A_646 = tpu.memref_slice %arg8[%dma_wait3A_642, %dma_wait3A_644, %dma_wait3A_645] : memref<4x128x64xf32, #tpu.memory_space<vmem>> -> memref<1x128x64xf32, #tpu.memory_space<vmem>>
      %dma_wait3A_647 = tpu.memref_squeeze %dma_wait3A_646 : memref<1x128x64xf32, #tpu.memory_space<vmem>> -> memref<128x64xf32, #tpu.memory_space<vmem>>
      %dma_wait3A_648 = arith.constant 0 : i32
      %dma_wait3A_649 = tpu.memref_slice %arg7[%add3A_641, %dma_wait3A_648] : memref<40x128xi32, #tpu.memory_space<vmem>> -> memref<1x128xi32, #tpu.memory_space<vmem>>
      %dma_wait3A_650 = tpu.memref_squeeze %dma_wait3A_649 : memref<1x128xi32, #tpu.memory_space<vmem>> -> memref<128xi32, #tpu.memory_space<vmem>>
      %dma_wait3A_651 = arith.constant 0 : i32
      %dma_wait3A_652 = arith.constant 0 : i32
      %dma_wait3A_653 = tpu.memref_slice %arg9[%dma_wait3A_651, %dma_wait3A_652] : memref<10240x64xf32, #tpu.memory_space<vmem_shared>> -> memref<10240x64xf32, #tpu.memory_space<vmem_shared>>
      %dma_wait3A_654 = tpu.memref_slice %arg12[%dma_wait3A_643] : memref<2x!tpu.dma_semaphore, #tpu.memory_space<semaphore_mem>> -> memref<1x!tpu.dma_semaphore, #tpu.memory_space<semaphore_mem>>
      %dma_wait3A_655 = tpu.memref_squeeze %dma_wait3A_654 : memref<1x!tpu.dma_semaphore, #tpu.memory_space<semaphore_mem>> -> memref<!tpu.dma_semaphore, #tpu.memory_space<semaphore_mem>>
      tpu.wait_indirect_dma semaphore(%dma_wait3A_655 : memref<!tpu.dma_semaphore, #tpu.memory_space<semaphore_mem>>) src(%dma_wait3A_647 : memref<128x64xf32, #tpu.memory_space<vmem>>) dst(%dma_wait3A_653 : memref<10240x64xf32, #tpu.memory_space<vmem_shared>>)
      %mul3A_656 = arith.constant 2 : i32
      %mul3A_657 = arith.muli %mul3A_656, %scan3A_333 : i32
      %add3A_658 = arith.constant 2 : i32
      %add3A_659 = arith.addi %mul3A_657, %add3A_658 : i32
      %mul3A_660 = arith.constant 2 : i32
      %mul3A_661 = arith.muli %add3A_659, %mul3A_660 : i32
      %add3A_662 = arith.constant 0 : i32
      %add3A_663 = arith.addi %mul3A_661, %add3A_662 : i32
      %jit3A_664 = arith.constant 40 : i32
      %eq3A_665 = arith.constant 0 : i32
      %eq3A_666 = arith.cmpi eq, %jit3A_664, %eq3A_665 : i32
      %jit3A_667 = arith.constant 1 : i32
      %select_n3A_668 = arith.select %eq3A_666, %jit3A_667, %jit3A_664 : i32
      %rem3A_669 = arith.remsi %add3A_663, %select_n3A_668 : i32
      %ne3A_670 = arith.constant 0 : i32
      %ne3A_671 = arith.cmpi ne, %rem3A_669, %ne3A_670 : i32
      %lt3A_672 = arith.constant 0 : i32
      %lt3A_673 = arith.cmpi slt, %rem3A_669, %lt3A_672 : i32
      %lt3A_674 = arith.constant 0 : i32
      %lt3A_675 = arith.cmpi slt, %select_n3A_668, %lt3A_674 : i32
      %ne3A_676 = arith.xori %lt3A_673, %lt3A_675 : i1
      %and3A_677 = arith.andi %ne3A_676, %ne3A_671 : i1
      %add3A_678 = arith.addi %rem3A_669, %select_n3A_668 : i32
      %select_n3A_679 = arith.select %and3A_677, %add3A_678, %rem3A_669 : i32
      %dma_start3A_680 = arith.constant 0 : i32
      %dma_start3A_681 = arith.constant 0 : i32
      %dma_start3A_682 = arith.constant 0 : i32
      %dma_start3A_683 = arith.constant 0 : i32
      %dma_start3A_684 = tpu.memref_slice %arg8[%dma_start3A_680, %dma_start3A_682, %dma_start3A_683] : memref<4x128x64xf32, #tpu.memory_space<vmem>> -> memref<1x128x64xf32, #tpu.memory_space<vmem>>
      %dma_start3A_685 = tpu.memref_squeeze %dma_start3A_684 : memref<1x128x64xf32, #tpu.memory_space<vmem>> -> memref<128x64xf32, #tpu.memory_space<vmem>>
      %dma_start3A_686 = arith.constant 0 : i32
      %dma_start3A_687 = tpu.memref_slice %arg6[%select_n3A_679, %dma_start3A_686] : memref<40x128xi32, #tpu.memory_space<vmem>> -> memref<1x128xi32, #tpu.memory_space<vmem>>
      %dma_start3A_688 = tpu.memref_squeeze %dma_start3A_687 : memref<1x128xi32, #tpu.memory_space<vmem>> -> memref<128xi32, #tpu.memory_space<vmem>>
      %dma_start3A_689 = arith.constant 0 : i32
      %dma_start3A_690 = arith.constant 0 : i32
      %dma_start3A_691 = tpu.memref_slice %arg10[%dma_start3A_689, %dma_start3A_690] : memref<10000x64xf32, #tpu.memory_space<vmem_shared>> -> memref<10000x64xf32, #tpu.memory_space<vmem_shared>>
      %dma_start3A_692 = tpu.memref_slice %arg11[%dma_start3A_681] : memref<2x!tpu.dma_semaphore, #tpu.memory_space<semaphore_mem>> -> memref<1x!tpu.dma_semaphore, #tpu.memory_space<semaphore_mem>>
      %dma_start3A_693 = tpu.memref_squeeze %dma_start3A_692 : memref<1x!tpu.dma_semaphore, #tpu.memory_space<semaphore_mem>> -> memref<!tpu.dma_semaphore, #tpu.memory_space<semaphore_mem>>
      tpu.enqueue_indirect_dma source(%dma_start3A_691 : memref<10000x64xf32, #tpu.memory_space<vmem_shared>>) target(%dma_start3A_685 : memref<128x64xf32, #tpu.memory_space<vmem>>) offsets(%dma_start3A_688 : memref<128xi32, #tpu.memory_space<vmem>>) semaphore(%dma_start3A_693 : memref<!tpu.dma_semaphore, #tpu.memory_space<semaphore_mem>>)
      %mul3A_694 = arith.constant 2 : i32
      %mul3A_695 = arith.muli %add3A_659, %mul3A_694 : i32
      %add3A_696 = arith.constant 1 : i32
      %add3A_697 = arith.addi %mul3A_695, %add3A_696 : i32
      %jit3A_698 = arith.constant 40 : i32
      %eq3A_699 = arith.constant 0 : i32
      %eq3A_700 = arith.cmpi eq, %jit3A_698, %eq3A_699 : i32
      %jit3A_701 = arith.constant 1 : i32
      %select_n3A_702 = arith.select %eq3A_700, %jit3A_701, %jit3A_698 : i32
      %rem3A_703 = arith.remsi %add3A_697, %select_n3A_702 : i32
      %ne3A_704 = arith.constant 0 : i32
      %ne3A_705 = arith.cmpi ne, %rem3A_703, %ne3A_704 : i32
      %lt3A_706 = arith.constant 0 : i32
      %lt3A_707 = arith.cmpi slt, %rem3A_703, %lt3A_706 : i32
      %lt3A_708 = arith.constant 0 : i32
      %lt3A_709 = arith.cmpi slt, %select_n3A_702, %lt3A_708 : i32
      %ne3A_710 = arith.xori %lt3A_707, %lt3A_709 : i1
      %and3A_711 = arith.andi %ne3A_710, %ne3A_705 : i1
      %add3A_712 = arith.addi %rem3A_703, %select_n3A_702 : i32
      %select_n3A_713 = arith.select %and3A_711, %add3A_712, %rem3A_703 : i32
      %dma_start3A_714 = arith.constant 1 : i32
      %dma_start3A_715 = arith.constant 0 : i32
      %dma_start3A_716 = arith.constant 0 : i32
      %dma_start3A_717 = arith.constant 0 : i32
      %dma_start3A_718 = tpu.memref_slice %arg8[%dma_start3A_714, %dma_start3A_716, %dma_start3A_717] : memref<4x128x64xf32, #tpu.memory_space<vmem>> -> memref<1x128x64xf32, #tpu.memory_space<vmem>>
      %dma_start3A_719 = tpu.memref_squeeze %dma_start3A_718 : memref<1x128x64xf32, #tpu.memory_space<vmem>> -> memref<128x64xf32, #tpu.memory_space<vmem>>
      %dma_start3A_720 = arith.constant 0 : i32
      %dma_start3A_721 = tpu.memref_slice %arg6[%select_n3A_713, %dma_start3A_720] : memref<40x128xi32, #tpu.memory_space<vmem>> -> memref<1x128xi32, #tpu.memory_space<vmem>>
      %dma_start3A_722 = tpu.memref_squeeze %dma_start3A_721 : memref<1x128xi32, #tpu.memory_space<vmem>> -> memref<128xi32, #tpu.memory_space<vmem>>
      %dma_start3A_723 = arith.constant 0 : i32
      %dma_start3A_724 = arith.constant 0 : i32
      %dma_start3A_725 = tpu.memref_slice %arg10[%dma_start3A_723, %dma_start3A_724] : memref<10000x64xf32, #tpu.memory_space<vmem_shared>> -> memref<10000x64xf32, #tpu.memory_space<vmem_shared>>
      %dma_start3A_726 = tpu.memref_slice %arg11[%dma_start3A_715] : memref<2x!tpu.dma_semaphore, #tpu.memory_space<semaphore_mem>> -> memref<1x!tpu.dma_semaphore, #tpu.memory_space<semaphore_mem>>
      %dma_start3A_727 = tpu.memref_squeeze %dma_start3A_726 : memref<1x!tpu.dma_semaphore, #tpu.memory_space<semaphore_mem>> -> memref<!tpu.dma_semaphore, #tpu.memory_space<semaphore_mem>>
      tpu.enqueue_indirect_dma source(%dma_start3A_725 : memref<10000x64xf32, #tpu.memory_space<vmem_shared>>) target(%dma_start3A_719 : memref<128x64xf32, #tpu.memory_space<vmem>>) offsets(%dma_start3A_722 : memref<128xi32, #tpu.memory_space<vmem>>) semaphore(%dma_start3A_727 : memref<!tpu.dma_semaphore, #tpu.memory_space<semaphore_mem>>)
      %mul3A_728 = arith.constant 2 : i32
      %mul3A_729 = arith.muli %mul3A_728, %scan3A_333 : i32
      %add3A_730 = arith.constant 1 : i32
      %add3A_731 = arith.addi %mul3A_729, %add3A_730 : i32
      %mul3A_732 = arith.constant 2 : i32
      %mul3A_733 = arith.muli %add3A_731, %mul3A_732 : i32
      %add3A_734 = arith.constant 0 : i32
      %add3A_735 = arith.addi %mul3A_733, %add3A_734 : i32
      %dma_start3A_736 = arith.constant 2 : i32
      %dma_start3A_737 = arith.constant 1 : i32
      %dma_start3A_738 = arith.constant 0 : i32
      %dma_start3A_739 = arith.constant 0 : i32
      %dma_start3A_740 = tpu.memref_slice %arg8[%dma_start3A_736, %dma_start3A_738, %dma_start3A_739] : memref<4x128x64xf32, #tpu.memory_space<vmem>> -> memref<1x128x64xf32, #tpu.memory_space<vmem>>
      %dma_start3A_741 = tpu.memref_squeeze %dma_start3A_740 : memref<1x128x64xf32, #tpu.memory_space<vmem>> -> memref<128x64xf32, #tpu.memory_space<vmem>>
      %dma_start3A_742 = arith.constant 0 : i32
      %dma_start3A_743 = tpu.memref_slice %arg7[%add3A_735, %dma_start3A_742] : memref<40x128xi32, #tpu.memory_space<vmem>> -> memref<1x128xi32, #tpu.memory_space<vmem>>
      %dma_start3A_744 = tpu.memref_squeeze %dma_start3A_743 : memref<1x128xi32, #tpu.memory_space<vmem>> -> memref<128xi32, #tpu.memory_space<vmem>>
      %dma_start3A_745 = arith.constant 0 : i32
      %dma_start3A_746 = arith.constant 0 : i32
      %dma_start3A_747 = tpu.memref_slice %arg9[%dma_start3A_745, %dma_start3A_746] : memref<10240x64xf32, #tpu.memory_space<vmem_shared>> -> memref<10240x64xf32, #tpu.memory_space<vmem_shared>>
      %dma_start3A_748 = tpu.memref_slice %arg12[%dma_start3A_737] : memref<2x!tpu.dma_semaphore, #tpu.memory_space<semaphore_mem>> -> memref<1x!tpu.dma_semaphore, #tpu.memory_space<semaphore_mem>>
      %dma_start3A_749 = tpu.memref_squeeze %dma_start3A_748 : memref<1x!tpu.dma_semaphore, #tpu.memory_space<semaphore_mem>> -> memref<!tpu.dma_semaphore, #tpu.memory_space<semaphore_mem>>
      tpu.enqueue_indirect_dma source(%dma_start3A_741 : memref<128x64xf32, #tpu.memory_space<vmem>>) target(%dma_start3A_747 : memref<10240x64xf32, #tpu.memory_space<vmem_shared>>) offsets(%dma_start3A_744 : memref<128xi32, #tpu.memory_space<vmem>>) semaphore(%dma_start3A_749 : memref<!tpu.dma_semaphore, #tpu.memory_space<semaphore_mem>>) {add = true}
      %mul3A_750 = arith.constant 2 : i32
      %mul3A_751 = arith.muli %add3A_731, %mul3A_750 : i32
      %add3A_752 = arith.constant 1 : i32
      %add3A_753 = arith.addi %mul3A_751, %add3A_752 : i32
      %dma_start3A_754 = arith.constant 3 : i32
      %dma_start3A_755 = arith.constant 1 : i32
      %dma_start3A_756 = arith.constant 0 : i32
      %dma_start3A_757 = arith.constant 0 : i32
      %dma_start3A_758 = tpu.memref_slice %arg8[%dma_start3A_754, %dma_start3A_756, %dma_start3A_757] : memref<4x128x64xf32, #tpu.memory_space<vmem>> -> memref<1x128x64xf32, #tpu.memory_space<vmem>>
      %dma_start3A_759 = tpu.memref_squeeze %dma_start3A_758 : memref<1x128x64xf32, #tpu.memory_space<vmem>> -> memref<128x64xf32, #tpu.memory_space<vmem>>
      %dma_start3A_760 = arith.constant 0 : i32
      %dma_start3A_761 = tpu.memref_slice %arg7[%add3A_753, %dma_start3A_760] : memref<40x128xi32, #tpu.memory_space<vmem>> -> memref<1x128xi32, #tpu.memory_space<vmem>>
      %dma_start3A_762 = tpu.memref_squeeze %dma_start3A_761 : memref<1x128xi32, #tpu.memory_space<vmem>> -> memref<128xi32, #tpu.memory_space<vmem>>
      %dma_start3A_763 = arith.constant 0 : i32
      %dma_start3A_764 = arith.constant 0 : i32
      %dma_start3A_765 = tpu.memref_slice %arg9[%dma_start3A_763, %dma_start3A_764] : memref<10240x64xf32, #tpu.memory_space<vmem_shared>> -> memref<10240x64xf32, #tpu.memory_space<vmem_shared>>
      %dma_start3A_766 = tpu.memref_slice %arg12[%dma_start3A_755] : memref<2x!tpu.dma_semaphore, #tpu.memory_space<semaphore_mem>> -> memref<1x!tpu.dma_semaphore, #tpu.memory_space<semaphore_mem>>
      %dma_start3A_767 = tpu.memref_squeeze %dma_start3A_766 : memref<1x!tpu.dma_semaphore, #tpu.memory_space<semaphore_mem>> -> memref<!tpu.dma_semaphore, #tpu.memory_space<semaphore_mem>>
      tpu.enqueue_indirect_dma source(%dma_start3A_759 : memref<128x64xf32, #tpu.memory_space<vmem>>) target(%dma_start3A_765 : memref<10240x64xf32, #tpu.memory_space<vmem_shared>>) offsets(%dma_start3A_762 : memref<128xi32, #tpu.memory_space<vmem>>) semaphore(%dma_start3A_767 : memref<!tpu.dma_semaphore, #tpu.memory_space<semaphore_mem>>) {add = true}
    }
    %scan3A_271 = arith.constant 9 : i32
    %dma_wait3A_272 = arith.constant 0 : i32
    %dma_wait3A_273 = arith.constant 0 : i32
    %dma_wait3A_274 = arith.constant 0 : i32
    %dma_wait3A_275 = arith.constant 0 : i32
    %dma_wait3A_276 = arith.constant 0 : i32
    %dma_wait3A_277 = tpu.memref_slice %arg8[%dma_wait3A_273, %dma_wait3A_275, %dma_wait3A_276] : memref<4x128x64xf32, #tpu.memory_space<vmem>> -> memref<1x128x64xf32, #tpu.memory_space<vmem>>
    %dma_wait3A_278 = tpu.memref_squeeze %dma_wait3A_277 : memref<1x128x64xf32, #tpu.memory_space<vmem>> -> memref<128x64xf32, #tpu.memory_space<vmem>>
    %dma_wait3A_279 = arith.constant 0 : i32
    %dma_wait3A_280 = tpu.memref_slice %arg6[%dma_wait3A_272, %dma_wait3A_279] : memref<40x128xi32, #tpu.memory_space<vmem>> -> memref<1x128xi32, #tpu.memory_space<vmem>>
    %dma_wait3A_281 = tpu.memref_squeeze %dma_wait3A_280 : memref<1x128xi32, #tpu.memory_space<vmem>> -> memref<128xi32, #tpu.memory_space<vmem>>
    %dma_wait3A_282 = arith.constant 0 : i32
    %dma_wait3A_283 = arith.constant 0 : i32
    %dma_wait3A_284 = tpu.memref_slice %arg10[%dma_wait3A_282, %dma_wait3A_283] : memref<10000x64xf32, #tpu.memory_space<vmem_shared>> -> memref<10000x64xf32, #tpu.memory_space<vmem_shared>>
    %dma_wait3A_285 = tpu.memref_slice %arg11[%dma_wait3A_274] : memref<2x!tpu.dma_semaphore, #tpu.memory_space<semaphore_mem>> -> memref<1x!tpu.dma_semaphore, #tpu.memory_space<semaphore_mem>>
    %dma_wait3A_286 = tpu.memref_squeeze %dma_wait3A_285 : memref<1x!tpu.dma_semaphore, #tpu.memory_space<semaphore_mem>> -> memref<!tpu.dma_semaphore, #tpu.memory_space<semaphore_mem>>
    tpu.wait_indirect_dma semaphore(%dma_wait3A_286 : memref<!tpu.dma_semaphore, #tpu.memory_space<semaphore_mem>>) src(%dma_wait3A_284 : memref<10000x64xf32, #tpu.memory_space<vmem_shared>>) dst(%dma_wait3A_278 : memref<128x64xf32, #tpu.memory_space<vmem>>)
    %dma_wait3A_287 = arith.constant 1 : i32
    %dma_wait3A_288 = arith.constant 1 : i32
    %dma_wait3A_289 = arith.constant 0 : i32
    %dma_wait3A_290 = arith.constant 0 : i32
    %dma_wait3A_291 = arith.constant 0 : i32
    %dma_wait3A_292 = tpu.memref_slice %arg8[%dma_wait3A_288, %dma_wait3A_290, %dma_wait3A_291] : memref<4x128x64xf32, #tpu.memory_space<vmem>> -> memref<1x128x64xf32, #tpu.memory_space<vmem>>
    %dma_wait3A_293 = tpu.memref_squeeze %dma_wait3A_292 : memref<1x128x64xf32, #tpu.memory_space<vmem>> -> memref<128x64xf32, #tpu.memory_space<vmem>>
    %dma_wait3A_294 = arith.constant 0 : i32
    %dma_wait3A_295 = tpu.memref_slice %arg6[%dma_wait3A_287, %dma_wait3A_294] : memref<40x128xi32, #tpu.memory_space<vmem>> -> memref<1x128xi32, #tpu.memory_space<vmem>>
    %dma_wait3A_296 = tpu.memref_squeeze %dma_wait3A_295 : memref<1x128xi32, #tpu.memory_space<vmem>> -> memref<128xi32, #tpu.memory_space<vmem>>
    %dma_wait3A_297 = arith.constant 0 : i32
    %dma_wait3A_298 = arith.constant 0 : i32
    %dma_wait3A_299 = tpu.memref_slice %arg10[%dma_wait3A_297, %dma_wait3A_298] : memref<10000x64xf32, #tpu.memory_space<vmem_shared>> -> memref<10000x64xf32, #tpu.memory_space<vmem_shared>>
    %dma_wait3A_300 = tpu.memref_slice %arg11[%dma_wait3A_289] : memref<2x!tpu.dma_semaphore, #tpu.memory_space<semaphore_mem>> -> memref<1x!tpu.dma_semaphore, #tpu.memory_space<semaphore_mem>>
    %dma_wait3A_301 = tpu.memref_squeeze %dma_wait3A_300 : memref<1x!tpu.dma_semaphore, #tpu.memory_space<semaphore_mem>> -> memref<!tpu.dma_semaphore, #tpu.memory_space<semaphore_mem>>
    tpu.wait_indirect_dma semaphore(%dma_wait3A_301 : memref<!tpu.dma_semaphore, #tpu.memory_space<semaphore_mem>>) src(%dma_wait3A_299 : memref<10000x64xf32, #tpu.memory_space<vmem_shared>>) dst(%dma_wait3A_293 : memref<128x64xf32, #tpu.memory_space<vmem>>)
    %dma_wait3A_302 = arith.constant 2 : i32
    %dma_wait3A_303 = arith.constant 38 : i32
    %dma_wait3A_304 = arith.constant 1 : i32
    %dma_wait3A_305 = arith.constant 0 : i32
    %dma_wait3A_306 = arith.constant 0 : i32
    %dma_wait3A_307 = tpu.memref_slice %arg8[%dma_wait3A_302, %dma_wait3A_305, %dma_wait3A_306] : memref<4x128x64xf32, #tpu.memory_space<vmem>> -> memref<1x128x64xf32, #tpu.memory_space<vmem>>
    %dma_wait3A_308 = tpu.memref_squeeze %dma_wait3A_307 : memref<1x128x64xf32, #tpu.memory_space<vmem>> -> memref<128x64xf32, #tpu.memory_space<vmem>>
    %dma_wait3A_309 = arith.constant 0 : i32
    %dma_wait3A_310 = tpu.memref_slice %arg7[%dma_wait3A_303, %dma_wait3A_309] : memref<40x128xi32, #tpu.memory_space<vmem>> -> memref<1x128xi32, #tpu.memory_space<vmem>>
    %dma_wait3A_311 = tpu.memref_squeeze %dma_wait3A_310 : memref<1x128xi32, #tpu.memory_space<vmem>> -> memref<128xi32, #tpu.memory_space<vmem>>
    %dma_wait3A_312 = arith.constant 0 : i32
    %dma_wait3A_313 = arith.constant 0 : i32
    %dma_wait3A_314 = tpu.memref_slice %arg9[%dma_wait3A_312, %dma_wait3A_313] : memref<10240x64xf32, #tpu.memory_space<vmem_shared>> -> memref<10240x64xf32, #tpu.memory_space<vmem_shared>>
    %dma_wait3A_315 = tpu.memref_slice %arg12[%dma_wait3A_304] : memref<2x!tpu.dma_semaphore, #tpu.memory_space<semaphore_mem>> -> memref<1x!tpu.dma_semaphore, #tpu.memory_space<semaphore_mem>>
    %dma_wait3A_316 = tpu.memref_squeeze %dma_wait3A_315 : memref<1x!tpu.dma_semaphore, #tpu.memory_space<semaphore_mem>> -> memref<!tpu.dma_semaphore, #tpu.memory_space<semaphore_mem>>
    tpu.wait_indirect_dma semaphore(%dma_wait3A_316 : memref<!tpu.dma_semaphore, #tpu.memory_space<semaphore_mem>>) src(%dma_wait3A_308 : memref<128x64xf32, #tpu.memory_space<vmem>>) dst(%dma_wait3A_314 : memref<10240x64xf32, #tpu.memory_space<vmem_shared>>)
    %dma_wait3A_317 = arith.constant 3 : i32
    %dma_wait3A_318 = arith.constant 39 : i32
    %dma_wait3A_319 = arith.constant 1 : i32
    %dma_wait3A_320 = arith.constant 0 : i32
    %dma_wait3A_321 = arith.constant 0 : i32
    %dma_wait3A_322 = tpu.memref_slice %arg8[%dma_wait3A_317, %dma_wait3A_320, %dma_wait3A_321] : memref<4x128x64xf32, #tpu.memory_space<vmem>> -> memref<1x128x64xf32, #tpu.memory_space<vmem>>
    %dma_wait3A_323 = tpu.memref_squeeze %dma_wait3A_322 : memref<1x128x64xf32, #tpu.memory_space<vmem>> -> memref<128x64xf32, #tpu.memory_space<vmem>>
    %dma_wait3A_324 = arith.constant 0 : i32
    %dma_wait3A_325 = tpu.memref_slice %arg7[%dma_wait3A_318, %dma_wait3A_324] : memref<40x128xi32, #tpu.memory_space<vmem>> -> memref<1x128xi32, #tpu.memory_space<vmem>>
    %dma_wait3A_326 = tpu.memref_squeeze %dma_wait3A_325 : memref<1x128xi32, #tpu.memory_space<vmem>> -> memref<128xi32, #tpu.memory_space<vmem>>
    %dma_wait3A_327 = arith.constant 0 : i32
    %dma_wait3A_328 = arith.constant 0 : i32
    %dma_wait3A_329 = tpu.memref_slice %arg9[%dma_wait3A_327, %dma_wait3A_328] : memref<10240x64xf32, #tpu.memory_space<vmem_shared>> -> memref<10240x64xf32, #tpu.memory_space<vmem_shared>>
    %dma_wait3A_330 = tpu.memref_slice %arg12[%dma_wait3A_319] : memref<2x!tpu.dma_semaphore, #tpu.memory_space<semaphore_mem>> -> memref<1x!tpu.dma_semaphore, #tpu.memory_space<semaphore_mem>>
    %dma_wait3A_331 = tpu.memref_squeeze %dma_wait3A_330 : memref<1x!tpu.dma_semaphore, #tpu.memory_space<semaphore_mem>> -> memref<!tpu.dma_semaphore, #tpu.memory_space<semaphore_mem>>
    tpu.wait_indirect_dma semaphore(%dma_wait3A_331 : memref<!tpu.dma_semaphore, #tpu.memory_space<semaphore_mem>>) src(%dma_wait3A_323 : memref<128x64xf32, #tpu.memory_space<vmem>>) dst(%dma_wait3A_329 : memref<10240x64xf32, #tpu.memory_space<vmem_shared>>)
    %barrier3A_332 = arith.constant 0 : index
    tpu.barrier barrier_id(%barrier3A_332)
    "tpu.region"() ({
      %run_scoped3A_333 = tpu.sem_alloc : memref<!tpu.dma_semaphore, #tpu.memory_space<semaphore_mem>>
      %dma_start3A_334 = arith.constant 0 : i32
      %dma_start3A_335 = tpu.memref_slice %arg5[%arg0, %mul3A_13, %dma_start3A_334] : memref<2x10240x64xf32, #tpu.memory_space<hbm>> -> memref<1x640x64xf32, #tpu.memory_space<hbm>>
      %dma_start3A_336 = tpu.memref_squeeze %dma_start3A_335 : memref<1x640x64xf32, #tpu.memory_space<hbm>> -> memref<640x64xf32, #tpu.memory_space<hbm>>
      %dma_start3A_337 = arith.constant 0 : i32
      %dma_start3A_338 = tpu.memref_slice %arg9[%mul3A_13, %dma_start3A_337] : memref<10240x64xf32, #tpu.memory_space<vmem_shared>> -> memref<640x64xf32, #tpu.memory_space<vmem_shared>>
      tpu.enqueue_dma source(%dma_start3A_338 : memref<640x64xf32, #tpu.memory_space<vmem_shared>>) target(%dma_start3A_336 : memref<640x64xf32, #tpu.memory_space<hbm>>) target_semaphore(%run_scoped3A_333 : memref<!tpu.dma_semaphore, #tpu.memory_space<semaphore_mem>>)
      %dma_wait3A_339 = arith.constant 0 : i32
      %dma_wait3A_340 = tpu.memref_slice %arg5[%arg0, %mul3A_13, %dma_wait3A_339] : memref<2x10240x64xf32, #tpu.memory_space<hbm>> -> memref<1x640x64xf32, #tpu.memory_space<hbm>>
      %dma_wait3A_341 = tpu.memref_squeeze %dma_wait3A_340 : memref<1x640x64xf32, #tpu.memory_space<hbm>> -> memref<640x64xf32, #tpu.memory_space<hbm>>
      %dma_wait3A_342 = arith.constant 0 : i32
      %dma_wait3A_343 = tpu.memref_slice %arg9[%mul3A_13, %dma_wait3A_342] : memref<10240x64xf32, #tpu.memory_space<vmem_shared>> -> memref<640x64xf32, #tpu.memory_space<vmem_shared>>
      tpu.wait_dma2 semaphore(%run_scoped3A_333 : memref<!tpu.dma_semaphore, #tpu.memory_space<semaphore_mem>>) src(%dma_wait3A_343 : memref<640x64xf32, #tpu.memory_space<vmem_shared>>) dst(%dma_wait3A_341 : memref<640x64xf32, #tpu.memory_space<hbm>>)
      tpu.yield
    }) : () -> ()
    return
  }
}

#map = affine_map<(d0, d1) -> (0, 0)>
#map1 = affine_map<(d0, d1) -> (0, 0, 0)>
module attributes {stable_mosaic.version = 14 : i64} {
  func.func @body(%arg0: i32, %arg1: i32, %arg2: memref<10240x64xf32, #tpu.memory_space<hbm>>, %arg3: memref<1280x128xi32, #tpu.memory_space<hbm>>, %arg4: memref<1280x128xi32, #tpu.memory_space<hbm>>, %arg5: memref<2x10240x64xf32, #tpu.memory_space<hbm>>, %arg6: memref<40x128xi32, #tpu.memory_space<vmem>>, %arg7: memref<40x128xi32, #tpu.memory_space<vmem>>, %arg8: memref<4x128x64xf32, #tpu.memory_space<vmem>>, %arg9: memref<10240x64xf32, #tpu.memory_space<vmem_shared>>, %arg10: memref<10000x64xf32, #tpu.memory_space<vmem_shared>>, %arg11: memref<2x!tpu.dma_semaphore, #tpu.memory_space<semaphore_mem>>, %arg12: memref<2x!tpu.dma_semaphore, #tpu.memory_space<semaphore_mem>>) attributes {dimension_semantics = [#tpu.dimension_semantics<core_parallel>, #tpu.dimension_semantics<subcore_parallel>], iteration_bounds = array<i64: 2, 16>, scalar_prefetch = 0 : i64, scratch_operands = 7 : i64, tpu.core_type = #tpu.core_type<sc_vector_subcore>, window_params = [{transform_indices = #map}, {transform_indices = #map}, {transform_indices = #map}, {transform_indices = #map1}]} {
    %mul3A = arith.constant 16 : i32
    %mul3A_0 = arith.muli %arg0, %mul3A : i32
    %add3A = arith.addi %mul3A_0, %arg1 : i32
    %mul3A_1 = arith.constant 40 : i32
    %mul3A_2 = arith.muli %add3A, %mul3A_1 : i32
    "tpu.region"() ({
      %run_scoped3A_333 = tpu.sem_alloc : memref<!tpu.dma_semaphore, #tpu.memory_space<semaphore_mem>>
      %dma_start3A_334 = arith.constant 0 : i32
      %dma_start3A_335 = tpu.memref_slice %arg3[%mul3A_2, %dma_start3A_334] : memref<1280x128xi32, #tpu.memory_space<hbm>> -> memref<40x128xi32, #tpu.memory_space<hbm>>
      %dma_start3A_336 = arith.constant 0 : i32
      %dma_start3A_337 = tpu.memref_slice %arg3[%mul3A_2, %dma_start3A_336] : memref<1280x128xi32, #tpu.memory_space<hbm>> -> memref<40x128xi32, #tpu.memory_space<hbm>>
      tpu.enqueue_dma source(%dma_start3A_337 : memref<40x128xi32, #tpu.memory_space<hbm>>) target(%arg6 : memref<40x128xi32, #tpu.memory_space<vmem>>) target_semaphore(%run_scoped3A_333 : memref<!tpu.dma_semaphore, #tpu.memory_space<semaphore_mem>>)
      %dma_wait3A_338 = arith.constant 0 : i32
      %dma_wait3A_339 = tpu.memref_slice %arg3[%mul3A_2, %dma_wait3A_338] : memref<1280x128xi32, #tpu.memory_space<hbm>> -> memref<40x128xi32, #tpu.memory_space<hbm>>
      %dma_wait3A_340 = arith.constant 0 : i32
      %dma_wait3A_341 = tpu.memref_slice %arg3[%mul3A_2, %dma_wait3A_340] : memref<1280x128xi32, #tpu.memory_space<hbm>> -> memref<40x128xi32, #tpu.memory_space<hbm>>
      tpu.wait_dma2 semaphore(%run_scoped3A_333 : memref<!tpu.dma_semaphore, #tpu.memory_space<semaphore_mem>>) src(%dma_wait3A_341 : memref<40x128xi32, #tpu.memory_space<hbm>>) dst(%arg6 : memref<40x128xi32, #tpu.memory_space<vmem>>)
      tpu.yield
    }) : () -> ()
    %mul3A_3 = arith.constant 625 : i32
    %mul3A_4 = arith.muli %arg1, %mul3A_3 : i32
    %mul3A_5 = arith.constant 625 : i32
    %mul3A_6 = arith.muli %arg1, %mul3A_5 : i32
    "tpu.region"() ({
      %run_scoped3A_333 = tpu.sem_alloc : memref<!tpu.dma_semaphore, #tpu.memory_space<semaphore_mem>>
      %dma_start3A_334 = arith.constant 0 : i32
      %dma_start3A_335 = tpu.memref_slice %arg10[%mul3A_6, %dma_start3A_334] : memref<10000x64xf32, #tpu.memory_space<vmem_shared>> -> memref<625x64xf32, #tpu.memory_space<vmem_shared>>
      %dma_start3A_336 = arith.constant 0 : i32
      %dma_start3A_337 = tpu.memref_slice %arg2[%mul3A_4, %dma_start3A_336] : memref<10240x64xf32, #tpu.memory_space<hbm>> -> memref<625x64xf32, #tpu.memory_space<hbm>>
      tpu.enqueue_dma source(%dma_start3A_337 : memref<625x64xf32, #tpu.memory_space<hbm>>) target(%dma_start3A_335 : memref<625x64xf32, #tpu.memory_space<vmem_shared>>) target_semaphore(%run_scoped3A_333 : memref<!tpu.dma_semaphore, #tpu.memory_space<semaphore_mem>>)
      %dma_wait3A_338 = arith.constant 0 : i32
      %dma_wait3A_339 = tpu.memref_slice %arg10[%mul3A_6, %dma_wait3A_338] : memref<10000x64xf32, #tpu.memory_space<vmem_shared>> -> memref<625x64xf32, #tpu.memory_space<vmem_shared>>
      %dma_wait3A_340 = arith.constant 0 : i32
      %dma_wait3A_341 = tpu.memref_slice %arg2[%mul3A_4, %dma_wait3A_340] : memref<10240x64xf32, #tpu.memory_space<hbm>> -> memref<625x64xf32, #tpu.memory_space<hbm>>
      tpu.wait_dma2 semaphore(%run_scoped3A_333 : memref<!tpu.dma_semaphore, #tpu.memory_space<semaphore_mem>>) src(%dma_wait3A_341 : memref<625x64xf32, #tpu.memory_space<hbm>>) dst(%dma_wait3A_339 : memref<625x64xf32, #tpu.memory_space<vmem_shared>>)
      tpu.yield
    }) : () -> ()
    "tpu.region"() ({
      %run_scoped3A_333 = tpu.sem_alloc : memref<!tpu.dma_semaphore, #tpu.memory_space<semaphore_mem>>
      %dma_start3A_334 = arith.constant 0 : i32
      %dma_start3A_335 = tpu.memref_slice %arg4[%mul3A_2, %dma_start3A_334] : memref<1280x128xi32, #tpu.memory_space<hbm>> -> memref<40x128xi32, #tpu.memory_space<hbm>>
      %dma_start3A_336 = arith.constant 0 : i32
      %dma_start3A_337 = tpu.memref_slice %arg4[%mul3A_2, %dma_start3A_336] : memref<1280x128xi32, #tpu.memory_space<hbm>> -> memref<40x128xi32, #tpu.memory_space<hbm>>
      tpu.enqueue_dma source(%dma_start3A_337 : memref<40x128xi32, #tpu.memory_space<hbm>>) target(%arg7 : memref<40x128xi32, #tpu.memory_space<vmem>>) target_semaphore(%run_scoped3A_333 : memref<!tpu.dma_semaphore, #tpu.memory_space<semaphore_mem>>)
      %dma_wait3A_338 = arith.constant 0 : i32
      %dma_wait3A_339 = tpu.memref_slice %arg4[%mul3A_2, %dma_wait3A_338] : memref<1280x128xi32, #tpu.memory_space<hbm>> -> memref<40x128xi32, #tpu.memory_space<hbm>>
      %dma_wait3A_340 = arith.constant 0 : i32
      %dma_wait3A_341 = tpu.memref_slice %arg4[%mul3A_2, %dma_wait3A_340] : memref<1280x128xi32, #tpu.memory_space<hbm>> -> memref<40x128xi32, #tpu.memory_space<hbm>>
      tpu.wait_dma2 semaphore(%run_scoped3A_333 : memref<!tpu.dma_semaphore, #tpu.memory_space<semaphore_mem>>) src(%dma_wait3A_341 : memref<40x128xi32, #tpu.memory_space<hbm>>) dst(%arg7 : memref<40x128xi32, #tpu.memory_space<vmem>>)
      tpu.yield
    }) : () -> ()
    %scan3A = arith.constant 0 : i32
    %scan3A_7 = arith.constant 0 : i32
    %scan3A_8 = arith.constant 128 : i32
    %scan3A_9 = arith.addi %scan3A_7, %scan3A_8 : i32
    %scan3A_10 = arith.constant 1 : i32
    scf.for %scan3A_333 = %scan3A_7 to %scan3A_9 step %scan3A_10  : i32 {
      %broadcast_in_dim3A = arith.constant 0.000000e+00 : f32
      %broadcast_in_dim3A_334 = vector.broadcast %broadcast_in_dim3A : f32 to vector<16xf32>
      %swap3A = arith.constant 0 : i32
      %swap3A_335 = arith.index_cast %swap3A : i32 to index
      %swap3A_336 = arith.index_cast %scan3A_333 : i32 to index
      %swap3A_337 = arith.constant 0 : index
      %swap3A_338 = tpu.vector_load %arg8[%swap3A_335, %swap3A_336, %swap3A_337] {strides = array<i32>} : memref<4x128x64xf32, #tpu.memory_space<vmem>>, vector<1x1x16xf32>,
      %swap3A_339 = vector.shape_cast %swap3A_338 : vector<1x1x16xf32> to vector<16xf32>
      %swap3A_340 = vector.shape_cast %broadcast_in_dim3A_334 : vector<16xf32> to vector<1x1x16xf32>
      tpu.vector_store %arg8[%swap3A_335, %swap3A_336, %swap3A_337], %swap3A_340 {strides = array<i32>} : memref<4x128x64xf32, #tpu.memory_space<vmem>>, vector<1x1x16xf32>,
      %broadcast_in_dim3A_341 = arith.constant 0.000000e+00 : f32
      %broadcast_in_dim3A_342 = vector.broadcast %broadcast_in_dim3A_341 : f32 to vector<16xf32>
      %swap3A_343 = arith.constant 0 : i32
      %swap3A_344 = arith.index_cast %swap3A_343 : i32 to index
      %swap3A_345 = arith.index_cast %scan3A_333 : i32 to index
      %swap3A_346 = arith.constant 16 : index
      %swap3A_347 = tpu.vector_load %arg8[%swap3A_344, %swap3A_345, %swap3A_346] {strides = array<i32>} : memref<4x128x64xf32, #tpu.memory_space<vmem>>, vector<1x1x16xf32>,
      %swap3A_348 = vector.shape_cast %swap3A_347 : vector<1x1x16xf32> to vector<16xf32>
      %swap3A_349 = vector.shape_cast %broadcast_in_dim3A_342 : vector<16xf32> to vector<1x1x16xf32>
      tpu.vector_store %arg8[%swap3A_344, %swap3A_345, %swap3A_346], %swap3A_349 {strides = array<i32>} : memref<4x128x64xf32, #tpu.memory_space<vmem>>, vector<1x1x16xf32>,
      %broadcast_in_dim3A_350 = arith.constant 0.000000e+00 : f32
      %broadcast_in_dim3A_351 = vector.broadcast %broadcast_in_dim3A_350 : f32 to vector<16xf32>
      %swap3A_352 = arith.constant 0 : i32
      %swap3A_353 = arith.index_cast %swap3A_352 : i32 to index
      %swap3A_354 = arith.index_cast %scan3A_333 : i32 to index
      %swap3A_355 = arith.constant 32 : index
      %swap3A_356 = tpu.vector_load %arg8[%swap3A_353, %swap3A_354, %swap3A_355] {strides = array<i32>} : memref<4x128x64xf32, #tpu.memory_space<vmem>>, vector<1x1x16xf32>,
      %swap3A_357 = vector.shape_cast %swap3A_356 : vector<1x1x16xf32> to vector<16xf32>
      %swap3A_358 = vector.shape_cast %broadcast_in_dim3A_351 : vector<16xf32> to vector<1x1x16xf32>
      tpu.vector_store %arg8[%swap3A_353, %swap3A_354, %swap3A_355], %swap3A_358 {strides = array<i32>} : memref<4x128x64xf32, #tpu.memory_space<vmem>>, vector<1x1x16xf32>,
      %broadcast_in_dim3A_359 = arith.constant 0.000000e+00 : f32
      %broadcast_in_dim3A_360 = vector.broadcast %broadcast_in_dim3A_359 : f32 to vector<16xf32>
      %swap3A_361 = arith.constant 0 : i32
      %swap3A_362 = arith.index_cast %swap3A_361 : i32 to index
      %swap3A_363 = arith.index_cast %scan3A_333 : i32 to index
      %swap3A_364 = arith.constant 48 : index
      %swap3A_365 = tpu.vector_load %arg8[%swap3A_362, %swap3A_363, %swap3A_364] {strides = array<i32>} : memref<4x128x64xf32, #tpu.memory_space<vmem>>, vector<1x1x16xf32>,
      %swap3A_366 = vector.shape_cast %swap3A_365 : vector<1x1x16xf32> to vector<16xf32>
      %swap3A_367 = vector.shape_cast %broadcast_in_dim3A_360 : vector<16xf32> to vector<1x1x16xf32>
      tpu.vector_store %arg8[%swap3A_362, %swap3A_363, %swap3A_364], %swap3A_367 {strides = array<i32>} : memref<4x128x64xf32, #tpu.memory_space<vmem>>, vector<1x1x16xf32>,
    }
    %scan3A_11 = arith.constant 128 : i32
    %mul3A_12 = arith.constant 640 : i32
    %mul3A_13 = arith.muli %arg1, %mul3A_12 : i32
    %add3A_14 = arith.constant 0 : i32
    %add3A_15 = arith.addi %mul3A_13, %add3A_14 : i32
    %run_scoped3A = arith.constant 0 : i32
    "tpu.region"() ({
      %run_scoped3A_333 = tpu.sem_alloc : memref<!tpu.dma_semaphore, #tpu.memory_space<semaphore_mem>>
      %dma_start3A_334 = arith.constant 0 : i32
      %dma_start3A_335 = arith.constant 0 : i32
      %dma_start3A_336 = tpu.memref_slice %arg8[%run_scoped3A, %dma_start3A_334, %dma_start3A_335] : memref<4x128x64xf32, #tpu.memory_space<vmem>> -> memref<1x128x64xf32, #tpu.memory_space<vmem>>
      %dma_start3A_337 = tpu.memref_squeeze %dma_start3A_336 : memref<1x128x64xf32, #tpu.memory_space<vmem>> -> memref<128x64xf32, #tpu.memory_space<vmem>>
      %dma_start3A_338 = arith.constant 0 : i32
      %dma_start3A_339 = tpu.memref_slice %arg9[%add3A_15, %dma_start3A_338] : memref<10240x64xf32, #tpu.memory_space<vmem_shared>> -> memref<128x64xf32, #tpu.memory_space<vmem_shared>>
      %dma_start3A_340 = arith.constant 0 : i32
      %dma_start3A_341 = tpu.memref_slice %arg9[%add3A_15, %dma_start3A_340] : memref<10240x64xf32, #tpu.memory_space<vmem_shared>> -> memref<128x64xf32, #tpu.memory_space<vmem_shared>>
      %dma_start3A_342 = arith.constant 0 : i32
      %dma_start3A_343 = arith.constant 0 : i32
      %dma_start3A_344 = tpu.memref_slice %arg8[%run_scoped3A, %dma_start3A_342, %dma_start3A_343] : memref<4x128x64xf32, #tpu.memory_space<vmem>> -> memref<1x128x64xf32, #tpu.memory_space<vmem>>
      %dma_start3A_345 = tpu.memref_squeeze %dma_start3A_344 : memref<1x128x64xf32, #tpu.memory_space<vmem>> -> memref<128x64xf32, #tpu.memory_space<vmem>>
      tpu.enqueue_dma source(%dma_start3A_345 : memref<128x64xf32, #tpu.memory_space<vmem>>) target(%dma_start3A_341 : memref<128x64xf32, #tpu.memory_space<vmem_shared>>) target_semaphore(%run_scoped3A_333 : memref<!tpu.dma_semaphore, #tpu.memory_space<semaphore_mem>>)
      %dma_wait3A_346 = arith.constant 0 : i32
      %dma_wait3A_347 = arith.constant 0 : i32
      %dma_wait3A_348 = tpu.memref_slice %arg8[%run_scoped3A, %dma_wait3A_346, %dma_wait3A_347] : memref<4x128x64xf32, #tpu.memory_space<vmem>> -> memref<1x128x64xf32, #tpu.memory_space<vmem>>
      %dma_wait3A_349 = tpu.memref_squeeze %dma_wait3A_348 : memref<1x128x64xf32, #tpu.memory_space<vmem>> -> memref<128x64xf32, #tpu.memory_space<vmem>>
      %dma_wait3A_350 = arith.constant 0 : i32
      %dma_wait3A_351 = tpu.memref_slice %arg9[%add3A_15, %dma_wait3A_350] : memref<10240x64xf32, #tpu.memory_space<vmem_shared>> -> memref<128x64xf32, #tpu.memory_space<vmem_shared>>
      %dma_wait3A_352 = arith.constant 0 : i32
      %dma_wait3A_353 = tpu.memref_slice %arg9[%add3A_15, %dma_wait3A_352] : memref<10240x64xf32, #tpu.memory_space<vmem_shared>> -> memref<128x64xf32, #tpu.memory_space<vmem_shared>>
      %dma_wait3A_354 = arith.constant 0 : i32
      %dma_wait3A_355 = arith.constant 0 : i32
      %dma_wait3A_356 = tpu.memref_slice %arg8[%run_scoped3A, %dma_wait3A_354, %dma_wait3A_355] : memref<4x128x64xf32, #tpu.memory_space<vmem>> -> memref<1x128x64xf32, #tpu.memory_space<vmem>>
      %dma_wait3A_357 = tpu.memref_squeeze %dma_wait3A_356 : memref<1x128x64xf32, #tpu.memory_space<vmem>> -> memref<128x64xf32, #tpu.memory_space<vmem>>
      tpu.wait_dma2 semaphore(%run_scoped3A_333 : memref<!tpu.dma_semaphore, #tpu.memory_space<semaphore_mem>>) src(%dma_wait3A_357 : memref<128x64xf32, #tpu.memory_space<vmem>>) dst(%dma_wait3A_353 : memref<128x64xf32, #tpu.memory_space<vmem_shared>>)
      tpu.yield
    }) : () -> ()
    %add3A_16 = arith.constant 128 : i32
    %add3A_17 = arith.addi %mul3A_13, %add3A_16 : i32
    %run_scoped3A_18 = arith.constant 0 : i32
    "tpu.region"() ({
      %run_scoped3A_333 = tpu.sem_alloc : memref<!tpu.dma_semaphore, #tpu.memory_space<semaphore_mem>>
      %dma_start3A_334 = arith.constant 0 : i32
      %dma_start3A_335 = arith.constant 0 : i32
      %dma_start3A_336 = tpu.memref_slice %arg8[%run_scoped3A_18, %dma_start3A_334, %dma_start3A_335] : memref<4x128x64xf32, #tpu.memory_space<vmem>> -> memref<1x128x64xf32, #tpu.memory_space<vmem>>
      %dma_start3A_337 = tpu.memref_squeeze %dma_start3A_336 : memref<1x128x64xf32, #tpu.memory_space<vmem>> -> memref<128x64xf32, #tpu.memory_space<vmem>>
      %dma_start3A_338 = arith.constant 0 : i32
      %dma_start3A_339 = tpu.memref_slice %arg9[%add3A_17, %dma_start3A_338] : memref<10240x64xf32, #tpu.memory_space<vmem_shared>> -> memref<128x64xf32, #tpu.memory_space<vmem_shared>>
      %dma_start3A_340 = arith.constant 0 : i32
      %dma_start3A_341 = tpu.memref_slice %arg9[%add3A_17, %dma_start3A_340] : memref<10240x64xf32, #tpu.memory_space<vmem_shared>> -> memref<128x64xf32, #tpu.memory_space<vmem_shared>>
      %dma_start3A_342 = arith.constant 0 : i32
      %dma_start3A_343 = arith.constant 0 : i32
      %dma_start3A_344 = tpu.memref_slice %arg8[%run_scoped3A_18, %dma_start3A_342, %dma_start3A_343] : memref<4x128x64xf32, #tpu.memory_space<vmem>> -> memref<1x128x64xf32, #tpu.memory_space<vmem>>
      %dma_start3A_345 = tpu.memref_squeeze %dma_start3A_344 : memref<1x128x64xf32, #tpu.memory_space<vmem>> -> memref<128x64xf32, #tpu.memory_space<vmem>>
      tpu.enqueue_dma source(%dma_start3A_345 : memref<128x64xf32, #tpu.memory_space<vmem>>) target(%dma_start3A_341 : memref<128x64xf32, #tpu.memory_space<vmem_shared>>) target_semaphore(%run_scoped3A_333 : memref<!tpu.dma_semaphore, #tpu.memory_space<semaphore_mem>>)
      %dma_wait3A_346 = arith.constant 0 : i32
      %dma_wait3A_347 = arith.constant 0 : i32
      %dma_wait3A_348 = tpu.memref_slice %arg8[%run_scoped3A_18, %dma_wait3A_346, %dma_wait3A_347] : memref<4x128x64xf32, #tpu.memory_space<vmem>> -> memref<1x128x64xf32, #tpu.memory_space<vmem>>
      %dma_wait3A_349 = tpu.memref_squeeze %dma_wait3A_348 : memref<1x128x64xf32, #tpu.memory_space<vmem>> -> memref<128x64xf32, #tpu.memory_space<vmem>>
      %dma_wait3A_350 = arith.constant 0 : i32
      %dma_wait3A_351 = tpu.memref_slice %arg9[%add3A_17, %dma_wait3A_350] : memref<10240x64xf32, #tpu.memory_space<vmem_shared>> -> memref<128x64xf32, #tpu.memory_space<vmem_shared>>
      %dma_wait3A_352 = arith.constant 0 : i32
      %dma_wait3A_353 = tpu.memref_slice %arg9[%add3A_17, %dma_wait3A_352] : memref<10240x64xf32, #tpu.memory_space<vmem_shared>> -> memref<128x64xf32, #tpu.memory_space<vmem_shared>>
      %dma_wait3A_354 = arith.constant 0 : i32
      %dma_wait3A_355 = arith.constant 0 : i32
      %dma_wait3A_356 = tpu.memref_slice %arg8[%run_scoped3A_18, %dma_wait3A_354, %dma_wait3A_355] : memref<4x128x64xf32, #tpu.memory_space<vmem>> -> memref<1x128x64xf32, #tpu.memory_space<vmem>>
      %dma_wait3A_357 = tpu.memref_squeeze %dma_wait3A_356 : memref<1x128x64xf32, #tpu.memory_space<vmem>> -> memref<128x64xf32, #tpu.memory_space<vmem>>
      tpu.wait_dma2 semaphore(%run_scoped3A_333 : memref<!tpu.dma_semaphore, #tpu.memory_space<semaphore_mem>>) src(%dma_wait3A_357 : memref<128x64xf32, #tpu.memory_space<vmem>>) dst(%dma_wait3A_353 : memref<128x64xf32, #tpu.memory_space<vmem_shared>>)
      tpu.yield
    }) : () -> ()
    %add3A_19 = arith.constant 256 : i32
    %add3A_20 = arith.addi %mul3A_13, %add3A_19 : i32
    %run_scoped3A_21 = arith.constant 0 : i32
    "tpu.region"() ({
      %run_scoped3A_333 = tpu.sem_alloc : memref<!tpu.dma_semaphore, #tpu.memory_space<semaphore_mem>>
      %dma_start3A_334 = arith.constant 0 : i32
      %dma_start3A_335 = arith.constant 0 : i32
      %dma_start3A_336 = tpu.memref_slice %arg8[%run_scoped3A_21, %dma_start3A_334, %dma_start3A_335] : memref<4x128x64xf32, #tpu.memory_space<vmem>> -> memref<1x128x64xf32, #tpu.memory_space<vmem>>
      %dma_start3A_337 = tpu.memref_squeeze %dma_start3A_336 : memref<1x128x64xf32, #tpu.memory_space<vmem>> -> memref<128x64xf32, #tpu.memory_space<vmem>>
      %dma_start3A_338 = arith.constant 0 : i32
      %dma_start3A_339 = tpu.memref_slice %arg9[%add3A_20, %dma_start3A_338] : memref<10240x64xf32, #tpu.memory_space<vmem_shared>> -> memref<128x64xf32, #tpu.memory_space<vmem_shared>>
      %dma_start3A_340 = arith.constant 0 : i32
      %dma_start3A_341 = tpu.memref_slice %arg9[%add3A_20, %dma_start3A_340] : memref<10240x64xf32, #tpu.memory_space<vmem_shared>> -> memref<128x64xf32, #tpu.memory_space<vmem_shared>>
      %dma_start3A_342 = arith.constant 0 : i32
      %dma_start3A_343 = arith.constant 0 : i32
      %dma_start3A_344 = tpu.memref_slice %arg8[%run_scoped3A_21, %dma_start3A_342, %dma_start3A_343] : memref<4x128x64xf32, #tpu.memory_space<vmem>> -> memref<1x128x64xf32, #tpu.memory_space<vmem>>
      %dma_start3A_345 = tpu.memref_squeeze %dma_start3A_344 : memref<1x128x64xf32, #tpu.memory_space<vmem>> -> memref<128x64xf32, #tpu.memory_space<vmem>>
      tpu.enqueue_dma source(%dma_start3A_345 : memref<128x64xf32, #tpu.memory_space<vmem>>) target(%dma_start3A_341 : memref<128x64xf32, #tpu.memory_space<vmem_shared>>) target_semaphore(%run_scoped3A_333 : memref<!tpu.dma_semaphore, #tpu.memory_space<semaphore_mem>>)
      %dma_wait3A_346 = arith.constant 0 : i32
      %dma_wait3A_347 = arith.constant 0 : i32
      %dma_wait3A_348 = tpu.memref_slice %arg8[%run_scoped3A_21, %dma_wait3A_346, %dma_wait3A_347] : memref<4x128x64xf32, #tpu.memory_space<vmem>> -> memref<1x128x64xf32, #tpu.memory_space<vmem>>
      %dma_wait3A_349 = tpu.memref_squeeze %dma_wait3A_348 : memref<1x128x64xf32, #tpu.memory_space<vmem>> -> memref<128x64xf32, #tpu.memory_space<vmem>>
      %dma_wait3A_350 = arith.constant 0 : i32
      %dma_wait3A_351 = tpu.memref_slice %arg9[%add3A_20, %dma_wait3A_350] : memref<10240x64xf32, #tpu.memory_space<vmem_shared>> -> memref<128x64xf32, #tpu.memory_space<vmem_shared>>
      %dma_wait3A_352 = arith.constant 0 : i32
      %dma_wait3A_353 = tpu.memref_slice %arg9[%add3A_20, %dma_wait3A_352] : memref<10240x64xf32, #tpu.memory_space<vmem_shared>> -> memref<128x64xf32, #tpu.memory_space<vmem_shared>>
      %dma_wait3A_354 = arith.constant 0 : i32
      %dma_wait3A_355 = arith.constant 0 : i32
      %dma_wait3A_356 = tpu.memref_slice %arg8[%run_scoped3A_21, %dma_wait3A_354, %dma_wait3A_355] : memref<4x128x64xf32, #tpu.memory_space<vmem>> -> memref<1x128x64xf32, #tpu.memory_space<vmem>>
      %dma_wait3A_357 = tpu.memref_squeeze %dma_wait3A_356 : memref<1x128x64xf32, #tpu.memory_space<vmem>> -> memref<128x64xf32, #tpu.memory_space<vmem>>
      tpu.wait_dma2 semaphore(%run_scoped3A_333 : memref<!tpu.dma_semaphore, #tpu.memory_space<semaphore_mem>>) src(%dma_wait3A_357 : memref<128x64xf32, #tpu.memory_space<vmem>>) dst(%dma_wait3A_353 : memref<128x64xf32, #tpu.memory_space<vmem_shared>>)
      tpu.yield
    }) : () -> ()
    %add3A_22 = arith.constant 384 : i32
    %add3A_23 = arith.addi %mul3A_13, %add3A_22 : i32
    %run_scoped3A_24 = arith.constant 0 : i32
    "tpu.region"() ({
      %run_scoped3A_333 = tpu.sem_alloc : memref<!tpu.dma_semaphore, #tpu.memory_space<semaphore_mem>>
      %dma_start3A_334 = arith.constant 0 : i32
      %dma_start3A_335 = arith.constant 0 : i32
      %dma_start3A_336 = tpu.memref_slice %arg8[%run_scoped3A_24, %dma_start3A_334, %dma_start3A_335] : memref<4x128x64xf32, #tpu.memory_space<vmem>> -> memref<1x128x64xf32, #tpu.memory_space<vmem>>
      %dma_start3A_337 = tpu.memref_squeeze %dma_start3A_336 : memref<1x128x64xf32, #tpu.memory_space<vmem>> -> memref<128x64xf32, #tpu.memory_space<vmem>>
      %dma_start3A_338 = arith.constant 0 : i32
      %dma_start3A_339 = tpu.memref_slice %arg9[%add3A_23, %dma_start3A_338] : memref<10240x64xf32, #tpu.memory_space<vmem_shared>> -> memref<128x64xf32, #tpu.memory_space<vmem_shared>>
      %dma_start3A_340 = arith.constant 0 : i32
      %dma_start3A_341 = tpu.memref_slice %arg9[%add3A_23, %dma_start3A_340] : memref<10240x64xf32, #tpu.memory_space<vmem_shared>> -> memref<128x64xf32, #tpu.memory_space<vmem_shared>>
      %dma_start3A_342 = arith.constant 0 : i32
      %dma_start3A_343 = arith.constant 0 : i32
      %dma_start3A_344 = tpu.memref_slice %arg8[%run_scoped3A_24, %dma_start3A_342, %dma_start3A_343] : memref<4x128x64xf32, #tpu.memory_space<vmem>> -> memref<1x128x64xf32, #tpu.memory_space<vmem>>
      %dma_start3A_345 = tpu.memref_squeeze %dma_start3A_344 : memref<1x128x64xf32, #tpu.memory_space<vmem>> -> memref<128x64xf32, #tpu.memory_space<vmem>>
      tpu.enqueue_dma source(%dma_start3A_345 : memref<128x64xf32, #tpu.memory_space<vmem>>) target(%dma_start3A_341 : memref<128x64xf32, #tpu.memory_space<vmem_shared>>) target_semaphore(%run_scoped3A_333 : memref<!tpu.dma_semaphore, #tpu.memory_space<semaphore_mem>>)
      %dma_wait3A_346 = arith.constant 0 : i32
      %dma_wait3A_347 = arith.constant 0 : i32
      %dma_wait3A_348 = tpu.memref_slice %arg8[%run_scoped3A_24, %dma_wait3A_346, %dma_wait3A_347] : memref<4x128x64xf32, #tpu.memory_space<vmem>> -> memref<1x128x64xf32, #tpu.memory_space<vmem>>
      %dma_wait3A_349 = tpu.memref_squeeze %dma_wait3A_348 : memref<1x128x64xf32, #tpu.memory_space<vmem>> -> memref<128x64xf32, #tpu.memory_space<vmem>>
      %dma_wait3A_350 = arith.constant 0 : i32
      %dma_wait3A_351 = tpu.memref_slice %arg9[%add3A_23, %dma_wait3A_350] : memref<10240x64xf32, #tpu.memory_space<vmem_shared>> -> memref<128x64xf32, #tpu.memory_space<vmem_shared>>
      %dma_wait3A_352 = arith.constant 0 : i32
      %dma_wait3A_353 = tpu.memref_slice %arg9[%add3A_23, %dma_wait3A_352] : memref<10240x64xf32, #tpu.memory_space<vmem_shared>> -> memref<128x64xf32, #tpu.memory_space<vmem_shared>>
      %dma_wait3A_354 = arith.constant 0 : i32
      %dma_wait3A_355 = arith.constant 0 : i32
      %dma_wait3A_356 = tpu.memref_slice %arg8[%run_scoped3A_24, %dma_wait3A_354, %dma_wait3A_355] : memref<4x128x64xf32, #tpu.memory_space<vmem>> -> memref<1x128x64xf32, #tpu.memory_space<vmem>>
      %dma_wait3A_357 = tpu.memref_squeeze %dma_wait3A_356 : memref<1x128x64xf32, #tpu.memory_space<vmem>> -> memref<128x64xf32, #tpu.memory_space<vmem>>
      tpu.wait_dma2 semaphore(%run_scoped3A_333 : memref<!tpu.dma_semaphore, #tpu.memory_space<semaphore_mem>>) src(%dma_wait3A_357 : memref<128x64xf32, #tpu.memory_space<vmem>>) dst(%dma_wait3A_353 : memref<128x64xf32, #tpu.memory_space<vmem_shared>>)
      tpu.yield
    }) : () -> ()
    %add3A_25 = arith.constant 512 : i32
    %add3A_26 = arith.addi %mul3A_13, %add3A_25 : i32
    %run_scoped3A_27 = arith.constant 0 : i32
    "tpu.region"() ({
      %run_scoped3A_333 = tpu.sem_alloc : memref<!tpu.dma_semaphore, #tpu.memory_space<semaphore_mem>>
      %dma_start3A_334 = arith.constant 0 : i32
      %dma_start3A_335 = arith.constant 0 : i32
      %dma_start3A_336 = tpu.memref_slice %arg8[%run_scoped3A_27, %dma_start3A_334, %dma_start3A_335] : memref<4x128x64xf32, #tpu.memory_space<vmem>> -> memref<1x128x64xf32, #tpu.memory_space<vmem>>
      %dma_start3A_337 = tpu.memref_squeeze %dma_start3A_336 : memref<1x128x64xf32, #tpu.memory_space<vmem>> -> memref<128x64xf32, #tpu.memory_space<vmem>>
      %dma_start3A_338 = arith.constant 0 : i32
      %dma_start3A_339 = tpu.memref_slice %arg9[%add3A_26, %dma_start3A_338] : memref<10240x64xf32, #tpu.memory_space<vmem_shared>> -> memref<128x64xf32, #tpu.memory_space<vmem_shared>>
      %dma_start3A_340 = arith.constant 0 : i32
      %dma_start3A_341 = tpu.memref_slice %arg9[%add3A_26, %dma_start3A_340] : memref<10240x64xf32, #tpu.memory_space<vmem_shared>> -> memref<128x64xf32, #tpu.memory_space<vmem_shared>>
      %dma_start3A_342 = arith.constant 0 : i32
      %dma_start3A_343 = arith.constant 0 : i32
      %dma_start3A_344 = tpu.memref_slice %arg8[%run_scoped3A_27, %dma_start3A_342, %dma_start3A_343] : memref<4x128x64xf32, #tpu.memory_space<vmem>> -> memref<1x128x64xf32, #tpu.memory_space<vmem>>
      %dma_start3A_345 = tpu.memref_squeeze %dma_start3A_344 : memref<1x128x64xf32, #tpu.memory_space<vmem>> -> memref<128x64xf32, #tpu.memory_space<vmem>>
      tpu.enqueue_dma source(%dma_start3A_345 : memref<128x64xf32, #tpu.memory_space<vmem>>) target(%dma_start3A_341 : memref<128x64xf32, #tpu.memory_space<vmem_shared>>) target_semaphore(%run_scoped3A_333 : memref<!tpu.dma_semaphore, #tpu.memory_space<semaphore_mem>>)
      %dma_wait3A_346 = arith.constant 0 : i32
      %dma_wait3A_347 = arith.constant 0 : i32
      %dma_wait3A_348 = tpu.memref_slice %arg8[%run_scoped3A_27, %dma_wait3A_346, %dma_wait3A_347] : memref<4x128x64xf32, #tpu.memory_space<vmem>> -> memref<1x128x64xf32, #tpu.memory_space<vmem>>
      %dma_wait3A_349 = tpu.memref_squeeze %dma_wait3A_348 : memref<1x128x64xf32, #tpu.memory_space<vmem>> -> memref<128x64xf32, #tpu.memory_space<vmem>>
      %dma_wait3A_350 = arith.constant 0 : i32
      %dma_wait3A_351 = tpu.memref_slice %arg9[%add3A_26, %dma_wait3A_350] : memref<10240x64xf32, #tpu.memory_space<vmem_shared>> -> memref<128x64xf32, #tpu.memory_space<vmem_shared>>
      %dma_wait3A_352 = arith.constant 0 : i32
      %dma_wait3A_353 = tpu.memref_slice %arg9[%add3A_26, %dma_wait3A_352] : memref<10240x64xf32, #tpu.memory_space<vmem_shared>> -> memref<128x64xf32, #tpu.memory_space<vmem_shared>>
      %dma_wait3A_354 = arith.constant 0 : i32
      %dma_wait3A_355 = arith.constant 0 : i32
      %dma_wait3A_356 = tpu.memref_slice %arg8[%run_scoped3A_27, %dma_wait3A_354, %dma_wait3A_355] : memref<4x128x64xf32, #tpu.memory_space<vmem>> -> memref<1x128x64xf32, #tpu.memory_space<vmem>>
      %dma_wait3A_357 = tpu.memref_squeeze %dma_wait3A_356 : memref<1x128x64xf32, #tpu.memory_space<vmem>> -> memref<128x64xf32, #tpu.memory_space<vmem>>
      tpu.wait_dma2 semaphore(%run_scoped3A_333 : memref<!tpu.dma_semaphore, #tpu.memory_space<semaphore_mem>>) src(%dma_wait3A_357 : memref<128x64xf32, #tpu.memory_space<vmem>>) dst(%dma_wait3A_353 : memref<128x64xf32, #tpu.memory_space<vmem_shared>>)
      tpu.yield
    }) : () -> ()
    %barrier3A = arith.constant 0 : index
    tpu.barrier barrier_id(%barrier3A)
    %dma_start3A = arith.constant 0 : i32
    %dma_start3A_28 = arith.constant 0 : i32
    %dma_start3A_29 = arith.constant 0 : i32
    %dma_start3A_30 = arith.constant 0 : i32
    %dma_start3A_31 = arith.constant 0 : i32
    %dma_start3A_32 = tpu.memref_slice %arg8[%dma_start3A_28, %dma_start3A_30, %dma_start3A_31] : memref<4x128x64xf32, #tpu.memory_space<vmem>> -> memref<1x128x64xf32, #tpu.memory_space<vmem>>
    %dma_start3A_33 = tpu.memref_squeeze %dma_start3A_32 : memref<1x128x64xf32, #tpu.memory_space<vmem>> -> memref<128x64xf32, #tpu.memory_space<vmem>>
    %dma_start3A_34 = arith.constant 0 : i32
    %dma_start3A_35 = tpu.memref_slice %arg6[%dma_start3A, %dma_start3A_34] : memref<40x128xi32, #tpu.memory_space<vmem>> -> memref<1x128xi32, #tpu.memory_space<vmem>>
    %dma_start3A_36 = tpu.memref_squeeze %dma_start3A_35 : memref<1x128xi32, #tpu.memory_space<vmem>> -> memref<128xi32, #tpu.memory_space<vmem>>
    %dma_start3A_37 = arith.constant 0 : i32
    %dma_start3A_38 = arith.constant 0 : i32
    %dma_start3A_39 = tpu.memref_slice %arg10[%dma_start3A_37, %dma_start3A_38] : memref<10000x64xf32, #tpu.memory_space<vmem_shared>> -> memref<10000x64xf32, #tpu.memory_space<vmem_shared>>
    %dma_start3A_40 = tpu.memref_slice %arg11[%dma_start3A_29] : memref<2x!tpu.dma_semaphore, #tpu.memory_space<semaphore_mem>> -> memref<1x!tpu.dma_semaphore, #tpu.memory_space<semaphore_mem>>
    %dma_start3A_41 = tpu.memref_squeeze %dma_start3A_40 : memref<1x!tpu.dma_semaphore, #tpu.memory_space<semaphore_mem>> -> memref<!tpu.dma_semaphore, #tpu.memory_space<semaphore_mem>>
    tpu.enqueue_indirect_dma source(%dma_start3A_39 : memref<10000x64xf32, #tpu.memory_space<vmem_shared>>) target(%dma_start3A_33 : memref<128x64xf32, #tpu.memory_space<vmem>>) offsets(%dma_start3A_36 : memref<128xi32, #tpu.memory_space<vmem>>) semaphore(%dma_start3A_41 : memref<!tpu.dma_semaphore, #tpu.memory_space<semaphore_mem>>)
    %dma_start3A_42 = arith.constant 1 : i32
    %dma_start3A_43 = arith.constant 1 : i32
    %dma_start3A_44 = arith.constant 0 : i32
    %dma_start3A_45 = arith.constant 0 : i32
    %dma_start3A_46 = arith.constant 0 : i32
    %dma_start3A_47 = tpu.memref_slice %arg8[%dma_start3A_43, %dma_start3A_45, %dma_start3A_46] : memref<4x128x64xf32, #tpu.memory_space<vmem>> -> memref<1x128x64xf32, #tpu.memory_space<vmem>>
    %dma_start3A_48 = tpu.memref_squeeze %dma_start3A_47 : memref<1x128x64xf32, #tpu.memory_space<vmem>> -> memref<128x64xf32, #tpu.memory_space<vmem>>
    %dma_start3A_49 = arith.constant 0 : i32
    %dma_start3A_50 = tpu.memref_slice %arg6[%dma_start3A_42, %dma_start3A_49] : memref<40x128xi32, #tpu.memory_space<vmem>> -> memref<1x128xi32, #tpu.memory_space<vmem>>
    %dma_start3A_51 = tpu.memref_squeeze %dma_start3A_50 : memref<1x128xi32, #tpu.memory_space<vmem>> -> memref<128xi32, #tpu.memory_space<vmem>>
    %dma_start3A_52 = arith.constant 0 : i32
    %dma_start3A_53 = arith.constant 0 : i32
    %dma_start3A_54 = tpu.memref_slice %arg10[%dma_start3A_52, %dma_start3A_53] : memref<10000x64xf32, #tpu.memory_space<vmem_shared>> -> memref<10000x64xf32, #tpu.memory_space<vmem_shared>>
    %dma_start3A_55 = tpu.memref_slice %arg11[%dma_start3A_44] : memref<2x!tpu.dma_semaphore, #tpu.memory_space<semaphore_mem>> -> memref<1x!tpu.dma_semaphore, #tpu.memory_space<semaphore_mem>>
    %dma_start3A_56 = tpu.memref_squeeze %dma_start3A_55 : memref<1x!tpu.dma_semaphore, #tpu.memory_space<semaphore_mem>> -> memref<!tpu.dma_semaphore, #tpu.memory_space<semaphore_mem>>
    tpu.enqueue_indirect_dma source(%dma_start3A_54 : memref<10000x64xf32, #tpu.memory_space<vmem_shared>>) target(%dma_start3A_48 : memref<128x64xf32, #tpu.memory_space<vmem>>) offsets(%dma_start3A_51 : memref<128xi32, #tpu.memory_space<vmem>>) semaphore(%dma_start3A_56 : memref<!tpu.dma_semaphore, #tpu.memory_space<semaphore_mem>>)
    %dma_wait3A = arith.constant 0 : i32
    %dma_wait3A_57 = arith.constant 0 : i32
    %dma_wait3A_58 = arith.constant 0 : i32
    %dma_wait3A_59 = arith.constant 0 : i32
    %dma_wait3A_60 = arith.constant 0 : i32
    %dma_wait3A_61 = tpu.memref_slice %arg8[%dma_wait3A_57, %dma_wait3A_59, %dma_wait3A_60] : memref<4x128x64xf32, #tpu.memory_space<vmem>> -> memref<1x128x64xf32, #tpu.memory_space<vmem>>
    %dma_wait3A_62 = tpu.memref_squeeze %dma_wait3A_61 : memref<1x128x64xf32, #tpu.memory_space<vmem>> -> memref<128x64xf32, #tpu.memory_space<vmem>>
    %dma_wait3A_63 = arith.constant 0 : i32
    %dma_wait3A_64 = tpu.memref_slice %arg6[%dma_wait3A, %dma_wait3A_63] : memref<40x128xi32, #tpu.memory_space<vmem>> -> memref<1x128xi32, #tpu.memory_space<vmem>>
    %dma_wait3A_65 = tpu.memref_squeeze %dma_wait3A_64 : memref<1x128xi32, #tpu.memory_space<vmem>> -> memref<128xi32, #tpu.memory_space<vmem>>
    %dma_wait3A_66 = arith.constant 0 : i32
    %dma_wait3A_67 = arith.constant 0 : i32
    %dma_wait3A_68 = tpu.memref_slice %arg10[%dma_wait3A_66, %dma_wait3A_67] : memref<10000x64xf32, #tpu.memory_space<vmem_shared>> -> memref<10000x64xf32, #tpu.memory_space<vmem_shared>>
    %dma_wait3A_69 = tpu.memref_slice %arg11[%dma_wait3A_58] : memref<2x!tpu.dma_semaphore, #tpu.memory_space<semaphore_mem>> -> memref<1x!tpu.dma_semaphore, #tpu.memory_space<semaphore_mem>>
    %dma_wait3A_70 = tpu.memref_squeeze %dma_wait3A_69 : memref<1x!tpu.dma_semaphore, #tpu.memory_space<semaphore_mem>> -> memref<!tpu.dma_semaphore, #tpu.memory_space<semaphore_mem>>
    tpu.wait_indirect_dma semaphore(%dma_wait3A_70 : memref<!tpu.dma_semaphore, #tpu.memory_space<semaphore_mem>>) src(%dma_wait3A_68 : memref<10000x64xf32, #tpu.memory_space<vmem_shared>>) dst(%dma_wait3A_62 : memref<128x64xf32, #tpu.memory_space<vmem>>)
    %dma_wait3A_71 = arith.constant 1 : i32
    %dma_wait3A_72 = arith.constant 1 : i32
    %dma_wait3A_73 = arith.constant 0 : i32
    %dma_wait3A_74 = arith.constant 0 : i32
    %dma_wait3A_75 = arith.constant 0 : i32
    %dma_wait3A_76 = tpu.memref_slice %arg8[%dma_wait3A_72, %dma_wait3A_74, %dma_wait3A_75] : memref<4x128x64xf32, #tpu.memory_space<vmem>> -> memref<1x128x64xf32, #tpu.memory_space<vmem>>
    %dma_wait3A_77 = tpu.memref_squeeze %dma_wait3A_76 : memref<1x128x64xf32, #tpu.memory_space<vmem>> -> memref<128x64xf32, #tpu.memory_space<vmem>>
    %dma_wait3A_78 = arith.constant 0 : i32
    %dma_wait3A_79 = tpu.memref_slice %arg6[%dma_wait3A_71, %dma_wait3A_78] : memref<40x128xi32, #tpu.memory_space<vmem>> -> memref<1x128xi32, #tpu.memory_space<vmem>>
    %dma_wait3A_80 = tpu.memref_squeeze %dma_wait3A_79 : memref<1x128xi32, #tpu.memory_space<vmem>> -> memref<128xi32, #tpu.memory_space<vmem>>
    %dma_wait3A_81 = arith.constant 0 : i32
    %dma_wait3A_82 = arith.constant 0 : i32
    %dma_wait3A_83 = tpu.memref_slice %arg10[%dma_wait3A_81, %dma_wait3A_82] : memref<10000x64xf32, #tpu.memory_space<vmem_shared>> -> memref<10000x64xf32, #tpu.memory_space<vmem_shared>>
    %dma_wait3A_84 = tpu.memref_slice %arg11[%dma_wait3A_73] : memref<2x!tpu.dma_semaphore, #tpu.memory_space<semaphore_mem>> -> memref<1x!tpu.dma_semaphore, #tpu.memory_space<semaphore_mem>>
    %dma_wait3A_85 = tpu.memref_squeeze %dma_wait3A_84 : memref<1x!tpu.dma_semaphore, #tpu.memory_space<semaphore_mem>> -> memref<!tpu.dma_semaphore, #tpu.memory_space<semaphore_mem>>
    tpu.wait_indirect_dma semaphore(%dma_wait3A_85 : memref<!tpu.dma_semaphore, #tpu.memory_space<semaphore_mem>>) src(%dma_wait3A_83 : memref<10000x64xf32, #tpu.memory_space<vmem_shared>>) dst(%dma_wait3A_77 : memref<128x64xf32, #tpu.memory_space<vmem>>)
    %dma_start3A_86 = arith.constant 2 : i32
    %dma_start3A_87 = arith.constant 2 : i32
    %dma_start3A_88 = arith.constant 1 : i32
    %dma_start3A_89 = arith.constant 0 : i32
    %dma_start3A_90 = arith.constant 0 : i32
    %dma_start3A_91 = tpu.memref_slice %arg8[%dma_start3A_87, %dma_start3A_89, %dma_start3A_90] : memref<4x128x64xf32, #tpu.memory_space<vmem>> -> memref<1x128x64xf32, #tpu.memory_space<vmem>>
    %dma_start3A_92 = tpu.memref_squeeze %dma_start3A_91 : memref<1x128x64xf32, #tpu.memory_space<vmem>> -> memref<128x64xf32, #tpu.memory_space<vmem>>
    %dma_start3A_93 = arith.constant 0 : i32
    %dma_start3A_94 = tpu.memref_slice %arg6[%dma_start3A_86, %dma_start3A_93] : memref<40x128xi32, #tpu.memory_space<vmem>> -> memref<1x128xi32, #tpu.memory_space<vmem>>
    %dma_start3A_95 = tpu.memref_squeeze %dma_start3A_94 : memref<1x128xi32, #tpu.memory_space<vmem>> -> memref<128xi32, #tpu.memory_space<vmem>>
    %dma_start3A_96 = arith.constant 0 : i32
    %dma_start3A_97 = arith.constant 0 : i32
    %dma_start3A_98 = tpu.memref_slice %arg10[%dma_start3A_96, %dma_start3A_97] : memref<10000x64xf32, #tpu.memory_space<vmem_shared>> -> memref<10000x64xf32, #tpu.memory_space<vmem_shared>>
    %dma_start3A_99 = tpu.memref_slice %arg11[%dma_start3A_88] : memref<2x!tpu.dma_semaphore, #tpu.memory_space<semaphore_mem>> -> memref<1x!tpu.dma_semaphore, #tpu.memory_space<semaphore_mem>>
    %dma_start3A_100 = tpu.memref_squeeze %dma_start3A_99 : memref<1x!tpu.dma_semaphore, #tpu.memory_space<semaphore_mem>> -> memref<!tpu.dma_semaphore, #tpu.memory_space<semaphore_mem>>
    tpu.enqueue_indirect_dma source(%dma_start3A_98 : memref<10000x64xf32, #tpu.memory_space<vmem_shared>>) target(%dma_start3A_92 : memref<128x64xf32, #tpu.memory_space<vmem>>) offsets(%dma_start3A_95 : memref<128xi32, #tpu.memory_space<vmem>>) semaphore(%dma_start3A_100 : memref<!tpu.dma_semaphore, #tpu.memory_space<semaphore_mem>>)
    %dma_start3A_101 = arith.constant 3 : i32
    %dma_start3A_102 = arith.constant 3 : i32
    %dma_start3A_103 = arith.constant 1 : i32
    %dma_start3A_104 = arith.constant 0 : i32
    %dma_start3A_105 = arith.constant 0 : i32
    %dma_start3A_106 = tpu.memref_slice %arg8[%dma_start3A_102, %dma_start3A_104, %dma_start3A_105] : memref<4x128x64xf32, #tpu.memory_space<vmem>> -> memref<1x128x64xf32, #tpu.memory_space<vmem>>
    %dma_start3A_107 = tpu.memref_squeeze %dma_start3A_106 : memref<1x128x64xf32, #tpu.memory_space<vmem>> -> memref<128x64xf32, #tpu.memory_space<vmem>>
    %dma_start3A_108 = arith.constant 0 : i32
    %dma_start3A_109 = tpu.memref_slice %arg6[%dma_start3A_101, %dma_start3A_108] : memref<40x128xi32, #tpu.memory_space<vmem>> -> memref<1x128xi32, #tpu.memory_space<vmem>>
    %dma_start3A_110 = tpu.memref_squeeze %dma_start3A_109 : memref<1x128xi32, #tpu.memory_space<vmem>> -> memref<128xi32, #tpu.memory_space<vmem>>
    %dma_start3A_111 = arith.constant 0 : i32
    %dma_start3A_112 = arith.constant 0 : i32
    %dma_start3A_113 = tpu.memref_slice %arg10[%dma_start3A_111, %dma_start3A_112] : memref<10000x64xf32, #tpu.memory_space<vmem_shared>> -> memref<10000x64xf32, #tpu.memory_space<vmem_shared>>
    %dma_start3A_114 = tpu.memref_slice %arg11[%dma_start3A_103] : memref<2x!tpu.dma_semaphore, #tpu.memory_space<semaphore_mem>> -> memref<1x!tpu.dma_semaphore, #tpu.memory_space<semaphore_mem>>
    %dma_start3A_115 = tpu.memref_squeeze %dma_start3A_114 : memref<1x!tpu.dma_semaphore, #tpu.memory_space<semaphore_mem>> -> memref<!tpu.dma_semaphore, #tpu.memory_space<semaphore_mem>>
    tpu.enqueue_indirect_dma source(%dma_start3A_113 : memref<10000x64xf32, #tpu.memory_space<vmem_shared>>) target(%dma_start3A_107 : memref<128x64xf32, #tpu.memory_space<vmem>>) offsets(%dma_start3A_110 : memref<128xi32, #tpu.memory_space<vmem>>) semaphore(%dma_start3A_115 : memref<!tpu.dma_semaphore, #tpu.memory_space<semaphore_mem>>)
    %dma_start3A_116 = arith.constant 0 : i32
    %dma_start3A_117 = arith.constant 0 : i32
    %dma_start3A_118 = arith.constant 0 : i32
    %dma_start3A_119 = arith.constant 0 : i32
    %dma_start3A_120 = arith.constant 0 : i32
    %dma_start3A_121 = tpu.memref_slice %arg8[%dma_start3A_116, %dma_start3A_119, %dma_start3A_120] : memref<4x128x64xf32, #tpu.memory_space<vmem>> -> memref<1x128x64xf32, #tpu.memory_space<vmem>>
    %dma_start3A_122 = tpu.memref_squeeze %dma_start3A_121 : memref<1x128x64xf32, #tpu.memory_space<vmem>> -> memref<128x64xf32, #tpu.memory_space<vmem>>
    %dma_start3A_123 = arith.constant 0 : i32
    %dma_start3A_124 = tpu.memref_slice %arg7[%dma_start3A_117, %dma_start3A_123] : memref<40x128xi32, #tpu.memory_space<vmem>> -> memref<1x128xi32, #tpu.memory_space<vmem>>
    %dma_start3A_125 = tpu.memref_squeeze %dma_start3A_124 : memref<1x128xi32, #tpu.memory_space<vmem>> -> memref<128xi32, #tpu.memory_space<vmem>>
    %dma_start3A_126 = arith.constant 0 : i32
    %dma_start3A_127 = arith.constant 0 : i32
    %dma_start3A_128 = tpu.memref_slice %arg9[%dma_start3A_126, %dma_start3A_127] : memref<10240x64xf32, #tpu.memory_space<vmem_shared>> -> memref<10240x64xf32, #tpu.memory_space<vmem_shared>>
    %dma_start3A_129 = tpu.memref_slice %arg12[%dma_start3A_118] : memref<2x!tpu.dma_semaphore, #tpu.memory_space<semaphore_mem>> -> memref<1x!tpu.dma_semaphore, #tpu.memory_space<semaphore_mem>>
    %dma_start3A_130 = tpu.memref_squeeze %dma_start3A_129 : memref<1x!tpu.dma_semaphore, #tpu.memory_space<semaphore_mem>> -> memref<!tpu.dma_semaphore, #tpu.memory_space<semaphore_mem>>
    tpu.enqueue_indirect_dma source(%dma_start3A_122 : memref<128x64xf32, #tpu.memory_space<vmem>>) target(%dma_start3A_128 : memref<10240x64xf32, #tpu.memory_space<vmem_shared>>) offsets(%dma_start3A_125 : memref<128xi32, #tpu.memory_space<vmem>>) semaphore(%dma_start3A_130 : memref<!tpu.dma_semaphore, #tpu.memory_space<semaphore_mem>>) {add = true}
    %dma_start3A_131 = arith.constant 1 : i32
    %dma_start3A_132 = arith.constant 1 : i32
    %dma_start3A_133 = arith.constant 0 : i32
    %dma_start3A_134 = arith.constant 0 : i32
    %dma_start3A_135 = arith.constant 0 : i32
    %dma_start3A_136 = tpu.memref_slice %arg8[%dma_start3A_131, %dma_start3A_134, %dma_start3A_135] : memref<4x128x64xf32, #tpu.memory_space<vmem>> -> memref<1x128x64xf32, #tpu.memory_space<vmem>>
    %dma_start3A_137 = tpu.memref_squeeze %dma_start3A_136 : memref<1x128x64xf32, #tpu.memory_space<vmem>> -> memref<128x64xf32, #tpu.memory_space<vmem>>
    %dma_start3A_138 = arith.constant 0 : i32
    %dma_start3A_139 = tpu.memref_slice %arg7[%dma_start3A_132, %dma_start3A_138] : memref<40x128xi32, #tpu.memory_space<vmem>> -> memref<1x128xi32, #tpu.memory_space<vmem>>
    %dma_start3A_140 = tpu.memref_squeeze %dma_start3A_139 : memref<1x128xi32, #tpu.memory_space<vmem>> -> memref<128xi32, #tpu.memory_space<vmem>>
    %dma_start3A_141 = arith.constant 0 : i32
    %dma_start3A_142 = arith.constant 0 : i32
    %dma_start3A_143 = tpu.memref_slice %arg9[%dma_start3A_141, %dma_start3A_142] : memref<10240x64xf32, #tpu.memory_space<vmem_shared>> -> memref<10240x64xf32, #tpu.memory_space<vmem_shared>>
    %dma_start3A_144 = tpu.memref_slice %arg12[%dma_start3A_133] : memref<2x!tpu.dma_semaphore, #tpu.memory_space<semaphore_mem>> -> memref<1x!tpu.dma_semaphore, #tpu.memory_space<semaphore_mem>>
    %dma_start3A_145 = tpu.memref_squeeze %dma_start3A_144 : memref<1x!tpu.dma_semaphore, #tpu.memory_space<semaphore_mem>> -> memref<!tpu.dma_semaphore, #tpu.memory_space<semaphore_mem>>
    tpu.enqueue_indirect_dma source(%dma_start3A_137 : memref<128x64xf32, #tpu.memory_space<vmem>>) target(%dma_start3A_143 : memref<10240x64xf32, #tpu.memory_space<vmem_shared>>) offsets(%dma_start3A_140 : memref<128xi32, #tpu.memory_space<vmem>>) semaphore(%dma_start3A_145 : memref<!tpu.dma_semaphore, #tpu.memory_space<semaphore_mem>>) {add = true}
    %dma_wait3A_146 = arith.constant 2 : i32
    %dma_wait3A_147 = arith.constant 2 : i32
    %dma_wait3A_148 = arith.constant 1 : i32
    %dma_wait3A_149 = arith.constant 0 : i32
    %dma_wait3A_150 = arith.constant 0 : i32
    %dma_wait3A_151 = tpu.memref_slice %arg8[%dma_wait3A_147, %dma_wait3A_149, %dma_wait3A_150] : memref<4x128x64xf32, #tpu.memory_space<vmem>> -> memref<1x128x64xf32, #tpu.memory_space<vmem>>
    %dma_wait3A_152 = tpu.memref_squeeze %dma_wait3A_151 : memref<1x128x64xf32, #tpu.memory_space<vmem>> -> memref<128x64xf32, #tpu.memory_space<vmem>>
    %dma_wait3A_153 = arith.constant 0 : i32
    %dma_wait3A_154 = tpu.memref_slice %arg6[%dma_wait3A_146, %dma_wait3A_153] : memref<40x128xi32, #tpu.memory_space<vmem>> -> memref<1x128xi32, #tpu.memory_space<vmem>>
    %dma_wait3A_155 = tpu.memref_squeeze %dma_wait3A_154 : memref<1x128xi32, #tpu.memory_space<vmem>> -> memref<128xi32, #tpu.memory_space<vmem>>
    %dma_wait3A_156 = arith.constant 0 : i32
    %dma_wait3A_157 = arith.constant 0 : i32
    %dma_wait3A_158 = tpu.memref_slice %arg10[%dma_wait3A_156, %dma_wait3A_157] : memref<10000x64xf32, #tpu.memory_space<vmem_shared>> -> memref<10000x64xf32, #tpu.memory_space<vmem_shared>>
    %dma_wait3A_159 = tpu.memref_slice %arg11[%dma_wait3A_148] : memref<2x!tpu.dma_semaphore, #tpu.memory_space<semaphore_mem>> -> memref<1x!tpu.dma_semaphore, #tpu.memory_space<semaphore_mem>>
    %dma_wait3A_160 = tpu.memref_squeeze %dma_wait3A_159 : memref<1x!tpu.dma_semaphore, #tpu.memory_space<semaphore_mem>> -> memref<!tpu.dma_semaphore, #tpu.memory_space<semaphore_mem>>
    tpu.wait_indirect_dma semaphore(%dma_wait3A_160 : memref<!tpu.dma_semaphore, #tpu.memory_space<semaphore_mem>>) src(%dma_wait3A_158 : memref<10000x64xf32, #tpu.memory_space<vmem_shared>>) dst(%dma_wait3A_152 : memref<128x64xf32, #tpu.memory_space<vmem>>)
    %dma_wait3A_161 = arith.constant 3 : i32
    %dma_wait3A_162 = arith.constant 3 : i32
    %dma_wait3A_163 = arith.constant 1 : i32
    %dma_wait3A_164 = arith.constant 0 : i32
    %dma_wait3A_165 = arith.constant 0 : i32
    %dma_wait3A_166 = tpu.memref_slice %arg8[%dma_wait3A_162, %dma_wait3A_164, %dma_wait3A_165] : memref<4x128x64xf32, #tpu.memory_space<vmem>> -> memref<1x128x64xf32, #tpu.memory_space<vmem>>
    %dma_wait3A_167 = tpu.memref_squeeze %dma_wait3A_166 : memref<1x128x64xf32, #tpu.memory_space<vmem>> -> memref<128x64xf32, #tpu.memory_space<vmem>>
    %dma_wait3A_168 = arith.constant 0 : i32
    %dma_wait3A_169 = tpu.memref_slice %arg6[%dma_wait3A_161, %dma_wait3A_168] : memref<40x128xi32, #tpu.memory_space<vmem>> -> memref<1x128xi32, #tpu.memory_space<vmem>>
    %dma_wait3A_170 = tpu.memref_squeeze %dma_wait3A_169 : memref<1x128xi32, #tpu.memory_space<vmem>> -> memref<128xi32, #tpu.memory_space<vmem>>
    %dma_wait3A_171 = arith.constant 0 : i32
    %dma_wait3A_172 = arith.constant 0 : i32
    %dma_wait3A_173 = tpu.memref_slice %arg10[%dma_wait3A_171, %dma_wait3A_172] : memref<10000x64xf32, #tpu.memory_space<vmem_shared>> -> memref<10000x64xf32, #tpu.memory_space<vmem_shared>>
    %dma_wait3A_174 = tpu.memref_slice %arg11[%dma_wait3A_163] : memref<2x!tpu.dma_semaphore, #tpu.memory_space<semaphore_mem>> -> memref<1x!tpu.dma_semaphore, #tpu.memory_space<semaphore_mem>>
    %dma_wait3A_175 = tpu.memref_squeeze %dma_wait3A_174 : memref<1x!tpu.dma_semaphore, #tpu.memory_space<semaphore_mem>> -> memref<!tpu.dma_semaphore, #tpu.memory_space<semaphore_mem>>
    tpu.wait_indirect_dma semaphore(%dma_wait3A_175 : memref<!tpu.dma_semaphore, #tpu.memory_space<semaphore_mem>>) src(%dma_wait3A_173 : memref<10000x64xf32, #tpu.memory_space<vmem_shared>>) dst(%dma_wait3A_167 : memref<128x64xf32, #tpu.memory_space<vmem>>)
    %dma_wait3A_176 = arith.constant 0 : i32
    %dma_wait3A_177 = arith.constant 0 : i32
    %dma_wait3A_178 = arith.constant 0 : i32
    %dma_wait3A_179 = arith.constant 0 : i32
    %dma_wait3A_180 = arith.constant 0 : i32
    %dma_wait3A_181 = tpu.memref_slice %arg8[%dma_wait3A_176, %dma_wait3A_179, %dma_wait3A_180] : memref<4x128x64xf32, #tpu.memory_space<vmem>> -> memref<1x128x64xf32, #tpu.memory_space<vmem>>
    %dma_wait3A_182 = tpu.memref_squeeze %dma_wait3A_181 : memref<1x128x64xf32, #tpu.memory_space<vmem>> -> memref<128x64xf32, #tpu.memory_space<vmem>>
    %dma_wait3A_183 = arith.constant 0 : i32
    %dma_wait3A_184 = tpu.memref_slice %arg7[%dma_wait3A_177, %dma_wait3A_183] : memref<40x128xi32, #tpu.memory_space<vmem>> -> memref<1x128xi32, #tpu.memory_space<vmem>>
    %dma_wait3A_185 = tpu.memref_squeeze %dma_wait3A_184 : memref<1x128xi32, #tpu.memory_space<vmem>> -> memref<128xi32, #tpu.memory_space<vmem>>
    %dma_wait3A_186 = arith.constant 0 : i32
    %dma_wait3A_187 = arith.constant 0 : i32
    %dma_wait3A_188 = tpu.memref_slice %arg9[%dma_wait3A_186, %dma_wait3A_187] : memref<10240x64xf32, #tpu.memory_space<vmem_shared>> -> memref<10240x64xf32, #tpu.memory_space<vmem_shared>>
    %dma_wait3A_189 = tpu.memref_slice %arg12[%dma_wait3A_178] : memref<2x!tpu.dma_semaphore, #tpu.memory_space<semaphore_mem>> -> memref<1x!tpu.dma_semaphore, #tpu.memory_space<semaphore_mem>>
    %dma_wait3A_190 = tpu.memref_squeeze %dma_wait3A_189 : memref<1x!tpu.dma_semaphore, #tpu.memory_space<semaphore_mem>> -> memref<!tpu.dma_semaphore, #tpu.memory_space<semaphore_mem>>
    tpu.wait_indirect_dma semaphore(%dma_wait3A_190 : memref<!tpu.dma_semaphore, #tpu.memory_space<semaphore_mem>>) src(%dma_wait3A_182 : memref<128x64xf32, #tpu.memory_space<vmem>>) dst(%dma_wait3A_188 : memref<10240x64xf32, #tpu.memory_space<vmem_shared>>)
    %dma_wait3A_191 = arith.constant 1 : i32
    %dma_wait3A_192 = arith.constant 1 : i32
    %dma_wait3A_193 = arith.constant 0 : i32
    %dma_wait3A_194 = arith.constant 0 : i32
    %dma_wait3A_195 = arith.constant 0 : i32
    %dma_wait3A_196 = tpu.memref_slice %arg8[%dma_wait3A_191, %dma_wait3A_194, %dma_wait3A_195] : memref<4x128x64xf32, #tpu.memory_space<vmem>> -> memref<1x128x64xf32, #tpu.memory_space<vmem>>
    %dma_wait3A_197 = tpu.memref_squeeze %dma_wait3A_196 : memref<1x128x64xf32, #tpu.memory_space<vmem>> -> memref<128x64xf32, #tpu.memory_space<vmem>>
    %dma_wait3A_198 = arith.constant 0 : i32
    %dma_wait3A_199 = tpu.memref_slice %arg7[%dma_wait3A_192, %dma_wait3A_198] : memref<40x128xi32, #tpu.memory_space<vmem>> -> memref<1x128xi32, #tpu.memory_space<vmem>>
    %dma_wait3A_200 = tpu.memref_squeeze %dma_wait3A_199 : memref<1x128xi32, #tpu.memory_space<vmem>> -> memref<128xi32, #tpu.memory_space<vmem>>
    %dma_wait3A_201 = arith.constant 0 : i32
    %dma_wait3A_202 = arith.constant 0 : i32
    %dma_wait3A_203 = tpu.memref_slice %arg9[%dma_wait3A_201, %dma_wait3A_202] : memref<10240x64xf32, #tpu.memory_space<vmem_shared>> -> memref<10240x64xf32, #tpu.memory_space<vmem_shared>>
    %dma_wait3A_204 = tpu.memref_slice %arg12[%dma_wait3A_193] : memref<2x!tpu.dma_semaphore, #tpu.memory_space<semaphore_mem>> -> memref<1x!tpu.dma_semaphore, #tpu.memory_space<semaphore_mem>>
    %dma_wait3A_205 = tpu.memref_squeeze %dma_wait3A_204 : memref<1x!tpu.dma_semaphore, #tpu.memory_space<semaphore_mem>> -> memref<!tpu.dma_semaphore, #tpu.memory_space<semaphore_mem>>
    tpu.wait_indirect_dma semaphore(%dma_wait3A_205 : memref<!tpu.dma_semaphore, #tpu.memory_space<semaphore_mem>>) src(%dma_wait3A_197 : memref<128x64xf32, #tpu.memory_space<vmem>>) dst(%dma_wait3A_203 : memref<10240x64xf32, #tpu.memory_space<vmem_shared>>)
    %dma_start3A_206 = arith.constant 4 : i32
    %dma_start3A_207 = arith.constant 0 : i32
    %dma_start3A_208 = arith.constant 0 : i32
    %dma_start3A_209 = arith.constant 0 : i32
    %dma_start3A_210 = arith.constant 0 : i32
    %dma_start3A_211 = tpu.memref_slice %arg8[%dma_start3A_207, %dma_start3A_209, %dma_start3A_210] : memref<4x128x64xf32, #tpu.memory_space<vmem>> -> memref<1x128x64xf32, #tpu.memory_space<vmem>>
    %dma_start3A_212 = tpu.memref_squeeze %dma_start3A_211 : memref<1x128x64xf32, #tpu.memory_space<vmem>> -> memref<128x64xf32, #tpu.memory_space<vmem>>
    %dma_start3A_213 = arith.constant 0 : i32
    %dma_start3A_214 = tpu.memref_slice %arg6[%dma_start3A_206, %dma_start3A_213] : memref<40x128xi32, #tpu.memory_space<vmem>> -> memref<1x128xi32, #tpu.memory_space<vmem>>
    %dma_start3A_215 = tpu.memref_squeeze %dma_start3A_214 : memref<1x128xi32, #tpu.memory_space<vmem>> -> memref<128xi32, #tpu.memory_space<vmem>>
    %dma_start3A_216 = arith.constant 0 : i32
    %dma_start3A_217 = arith.constant 0 : i32
    %dma_start3A_218 = tpu.memref_slice %arg10[%dma_start3A_216, %dma_start3A_217] : memref<10000x64xf32, #tpu.memory_space<vmem_shared>> -> memref<10000x64xf32, #tpu.memory_space<vmem_shared>>
    %dma_start3A_219 = tpu.memref_slice %arg11[%dma_start3A_208] : memref<2x!tpu.dma_semaphore, #tpu.memory_space<semaphore_mem>> -> memref<1x!tpu.dma_semaphore, #tpu.memory_space<semaphore_mem>>
    %dma_start3A_220 = tpu.memref_squeeze %dma_start3A_219 : memref<1x!tpu.dma_semaphore, #tpu.memory_space<semaphore_mem>> -> memref<!tpu.dma_semaphore, #tpu.memory_space<semaphore_mem>>
    tpu.enqueue_indirect_dma source(%dma_start3A_218 : memref<10000x64xf32, #tpu.memory_space<vmem_shared>>) target(%dma_start3A_212 : memref<128x64xf32, #tpu.memory_space<vmem>>) offsets(%dma_start3A_215 : memref<128xi32, #tpu.memory_space<vmem>>) semaphore(%dma_start3A_220 : memref<!tpu.dma_semaphore, #tpu.memory_space<semaphore_mem>>)
    %dma_start3A_221 = arith.constant 5 : i32
    %dma_start3A_222 = arith.constant 1 : i32
    %dma_start3A_223 = arith.constant 0 : i32
    %dma_start3A_224 = arith.constant 0 : i32
    %dma_start3A_225 = arith.constant 0 : i32
    %dma_start3A_226 = tpu.memref_slice %arg8[%dma_start3A_222, %dma_start3A_224, %dma_start3A_225] : memref<4x128x64xf32, #tpu.memory_space<vmem>> -> memref<1x128x64xf32, #tpu.memory_space<vmem>>
    %dma_start3A_227 = tpu.memref_squeeze %dma_start3A_226 : memref<1x128x64xf32, #tpu.memory_space<vmem>> -> memref<128x64xf32, #tpu.memory_space<vmem>>
    %dma_start3A_228 = arith.constant 0 : i32
    %dma_start3A_229 = tpu.memref_slice %arg6[%dma_start3A_221, %dma_start3A_228] : memref<40x128xi32, #tpu.memory_space<vmem>> -> memref<1x128xi32, #tpu.memory_space<vmem>>
    %dma_start3A_230 = tpu.memref_squeeze %dma_start3A_229 : memref<1x128xi32, #tpu.memory_space<vmem>> -> memref<128xi32, #tpu.memory_space<vmem>>
    %dma_start3A_231 = arith.constant 0 : i32
    %dma_start3A_232 = arith.constant 0 : i32
    %dma_start3A_233 = tpu.memref_slice %arg10[%dma_start3A_231, %dma_start3A_232] : memref<10000x64xf32, #tpu.memory_space<vmem_shared>> -> memref<10000x64xf32, #tpu.memory_space<vmem_shared>>
    %dma_start3A_234 = tpu.memref_slice %arg11[%dma_start3A_223] : memref<2x!tpu.dma_semaphore, #tpu.memory_space<semaphore_mem>> -> memref<1x!tpu.dma_semaphore, #tpu.memory_space<semaphore_mem>>
    %dma_start3A_235 = tpu.memref_squeeze %dma_start3A_234 : memref<1x!tpu.dma_semaphore, #tpu.memory_space<semaphore_mem>> -> memref<!tpu.dma_semaphore, #tpu.memory_space<semaphore_mem>>
    tpu.enqueue_indirect_dma source(%dma_start3A_233 : memref<10000x64xf32, #tpu.memory_space<vmem_shared>>) target(%dma_start3A_227 : memref<128x64xf32, #tpu.memory_space<vmem>>) offsets(%dma_start3A_230 : memref<128xi32, #tpu.memory_space<vmem>>) semaphore(%dma_start3A_235 : memref<!tpu.dma_semaphore, #tpu.memory_space<semaphore_mem>>)
    %dma_start3A_236 = arith.constant 2 : i32
    %dma_start3A_237 = arith.constant 2 : i32
    %dma_start3A_238 = arith.constant 1 : i32
    %dma_start3A_239 = arith.constant 0 : i32
    %dma_start3A_240 = arith.constant 0 : i32
    %dma_start3A_241 = tpu.memref_slice %arg8[%dma_start3A_236, %dma_start3A_239, %dma_start3A_240] : memref<4x128x64xf32, #tpu.memory_space<vmem>> -> memref<1x128x64xf32, #tpu.memory_space<vmem>>
    %dma_start3A_242 = tpu.memref_squeeze %dma_start3A_241 : memref<1x128x64xf32, #tpu.memory_space<vmem>> -> memref<128x64xf32, #tpu.memory_space<vmem>>
    %dma_start3A_243 = arith.constant 0 : i32
    %dma_start3A_244 = tpu.memref_slice %arg7[%dma_start3A_237, %dma_start3A_243] : memref<40x128xi32, #tpu.memory_space<vmem>> -> memref<1x128xi32, #tpu.memory_space<vmem>>
    %dma_start3A_245 = tpu.memref_squeeze %dma_start3A_244 : memref<1x128xi32, #tpu.memory_space<vmem>> -> memref<128xi32, #tpu.memory_space<vmem>>
    %dma_start3A_246 = arith.constant 0 : i32
    %dma_start3A_247 = arith.constant 0 : i32
    %dma_start3A_248 = tpu.memref_slice %arg9[%dma_start3A_246, %dma_start3A_247] : memref<10240x64xf32, #tpu.memory_space<vmem_shared>> -> memref<10240x64xf32, #tpu.memory_space<vmem_shared>>
    %dma_start3A_249 = tpu.memref_slice %arg12[%dma_start3A_238] : memref<2x!tpu.dma_semaphore, #tpu.memory_space<semaphore_mem>> -> memref<1x!tpu.dma_semaphore, #tpu.memory_space<semaphore_mem>>
    %dma_start3A_250 = tpu.memref_squeeze %dma_start3A_249 : memref<1x!tpu.dma_semaphore, #tpu.memory_space<semaphore_mem>> -> memref<!tpu.dma_semaphore, #tpu.memory_space<semaphore_mem>>
    tpu.enqueue_indirect_dma source(%dma_start3A_242 : memref<128x64xf32, #tpu.memory_space<vmem>>) target(%dma_start3A_248 : memref<10240x64xf32, #tpu.memory_space<vmem_shared>>) offsets(%dma_start3A_245 : memref<128xi32, #tpu.memory_space<vmem>>) semaphore(%dma_start3A_250 : memref<!tpu.dma_semaphore, #tpu.memory_space<semaphore_mem>>) {add = true}
    %dma_start3A_251 = arith.constant 3 : i32
    %dma_start3A_252 = arith.constant 3 : i32
    %dma_start3A_253 = arith.constant 1 : i32
    %dma_start3A_254 = arith.constant 0 : i32
    %dma_start3A_255 = arith.constant 0 : i32
    %dma_start3A_256 = tpu.memref_slice %arg8[%dma_start3A_251, %dma_start3A_254, %dma_start3A_255] : memref<4x128x64xf32, #tpu.memory_space<vmem>> -> memref<1x128x64xf32, #tpu.memory_space<vmem>>
    %dma_start3A_257 = tpu.memref_squeeze %dma_start3A_256 : memref<1x128x64xf32, #tpu.memory_space<vmem>> -> memref<128x64xf32, #tpu.memory_space<vmem>>
    %dma_start3A_258 = arith.constant 0 : i32
    %dma_start3A_259 = tpu.memref_slice %arg7[%dma_start3A_252, %dma_start3A_258] : memref<40x128xi32, #tpu.memory_space<vmem>> -> memref<1x128xi32, #tpu.memory_space<vmem>>
    %dma_start3A_260 = tpu.memref_squeeze %dma_start3A_259 : memref<1x128xi32, #tpu.memory_space<vmem>> -> memref<128xi32, #tpu.memory_space<vmem>>
    %dma_start3A_261 = arith.constant 0 : i32
    %dma_start3A_262 = arith.constant 0 : i32
    %dma_start3A_263 = tpu.memref_slice %arg9[%dma_start3A_261, %dma_start3A_262] : memref<10240x64xf32, #tpu.memory_space<vmem_shared>> -> memref<10240x64xf32, #tpu.memory_space<vmem_shared>>
    %dma_start3A_264 = tpu.memref_slice %arg12[%dma_start3A_253] : memref<2x!tpu.dma_semaphore, #tpu.memory_space<semaphore_mem>> -> memref<1x!tpu.dma_semaphore, #tpu.memory_space<semaphore_mem>>
    %dma_start3A_265 = tpu.memref_squeeze %dma_start3A_264 : memref<1x!tpu.dma_semaphore, #tpu.memory_space<semaphore_mem>> -> memref<!tpu.dma_semaphore, #tpu.memory_space<semaphore_mem>>
    tpu.enqueue_indirect_dma source(%dma_start3A_257 : memref<128x64xf32, #tpu.memory_space<vmem>>) target(%dma_start3A_263 : memref<10240x64xf32, #tpu.memory_space<vmem_shared>>) offsets(%dma_start3A_260 : memref<128xi32, #tpu.memory_space<vmem>>) semaphore(%dma_start3A_265 : memref<!tpu.dma_semaphore, #tpu.memory_space<semaphore_mem>>) {add = true}
    %scan3A_266 = arith.constant 0 : i32
    %scan3A_267 = arith.constant 1 : i32
    %scan3A_268 = arith.constant 9 : i32
    %scan3A_269 = arith.addi %scan3A_267, %scan3A_268 : i32
    %scan3A_270 = arith.constant 1 : i32
    scf.for %scan3A_333 = %scan3A_267 to %scan3A_269 step %scan3A_270  : i32 {
      %mul3A_334 = arith.constant 2 : i32
      %mul3A_335 = arith.muli %mul3A_334, %scan3A_333 : i32
      %mul3A_336 = arith.constant 2 : i32
      %mul3A_337 = arith.muli %mul3A_335, %mul3A_336 : i32
      %add3A_338 = arith.constant 0 : i32
      %add3A_339 = arith.addi %mul3A_337, %add3A_338 : i32
      %jit3A = arith.constant 40 : i32
      %eq3A = arith.constant 0 : i32
      %eq3A_340 = arith.cmpi eq, %jit3A, %eq3A : i32
      %jit3A_341 = arith.constant 1 : i32
      %select_n3A = arith.select %eq3A_340, %jit3A_341, %jit3A : i32
      %rem3A = arith.remsi %add3A_339, %select_n3A : i32
      %ne3A = arith.constant 0 : i32
      %ne3A_342 = arith.cmpi ne, %rem3A, %ne3A : i32
      %lt3A = arith.constant 0 : i32
      %lt3A_343 = arith.cmpi slt, %rem3A, %lt3A : i32
      %lt3A_344 = arith.constant 0 : i32
      %lt3A_345 = arith.cmpi slt, %select_n3A, %lt3A_344 : i32
      %ne3A_346 = arith.xori %lt3A_343, %lt3A_345 : i1
      %and3A = arith.andi %ne3A_346, %ne3A_342 : i1
      %add3A_347 = arith.addi %rem3A, %select_n3A : i32
      %select_n3A_348 = arith.select %and3A, %add3A_347, %rem3A : i32
      %dma_wait3A_349 = arith.constant 0 : i32
      %dma_wait3A_350 = arith.constant 0 : i32
      %dma_wait3A_351 = arith.constant 0 : i32
      %dma_wait3A_352 = arith.constant 0 : i32
      %dma_wait3A_353 = tpu.memref_slice %arg8[%dma_wait3A_349, %dma_wait3A_351, %dma_wait3A_352] : memref<4x128x64xf32, #tpu.memory_space<vmem>> -> memref<1x128x64xf32, #tpu.memory_space<vmem>>
      %dma_wait3A_354 = tpu.memref_squeeze %dma_wait3A_353 : memref<1x128x64xf32, #tpu.memory_space<vmem>> -> memref<128x64xf32, #tpu.memory_space<vmem>>
      %dma_wait3A_355 = arith.constant 0 : i32
      %dma_wait3A_356 = tpu.memref_slice %arg6[%select_n3A_348, %dma_wait3A_355] : memref<40x128xi32, #tpu.memory_space<vmem>> -> memref<1x128xi32, #tpu.memory_space<vmem>>
      %dma_wait3A_357 = tpu.memref_squeeze %dma_wait3A_356 : memref<1x128xi32, #tpu.memory_space<vmem>> -> memref<128xi32, #tpu.memory_space<vmem>>
      %dma_wait3A_358 = arith.constant 0 : i32
      %dma_wait3A_359 = arith.constant 0 : i32
      %dma_wait3A_360 = tpu.memref_slice %arg10[%dma_wait3A_358, %dma_wait3A_359] : memref<10000x64xf32, #tpu.memory_space<vmem_shared>> -> memref<10000x64xf32, #tpu.memory_space<vmem_shared>>
      %dma_wait3A_361 = tpu.memref_slice %arg11[%dma_wait3A_350] : memref<2x!tpu.dma_semaphore, #tpu.memory_space<semaphore_mem>> -> memref<1x!tpu.dma_semaphore, #tpu.memory_space<semaphore_mem>>
      %dma_wait3A_362 = tpu.memref_squeeze %dma_wait3A_361 : memref<1x!tpu.dma_semaphore, #tpu.memory_space<semaphore_mem>> -> memref<!tpu.dma_semaphore, #tpu.memory_space<semaphore_mem>>
      tpu.wait_indirect_dma semaphore(%dma_wait3A_362 : memref<!tpu.dma_semaphore, #tpu.memory_space<semaphore_mem>>) src(%dma_wait3A_360 : memref<10000x64xf32, #tpu.memory_space<vmem_shared>>) dst(%dma_wait3A_354 : memref<128x64xf32, #tpu.memory_space<vmem>>)
      %mul3A_363 = arith.constant 2 : i32
      %mul3A_364 = arith.muli %mul3A_335, %mul3A_363 : i32
      %add3A_365 = arith.constant 1 : i32
      %add3A_366 = arith.addi %mul3A_364, %add3A_365 : i32
      %jit3A_367 = arith.constant 40 : i32
      %eq3A_368 = arith.constant 0 : i32
      %eq3A_369 = arith.cmpi eq, %jit3A_367, %eq3A_368 : i32
      %jit3A_370 = arith.constant 1 : i32
      %select_n3A_371 = arith.select %eq3A_369, %jit3A_370, %jit3A_367 : i32
      %rem3A_372 = arith.remsi %add3A_366, %select_n3A_371 : i32
      %ne3A_373 = arith.constant 0 : i32
      %ne3A_374 = arith.cmpi ne, %rem3A_372, %ne3A_373 : i32
      %lt3A_375 = arith.constant 0 : i32
      %lt3A_376 = arith.cmpi slt, %rem3A_372, %lt3A_375 : i32
      %lt3A_377 = arith.constant 0 : i32
      %lt3A_378 = arith.cmpi slt, %select_n3A_371, %lt3A_377 : i32
      %ne3A_379 = arith.xori %lt3A_376, %lt3A_378 : i1
      %and3A_380 = arith.andi %ne3A_379, %ne3A_374 : i1
      %add3A_381 = arith.addi %rem3A_372, %select_n3A_371 : i32
      %select_n3A_382 = arith.select %and3A_380, %add3A_381, %rem3A_372 : i32
      %dma_wait3A_383 = arith.constant 1 : i32
      %dma_wait3A_384 = arith.constant 0 : i32
      %dma_wait3A_385 = arith.constant 0 : i32
      %dma_wait3A_386 = arith.constant 0 : i32
      %dma_wait3A_387 = tpu.memref_slice %arg8[%dma_wait3A_383, %dma_wait3A_385, %dma_wait3A_386] : memref<4x128x64xf32, #tpu.memory_space<vmem>> -> memref<1x128x64xf32, #tpu.memory_space<vmem>>
      %dma_wait3A_388 = tpu.memref_squeeze %dma_wait3A_387 : memref<1x128x64xf32, #tpu.memory_space<vmem>> -> memref<128x64xf32, #tpu.memory_space<vmem>>
      %dma_wait3A_389 = arith.constant 0 : i32
      %dma_wait3A_390 = tpu.memref_slice %arg6[%select_n3A_382, %dma_wait3A_389] : memref<40x128xi32, #tpu.memory_space<vmem>> -> memref<1x128xi32, #tpu.memory_space<vmem>>
      %dma_wait3A_391 = tpu.memref_squeeze %dma_wait3A_390 : memref<1x128xi32, #tpu.memory_space<vmem>> -> memref<128xi32, #tpu.memory_space<vmem>>
      %dma_wait3A_392 = arith.constant 0 : i32
      %dma_wait3A_393 = arith.constant 0 : i32
      %dma_wait3A_394 = tpu.memref_slice %arg10[%dma_wait3A_392, %dma_wait3A_393] : memref<10000x64xf32, #tpu.memory_space<vmem_shared>> -> memref<10000x64xf32, #tpu.memory_space<vmem_shared>>
      %dma_wait3A_395 = tpu.memref_slice %arg11[%dma_wait3A_384] : memref<2x!tpu.dma_semaphore, #tpu.memory_space<semaphore_mem>> -> memref<1x!tpu.dma_semaphore, #tpu.memory_space<semaphore_mem>>
      %dma_wait3A_396 = tpu.memref_squeeze %dma_wait3A_395 : memref<1x!tpu.dma_semaphore, #tpu.memory_space<semaphore_mem>> -> memref<!tpu.dma_semaphore, #tpu.memory_space<semaphore_mem>>
      tpu.wait_indirect_dma semaphore(%dma_wait3A_396 : memref<!tpu.dma_semaphore, #tpu.memory_space<semaphore_mem>>) src(%dma_wait3A_394 : memref<10000x64xf32, #tpu.memory_space<vmem_shared>>) dst(%dma_wait3A_388 : memref<128x64xf32, #tpu.memory_space<vmem>>)
      %mul3A_397 = arith.constant 2 : i32
      %mul3A_398 = arith.muli %mul3A_397, %scan3A_333 : i32
      %sub3A = arith.constant 1 : i32
      %sub3A_399 = arith.subi %mul3A_398, %sub3A : i32
      %mul3A_400 = arith.constant 2 : i32
      %mul3A_401 = arith.muli %sub3A_399, %mul3A_400 : i32
      %add3A_402 = arith.constant 0 : i32
      %add3A_403 = arith.addi %mul3A_401, %add3A_402 : i32
      %dma_wait3A_404 = arith.constant 2 : i32
      %dma_wait3A_405 = arith.constant 1 : i32
      %dma_wait3A_406 = arith.constant 0 : i32
      %dma_wait3A_407 = arith.constant 0 : i32
      %dma_wait3A_408 = tpu.memref_slice %arg8[%dma_wait3A_404, %dma_wait3A_406, %dma_wait3A_407] : memref<4x128x64xf32, #tpu.memory_space<vmem>> -> memref<1x128x64xf32, #tpu.memory_space<vmem>>
      %dma_wait3A_409 = tpu.memref_squeeze %dma_wait3A_408 : memref<1x128x64xf32, #tpu.memory_space<vmem>> -> memref<128x64xf32, #tpu.memory_space<vmem>>
      %dma_wait3A_410 = arith.constant 0 : i32
      %dma_wait3A_411 = tpu.memref_slice %arg7[%add3A_403, %dma_wait3A_410] : memref<40x128xi32, #tpu.memory_space<vmem>> -> memref<1x128xi32, #tpu.memory_space<vmem>>
      %dma_wait3A_412 = tpu.memref_squeeze %dma_wait3A_411 : memref<1x128xi32, #tpu.memory_space<vmem>> -> memref<128xi32, #tpu.memory_space<vmem>>
      %dma_wait3A_413 = arith.constant 0 : i32
      %dma_wait3A_414 = arith.constant 0 : i32
      %dma_wait3A_415 = tpu.memref_slice %arg9[%dma_wait3A_413, %dma_wait3A_414] : memref<10240x64xf32, #tpu.memory_space<vmem_shared>> -> memref<10240x64xf32, #tpu.memory_space<vmem_shared>>
      %dma_wait3A_416 = tpu.memref_slice %arg12[%dma_wait3A_405] : memref<2x!tpu.dma_semaphore, #tpu.memory_space<semaphore_mem>> -> memref<1x!tpu.dma_semaphore, #tpu.memory_space<semaphore_mem>>
      %dma_wait3A_417 = tpu.memref_squeeze %dma_wait3A_416 : memref<1x!tpu.dma_semaphore, #tpu.memory_space<semaphore_mem>> -> memref<!tpu.dma_semaphore, #tpu.memory_space<semaphore_mem>>
      tpu.wait_indirect_dma semaphore(%dma_wait3A_417 : memref<!tpu.dma_semaphore, #tpu.memory_space<semaphore_mem>>) src(%dma_wait3A_409 : memref<128x64xf32, #tpu.memory_space<vmem>>) dst(%dma_wait3A_415 : memref<10240x64xf32, #tpu.memory_space<vmem_shared>>)
      %mul3A_418 = arith.constant 2 : i32
      %mul3A_419 = arith.muli %sub3A_399, %mul3A_418 : i32
      %add3A_420 = arith.constant 1 : i32
      %add3A_421 = arith.addi %mul3A_419, %add3A_420 : i32
      %dma_wait3A_422 = arith.constant 3 : i32
      %dma_wait3A_423 = arith.constant 1 : i32
      %dma_wait3A_424 = arith.constant 0 : i32
      %dma_wait3A_425 = arith.constant 0 : i32
      %dma_wait3A_426 = tpu.memref_slice %arg8[%dma_wait3A_422, %dma_wait3A_424, %dma_wait3A_425] : memref<4x128x64xf32, #tpu.memory_space<vmem>> -> memref<1x128x64xf32, #tpu.memory_space<vmem>>
      %dma_wait3A_427 = tpu.memref_squeeze %dma_wait3A_426 : memref<1x128x64xf32, #tpu.memory_space<vmem>> -> memref<128x64xf32, #tpu.memory_space<vmem>>
      %dma_wait3A_428 = arith.constant 0 : i32
      %dma_wait3A_429 = tpu.memref_slice %arg7[%add3A_421, %dma_wait3A_428] : memref<40x128xi32, #tpu.memory_space<vmem>> -> memref<1x128xi32, #tpu.memory_space<vmem>>
      %dma_wait3A_430 = tpu.memref_squeeze %dma_wait3A_429 : memref<1x128xi32, #tpu.memory_space<vmem>> -> memref<128xi32, #tpu.memory_space<vmem>>
      %dma_wait3A_431 = arith.constant 0 : i32
      %dma_wait3A_432 = arith.constant 0 : i32
      %dma_wait3A_433 = tpu.memref_slice %arg9[%dma_wait3A_431, %dma_wait3A_432] : memref<10240x64xf32, #tpu.memory_space<vmem_shared>> -> memref<10240x64xf32, #tpu.memory_space<vmem_shared>>
      %dma_wait3A_434 = tpu.memref_slice %arg12[%dma_wait3A_423] : memref<2x!tpu.dma_semaphore, #tpu.memory_space<semaphore_mem>> -> memref<1x!tpu.dma_semaphore, #tpu.memory_space<semaphore_mem>>
      %dma_wait3A_435 = tpu.memref_squeeze %dma_wait3A_434 : memref<1x!tpu.dma_semaphore, #tpu.memory_space<semaphore_mem>> -> memref<!tpu.dma_semaphore, #tpu.memory_space<semaphore_mem>>
      tpu.wait_indirect_dma semaphore(%dma_wait3A_435 : memref<!tpu.dma_semaphore, #tpu.memory_space<semaphore_mem>>) src(%dma_wait3A_427 : memref<128x64xf32, #tpu.memory_space<vmem>>) dst(%dma_wait3A_433 : memref<10240x64xf32, #tpu.memory_space<vmem_shared>>)
      %mul3A_436 = arith.constant 2 : i32
      %mul3A_437 = arith.muli %mul3A_436, %scan3A_333 : i32
      %add3A_438 = arith.constant 1 : i32
      %add3A_439 = arith.addi %mul3A_437, %add3A_438 : i32
      %mul3A_440 = arith.constant 2 : i32
      %mul3A_441 = arith.muli %add3A_439, %mul3A_440 : i32
      %add3A_442 = arith.constant 0 : i32
      %add3A_443 = arith.addi %mul3A_441, %add3A_442 : i32
      %jit3A_444 = arith.constant 40 : i32
      %eq3A_445 = arith.constant 0 : i32
      %eq3A_446 = arith.cmpi eq, %jit3A_444, %eq3A_445 : i32
      %jit3A_447 = arith.constant 1 : i32
      %select_n3A_448 = arith.select %eq3A_446, %jit3A_447, %jit3A_444 : i32
      %rem3A_449 = arith.remsi %add3A_443, %select_n3A_448 : i32
      %ne3A_450 = arith.constant 0 : i32
      %ne3A_451 = arith.cmpi ne, %rem3A_449, %ne3A_450 : i32
      %lt3A_452 = arith.constant 0 : i32
      %lt3A_453 = arith.cmpi slt, %rem3A_449, %lt3A_452 : i32
      %lt3A_454 = arith.constant 0 : i32
      %lt3A_455 = arith.cmpi slt, %select_n3A_448, %lt3A_454 : i32
      %ne3A_456 = arith.xori %lt3A_453, %lt3A_455 : i1
      %and3A_457 = arith.andi %ne3A_456, %ne3A_451 : i1
      %add3A_458 = arith.addi %rem3A_449, %select_n3A_448 : i32
      %select_n3A_459 = arith.select %and3A_457, %add3A_458, %rem3A_449 : i32
      %dma_start3A_460 = arith.constant 2 : i32
      %dma_start3A_461 = arith.constant 1 : i32
      %dma_start3A_462 = arith.constant 0 : i32
      %dma_start3A_463 = arith.constant 0 : i32
      %dma_start3A_464 = tpu.memref_slice %arg8[%dma_start3A_460, %dma_start3A_462, %dma_start3A_463] : memref<4x128x64xf32, #tpu.memory_space<vmem>> -> memref<1x128x64xf32, #tpu.memory_space<vmem>>
      %dma_start3A_465 = tpu.memref_squeeze %dma_start3A_464 : memref<1x128x64xf32, #tpu.memory_space<vmem>> -> memref<128x64xf32, #tpu.memory_space<vmem>>
      %dma_start3A_466 = arith.constant 0 : i32
      %dma_start3A_467 = tpu.memref_slice %arg6[%select_n3A_459, %dma_start3A_466] : memref<40x128xi32, #tpu.memory_space<vmem>> -> memref<1x128xi32, #tpu.memory_space<vmem>>
      %dma_start3A_468 = tpu.memref_squeeze %dma_start3A_467 : memref<1x128xi32, #tpu.memory_space<vmem>> -> memref<128xi32, #tpu.memory_space<vmem>>
      %dma_start3A_469 = arith.constant 0 : i32
      %dma_start3A_470 = arith.constant 0 : i32
      %dma_start3A_471 = tpu.memref_slice %arg10[%dma_start3A_469, %dma_start3A_470] : memref<10000x64xf32, #tpu.memory_space<vmem_shared>> -> memref<10000x64xf32, #tpu.memory_space<vmem_shared>>
      %dma_start3A_472 = tpu.memref_slice %arg11[%dma_start3A_461] : memref<2x!tpu.dma_semaphore, #tpu.memory_space<semaphore_mem>> -> memref<1x!tpu.dma_semaphore, #tpu.memory_space<semaphore_mem>>
      %dma_start3A_473 = tpu.memref_squeeze %dma_start3A_472 : memref<1x!tpu.dma_semaphore, #tpu.memory_space<semaphore_mem>> -> memref<!tpu.dma_semaphore, #tpu.memory_space<semaphore_mem>>
      tpu.enqueue_indirect_dma source(%dma_start3A_471 : memref<10000x64xf32, #tpu.memory_space<vmem_shared>>) target(%dma_start3A_465 : memref<128x64xf32, #tpu.memory_space<vmem>>) offsets(%dma_start3A_468 : memref<128xi32, #tpu.memory_space<vmem>>) semaphore(%dma_start3A_473 : memref<!tpu.dma_semaphore, #tpu.memory_space<semaphore_mem>>)
      %mul3A_474 = arith.constant 2 : i32
      %mul3A_475 = arith.muli %add3A_439, %mul3A_474 : i32
      %add3A_476 = arith.constant 1 : i32
      %add3A_477 = arith.addi %mul3A_475, %add3A_476 : i32
      %jit3A_478 = arith.constant 40 : i32
      %eq3A_479 = arith.constant 0 : i32
      %eq3A_480 = arith.cmpi eq, %jit3A_478, %eq3A_479 : i32
      %jit3A_481 = arith.constant 1 : i32
      %select_n3A_482 = arith.select %eq3A_480, %jit3A_481, %jit3A_478 : i32
      %rem3A_483 = arith.remsi %add3A_477, %select_n3A_482 : i32
      %ne3A_484 = arith.constant 0 : i32
      %ne3A_485 = arith.cmpi ne, %rem3A_483, %ne3A_484 : i32
      %lt3A_486 = arith.constant 0 : i32
      %lt3A_487 = arith.cmpi slt, %rem3A_483, %lt3A_486 : i32
      %lt3A_488 = arith.constant 0 : i32
      %lt3A_489 = arith.cmpi slt, %select_n3A_482, %lt3A_488 : i32
      %ne3A_490 = arith.xori %lt3A_487, %lt3A_489 : i1
      %and3A_491 = arith.andi %ne3A_490, %ne3A_485 : i1
      %add3A_492 = arith.addi %rem3A_483, %select_n3A_482 : i32
      %select_n3A_493 = arith.select %and3A_491, %add3A_492, %rem3A_483 : i32
      %dma_start3A_494 = arith.constant 3 : i32
      %dma_start3A_495 = arith.constant 1 : i32
      %dma_start3A_496 = arith.constant 0 : i32
      %dma_start3A_497 = arith.constant 0 : i32
      %dma_start3A_498 = tpu.memref_slice %arg8[%dma_start3A_494, %dma_start3A_496, %dma_start3A_497] : memref<4x128x64xf32, #tpu.memory_space<vmem>> -> memref<1x128x64xf32, #tpu.memory_space<vmem>>
      %dma_start3A_499 = tpu.memref_squeeze %dma_start3A_498 : memref<1x128x64xf32, #tpu.memory_space<vmem>> -> memref<128x64xf32, #tpu.memory_space<vmem>>
      %dma_start3A_500 = arith.constant 0 : i32
      %dma_start3A_501 = tpu.memref_slice %arg6[%select_n3A_493, %dma_start3A_500] : memref<40x128xi32, #tpu.memory_space<vmem>> -> memref<1x128xi32, #tpu.memory_space<vmem>>
      %dma_start3A_502 = tpu.memref_squeeze %dma_start3A_501 : memref<1x128xi32, #tpu.memory_space<vmem>> -> memref<128xi32, #tpu.memory_space<vmem>>
      %dma_start3A_503 = arith.constant 0 : i32
      %dma_start3A_504 = arith.constant 0 : i32
      %dma_start3A_505 = tpu.memref_slice %arg10[%dma_start3A_503, %dma_start3A_504] : memref<10000x64xf32, #tpu.memory_space<vmem_shared>> -> memref<10000x64xf32, #tpu.memory_space<vmem_shared>>
      %dma_start3A_506 = tpu.memref_slice %arg11[%dma_start3A_495] : memref<2x!tpu.dma_semaphore, #tpu.memory_space<semaphore_mem>> -> memref<1x!tpu.dma_semaphore, #tpu.memory_space<semaphore_mem>>
      %dma_start3A_507 = tpu.memref_squeeze %dma_start3A_506 : memref<1x!tpu.dma_semaphore, #tpu.memory_space<semaphore_mem>> -> memref<!tpu.dma_semaphore, #tpu.memory_space<semaphore_mem>>
      tpu.enqueue_indirect_dma source(%dma_start3A_505 : memref<10000x64xf32, #tpu.memory_space<vmem_shared>>) target(%dma_start3A_499 : memref<128x64xf32, #tpu.memory_space<vmem>>) offsets(%dma_start3A_502 : memref<128xi32, #tpu.memory_space<vmem>>) semaphore(%dma_start3A_507 : memref<!tpu.dma_semaphore, #tpu.memory_space<semaphore_mem>>)
      %mul3A_508 = arith.constant 2 : i32
      %mul3A_509 = arith.muli %mul3A_508, %scan3A_333 : i32
      %mul3A_510 = arith.constant 2 : i32
      %mul3A_511 = arith.muli %mul3A_509, %mul3A_510 : i32
      %add3A_512 = arith.constant 0 : i32
      %add3A_513 = arith.addi %mul3A_511, %add3A_512 : i32
      %dma_start3A_514 = arith.constant 0 : i32
      %dma_start3A_515 = arith.constant 0 : i32
      %dma_start3A_516 = arith.constant 0 : i32
      %dma_start3A_517 = arith.constant 0 : i32
      %dma_start3A_518 = tpu.memref_slice %arg8[%dma_start3A_514, %dma_start3A_516, %dma_start3A_517] : memref<4x128x64xf32, #tpu.memory_space<vmem>> -> memref<1x128x64xf32, #tpu.memory_space<vmem>>
      %dma_start3A_519 = tpu.memref_squeeze %dma_start3A_518 : memref<1x128x64xf32, #tpu.memory_space<vmem>> -> memref<128x64xf32, #tpu.memory_space<vmem>>
      %dma_start3A_520 = arith.constant 0 : i32
      %dma_start3A_521 = tpu.memref_slice %arg7[%add3A_513, %dma_start3A_520] : memref<40x128xi32, #tpu.memory_space<vmem>> -> memref<1x128xi32, #tpu.memory_space<vmem>>
      %dma_start3A_522 = tpu.memref_squeeze %dma_start3A_521 : memref<1x128xi32, #tpu.memory_space<vmem>> -> memref<128xi32, #tpu.memory_space<vmem>>
      %dma_start3A_523 = arith.constant 0 : i32
      %dma_start3A_524 = arith.constant 0 : i32
      %dma_start3A_525 = tpu.memref_slice %arg9[%dma_start3A_523, %dma_start3A_524] : memref<10240x64xf32, #tpu.memory_space<vmem_shared>> -> memref<10240x64xf32, #tpu.memory_space<vmem_shared>>
      %dma_start3A_526 = tpu.memref_slice %arg12[%dma_start3A_515] : memref<2x!tpu.dma_semaphore, #tpu.memory_space<semaphore_mem>> -> memref<1x!tpu.dma_semaphore, #tpu.memory_space<semaphore_mem>>
      %dma_start3A_527 = tpu.memref_squeeze %dma_start3A_526 : memref<1x!tpu.dma_semaphore, #tpu.memory_space<semaphore_mem>> -> memref<!tpu.dma_semaphore, #tpu.memory_space<semaphore_mem>>
      tpu.enqueue_indirect_dma source(%dma_start3A_519 : memref<128x64xf32, #tpu.memory_space<vmem>>) target(%dma_start3A_525 : memref<10240x64xf32, #tpu.memory_space<vmem_shared>>) offsets(%dma_start3A_522 : memref<128xi32, #tpu.memory_space<vmem>>) semaphore(%dma_start3A_527 : memref<!tpu.dma_semaphore, #tpu.memory_space<semaphore_mem>>) {add = true}
      %mul3A_528 = arith.constant 2 : i32
      %mul3A_529 = arith.muli %mul3A_509, %mul3A_528 : i32
      %add3A_530 = arith.constant 1 : i32
      %add3A_531 = arith.addi %mul3A_529, %add3A_530 : i32
      %dma_start3A_532 = arith.constant 1 : i32
      %dma_start3A_533 = arith.constant 0 : i32
      %dma_start3A_534 = arith.constant 0 : i32
      %dma_start3A_535 = arith.constant 0 : i32
      %dma_start3A_536 = tpu.memref_slice %arg8[%dma_start3A_532, %dma_start3A_534, %dma_start3A_535] : memref<4x128x64xf32, #tpu.memory_space<vmem>> -> memref<1x128x64xf32, #tpu.memory_space<vmem>>
      %dma_start3A_537 = tpu.memref_squeeze %dma_start3A_536 : memref<1x128x64xf32, #tpu.memory_space<vmem>> -> memref<128x64xf32, #tpu.memory_space<vmem>>
      %dma_start3A_538 = arith.constant 0 : i32
      %dma_start3A_539 = tpu.memref_slice %arg7[%add3A_531, %dma_start3A_538] : memref<40x128xi32, #tpu.memory_space<vmem>> -> memref<1x128xi32, #tpu.memory_space<vmem>>
      %dma_start3A_540 = tpu.memref_squeeze %dma_start3A_539 : memref<1x128xi32, #tpu.memory_space<vmem>> -> memref<128xi32, #tpu.memory_space<vmem>>
      %dma_start3A_541 = arith.constant 0 : i32
      %dma_start3A_542 = arith.constant 0 : i32
      %dma_start3A_543 = tpu.memref_slice %arg9[%dma_start3A_541, %dma_start3A_542] : memref<10240x64xf32, #tpu.memory_space<vmem_shared>> -> memref<10240x64xf32, #tpu.memory_space<vmem_shared>>
      %dma_start3A_544 = tpu.memref_slice %arg12[%dma_start3A_533] : memref<2x!tpu.dma_semaphore, #tpu.memory_space<semaphore_mem>> -> memref<1x!tpu.dma_semaphore, #tpu.memory_space<semaphore_mem>>
      %dma_start3A_545 = tpu.memref_squeeze %dma_start3A_544 : memref<1x!tpu.dma_semaphore, #tpu.memory_space<semaphore_mem>> -> memref<!tpu.dma_semaphore, #tpu.memory_space<semaphore_mem>>
      tpu.enqueue_indirect_dma source(%dma_start3A_537 : memref<128x64xf32, #tpu.memory_space<vmem>>) target(%dma_start3A_543 : memref<10240x64xf32, #tpu.memory_space<vmem_shared>>) offsets(%dma_start3A_540 : memref<128xi32, #tpu.memory_space<vmem>>) semaphore(%dma_start3A_545 : memref<!tpu.dma_semaphore, #tpu.memory_space<semaphore_mem>>) {add = true}
      %mul3A_546 = arith.constant 2 : i32
      %mul3A_547 = arith.muli %mul3A_546, %scan3A_333 : i32
      %add3A_548 = arith.constant 1 : i32
      %add3A_549 = arith.addi %mul3A_547, %add3A_548 : i32
      %mul3A_550 = arith.constant 2 : i32
      %mul3A_551 = arith.muli %add3A_549, %mul3A_550 : i32
      %add3A_552 = arith.constant 0 : i32
      %add3A_553 = arith.addi %mul3A_551, %add3A_552 : i32
      %jit3A_554 = arith.constant 40 : i32
      %eq3A_555 = arith.constant 0 : i32
      %eq3A_556 = arith.cmpi eq, %jit3A_554, %eq3A_555 : i32
      %jit3A_557 = arith.constant 1 : i32
      %select_n3A_558 = arith.select %eq3A_556, %jit3A_557, %jit3A_554 : i32
      %rem3A_559 = arith.remsi %add3A_553, %select_n3A_558 : i32
      %ne3A_560 = arith.constant 0 : i32
      %ne3A_561 = arith.cmpi ne, %rem3A_559, %ne3A_560 : i32
      %lt3A_562 = arith.constant 0 : i32
      %lt3A_563 = arith.cmpi slt, %rem3A_559, %lt3A_562 : i32
      %lt3A_564 = arith.constant 0 : i32
      %lt3A_565 = arith.cmpi slt, %select_n3A_558, %lt3A_564 : i32
      %ne3A_566 = arith.xori %lt3A_563, %lt3A_565 : i1
      %and3A_567 = arith.andi %ne3A_566, %ne3A_561 : i1
      %add3A_568 = arith.addi %rem3A_559, %select_n3A_558 : i32
      %select_n3A_569 = arith.select %and3A_567, %add3A_568, %rem3A_559 : i32
      %dma_wait3A_570 = arith.constant 2 : i32
      %dma_wait3A_571 = arith.constant 1 : i32
      %dma_wait3A_572 = arith.constant 0 : i32
      %dma_wait3A_573 = arith.constant 0 : i32
      %dma_wait3A_574 = tpu.memref_slice %arg8[%dma_wait3A_570, %dma_wait3A_572, %dma_wait3A_573] : memref<4x128x64xf32, #tpu.memory_space<vmem>> -> memref<1x128x64xf32, #tpu.memory_space<vmem>>
      %dma_wait3A_575 = tpu.memref_squeeze %dma_wait3A_574 : memref<1x128x64xf32, #tpu.memory_space<vmem>> -> memref<128x64xf32, #tpu.memory_space<vmem>>
      %dma_wait3A_576 = arith.constant 0 : i32
      %dma_wait3A_577 = tpu.memref_slice %arg6[%select_n3A_569, %dma_wait3A_576] : memref<40x128xi32, #tpu.memory_space<vmem>> -> memref<1x128xi32, #tpu.memory_space<vmem>>
      %dma_wait3A_578 = tpu.memref_squeeze %dma_wait3A_577 : memref<1x128xi32, #tpu.memory_space<vmem>> -> memref<128xi32, #tpu.memory_space<vmem>>
      %dma_wait3A_579 = arith.constant 0 : i32
      %dma_wait3A_580 = arith.constant 0 : i32
      %dma_wait3A_581 = tpu.memref_slice %arg10[%dma_wait3A_579, %dma_wait3A_580] : memref<10000x64xf32, #tpu.memory_space<vmem_shared>> -> memref<10000x64xf32, #tpu.memory_space<vmem_shared>>
      %dma_wait3A_582 = tpu.memref_slice %arg11[%dma_wait3A_571] : memref<2x!tpu.dma_semaphore, #tpu.memory_space<semaphore_mem>> -> memref<1x!tpu.dma_semaphore, #tpu.memory_space<semaphore_mem>>
      %dma_wait3A_583 = tpu.memref_squeeze %dma_wait3A_582 : memref<1x!tpu.dma_semaphore, #tpu.memory_space<semaphore_mem>> -> memref<!tpu.dma_semaphore, #tpu.memory_space<semaphore_mem>>
      tpu.wait_indirect_dma semaphore(%dma_wait3A_583 : memref<!tpu.dma_semaphore, #tpu.memory_space<semaphore_mem>>) src(%dma_wait3A_581 : memref<10000x64xf32, #tpu.memory_space<vmem_shared>>) dst(%dma_wait3A_575 : memref<128x64xf32, #tpu.memory_space<vmem>>)
      %mul3A_584 = arith.constant 2 : i32
      %mul3A_585 = arith.muli %add3A_549, %mul3A_584 : i32
      %add3A_586 = arith.constant 1 : i32
      %add3A_587 = arith.addi %mul3A_585, %add3A_586 : i32
      %jit3A_588 = arith.constant 40 : i32
      %eq3A_589 = arith.constant 0 : i32
      %eq3A_590 = arith.cmpi eq, %jit3A_588, %eq3A_589 : i32
      %jit3A_591 = arith.constant 1 : i32
      %select_n3A_592 = arith.select %eq3A_590, %jit3A_591, %jit3A_588 : i32
      %rem3A_593 = arith.remsi %add3A_587, %select_n3A_592 : i32
      %ne3A_594 = arith.constant 0 : i32
      %ne3A_595 = arith.cmpi ne, %rem3A_593, %ne3A_594 : i32
      %lt3A_596 = arith.constant 0 : i32
      %lt3A_597 = arith.cmpi slt, %rem3A_593, %lt3A_596 : i32
      %lt3A_598 = arith.constant 0 : i32
      %lt3A_599 = arith.cmpi slt, %select_n3A_592, %lt3A_598 : i32
      %ne3A_600 = arith.xori %lt3A_597, %lt3A_599 : i1
      %and3A_601 = arith.andi %ne3A_600, %ne3A_595 : i1
      %add3A_602 = arith.addi %rem3A_593, %select_n3A_592 : i32
      %select_n3A_603 = arith.select %and3A_601, %add3A_602, %rem3A_593 : i32
      %dma_wait3A_604 = arith.constant 3 : i32
      %dma_wait3A_605 = arith.constant 1 : i32
      %dma_wait3A_606 = arith.constant 0 : i32
      %dma_wait3A_607 = arith.constant 0 : i32
      %dma_wait3A_608 = tpu.memref_slice %arg8[%dma_wait3A_604, %dma_wait3A_606, %dma_wait3A_607] : memref<4x128x64xf32, #tpu.memory_space<vmem>> -> memref<1x128x64xf32, #tpu.memory_space<vmem>>
      %dma_wait3A_609 = tpu.memref_squeeze %dma_wait3A_608 : memref<1x128x64xf32, #tpu.memory_space<vmem>> -> memref<128x64xf32, #tpu.memory_space<vmem>>
      %dma_wait3A_610 = arith.constant 0 : i32
      %dma_wait3A_611 = tpu.memref_slice %arg6[%select_n3A_603, %dma_wait3A_610] : memref<40x128xi32, #tpu.memory_space<vmem>> -> memref<1x128xi32, #tpu.memory_space<vmem>>
      %dma_wait3A_612 = tpu.memref_squeeze %dma_wait3A_611 : memref<1x128xi32, #tpu.memory_space<vmem>> -> memref<128xi32, #tpu.memory_space<vmem>>
      %dma_wait3A_613 = arith.constant 0 : i32
      %dma_wait3A_614 = arith.constant 0 : i32
      %dma_wait3A_615 = tpu.memref_slice %arg10[%dma_wait3A_613, %dma_wait3A_614] : memref<10000x64xf32, #tpu.memory_space<vmem_shared>> -> memref<10000x64xf32, #tpu.memory_space<vmem_shared>>
      %dma_wait3A_616 = tpu.memref_slice %arg11[%dma_wait3A_605] : memref<2x!tpu.dma_semaphore, #tpu.memory_space<semaphore_mem>> -> memref<1x!tpu.dma_semaphore, #tpu.memory_space<semaphore_mem>>
      %dma_wait3A_617 = tpu.memref_squeeze %dma_wait3A_616 : memref<1x!tpu.dma_semaphore, #tpu.memory_space<semaphore_mem>> -> memref<!tpu.dma_semaphore, #tpu.memory_space<semaphore_mem>>
      tpu.wait_indirect_dma semaphore(%dma_wait3A_617 : memref<!tpu.dma_semaphore, #tpu.memory_space<semaphore_mem>>) src(%dma_wait3A_615 : memref<10000x64xf32, #tpu.memory_space<vmem_shared>>) dst(%dma_wait3A_609 : memref<128x64xf32, #tpu.memory_space<vmem>>)
      %mul3A_618 = arith.constant 2 : i32
      %mul3A_619 = arith.muli %mul3A_618, %scan3A_333 : i32
      %mul3A_620 = arith.constant 2 : i32
      %mul3A_621 = arith.muli %mul3A_619, %mul3A_620 : i32
      %add3A_622 = arith.constant 0 : i32
      %add3A_623 = arith.addi %mul3A_621, %add3A_622 : i32
      %dma_wait3A_624 = arith.constant 0 : i32
      %dma_wait3A_625 = arith.constant 0 : i32
      %dma_wait3A_626 = arith.constant 0 : i32
      %dma_wait3A_627 = arith.constant 0 : i32
      %dma_wait3A_628 = tpu.memref_slice %arg8[%dma_wait3A_624, %dma_wait3A_626, %dma_wait3A_627] : memref<4x128x64xf32, #tpu.memory_space<vmem>> -> memref<1x128x64xf32, #tpu.memory_space<vmem>>
      %dma_wait3A_629 = tpu.memref_squeeze %dma_wait3A_628 : memref<1x128x64xf32, #tpu.memory_space<vmem>> -> memref<128x64xf32, #tpu.memory_space<vmem>>
      %dma_wait3A_630 = arith.constant 0 : i32
      %dma_wait3A_631 = tpu.memref_slice %arg7[%add3A_623, %dma_wait3A_630] : memref<40x128xi32, #tpu.memory_space<vmem>> -> memref<1x128xi32, #tpu.memory_space<vmem>>
      %dma_wait3A_632 = tpu.memref_squeeze %dma_wait3A_631 : memref<1x128xi32, #tpu.memory_space<vmem>> -> memref<128xi32, #tpu.memory_space<vmem>>
      %dma_wait3A_633 = arith.constant 0 : i32
      %dma_wait3A_634 = arith.constant 0 : i32
      %dma_wait3A_635 = tpu.memref_slice %arg9[%dma_wait3A_633, %dma_wait3A_634] : memref<10240x64xf32, #tpu.memory_space<vmem_shared>> -> memref<10240x64xf32, #tpu.memory_space<vmem_shared>>
      %dma_wait3A_636 = tpu.memref_slice %arg12[%dma_wait3A_625] : memref<2x!tpu.dma_semaphore, #tpu.memory_space<semaphore_mem>> -> memref<1x!tpu.dma_semaphore, #tpu.memory_space<semaphore_mem>>
      %dma_wait3A_637 = tpu.memref_squeeze %dma_wait3A_636 : memref<1x!tpu.dma_semaphore, #tpu.memory_space<semaphore_mem>> -> memref<!tpu.dma_semaphore, #tpu.memory_space<semaphore_mem>>
      tpu.wait_indirect_dma semaphore(%dma_wait3A_637 : memref<!tpu.dma_semaphore, #tpu.memory_space<semaphore_mem>>) src(%dma_wait3A_629 : memref<128x64xf32, #tpu.memory_space<vmem>>) dst(%dma_wait3A_635 : memref<10240x64xf32, #tpu.memory_space<vmem_shared>>)
      %mul3A_638 = arith.constant 2 : i32
      %mul3A_639 = arith.muli %mul3A_619, %mul3A_638 : i32
      %add3A_640 = arith.constant 1 : i32
      %add3A_641 = arith.addi %mul3A_639, %add3A_640 : i32
      %dma_wait3A_642 = arith.constant 1 : i32
      %dma_wait3A_643 = arith.constant 0 : i32
      %dma_wait3A_644 = arith.constant 0 : i32
      %dma_wait3A_645 = arith.constant 0 : i32
      %dma_wait3A_646 = tpu.memref_slice %arg8[%dma_wait3A_642, %dma_wait3A_644, %dma_wait3A_645] : memref<4x128x64xf32, #tpu.memory_space<vmem>> -> memref<1x128x64xf32, #tpu.memory_space<vmem>>
      %dma_wait3A_647 = tpu.memref_squeeze %dma_wait3A_646 : memref<1x128x64xf32, #tpu.memory_space<vmem>> -> memref<128x64xf32, #tpu.memory_space<vmem>>
      %dma_wait3A_648 = arith.constant 0 : i32
      %dma_wait3A_649 = tpu.memref_slice %arg7[%add3A_641, %dma_wait3A_648] : memref<40x128xi32, #tpu.memory_space<vmem>> -> memref<1x128xi32, #tpu.memory_space<vmem>>
      %dma_wait3A_650 = tpu.memref_squeeze %dma_wait3A_649 : memref<1x128xi32, #tpu.memory_space<vmem>> -> memref<128xi32, #tpu.memory_space<vmem>>
      %dma_wait3A_651 = arith.constant 0 : i32
      %dma_wait3A_652 = arith.constant 0 : i32
      %dma_wait3A_653 = tpu.memref_slice %arg9[%dma_wait3A_651, %dma_wait3A_652] : memref<10240x64xf32, #tpu.memory_space<vmem_shared>> -> memref<10240x64xf32, #tpu.memory_space<vmem_shared>>
      %dma_wait3A_654 = tpu.memref_slice %arg12[%dma_wait3A_643] : memref<2x!tpu.dma_semaphore, #tpu.memory_space<semaphore_mem>> -> memref<1x!tpu.dma_semaphore, #tpu.memory_space<semaphore_mem>>
      %dma_wait3A_655 = tpu.memref_squeeze %dma_wait3A_654 : memref<1x!tpu.dma_semaphore, #tpu.memory_space<semaphore_mem>> -> memref<!tpu.dma_semaphore, #tpu.memory_space<semaphore_mem>>
      tpu.wait_indirect_dma semaphore(%dma_wait3A_655 : memref<!tpu.dma_semaphore, #tpu.memory_space<semaphore_mem>>) src(%dma_wait3A_647 : memref<128x64xf32, #tpu.memory_space<vmem>>) dst(%dma_wait3A_653 : memref<10240x64xf32, #tpu.memory_space<vmem_shared>>)
      %mul3A_656 = arith.constant 2 : i32
      %mul3A_657 = arith.muli %mul3A_656, %scan3A_333 : i32
      %add3A_658 = arith.constant 2 : i32
      %add3A_659 = arith.addi %mul3A_657, %add3A_658 : i32
      %mul3A_660 = arith.constant 2 : i32
      %mul3A_661 = arith.muli %add3A_659, %mul3A_660 : i32
      %add3A_662 = arith.constant 0 : i32
      %add3A_663 = arith.addi %mul3A_661, %add3A_662 : i32
      %jit3A_664 = arith.constant 40 : i32
      %eq3A_665 = arith.constant 0 : i32
      %eq3A_666 = arith.cmpi eq, %jit3A_664, %eq3A_665 : i32
      %jit3A_667 = arith.constant 1 : i32
      %select_n3A_668 = arith.select %eq3A_666, %jit3A_667, %jit3A_664 : i32
      %rem3A_669 = arith.remsi %add3A_663, %select_n3A_668 : i32
      %ne3A_670 = arith.constant 0 : i32
      %ne3A_671 = arith.cmpi ne, %rem3A_669, %ne3A_670 : i32
      %lt3A_672 = arith.constant 0 : i32
      %lt3A_673 = arith.cmpi slt, %rem3A_669, %lt3A_672 : i32
      %lt3A_674 = arith.constant 0 : i32
      %lt3A_675 = arith.cmpi slt, %select_n3A_668, %lt3A_674 : i32
      %ne3A_676 = arith.xori %lt3A_673, %lt3A_675 : i1
      %and3A_677 = arith.andi %ne3A_676, %ne3A_671 : i1
      %add3A_678 = arith.addi %rem3A_669, %select_n3A_668 : i32
      %select_n3A_679 = arith.select %and3A_677, %add3A_678, %rem3A_669 : i32
      %dma_start3A_680 = arith.constant 0 : i32
      %dma_start3A_681 = arith.constant 0 : i32
      %dma_start3A_682 = arith.constant 0 : i32
      %dma_start3A_683 = arith.constant 0 : i32
      %dma_start3A_684 = tpu.memref_slice %arg8[%dma_start3A_680, %dma_start3A_682, %dma_start3A_683] : memref<4x128x64xf32, #tpu.memory_space<vmem>> -> memref<1x128x64xf32, #tpu.memory_space<vmem>>
      %dma_start3A_685 = tpu.memref_squeeze %dma_start3A_684 : memref<1x128x64xf32, #tpu.memory_space<vmem>> -> memref<128x64xf32, #tpu.memory_space<vmem>>
      %dma_start3A_686 = arith.constant 0 : i32
      %dma_start3A_687 = tpu.memref_slice %arg6[%select_n3A_679, %dma_start3A_686] : memref<40x128xi32, #tpu.memory_space<vmem>> -> memref<1x128xi32, #tpu.memory_space<vmem>>
      %dma_start3A_688 = tpu.memref_squeeze %dma_start3A_687 : memref<1x128xi32, #tpu.memory_space<vmem>> -> memref<128xi32, #tpu.memory_space<vmem>>
      %dma_start3A_689 = arith.constant 0 : i32
      %dma_start3A_690 = arith.constant 0 : i32
      %dma_start3A_691 = tpu.memref_slice %arg10[%dma_start3A_689, %dma_start3A_690] : memref<10000x64xf32, #tpu.memory_space<vmem_shared>> -> memref<10000x64xf32, #tpu.memory_space<vmem_shared>>
      %dma_start3A_692 = tpu.memref_slice %arg11[%dma_start3A_681] : memref<2x!tpu.dma_semaphore, #tpu.memory_space<semaphore_mem>> -> memref<1x!tpu.dma_semaphore, #tpu.memory_space<semaphore_mem>>
      %dma_start3A_693 = tpu.memref_squeeze %dma_start3A_692 : memref<1x!tpu.dma_semaphore, #tpu.memory_space<semaphore_mem>> -> memref<!tpu.dma_semaphore, #tpu.memory_space<semaphore_mem>>
      tpu.enqueue_indirect_dma source(%dma_start3A_691 : memref<10000x64xf32, #tpu.memory_space<vmem_shared>>) target(%dma_start3A_685 : memref<128x64xf32, #tpu.memory_space<vmem>>) offsets(%dma_start3A_688 : memref<128xi32, #tpu.memory_space<vmem>>) semaphore(%dma_start3A_693 : memref<!tpu.dma_semaphore, #tpu.memory_space<semaphore_mem>>)
      %mul3A_694 = arith.constant 2 : i32
      %mul3A_695 = arith.muli %add3A_659, %mul3A_694 : i32
      %add3A_696 = arith.constant 1 : i32
      %add3A_697 = arith.addi %mul3A_695, %add3A_696 : i32
      %jit3A_698 = arith.constant 40 : i32
      %eq3A_699 = arith.constant 0 : i32
      %eq3A_700 = arith.cmpi eq, %jit3A_698, %eq3A_699 : i32
      %jit3A_701 = arith.constant 1 : i32
      %select_n3A_702 = arith.select %eq3A_700, %jit3A_701, %jit3A_698 : i32
      %rem3A_703 = arith.remsi %add3A_697, %select_n3A_702 : i32
      %ne3A_704 = arith.constant 0 : i32
      %ne3A_705 = arith.cmpi ne, %rem3A_703, %ne3A_704 : i32
      %lt3A_706 = arith.constant 0 : i32
      %lt3A_707 = arith.cmpi slt, %rem3A_703, %lt3A_706 : i32
      %lt3A_708 = arith.constant 0 : i32
      %lt3A_709 = arith.cmpi slt, %select_n3A_702, %lt3A_708 : i32
      %ne3A_710 = arith.xori %lt3A_707, %lt3A_709 : i1
      %and3A_711 = arith.andi %ne3A_710, %ne3A_705 : i1
      %add3A_712 = arith.addi %rem3A_703, %select_n3A_702 : i32
      %select_n3A_713 = arith.select %and3A_711, %add3A_712, %rem3A_703 : i32
      %dma_start3A_714 = arith.constant 1 : i32
      %dma_start3A_715 = arith.constant 0 : i32
      %dma_start3A_716 = arith.constant 0 : i32
      %dma_start3A_717 = arith.constant 0 : i32
      %dma_start3A_718 = tpu.memref_slice %arg8[%dma_start3A_714, %dma_start3A_716, %dma_start3A_717] : memref<4x128x64xf32, #tpu.memory_space<vmem>> -> memref<1x128x64xf32, #tpu.memory_space<vmem>>
      %dma_start3A_719 = tpu.memref_squeeze %dma_start3A_718 : memref<1x128x64xf32, #tpu.memory_space<vmem>> -> memref<128x64xf32, #tpu.memory_space<vmem>>
      %dma_start3A_720 = arith.constant 0 : i32
      %dma_start3A_721 = tpu.memref_slice %arg6[%select_n3A_713, %dma_start3A_720] : memref<40x128xi32, #tpu.memory_space<vmem>> -> memref<1x128xi32, #tpu.memory_space<vmem>>
      %dma_start3A_722 = tpu.memref_squeeze %dma_start3A_721 : memref<1x128xi32, #tpu.memory_space<vmem>> -> memref<128xi32, #tpu.memory_space<vmem>>
      %dma_start3A_723 = arith.constant 0 : i32
      %dma_start3A_724 = arith.constant 0 : i32
      %dma_start3A_725 = tpu.memref_slice %arg10[%dma_start3A_723, %dma_start3A_724] : memref<10000x64xf32, #tpu.memory_space<vmem_shared>> -> memref<10000x64xf32, #tpu.memory_space<vmem_shared>>
      %dma_start3A_726 = tpu.memref_slice %arg11[%dma_start3A_715] : memref<2x!tpu.dma_semaphore, #tpu.memory_space<semaphore_mem>> -> memref<1x!tpu.dma_semaphore, #tpu.memory_space<semaphore_mem>>
      %dma_start3A_727 = tpu.memref_squeeze %dma_start3A_726 : memref<1x!tpu.dma_semaphore, #tpu.memory_space<semaphore_mem>> -> memref<!tpu.dma_semaphore, #tpu.memory_space<semaphore_mem>>
      tpu.enqueue_indirect_dma source(%dma_start3A_725 : memref<10000x64xf32, #tpu.memory_space<vmem_shared>>) target(%dma_start3A_719 : memref<128x64xf32, #tpu.memory_space<vmem>>) offsets(%dma_start3A_722 : memref<128xi32, #tpu.memory_space<vmem>>) semaphore(%dma_start3A_727 : memref<!tpu.dma_semaphore, #tpu.memory_space<semaphore_mem>>)
      %mul3A_728 = arith.constant 2 : i32
      %mul3A_729 = arith.muli %mul3A_728, %scan3A_333 : i32
      %add3A_730 = arith.constant 1 : i32
      %add3A_731 = arith.addi %mul3A_729, %add3A_730 : i32
      %mul3A_732 = arith.constant 2 : i32
      %mul3A_733 = arith.muli %add3A_731, %mul3A_732 : i32
      %add3A_734 = arith.constant 0 : i32
      %add3A_735 = arith.addi %mul3A_733, %add3A_734 : i32
      %dma_start3A_736 = arith.constant 2 : i32
      %dma_start3A_737 = arith.constant 1 : i32
      %dma_start3A_738 = arith.constant 0 : i32
      %dma_start3A_739 = arith.constant 0 : i32
      %dma_start3A_740 = tpu.memref_slice %arg8[%dma_start3A_736, %dma_start3A_738, %dma_start3A_739] : memref<4x128x64xf32, #tpu.memory_space<vmem>> -> memref<1x128x64xf32, #tpu.memory_space<vmem>>
      %dma_start3A_741 = tpu.memref_squeeze %dma_start3A_740 : memref<1x128x64xf32, #tpu.memory_space<vmem>> -> memref<128x64xf32, #tpu.memory_space<vmem>>
      %dma_start3A_742 = arith.constant 0 : i32
      %dma_start3A_743 = tpu.memref_slice %arg7[%add3A_735, %dma_start3A_742] : memref<40x128xi32, #tpu.memory_space<vmem>> -> memref<1x128xi32, #tpu.memory_space<vmem>>
      %dma_start3A_744 = tpu.memref_squeeze %dma_start3A_743 : memref<1x128xi32, #tpu.memory_space<vmem>> -> memref<128xi32, #tpu.memory_space<vmem>>
      %dma_start3A_745 = arith.constant 0 : i32
      %dma_start3A_746 = arith.constant 0 : i32
      %dma_start3A_747 = tpu.memref_slice %arg9[%dma_start3A_745, %dma_start3A_746] : memref<10240x64xf32, #tpu.memory_space<vmem_shared>> -> memref<10240x64xf32, #tpu.memory_space<vmem_shared>>
      %dma_start3A_748 = tpu.memref_slice %arg12[%dma_start3A_737] : memref<2x!tpu.dma_semaphore, #tpu.memory_space<semaphore_mem>> -> memref<1x!tpu.dma_semaphore, #tpu.memory_space<semaphore_mem>>
      %dma_start3A_749 = tpu.memref_squeeze %dma_start3A_748 : memref<1x!tpu.dma_semaphore, #tpu.memory_space<semaphore_mem>> -> memref<!tpu.dma_semaphore, #tpu.memory_space<semaphore_mem>>
      tpu.enqueue_indirect_dma source(%dma_start3A_741 : memref<128x64xf32, #tpu.memory_space<vmem>>) target(%dma_start3A_747 : memref<10240x64xf32, #tpu.memory_space<vmem_shared>>) offsets(%dma_start3A_744 : memref<128xi32, #tpu.memory_space<vmem>>) semaphore(%dma_start3A_749 : memref<!tpu.dma_semaphore, #tpu.memory_space<semaphore_mem>>) {add = true}
      %mul3A_750 = arith.constant 2 : i32
      %mul3A_751 = arith.muli %add3A_731, %mul3A_750 : i32
      %add3A_752 = arith.constant 1 : i32
      %add3A_753 = arith.addi %mul3A_751, %add3A_752 : i32
      %dma_start3A_754 = arith.constant 3 : i32
      %dma_start3A_755 = arith.constant 1 : i32
      %dma_start3A_756 = arith.constant 0 : i32
      %dma_start3A_757 = arith.constant 0 : i32
      %dma_start3A_758 = tpu.memref_slice %arg8[%dma_start3A_754, %dma_start3A_756, %dma_start3A_757] : memref<4x128x64xf32, #tpu.memory_space<vmem>> -> memref<1x128x64xf32, #tpu.memory_space<vmem>>
      %dma_start3A_759 = tpu.memref_squeeze %dma_start3A_758 : memref<1x128x64xf32, #tpu.memory_space<vmem>> -> memref<128x64xf32, #tpu.memory_space<vmem>>
      %dma_start3A_760 = arith.constant 0 : i32
      %dma_start3A_761 = tpu.memref_slice %arg7[%add3A_753, %dma_start3A_760] : memref<40x128xi32, #tpu.memory_space<vmem>> -> memref<1x128xi32, #tpu.memory_space<vmem>>
      %dma_start3A_762 = tpu.memref_squeeze %dma_start3A_761 : memref<1x128xi32, #tpu.memory_space<vmem>> -> memref<128xi32, #tpu.memory_space<vmem>>
      %dma_start3A_763 = arith.constant 0 : i32
      %dma_start3A_764 = arith.constant 0 : i32
      %dma_start3A_765 = tpu.memref_slice %arg9[%dma_start3A_763, %dma_start3A_764] : memref<10240x64xf32, #tpu.memory_space<vmem_shared>> -> memref<10240x64xf32, #tpu.memory_space<vmem_shared>>
      %dma_start3A_766 = tpu.memref_slice %arg12[%dma_start3A_755] : memref<2x!tpu.dma_semaphore, #tpu.memory_space<semaphore_mem>> -> memref<1x!tpu.dma_semaphore, #tpu.memory_space<semaphore_mem>>
      %dma_start3A_767 = tpu.memref_squeeze %dma_start3A_766 : memref<1x!tpu.dma_semaphore, #tpu.memory_space<semaphore_mem>> -> memref<!tpu.dma_semaphore, #tpu.memory_space<semaphore_mem>>
      tpu.enqueue_indirect_dma source(%dma_start3A_759 : memref<128x64xf32, #tpu.memory_space<vmem>>) target(%dma_start3A_765 : memref<10240x64xf32, #tpu.memory_space<vmem_shared>>) offsets(%dma_start3A_762 : memref<128xi32, #tpu.memory_space<vmem>>) semaphore(%dma_start3A_767 : memref<!tpu.dma_semaphore, #tpu.memory_space<semaphore_mem>>) {add = true}
    }
    %scan3A_271 = arith.constant 9 : i32
    %dma_wait3A_272 = arith.constant 0 : i32
    %dma_wait3A_273 = arith.constant 0 : i32
    %dma_wait3A_274 = arith.constant 0 : i32
    %dma_wait3A_275 = arith.constant 0 : i32
    %dma_wait3A_276 = arith.constant 0 : i32
    %dma_wait3A_277 = tpu.memref_slice %arg8[%dma_wait3A_273, %dma_wait3A_275, %dma_wait3A_276] : memref<4x128x64xf32, #tpu.memory_space<vmem>> -> memref<1x128x64xf32, #tpu.memory_space<vmem>>
    %dma_wait3A_278 = tpu.memref_squeeze %dma_wait3A_277 : memref<1x128x64xf32, #tpu.memory_space<vmem>> -> memref<128x64xf32, #tpu.memory_space<vmem>>
    %dma_wait3A_279 = arith.constant 0 : i32
    %dma_wait3A_280 = tpu.memref_slice %arg6[%dma_wait3A_272, %dma_wait3A_279] : memref<40x128xi32, #tpu.memory_space<vmem>> -> memref<1x128xi32, #tpu.memory_space<vmem>>
    %dma_wait3A_281 = tpu.memref_squeeze %dma_wait3A_280 : memref<1x128xi32, #tpu.memory_space<vmem>> -> memref<128xi32, #tpu.memory_space<vmem>>
    %dma_wait3A_282 = arith.constant 0 : i32
    %dma_wait3A_283 = arith.constant 0 : i32
    %dma_wait3A_284 = tpu.memref_slice %arg10[%dma_wait3A_282, %dma_wait3A_283] : memref<10000x64xf32, #tpu.memory_space<vmem_shared>> -> memref<10000x64xf32, #tpu.memory_space<vmem_shared>>
    %dma_wait3A_285 = tpu.memref_slice %arg11[%dma_wait3A_274] : memref<2x!tpu.dma_semaphore, #tpu.memory_space<semaphore_mem>> -> memref<1x!tpu.dma_semaphore, #tpu.memory_space<semaphore_mem>>
    %dma_wait3A_286 = tpu.memref_squeeze %dma_wait3A_285 : memref<1x!tpu.dma_semaphore, #tpu.memory_space<semaphore_mem>> -> memref<!tpu.dma_semaphore, #tpu.memory_space<semaphore_mem>>
    tpu.wait_indirect_dma semaphore(%dma_wait3A_286 : memref<!tpu.dma_semaphore, #tpu.memory_space<semaphore_mem>>) src(%dma_wait3A_284 : memref<10000x64xf32, #tpu.memory_space<vmem_shared>>) dst(%dma_wait3A_278 : memref<128x64xf32, #tpu.memory_space<vmem>>)
    %dma_wait3A_287 = arith.constant 1 : i32
    %dma_wait3A_288 = arith.constant 1 : i32
    %dma_wait3A_289 = arith.constant 0 : i32
    %dma_wait3A_290 = arith.constant 0 : i32
    %dma_wait3A_291 = arith.constant 0 : i32
    %dma_wait3A_292 = tpu.memref_slice %arg8[%dma_wait3A_288, %dma_wait3A_290, %dma_wait3A_291] : memref<4x128x64xf32, #tpu.memory_space<vmem>> -> memref<1x128x64xf32, #tpu.memory_space<vmem>>
    %dma_wait3A_293 = tpu.memref_squeeze %dma_wait3A_292 : memref<1x128x64xf32, #tpu.memory_space<vmem>> -> memref<128x64xf32, #tpu.memory_space<vmem>>
    %dma_wait3A_294 = arith.constant 0 : i32
    %dma_wait3A_295 = tpu.memref_slice %arg6[%dma_wait3A_287, %dma_wait3A_294] : memref<40x128xi32, #tpu.memory_space<vmem>> -> memref<1x128xi32, #tpu.memory_space<vmem>>
    %dma_wait3A_296 = tpu.memref_squeeze %dma_wait3A_295 : memref<1x128xi32, #tpu.memory_space<vmem>> -> memref<128xi32, #tpu.memory_space<vmem>>
    %dma_wait3A_297 = arith.constant 0 : i32
    %dma_wait3A_298 = arith.constant 0 : i32
    %dma_wait3A_299 = tpu.memref_slice %arg10[%dma_wait3A_297, %dma_wait3A_298] : memref<10000x64xf32, #tpu.memory_space<vmem_shared>> -> memref<10000x64xf32, #tpu.memory_space<vmem_shared>>
    %dma_wait3A_300 = tpu.memref_slice %arg11[%dma_wait3A_289] : memref<2x!tpu.dma_semaphore, #tpu.memory_space<semaphore_mem>> -> memref<1x!tpu.dma_semaphore, #tpu.memory_space<semaphore_mem>>
    %dma_wait3A_301 = tpu.memref_squeeze %dma_wait3A_300 : memref<1x!tpu.dma_semaphore, #tpu.memory_space<semaphore_mem>> -> memref<!tpu.dma_semaphore, #tpu.memory_space<semaphore_mem>>
    tpu.wait_indirect_dma semaphore(%dma_wait3A_301 : memref<!tpu.dma_semaphore, #tpu.memory_space<semaphore_mem>>) src(%dma_wait3A_299 : memref<10000x64xf32, #tpu.memory_space<vmem_shared>>) dst(%dma_wait3A_293 : memref<128x64xf32, #tpu.memory_space<vmem>>)
    %dma_wait3A_302 = arith.constant 2 : i32
    %dma_wait3A_303 = arith.constant 38 : i32
    %dma_wait3A_304 = arith.constant 1 : i32
    %dma_wait3A_305 = arith.constant 0 : i32
    %dma_wait3A_306 = arith.constant 0 : i32
    %dma_wait3A_307 = tpu.memref_slice %arg8[%dma_wait3A_302, %dma_wait3A_305, %dma_wait3A_306] : memref<4x128x64xf32, #tpu.memory_space<vmem>> -> memref<1x128x64xf32, #tpu.memory_space<vmem>>
    %dma_wait3A_308 = tpu.memref_squeeze %dma_wait3A_307 : memref<1x128x64xf32, #tpu.memory_space<vmem>> -> memref<128x64xf32, #tpu.memory_space<vmem>>
    %dma_wait3A_309 = arith.constant 0 : i32
    %dma_wait3A_310 = tpu.memref_slice %arg7[%dma_wait3A_303, %dma_wait3A_309] : memref<40x128xi32, #tpu.memory_space<vmem>> -> memref<1x128xi32, #tpu.memory_space<vmem>>
    %dma_wait3A_311 = tpu.memref_squeeze %dma_wait3A_310 : memref<1x128xi32, #tpu.memory_space<vmem>> -> memref<128xi32, #tpu.memory_space<vmem>>
    %dma_wait3A_312 = arith.constant 0 : i32
    %dma_wait3A_313 = arith.constant 0 : i32
    %dma_wait3A_314 = tpu.memref_slice %arg9[%dma_wait3A_312, %dma_wait3A_313] : memref<10240x64xf32, #tpu.memory_space<vmem_shared>> -> memref<10240x64xf32, #tpu.memory_space<vmem_shared>>
    %dma_wait3A_315 = tpu.memref_slice %arg12[%dma_wait3A_304] : memref<2x!tpu.dma_semaphore, #tpu.memory_space<semaphore_mem>> -> memref<1x!tpu.dma_semaphore, #tpu.memory_space<semaphore_mem>>
    %dma_wait3A_316 = tpu.memref_squeeze %dma_wait3A_315 : memref<1x!tpu.dma_semaphore, #tpu.memory_space<semaphore_mem>> -> memref<!tpu.dma_semaphore, #tpu.memory_space<semaphore_mem>>
    tpu.wait_indirect_dma semaphore(%dma_wait3A_316 : memref<!tpu.dma_semaphore, #tpu.memory_space<semaphore_mem>>) src(%dma_wait3A_308 : memref<128x64xf32, #tpu.memory_space<vmem>>) dst(%dma_wait3A_314 : memref<10240x64xf32, #tpu.memory_space<vmem_shared>>)
    %dma_wait3A_317 = arith.constant 3 : i32
    %dma_wait3A_318 = arith.constant 39 : i32
    %dma_wait3A_319 = arith.constant 1 : i32
    %dma_wait3A_320 = arith.constant 0 : i32
    %dma_wait3A_321 = arith.constant 0 : i32
    %dma_wait3A_322 = tpu.memref_slice %arg8[%dma_wait3A_317, %dma_wait3A_320, %dma_wait3A_321] : memref<4x128x64xf32, #tpu.memory_space<vmem>> -> memref<1x128x64xf32, #tpu.memory_space<vmem>>
    %dma_wait3A_323 = tpu.memref_squeeze %dma_wait3A_322 : memref<1x128x64xf32, #tpu.memory_space<vmem>> -> memref<128x64xf32, #tpu.memory_space<vmem>>
    %dma_wait3A_324 = arith.constant 0 : i32
    %dma_wait3A_325 = tpu.memref_slice %arg7[%dma_wait3A_318, %dma_wait3A_324] : memref<40x128xi32, #tpu.memory_space<vmem>> -> memref<1x128xi32, #tpu.memory_space<vmem>>
    %dma_wait3A_326 = tpu.memref_squeeze %dma_wait3A_325 : memref<1x128xi32, #tpu.memory_space<vmem>> -> memref<128xi32, #tpu.memory_space<vmem>>
    %dma_wait3A_327 = arith.constant 0 : i32
    %dma_wait3A_328 = arith.constant 0 : i32
    %dma_wait3A_329 = tpu.memref_slice %arg9[%dma_wait3A_327, %dma_wait3A_328] : memref<10240x64xf32, #tpu.memory_space<vmem_shared>> -> memref<10240x64xf32, #tpu.memory_space<vmem_shared>>
    %dma_wait3A_330 = tpu.memref_slice %arg12[%dma_wait3A_319] : memref<2x!tpu.dma_semaphore, #tpu.memory_space<semaphore_mem>> -> memref<1x!tpu.dma_semaphore, #tpu.memory_space<semaphore_mem>>
    %dma_wait3A_331 = tpu.memref_squeeze %dma_wait3A_330 : memref<1x!tpu.dma_semaphore, #tpu.memory_space<semaphore_mem>> -> memref<!tpu.dma_semaphore, #tpu.memory_space<semaphore_mem>>
    tpu.wait_indirect_dma semaphore(%dma_wait3A_331 : memref<!tpu.dma_semaphore, #tpu.memory_space<semaphore_mem>>) src(%dma_wait3A_323 : memref<128x64xf32, #tpu.memory_space<vmem>>) dst(%dma_wait3A_329 : memref<10240x64xf32, #tpu.memory_space<vmem_shared>>)
    %barrier3A_332 = arith.constant 0 : index
    tpu.barrier barrier_id(%barrier3A_332)
    "tpu.region"() ({
      %run_scoped3A_333 = tpu.sem_alloc : memref<!tpu.dma_semaphore, #tpu.memory_space<semaphore_mem>>
      %dma_start3A_334 = arith.constant 0 : i32
      %dma_start3A_335 = tpu.memref_slice %arg5[%arg0, %mul3A_13, %dma_start3A_334] : memref<2x10240x64xf32, #tpu.memory_space<hbm>> -> memref<1x640x64xf32, #tpu.memory_space<hbm>>
      %dma_start3A_336 = tpu.memref_squeeze %dma_start3A_335 : memref<1x640x64xf32, #tpu.memory_space<hbm>> -> memref<640x64xf32, #tpu.memory_space<hbm>>
      %dma_start3A_337 = arith.constant 0 : i32
      %dma_start3A_338 = tpu.memref_slice %arg9[%mul3A_13, %dma_start3A_337] : memref<10240x64xf32, #tpu.memory_space<vmem_shared>> -> memref<640x64xf32, #tpu.memory_space<vmem_shared>>
      tpu.enqueue_dma source(%dma_start3A_338 : memref<640x64xf32, #tpu.memory_space<vmem_shared>>) target(%dma_start3A_336 : memref<640x64xf32, #tpu.memory_space<hbm>>) target_semaphore(%run_scoped3A_333 : memref<!tpu.dma_semaphore, #tpu.memory_space<semaphore_mem>>)
      %dma_wait3A_339 = arith.constant 0 : i32
      %dma_wait3A_340 = tpu.memref_slice %arg5[%arg0, %mul3A_13, %dma_wait3A_339] : memref<2x10240x64xf32, #tpu.memory_space<hbm>> -> memref<1x640x64xf32, #tpu.memory_space<hbm>>
      %dma_wait3A_341 = tpu.memref_squeeze %dma_wait3A_340 : memref<1x640x64xf32, #tpu.memory_space<hbm>> -> memref<640x64xf32, #tpu.memory_space<hbm>>
      %dma_wait3A_342 = arith.constant 0 : i32
      %dma_wait3A_343 = tpu.memref_slice %arg9[%mul3A_13, %dma_wait3A_342] : memref<10240x64xf32, #tpu.memory_space<vmem_shared>> -> memref<640x64xf32, #tpu.memory_space<vmem_shared>>
      tpu.wait_dma2 semaphore(%run_scoped3A_333 : memref<!tpu.dma_semaphore, #tpu.memory_space<semaphore_mem>>) src(%dma_wait3A_343 : memref<640x64xf32, #tpu.memory_space<vmem_shared>>) dst(%dma_wait3A_341 : memref<640x64xf32, #tpu.memory_space<hbm>>)
      tpu.yield
    }) : () -> ()
    return
  }
}

#map = affine_map<(d0, d1) -> (0, 0)>
#map1 = affine_map<(d0, d1) -> (0, 0, 0)>
module attributes {stable_mosaic.version = 14 : i64} {
  func.func @body(%arg0: i32, %arg1: i32, %arg2: memref<1280x128xi32, #tpu.memory_space<hbm>>, %arg3: memref<2x10240x16xf32, #tpu.memory_space<hbm>>, %arg4: memref<40x128xi32, #tpu.memory_space<vmem>>, %arg5: memref<4x128x16xf32, #tpu.memory_space<vmem>>, %arg6: memref<10240x16xf32, #tpu.memory_space<vmem_shared>>, %arg7: memref<2x!tpu.dma_semaphore, #tpu.memory_space<semaphore_mem>>, %arg8: memref<2x!tpu.dma_semaphore, #tpu.memory_space<semaphore_mem>>) attributes {dimension_semantics = [#tpu.dimension_semantics<core_parallel>, #tpu.dimension_semantics<subcore_parallel>], iteration_bounds = array<i64: 2, 16>, scalar_prefetch = 0 : i64, scratch_operands = 5 : i64, tpu.core_type = #tpu.core_type<sc_vector_subcore>, window_params = [{transform_indices = #map}, {transform_indices = #map1}]} {
    %mul3A = arith.constant 16 : i32
    %mul3A_0 = arith.muli %arg0, %mul3A : i32
    %add3A = arith.addi %mul3A_0, %arg1 : i32
    %mul3A_1 = arith.constant 40 : i32
    %mul3A_2 = arith.muli %add3A, %mul3A_1 : i32
    "tpu.region"() ({
      %run_scoped3A_37 = tpu.sem_alloc : memref<!tpu.dma_semaphore, #tpu.memory_space<semaphore_mem>>
      %dma_start3A = arith.constant 0 : i32
      %dma_start3A_38 = tpu.memref_slice %arg2[%mul3A_2, %dma_start3A] : memref<1280x128xi32, #tpu.memory_space<hbm>> -> memref<40x128xi32, #tpu.memory_space<hbm>>
      %dma_start3A_39 = arith.constant 0 : i32
      %dma_start3A_40 = tpu.memref_slice %arg2[%mul3A_2, %dma_start3A_39] : memref<1280x128xi32, #tpu.memory_space<hbm>> -> memref<40x128xi32, #tpu.memory_space<hbm>>
      tpu.enqueue_dma source(%dma_start3A_40 : memref<40x128xi32, #tpu.memory_space<hbm>>) target(%arg4 : memref<40x128xi32, #tpu.memory_space<vmem>>) target_semaphore(%run_scoped3A_37 : memref<!tpu.dma_semaphore, #tpu.memory_space<semaphore_mem>>)
      %dma_wait3A = arith.constant 0 : i32
      %dma_wait3A_41 = tpu.memref_slice %arg2[%mul3A_2, %dma_wait3A] : memref<1280x128xi32, #tpu.memory_space<hbm>> -> memref<40x128xi32, #tpu.memory_space<hbm>>
      %dma_wait3A_42 = arith.constant 0 : i32
      %dma_wait3A_43 = tpu.memref_slice %arg2[%mul3A_2, %dma_wait3A_42] : memref<1280x128xi32, #tpu.memory_space<hbm>> -> memref<40x128xi32, #tpu.memory_space<hbm>>
      tpu.wait_dma2 semaphore(%run_scoped3A_37 : memref<!tpu.dma_semaphore, #tpu.memory_space<semaphore_mem>>) src(%dma_wait3A_43 : memref<40x128xi32, #tpu.memory_space<hbm>>) dst(%arg4 : memref<40x128xi32, #tpu.memory_space<vmem>>)
      tpu.yield
    }) : () -> ()
    %scan3A = arith.constant 0 : i32
    %scan3A_3 = arith.constant 0 : i32
    %scan3A_4 = arith.constant 128 : i32
    %scan3A_5 = arith.addi %scan3A_3, %scan3A_4 : i32
    %scan3A_6 = arith.constant 1 : i32
    scf.for %scan3A_37 = %scan3A_3 to %scan3A_5 step %scan3A_6  : i32 {
      %broadcast_in_dim3A = arith.constant 0.000000e+00 : f32
      %broadcast_in_dim3A_38 = vector.broadcast %broadcast_in_dim3A : f32 to vector<16xf32>
      %swap3A = arith.constant 0 : i32
      %swap3A_39 = arith.index_cast %swap3A : i32 to index
      %swap3A_40 = arith.index_cast %scan3A_37 : i32 to index
      %swap3A_41 = arith.constant 0 : index
      %swap3A_42 = tpu.vector_load %arg5[%swap3A_39, %swap3A_40, %swap3A_41] {strides = array<i32>} : memref<4x128x16xf32, #tpu.memory_space<vmem>>, vector<1x1x16xf32>,
      %swap3A_43 = vector.shape_cast %swap3A_42 : vector<1x1x16xf32> to vector<16xf32>
      %swap3A_44 = vector.shape_cast %broadcast_in_dim3A_38 : vector<16xf32> to vector<1x1x16xf32>
      tpu.vector_store %arg5[%swap3A_39, %swap3A_40, %swap3A_41], %swap3A_44 {strides = array<i32>} : memref<4x128x16xf32, #tpu.memory_space<vmem>>, vector<1x1x16xf32>,
    }
    %scan3A_7 = arith.constant 128 : i32
    %mul3A_8 = arith.constant 640 : i32
    %mul3A_9 = arith.muli %arg1, %mul3A_8 : i32
    %add3A_10 = arith.constant 0 : i32
    %add3A_11 = arith.addi %mul3A_9, %add3A_10 : i32
    %run_scoped3A = arith.constant 0 : i32
    "tpu.region"() ({
      %run_scoped3A_37 = tpu.sem_alloc : memref<!tpu.dma_semaphore, #tpu.memory_space<semaphore_mem>>
      %dma_start3A = arith.constant 0 : i32
      %dma_start3A_38 = arith.constant 0 : i32
      %dma_start3A_39 = tpu.memref_slice %arg5[%run_scoped3A, %dma_start3A, %dma_start3A_38] : memref<4x128x16xf32, #tpu.memory_space<vmem>> -> memref<1x128x16xf32, #tpu.memory_space<vmem>>
      %dma_start3A_40 = tpu.memref_squeeze %dma_start3A_39 : memref<1x128x16xf32, #tpu.memory_space<vmem>> -> memref<128x16xf32, #tpu.memory_space<vmem>>
      %dma_start3A_41 = arith.constant 0 : i32
      %dma_start3A_42 = tpu.memref_slice %arg6[%add3A_11, %dma_start3A_41] : memref<10240x16xf32, #tpu.memory_space<vmem_shared>> -> memref<128x16xf32, #tpu.memory_space<vmem_shared>>
      %dma_start3A_43 = arith.constant 0 : i32
      %dma_start3A_44 = tpu.memref_slice %arg6[%add3A_11, %dma_start3A_43] : memref<10240x16xf32, #tpu.memory_space<vmem_shared>> -> memref<128x16xf32, #tpu.memory_space<vmem_shared>>
      %dma_start3A_45 = arith.constant 0 : i32
      %dma_start3A_46 = arith.constant 0 : i32
      %dma_start3A_47 = tpu.memref_slice %arg5[%run_scoped3A, %dma_start3A_45, %dma_start3A_46] : memref<4x128x16xf32, #tpu.memory_space<vmem>> -> memref<1x128x16xf32, #tpu.memory_space<vmem>>
      %dma_start3A_48 = tpu.memref_squeeze %dma_start3A_47 : memref<1x128x16xf32, #tpu.memory_space<vmem>> -> memref<128x16xf32, #tpu.memory_space<vmem>>
      tpu.enqueue_dma source(%dma_start3A_48 : memref<128x16xf32, #tpu.memory_space<vmem>>) target(%dma_start3A_44 : memref<128x16xf32, #tpu.memory_space<vmem_shared>>) target_semaphore(%run_scoped3A_37 : memref<!tpu.dma_semaphore, #tpu.memory_space<semaphore_mem>>)
      %dma_wait3A = arith.constant 0 : i32
      %dma_wait3A_49 = arith.constant 0 : i32
      %dma_wait3A_50 = tpu.memref_slice %arg5[%run_scoped3A, %dma_wait3A, %dma_wait3A_49] : memref<4x128x16xf32, #tpu.memory_space<vmem>> -> memref<1x128x16xf32, #tpu.memory_space<vmem>>
      %dma_wait3A_51 = tpu.memref_squeeze %dma_wait3A_50 : memref<1x128x16xf32, #tpu.memory_space<vmem>> -> memref<128x16xf32, #tpu.memory_space<vmem>>
      %dma_wait3A_52 = arith.constant 0 : i32
      %dma_wait3A_53 = tpu.memref_slice %arg6[%add3A_11, %dma_wait3A_52] : memref<10240x16xf32, #tpu.memory_space<vmem_shared>> -> memref<128x16xf32, #tpu.memory_space<vmem_shared>>
      %dma_wait3A_54 = arith.constant 0 : i32
      %dma_wait3A_55 = tpu.memref_slice %arg6[%add3A_11, %dma_wait3A_54] : memref<10240x16xf32, #tpu.memory_space<vmem_shared>> -> memref<128x16xf32, #tpu.memory_space<vmem_shared>>
      %dma_wait3A_56 = arith.constant 0 : i32
      %dma_wait3A_57 = arith.constant 0 : i32
      %dma_wait3A_58 = tpu.memref_slice %arg5[%run_scoped3A, %dma_wait3A_56, %dma_wait3A_57] : memref<4x128x16xf32, #tpu.memory_space<vmem>> -> memref<1x128x16xf32, #tpu.memory_space<vmem>>
      %dma_wait3A_59 = tpu.memref_squeeze %dma_wait3A_58 : memref<1x128x16xf32, #tpu.memory_space<vmem>> -> memref<128x16xf32, #tpu.memory_space<vmem>>
      tpu.wait_dma2 semaphore(%run_scoped3A_37 : memref<!tpu.dma_semaphore, #tpu.memory_space<semaphore_mem>>) src(%dma_wait3A_59 : memref<128x16xf32, #tpu.memory_space<vmem>>) dst(%dma_wait3A_55 : memref<128x16xf32, #tpu.memory_space<vmem_shared>>)
      tpu.yield
    }) : () -> ()
    %add3A_12 = arith.constant 128 : i32
    %add3A_13 = arith.addi %mul3A_9, %add3A_12 : i32
    %run_scoped3A_14 = arith.constant 0 : i32
    "tpu.region"() ({
      %run_scoped3A_37 = tpu.sem_alloc : memref<!tpu.dma_semaphore, #tpu.memory_space<semaphore_mem>>
      %dma_start3A = arith.constant 0 : i32
      %dma_start3A_38 = arith.constant 0 : i32
      %dma_start3A_39 = tpu.memref_slice %arg5[%run_scoped3A_14, %dma_start3A, %dma_start3A_38] : memref<4x128x16xf32, #tpu.memory_space<vmem>> -> memref<1x128x16xf32, #tpu.memory_space<vmem>>
      %dma_start3A_40 = tpu.memref_squeeze %dma_start3A_39 : memref<1x128x16xf32, #tpu.memory_space<vmem>> -> memref<128x16xf32, #tpu.memory_space<vmem>>
      %dma_start3A_41 = arith.constant 0 : i32
      %dma_start3A_42 = tpu.memref_slice %arg6[%add3A_13, %dma_start3A_41] : memref<10240x16xf32, #tpu.memory_space<vmem_shared>> -> memref<128x16xf32, #tpu.memory_space<vmem_shared>>
      %dma_start3A_43 = arith.constant 0 : i32
      %dma_start3A_44 = tpu.memref_slice %arg6[%add3A_13, %dma_start3A_43] : memref<10240x16xf32, #tpu.memory_space<vmem_shared>> -> memref<128x16xf32, #tpu.memory_space<vmem_shared>>
      %dma_start3A_45 = arith.constant 0 : i32
      %dma_start3A_46 = arith.constant 0 : i32
      %dma_start3A_47 = tpu.memref_slice %arg5[%run_scoped3A_14, %dma_start3A_45, %dma_start3A_46] : memref<4x128x16xf32, #tpu.memory_space<vmem>> -> memref<1x128x16xf32, #tpu.memory_space<vmem>>
      %dma_start3A_48 = tpu.memref_squeeze %dma_start3A_47 : memref<1x128x16xf32, #tpu.memory_space<vmem>> -> memref<128x16xf32, #tpu.memory_space<vmem>>
      tpu.enqueue_dma source(%dma_start3A_48 : memref<128x16xf32, #tpu.memory_space<vmem>>) target(%dma_start3A_44 : memref<128x16xf32, #tpu.memory_space<vmem_shared>>) target_semaphore(%run_scoped3A_37 : memref<!tpu.dma_semaphore, #tpu.memory_space<semaphore_mem>>)
      %dma_wait3A = arith.constant 0 : i32
      %dma_wait3A_49 = arith.constant 0 : i32
      %dma_wait3A_50 = tpu.memref_slice %arg5[%run_scoped3A_14, %dma_wait3A, %dma_wait3A_49] : memref<4x128x16xf32, #tpu.memory_space<vmem>> -> memref<1x128x16xf32, #tpu.memory_space<vmem>>
      %dma_wait3A_51 = tpu.memref_squeeze %dma_wait3A_50 : memref<1x128x16xf32, #tpu.memory_space<vmem>> -> memref<128x16xf32, #tpu.memory_space<vmem>>
      %dma_wait3A_52 = arith.constant 0 : i32
      %dma_wait3A_53 = tpu.memref_slice %arg6[%add3A_13, %dma_wait3A_52] : memref<10240x16xf32, #tpu.memory_space<vmem_shared>> -> memref<128x16xf32, #tpu.memory_space<vmem_shared>>
      %dma_wait3A_54 = arith.constant 0 : i32
      %dma_wait3A_55 = tpu.memref_slice %arg6[%add3A_13, %dma_wait3A_54] : memref<10240x16xf32, #tpu.memory_space<vmem_shared>> -> memref<128x16xf32, #tpu.memory_space<vmem_shared>>
      %dma_wait3A_56 = arith.constant 0 : i32
      %dma_wait3A_57 = arith.constant 0 : i32
      %dma_wait3A_58 = tpu.memref_slice %arg5[%run_scoped3A_14, %dma_wait3A_56, %dma_wait3A_57] : memref<4x128x16xf32, #tpu.memory_space<vmem>> -> memref<1x128x16xf32, #tpu.memory_space<vmem>>
      %dma_wait3A_59 = tpu.memref_squeeze %dma_wait3A_58 : memref<1x128x16xf32, #tpu.memory_space<vmem>> -> memref<128x16xf32, #tpu.memory_space<vmem>>
      tpu.wait_dma2 semaphore(%run_scoped3A_37 : memref<!tpu.dma_semaphore, #tpu.memory_space<semaphore_mem>>) src(%dma_wait3A_59 : memref<128x16xf32, #tpu.memory_space<vmem>>) dst(%dma_wait3A_55 : memref<128x16xf32, #tpu.memory_space<vmem_shared>>)
      tpu.yield
    }) : () -> ()
    %add3A_15 = arith.constant 256 : i32
    %add3A_16 = arith.addi %mul3A_9, %add3A_15 : i32
    %run_scoped3A_17 = arith.constant 0 : i32
    "tpu.region"() ({
      %run_scoped3A_37 = tpu.sem_alloc : memref<!tpu.dma_semaphore, #tpu.memory_space<semaphore_mem>>
      %dma_start3A = arith.constant 0 : i32
      %dma_start3A_38 = arith.constant 0 : i32
      %dma_start3A_39 = tpu.memref_slice %arg5[%run_scoped3A_17, %dma_start3A, %dma_start3A_38] : memref<4x128x16xf32, #tpu.memory_space<vmem>> -> memref<1x128x16xf32, #tpu.memory_space<vmem>>
      %dma_start3A_40 = tpu.memref_squeeze %dma_start3A_39 : memref<1x128x16xf32, #tpu.memory_space<vmem>> -> memref<128x16xf32, #tpu.memory_space<vmem>>
      %dma_start3A_41 = arith.constant 0 : i32
      %dma_start3A_42 = tpu.memref_slice %arg6[%add3A_16, %dma_start3A_41] : memref<10240x16xf32, #tpu.memory_space<vmem_shared>> -> memref<128x16xf32, #tpu.memory_space<vmem_shared>>
      %dma_start3A_43 = arith.constant 0 : i32
      %dma_start3A_44 = tpu.memref_slice %arg6[%add3A_16, %dma_start3A_43] : memref<10240x16xf32, #tpu.memory_space<vmem_shared>> -> memref<128x16xf32, #tpu.memory_space<vmem_shared>>
      %dma_start3A_45 = arith.constant 0 : i32
      %dma_start3A_46 = arith.constant 0 : i32
      %dma_start3A_47 = tpu.memref_slice %arg5[%run_scoped3A_17, %dma_start3A_45, %dma_start3A_46] : memref<4x128x16xf32, #tpu.memory_space<vmem>> -> memref<1x128x16xf32, #tpu.memory_space<vmem>>
      %dma_start3A_48 = tpu.memref_squeeze %dma_start3A_47 : memref<1x128x16xf32, #tpu.memory_space<vmem>> -> memref<128x16xf32, #tpu.memory_space<vmem>>
      tpu.enqueue_dma source(%dma_start3A_48 : memref<128x16xf32, #tpu.memory_space<vmem>>) target(%dma_start3A_44 : memref<128x16xf32, #tpu.memory_space<vmem_shared>>) target_semaphore(%run_scoped3A_37 : memref<!tpu.dma_semaphore, #tpu.memory_space<semaphore_mem>>)
      %dma_wait3A = arith.constant 0 : i32
      %dma_wait3A_49 = arith.constant 0 : i32
      %dma_wait3A_50 = tpu.memref_slice %arg5[%run_scoped3A_17, %dma_wait3A, %dma_wait3A_49] : memref<4x128x16xf32, #tpu.memory_space<vmem>> -> memref<1x128x16xf32, #tpu.memory_space<vmem>>
      %dma_wait3A_51 = tpu.memref_squeeze %dma_wait3A_50 : memref<1x128x16xf32, #tpu.memory_space<vmem>> -> memref<128x16xf32, #tpu.memory_space<vmem>>
      %dma_wait3A_52 = arith.constant 0 : i32
      %dma_wait3A_53 = tpu.memref_slice %arg6[%add3A_16, %dma_wait3A_52] : memref<10240x16xf32, #tpu.memory_space<vmem_shared>> -> memref<128x16xf32, #tpu.memory_space<vmem_shared>>
      %dma_wait3A_54 = arith.constant 0 : i32
      %dma_wait3A_55 = tpu.memref_slice %arg6[%add3A_16, %dma_wait3A_54] : memref<10240x16xf32, #tpu.memory_space<vmem_shared>> -> memref<128x16xf32, #tpu.memory_space<vmem_shared>>
      %dma_wait3A_56 = arith.constant 0 : i32
      %dma_wait3A_57 = arith.constant 0 : i32
      %dma_wait3A_58 = tpu.memref_slice %arg5[%run_scoped3A_17, %dma_wait3A_56, %dma_wait3A_57] : memref<4x128x16xf32, #tpu.memory_space<vmem>> -> memref<1x128x16xf32, #tpu.memory_space<vmem>>
      %dma_wait3A_59 = tpu.memref_squeeze %dma_wait3A_58 : memref<1x128x16xf32, #tpu.memory_space<vmem>> -> memref<128x16xf32, #tpu.memory_space<vmem>>
      tpu.wait_dma2 semaphore(%run_scoped3A_37 : memref<!tpu.dma_semaphore, #tpu.memory_space<semaphore_mem>>) src(%dma_wait3A_59 : memref<128x16xf32, #tpu.memory_space<vmem>>) dst(%dma_wait3A_55 : memref<128x16xf32, #tpu.memory_space<vmem_shared>>)
      tpu.yield
    }) : () -> ()
    %add3A_18 = arith.constant 384 : i32
    %add3A_19 = arith.addi %mul3A_9, %add3A_18 : i32
    %run_scoped3A_20 = arith.constant 0 : i32
    "tpu.region"() ({
      %run_scoped3A_37 = tpu.sem_alloc : memref<!tpu.dma_semaphore, #tpu.memory_space<semaphore_mem>>
      %dma_start3A = arith.constant 0 : i32
      %dma_start3A_38 = arith.constant 0 : i32
      %dma_start3A_39 = tpu.memref_slice %arg5[%run_scoped3A_20, %dma_start3A, %dma_start3A_38] : memref<4x128x16xf32, #tpu.memory_space<vmem>> -> memref<1x128x16xf32, #tpu.memory_space<vmem>>
      %dma_start3A_40 = tpu.memref_squeeze %dma_start3A_39 : memref<1x128x16xf32, #tpu.memory_space<vmem>> -> memref<128x16xf32, #tpu.memory_space<vmem>>
      %dma_start3A_41 = arith.constant 0 : i32
      %dma_start3A_42 = tpu.memref_slice %arg6[%add3A_19, %dma_start3A_41] : memref<10240x16xf32, #tpu.memory_space<vmem_shared>> -> memref<128x16xf32, #tpu.memory_space<vmem_shared>>
      %dma_start3A_43 = arith.constant 0 : i32
      %dma_start3A_44 = tpu.memref_slice %arg6[%add3A_19, %dma_start3A_43] : memref<10240x16xf32, #tpu.memory_space<vmem_shared>> -> memref<128x16xf32, #tpu.memory_space<vmem_shared>>
      %dma_start3A_45 = arith.constant 0 : i32
      %dma_start3A_46 = arith.constant 0 : i32
      %dma_start3A_47 = tpu.memref_slice %arg5[%run_scoped3A_20, %dma_start3A_45, %dma_start3A_46] : memref<4x128x16xf32, #tpu.memory_space<vmem>> -> memref<1x128x16xf32, #tpu.memory_space<vmem>>
      %dma_start3A_48 = tpu.memref_squeeze %dma_start3A_47 : memref<1x128x16xf32, #tpu.memory_space<vmem>> -> memref<128x16xf32, #tpu.memory_space<vmem>>
      tpu.enqueue_dma source(%dma_start3A_48 : memref<128x16xf32, #tpu.memory_space<vmem>>) target(%dma_start3A_44 : memref<128x16xf32, #tpu.memory_space<vmem_shared>>) target_semaphore(%run_scoped3A_37 : memref<!tpu.dma_semaphore, #tpu.memory_space<semaphore_mem>>)
      %dma_wait3A = arith.constant 0 : i32
      %dma_wait3A_49 = arith.constant 0 : i32
      %dma_wait3A_50 = tpu.memref_slice %arg5[%run_scoped3A_20, %dma_wait3A, %dma_wait3A_49] : memref<4x128x16xf32, #tpu.memory_space<vmem>> -> memref<1x128x16xf32, #tpu.memory_space<vmem>>
      %dma_wait3A_51 = tpu.memref_squeeze %dma_wait3A_50 : memref<1x128x16xf32, #tpu.memory_space<vmem>> -> memref<128x16xf32, #tpu.memory_space<vmem>>
      %dma_wait3A_52 = arith.constant 0 : i32
      %dma_wait3A_53 = tpu.memref_slice %arg6[%add3A_19, %dma_wait3A_52] : memref<10240x16xf32, #tpu.memory_space<vmem_shared>> -> memref<128x16xf32, #tpu.memory_space<vmem_shared>>
      %dma_wait3A_54 = arith.constant 0 : i32
      %dma_wait3A_55 = tpu.memref_slice %arg6[%add3A_19, %dma_wait3A_54] : memref<10240x16xf32, #tpu.memory_space<vmem_shared>> -> memref<128x16xf32, #tpu.memory_space<vmem_shared>>
      %dma_wait3A_56 = arith.constant 0 : i32
      %dma_wait3A_57 = arith.constant 0 : i32
      %dma_wait3A_58 = tpu.memref_slice %arg5[%run_scoped3A_20, %dma_wait3A_56, %dma_wait3A_57] : memref<4x128x16xf32, #tpu.memory_space<vmem>> -> memref<1x128x16xf32, #tpu.memory_space<vmem>>
      %dma_wait3A_59 = tpu.memref_squeeze %dma_wait3A_58 : memref<1x128x16xf32, #tpu.memory_space<vmem>> -> memref<128x16xf32, #tpu.memory_space<vmem>>
      tpu.wait_dma2 semaphore(%run_scoped3A_37 : memref<!tpu.dma_semaphore, #tpu.memory_space<semaphore_mem>>) src(%dma_wait3A_59 : memref<128x16xf32, #tpu.memory_space<vmem>>) dst(%dma_wait3A_55 : memref<128x16xf32, #tpu.memory_space<vmem_shared>>)
      tpu.yield
    }) : () -> ()
    %add3A_21 = arith.constant 512 : i32
    %add3A_22 = arith.addi %mul3A_9, %add3A_21 : i32
    %run_scoped3A_23 = arith.constant 0 : i32
    "tpu.region"() ({
      %run_scoped3A_37 = tpu.sem_alloc : memref<!tpu.dma_semaphore, #tpu.memory_space<semaphore_mem>>
      %dma_start3A = arith.constant 0 : i32
      %dma_start3A_38 = arith.constant 0 : i32
      %dma_start3A_39 = tpu.memref_slice %arg5[%run_scoped3A_23, %dma_start3A, %dma_start3A_38] : memref<4x128x16xf32, #tpu.memory_space<vmem>> -> memref<1x128x16xf32, #tpu.memory_space<vmem>>
      %dma_start3A_40 = tpu.memref_squeeze %dma_start3A_39 : memref<1x128x16xf32, #tpu.memory_space<vmem>> -> memref<128x16xf32, #tpu.memory_space<vmem>>
      %dma_start3A_41 = arith.constant 0 : i32
      %dma_start3A_42 = tpu.memref_slice %arg6[%add3A_22, %dma_start3A_41] : memref<10240x16xf32, #tpu.memory_space<vmem_shared>> -> memref<128x16xf32, #tpu.memory_space<vmem_shared>>
      %dma_start3A_43 = arith.constant 0 : i32
      %dma_start3A_44 = tpu.memref_slice %arg6[%add3A_22, %dma_start3A_43] : memref<10240x16xf32, #tpu.memory_space<vmem_shared>> -> memref<128x16xf32, #tpu.memory_space<vmem_shared>>
      %dma_start3A_45 = arith.constant 0 : i32
      %dma_start3A_46 = arith.constant 0 : i32
      %dma_start3A_47 = tpu.memref_slice %arg5[%run_scoped3A_23, %dma_start3A_45, %dma_start3A_46] : memref<4x128x16xf32, #tpu.memory_space<vmem>> -> memref<1x128x16xf32, #tpu.memory_space<vmem>>
      %dma_start3A_48 = tpu.memref_squeeze %dma_start3A_47 : memref<1x128x16xf32, #tpu.memory_space<vmem>> -> memref<128x16xf32, #tpu.memory_space<vmem>>
      tpu.enqueue_dma source(%dma_start3A_48 : memref<128x16xf32, #tpu.memory_space<vmem>>) target(%dma_start3A_44 : memref<128x16xf32, #tpu.memory_space<vmem_shared>>) target_semaphore(%run_scoped3A_37 : memref<!tpu.dma_semaphore, #tpu.memory_space<semaphore_mem>>)
      %dma_wait3A = arith.constant 0 : i32
      %dma_wait3A_49 = arith.constant 0 : i32
      %dma_wait3A_50 = tpu.memref_slice %arg5[%run_scoped3A_23, %dma_wait3A, %dma_wait3A_49] : memref<4x128x16xf32, #tpu.memory_space<vmem>> -> memref<1x128x16xf32, #tpu.memory_space<vmem>>
      %dma_wait3A_51 = tpu.memref_squeeze %dma_wait3A_50 : memref<1x128x16xf32, #tpu.memory_space<vmem>> -> memref<128x16xf32, #tpu.memory_space<vmem>>
      %dma_wait3A_52 = arith.constant 0 : i32
      %dma_wait3A_53 = tpu.memref_slice %arg6[%add3A_22, %dma_wait3A_52] : memref<10240x16xf32, #tpu.memory_space<vmem_shared>> -> memref<128x16xf32, #tpu.memory_space<vmem_shared>>
      %dma_wait3A_54 = arith.constant 0 : i32
      %dma_wait3A_55 = tpu.memref_slice %arg6[%add3A_22, %dma_wait3A_54] : memref<10240x16xf32, #tpu.memory_space<vmem_shared>> -> memref<128x16xf32, #tpu.memory_space<vmem_shared>>
      %dma_wait3A_56 = arith.constant 0 : i32
      %dma_wait3A_57 = arith.constant 0 : i32
      %dma_wait3A_58 = tpu.memref_slice %arg5[%run_scoped3A_23, %dma_wait3A_56, %dma_wait3A_57] : memref<4x128x16xf32, #tpu.memory_space<vmem>> -> memref<1x128x16xf32, #tpu.memory_space<vmem>>
      %dma_wait3A_59 = tpu.memref_squeeze %dma_wait3A_58 : memref<1x128x16xf32, #tpu.memory_space<vmem>> -> memref<128x16xf32, #tpu.memory_space<vmem>>
      tpu.wait_dma2 semaphore(%run_scoped3A_37 : memref<!tpu.dma_semaphore, #tpu.memory_space<semaphore_mem>>) src(%dma_wait3A_59 : memref<128x16xf32, #tpu.memory_space<vmem>>) dst(%dma_wait3A_55 : memref<128x16xf32, #tpu.memory_space<vmem_shared>>)
      tpu.yield
    }) : () -> ()
    %scan3A_24 = arith.constant 0 : i32
    %scan3A_25 = arith.constant 0 : i32
    %scan3A_26 = arith.constant 128 : i32
    %scan3A_27 = arith.addi %scan3A_25, %scan3A_26 : i32
    %scan3A_28 = arith.constant 1 : i32
    scf.for %scan3A_37 = %scan3A_25 to %scan3A_27 step %scan3A_28  : i32 {
      %broadcast_in_dim3A = arith.constant 1.000000e+00 : f32
      %broadcast_in_dim3A_38 = vector.broadcast %broadcast_in_dim3A : f32 to vector<16xf32>
      %swap3A = arith.constant 0 : i32
      %swap3A_39 = arith.index_cast %swap3A : i32 to index
      %swap3A_40 = arith.index_cast %scan3A_37 : i32 to index
      %swap3A_41 = arith.constant 0 : index
      %swap3A_42 = tpu.vector_load %arg5[%swap3A_39, %swap3A_40, %swap3A_41] {strides = array<i32>} : memref<4x128x16xf32, #tpu.memory_space<vmem>>, vector<1x1x16xf32>,
      %swap3A_43 = vector.shape_cast %swap3A_42 : vector<1x1x16xf32> to vector<16xf32>
      %swap3A_44 = vector.shape_cast %broadcast_in_dim3A_38 : vector<16xf32> to vector<1x1x16xf32>
      tpu.vector_store %arg5[%swap3A_39, %swap3A_40, %swap3A_41], %swap3A_44 {strides = array<i32>} : memref<4x128x16xf32, #tpu.memory_space<vmem>>, vector<1x1x16xf32>,
      %broadcast_in_dim3A_45 = arith.constant 1.000000e+00 : f32
      %broadcast_in_dim3A_46 = vector.broadcast %broadcast_in_dim3A_45 : f32 to vector<16xf32>
      %swap3A_47 = arith.constant 1 : i32
      %swap3A_48 = arith.index_cast %swap3A_47 : i32 to index
      %swap3A_49 = arith.index_cast %scan3A_37 : i32 to index
      %swap3A_50 = arith.constant 0 : index
      %swap3A_51 = tpu.vector_load %arg5[%swap3A_48, %swap3A_49, %swap3A_50] {strides = array<i32>} : memref<4x128x16xf32, #tpu.memory_space<vmem>>, vector<1x1x16xf32>,
      %swap3A_52 = vector.shape_cast %swap3A_51 : vector<1x1x16xf32> to vector<16xf32>
      %swap3A_53 = vector.shape_cast %broadcast_in_dim3A_46 : vector<16xf32> to vector<1x1x16xf32>
      tpu.vector_store %arg5[%swap3A_48, %swap3A_49, %swap3A_50], %swap3A_53 {strides = array<i32>} : memref<4x128x16xf32, #tpu.memory_space<vmem>>, vector<1x1x16xf32>,
      %broadcast_in_dim3A_54 = arith.constant 1.000000e+00 : f32
      %broadcast_in_dim3A_55 = vector.broadcast %broadcast_in_dim3A_54 : f32 to vector<16xf32>
      %swap3A_56 = arith.constant 2 : i32
      %swap3A_57 = arith.index_cast %swap3A_56 : i32 to index
      %swap3A_58 = arith.index_cast %scan3A_37 : i32 to index
      %swap3A_59 = arith.constant 0 : index
      %swap3A_60 = tpu.vector_load %arg5[%swap3A_57, %swap3A_58, %swap3A_59] {strides = array<i32>} : memref<4x128x16xf32, #tpu.memory_space<vmem>>, vector<1x1x16xf32>,
      %swap3A_61 = vector.shape_cast %swap3A_60 : vector<1x1x16xf32> to vector<16xf32>
      %swap3A_62 = vector.shape_cast %broadcast_in_dim3A_55 : vector<16xf32> to vector<1x1x16xf32>
      tpu.vector_store %arg5[%swap3A_57, %swap3A_58, %swap3A_59], %swap3A_62 {strides = array<i32>} : memref<4x128x16xf32, #tpu.memory_space<vmem>>, vector<1x1x16xf32>,
      %broadcast_in_dim3A_63 = arith.constant 1.000000e+00 : f32
      %broadcast_in_dim3A_64 = vector.broadcast %broadcast_in_dim3A_63 : f32 to vector<16xf32>
      %swap3A_65 = arith.constant 3 : i32
      %swap3A_66 = arith.index_cast %swap3A_65 : i32 to index
      %swap3A_67 = arith.index_cast %scan3A_37 : i32 to index
      %swap3A_68 = arith.constant 0 : index
      %swap3A_69 = tpu.vector_load %arg5[%swap3A_66, %swap3A_67, %swap3A_68] {strides = array<i32>} : memref<4x128x16xf32, #tpu.memory_space<vmem>>, vector<1x1x16xf32>,
      %swap3A_70 = vector.shape_cast %swap3A_69 : vector<1x1x16xf32> to vector<16xf32>
      %swap3A_71 = vector.shape_cast %broadcast_in_dim3A_64 : vector<16xf32> to vector<1x1x16xf32>
      tpu.vector_store %arg5[%swap3A_66, %swap3A_67, %swap3A_68], %swap3A_71 {strides = array<i32>} : memref<4x128x16xf32, #tpu.memory_space<vmem>>, vector<1x1x16xf32>,
    }
    %scan3A_29 = arith.constant 128 : i32
    %barrier3A = arith.constant 0 : index
    tpu.barrier barrier_id(%barrier3A)
    %scan3A_30 = arith.constant 0 : i32
    %scan3A_31 = arith.constant 0 : i32
    %scan3A_32 = arith.constant 10 : i32
    %scan3A_33 = arith.addi %scan3A_31, %scan3A_32 : i32
    %scan3A_34 = arith.constant 1 : i32
    scf.for %scan3A_37 = %scan3A_31 to %scan3A_33 step %scan3A_34  : i32 {
      %mul3A_38 = arith.constant 2 : i32
      %mul3A_39 = arith.muli %mul3A_38, %scan3A_37 : i32
      %mul3A_40 = arith.constant 2 : i32
      %mul3A_41 = arith.muli %mul3A_39, %mul3A_40 : i32
      %add3A_42 = arith.constant 0 : i32
      %add3A_43 = arith.addi %mul3A_41, %add3A_42 : i32
      %dma_start3A = arith.constant 0 : i32
      %dma_start3A_44 = arith.constant 0 : i32
      %dma_start3A_45 = arith.constant 0 : i32
      %dma_start3A_46 = arith.constant 0 : i32
      %dma_start3A_47 = tpu.memref_slice %arg5[%dma_start3A, %dma_start3A_45, %dma_start3A_46] : memref<4x128x16xf32, #tpu.memory_space<vmem>> -> memref<1x128x16xf32, #tpu.memory_space<vmem>>
      %dma_start3A_48 = tpu.memref_squeeze %dma_start3A_47 : memref<1x128x16xf32, #tpu.memory_space<vmem>> -> memref<128x16xf32, #tpu.memory_space<vmem>>
      %dma_start3A_49 = arith.constant 0 : i32
      %dma_start3A_50 = tpu.memref_slice %arg4[%add3A_43, %dma_start3A_49] : memref<40x128xi32, #tpu.memory_space<vmem>> -> memref<1x128xi32, #tpu.memory_space<vmem>>
      %dma_start3A_51 = tpu.memref_squeeze %dma_start3A_50 : memref<1x128xi32, #tpu.memory_space<vmem>> -> memref<128xi32, #tpu.memory_space<vmem>>
      %dma_start3A_52 = arith.constant 0 : i32
      %dma_start3A_53 = arith.constant 0 : i32
      %dma_start3A_54 = tpu.memref_slice %arg6[%dma_start3A_52, %dma_start3A_53] : memref<10240x16xf32, #tpu.memory_space<vmem_shared>> -> memref<10240x16xf32, #tpu.memory_space<vmem_shared>>
      %dma_start3A_55 = tpu.memref_slice %arg8[%dma_start3A_44] : memref<2x!tpu.dma_semaphore, #tpu.memory_space<semaphore_mem>> -> memref<1x!tpu.dma_semaphore, #tpu.memory_space<semaphore_mem>>
      %dma_start3A_56 = tpu.memref_squeeze %dma_start3A_55 : memref<1x!tpu.dma_semaphore, #tpu.memory_space<semaphore_mem>> -> memref<!tpu.dma_semaphore, #tpu.memory_space<semaphore_mem>>
      tpu.enqueue_indirect_dma source(%dma_start3A_48 : memref<128x16xf32, #tpu.memory_space<vmem>>) target(%dma_start3A_54 : memref<10240x16xf32, #tpu.memory_space<vmem_shared>>) offsets(%dma_start3A_51 : memref<128xi32, #tpu.memory_space<vmem>>) semaphore(%dma_start3A_56 : memref<!tpu.dma_semaphore, #tpu.memory_space<semaphore_mem>>) {add = true}
      %mul3A_57 = arith.constant 2 : i32
      %mul3A_58 = arith.muli %mul3A_39, %mul3A_57 : i32
      %add3A_59 = arith.constant 1 : i32
      %add3A_60 = arith.addi %mul3A_58, %add3A_59 : i32
      %dma_start3A_61 = arith.constant 1 : i32
      %dma_start3A_62 = arith.constant 0 : i32
      %dma_start3A_63 = arith.constant 0 : i32
      %dma_start3A_64 = arith.constant 0 : i32
      %dma_start3A_65 = tpu.memref_slice %arg5[%dma_start3A_61, %dma_start3A_63, %dma_start3A_64] : memref<4x128x16xf32, #tpu.memory_space<vmem>> -> memref<1x128x16xf32, #tpu.memory_space<vmem>>
      %dma_start3A_66 = tpu.memref_squeeze %dma_start3A_65 : memref<1x128x16xf32, #tpu.memory_space<vmem>> -> memref<128x16xf32, #tpu.memory_space<vmem>>
      %dma_start3A_67 = arith.constant 0 : i32
      %dma_start3A_68 = tpu.memref_slice %arg4[%add3A_60, %dma_start3A_67] : memref<40x128xi32, #tpu.memory_space<vmem>> -> memref<1x128xi32, #tpu.memory_space<vmem>>
      %dma_start3A_69 = tpu.memref_squeeze %dma_start3A_68 : memref<1x128xi32, #tpu.memory_space<vmem>> -> memref<128xi32, #tpu.memory_space<vmem>>
      %dma_start3A_70 = arith.constant 0 : i32
      %dma_start3A_71 = arith.constant 0 : i32
      %dma_start3A_72 = tpu.memref_slice %arg6[%dma_start3A_70, %dma_start3A_71] : memref<10240x16xf32, #tpu.memory_space<vmem_shared>> -> memref<10240x16xf32, #tpu.memory_space<vmem_shared>>
      %dma_start3A_73 = tpu.memref_slice %arg8[%dma_start3A_62] : memref<2x!tpu.dma_semaphore, #tpu.memory_space<semaphore_mem>> -> memref<1x!tpu.dma_semaphore, #tpu.memory_space<semaphore_mem>>
      %dma_start3A_74 = tpu.memref_squeeze %dma_start3A_73 : memref<1x!tpu.dma_semaphore, #tpu.memory_space<semaphore_mem>> -> memref<!tpu.dma_semaphore, #tpu.memory_space<semaphore_mem>>
      tpu.enqueue_indirect_dma source(%dma_start3A_66 : memref<128x16xf32, #tpu.memory_space<vmem>>) target(%dma_start3A_72 : memref<10240x16xf32, #tpu.memory_space<vmem_shared>>) offsets(%dma_start3A_69 : memref<128xi32, #tpu.memory_space<vmem>>) semaphore(%dma_start3A_74 : memref<!tpu.dma_semaphore, #tpu.memory_space<semaphore_mem>>) {add = true}
      %mul3A_75 = arith.constant 2 : i32
      %mul3A_76 = arith.muli %mul3A_75, %scan3A_37 : i32
      %add3A_77 = arith.constant 1 : i32
      %add3A_78 = arith.addi %mul3A_76, %add3A_77 : i32
      %mul3A_79 = arith.constant 2 : i32
      %mul3A_80 = arith.muli %add3A_78, %mul3A_79 : i32
      %add3A_81 = arith.constant 0 : i32
      %add3A_82 = arith.addi %mul3A_80, %add3A_81 : i32
      %dma_start3A_83 = arith.constant 2 : i32
      %dma_start3A_84 = arith.constant 1 : i32
      %dma_start3A_85 = arith.constant 0 : i32
      %dma_start3A_86 = arith.constant 0 : i32
      %dma_start3A_87 = tpu.memref_slice %arg5[%dma_start3A_83, %dma_start3A_85, %dma_start3A_86] : memref<4x128x16xf32, #tpu.memory_space<vmem>> -> memref<1x128x16xf32, #tpu.memory_space<vmem>>
      %dma_start3A_88 = tpu.memref_squeeze %dma_start3A_87 : memref<1x128x16xf32, #tpu.memory_space<vmem>> -> memref<128x16xf32, #tpu.memory_space<vmem>>
      %dma_start3A_89 = arith.constant 0 : i32
      %dma_start3A_90 = tpu.memref_slice %arg4[%add3A_82, %dma_start3A_89] : memref<40x128xi32, #tpu.memory_space<vmem>> -> memref<1x128xi32, #tpu.memory_space<vmem>>
      %dma_start3A_91 = tpu.memref_squeeze %dma_start3A_90 : memref<1x128xi32, #tpu.memory_space<vmem>> -> memref<128xi32, #tpu.memory_space<vmem>>
      %dma_start3A_92 = arith.constant 0 : i32
      %dma_start3A_93 = arith.constant 0 : i32
      %dma_start3A_94 = tpu.memref_slice %arg6[%dma_start3A_92, %dma_start3A_93] : memref<10240x16xf32, #tpu.memory_space<vmem_shared>> -> memref<10240x16xf32, #tpu.memory_space<vmem_shared>>
      %dma_start3A_95 = tpu.memref_slice %arg8[%dma_start3A_84] : memref<2x!tpu.dma_semaphore, #tpu.memory_space<semaphore_mem>> -> memref<1x!tpu.dma_semaphore, #tpu.memory_space<semaphore_mem>>
      %dma_start3A_96 = tpu.memref_squeeze %dma_start3A_95 : memref<1x!tpu.dma_semaphore, #tpu.memory_space<semaphore_mem>> -> memref<!tpu.dma_semaphore, #tpu.memory_space<semaphore_mem>>
      tpu.enqueue_indirect_dma source(%dma_start3A_88 : memref<128x16xf32, #tpu.memory_space<vmem>>) target(%dma_start3A_94 : memref<10240x16xf32, #tpu.memory_space<vmem_shared>>) offsets(%dma_start3A_91 : memref<128xi32, #tpu.memory_space<vmem>>) semaphore(%dma_start3A_96 : memref<!tpu.dma_semaphore, #tpu.memory_space<semaphore_mem>>) {add = true}
      %mul3A_97 = arith.constant 2 : i32
      %mul3A_98 = arith.muli %add3A_78, %mul3A_97 : i32
      %add3A_99 = arith.constant 1 : i32
      %add3A_100 = arith.addi %mul3A_98, %add3A_99 : i32
      %dma_start3A_101 = arith.constant 3 : i32
      %dma_start3A_102 = arith.constant 1 : i32
      %dma_start3A_103 = arith.constant 0 : i32
      %dma_start3A_104 = arith.constant 0 : i32
      %dma_start3A_105 = tpu.memref_slice %arg5[%dma_start3A_101, %dma_start3A_103, %dma_start3A_104] : memref<4x128x16xf32, #tpu.memory_space<vmem>> -> memref<1x128x16xf32, #tpu.memory_space<vmem>>
      %dma_start3A_106 = tpu.memref_squeeze %dma_start3A_105 : memref<1x128x16xf32, #tpu.memory_space<vmem>> -> memref<128x16xf32, #tpu.memory_space<vmem>>
      %dma_start3A_107 = arith.constant 0 : i32
      %dma_start3A_108 = tpu.memref_slice %arg4[%add3A_100, %dma_start3A_107] : memref<40x128xi32, #tpu.memory_space<vmem>> -> memref<1x128xi32, #tpu.memory_space<vmem>>
      %dma_start3A_109 = tpu.memref_squeeze %dma_start3A_108 : memref<1x128xi32, #tpu.memory_space<vmem>> -> memref<128xi32, #tpu.memory_space<vmem>>
      %dma_start3A_110 = arith.constant 0 : i32
      %dma_start3A_111 = arith.constant 0 : i32
      %dma_start3A_112 = tpu.memref_slice %arg6[%dma_start3A_110, %dma_start3A_111] : memref<10240x16xf32, #tpu.memory_space<vmem_shared>> -> memref<10240x16xf32, #tpu.memory_space<vmem_shared>>
      %dma_start3A_113 = tpu.memref_slice %arg8[%dma_start3A_102] : memref<2x!tpu.dma_semaphore, #tpu.memory_space<semaphore_mem>> -> memref<1x!tpu.dma_semaphore, #tpu.memory_space<semaphore_mem>>
      %dma_start3A_114 = tpu.memref_squeeze %dma_start3A_113 : memref<1x!tpu.dma_semaphore, #tpu.memory_space<semaphore_mem>> -> memref<!tpu.dma_semaphore, #tpu.memory_space<semaphore_mem>>
      tpu.enqueue_indirect_dma source(%dma_start3A_106 : memref<128x16xf32, #tpu.memory_space<vmem>>) target(%dma_start3A_112 : memref<10240x16xf32, #tpu.memory_space<vmem_shared>>) offsets(%dma_start3A_109 : memref<128xi32, #tpu.memory_space<vmem>>) semaphore(%dma_start3A_114 : memref<!tpu.dma_semaphore, #tpu.memory_space<semaphore_mem>>) {add = true}
      %mul3A_115 = arith.constant 2 : i32
      %mul3A_116 = arith.muli %mul3A_115, %scan3A_37 : i32
      %mul3A_117 = arith.constant 2 : i32
      %mul3A_118 = arith.muli %mul3A_116, %mul3A_117 : i32
      %add3A_119 = arith.constant 0 : i32
      %add3A_120 = arith.addi %mul3A_118, %add3A_119 : i32
      %dma_wait3A = arith.constant 0 : i32
      %dma_wait3A_121 = arith.constant 0 : i32
      %dma_wait3A_122 = arith.constant 0 : i32
      %dma_wait3A_123 = arith.constant 0 : i32
      %dma_wait3A_124 = tpu.memref_slice %arg5[%dma_wait3A, %dma_wait3A_122, %dma_wait3A_123] : memref<4x128x16xf32, #tpu.memory_space<vmem>> -> memref<1x128x16xf32, #tpu.memory_space<vmem>>
      %dma_wait3A_125 = tpu.memref_squeeze %dma_wait3A_124 : memref<1x128x16xf32, #tpu.memory_space<vmem>> -> memref<128x16xf32, #tpu.memory_space<vmem>>
      %dma_wait3A_126 = arith.constant 0 : i32
      %dma_wait3A_127 = tpu.memref_slice %arg4[%add3A_120, %dma_wait3A_126] : memref<40x128xi32, #tpu.memory_space<vmem>> -> memref<1x128xi32, #tpu.memory_space<vmem>>
      %dma_wait3A_128 = tpu.memref_squeeze %dma_wait3A_127 : memref<1x128xi32, #tpu.memory_space<vmem>> -> memref<128xi32, #tpu.memory_space<vmem>>
      %dma_wait3A_129 = arith.constant 0 : i32
      %dma_wait3A_130 = arith.constant 0 : i32
      %dma_wait3A_131 = tpu.memref_slice %arg6[%dma_wait3A_129, %dma_wait3A_130] : memref<10240x16xf32, #tpu.memory_space<vmem_shared>> -> memref<10240x16xf32, #tpu.memory_space<vmem_shared>>
      %dma_wait3A_132 = tpu.memref_slice %arg8[%dma_wait3A_121] : memref<2x!tpu.dma_semaphore, #tpu.memory_space<semaphore_mem>> -> memref<1x!tpu.dma_semaphore, #tpu.memory_space<semaphore_mem>>
      %dma_wait3A_133 = tpu.memref_squeeze %dma_wait3A_132 : memref<1x!tpu.dma_semaphore, #tpu.memory_space<semaphore_mem>> -> memref<!tpu.dma_semaphore, #tpu.memory_space<semaphore_mem>>
      tpu.wait_indirect_dma semaphore(%dma_wait3A_133 : memref<!tpu.dma_semaphore, #tpu.memory_space<semaphore_mem>>) src(%dma_wait3A_125 : memref<128x16xf32, #tpu.memory_space<vmem>>) dst(%dma_wait3A_131 : memref<10240x16xf32, #tpu.memory_space<vmem_shared>>)
      %mul3A_134 = arith.constant 2 : i32
      %mul3A_135 = arith.muli %mul3A_116, %mul3A_134 : i32
      %add3A_136 = arith.constant 1 : i32
      %add3A_137 = arith.addi %mul3A_135, %add3A_136 : i32
      %dma_wait3A_138 = arith.constant 1 : i32
      %dma_wait3A_139 = arith.constant 0 : i32
      %dma_wait3A_140 = arith.constant 0 : i32
      %dma_wait3A_141 = arith.constant 0 : i32
      %dma_wait3A_142 = tpu.memref_slice %arg5[%dma_wait3A_138, %dma_wait3A_140, %dma_wait3A_141] : memref<4x128x16xf32, #tpu.memory_space<vmem>> -> memref<1x128x16xf32, #tpu.memory_space<vmem>>
      %dma_wait3A_143 = tpu.memref_squeeze %dma_wait3A_142 : memref<1x128x16xf32, #tpu.memory_space<vmem>> -> memref<128x16xf32, #tpu.memory_space<vmem>>
      %dma_wait3A_144 = arith.constant 0 : i32
      %dma_wait3A_145 = tpu.memref_slice %arg4[%add3A_137, %dma_wait3A_144] : memref<40x128xi32, #tpu.memory_space<vmem>> -> memref<1x128xi32, #tpu.memory_space<vmem>>
      %dma_wait3A_146 = tpu.memref_squeeze %dma_wait3A_145 : memref<1x128xi32, #tpu.memory_space<vmem>> -> memref<128xi32, #tpu.memory_space<vmem>>
      %dma_wait3A_147 = arith.constant 0 : i32
      %dma_wait3A_148 = arith.constant 0 : i32
      %dma_wait3A_149 = tpu.memref_slice %arg6[%dma_wait3A_147, %dma_wait3A_148] : memref<10240x16xf32, #tpu.memory_space<vmem_shared>> -> memref<10240x16xf32, #tpu.memory_space<vmem_shared>>
      %dma_wait3A_150 = tpu.memref_slice %arg8[%dma_wait3A_139] : memref<2x!tpu.dma_semaphore, #tpu.memory_space<semaphore_mem>> -> memref<1x!tpu.dma_semaphore, #tpu.memory_space<semaphore_mem>>
      %dma_wait3A_151 = tpu.memref_squeeze %dma_wait3A_150 : memref<1x!tpu.dma_semaphore, #tpu.memory_space<semaphore_mem>> -> memref<!tpu.dma_semaphore, #tpu.memory_space<semaphore_mem>>
      tpu.wait_indirect_dma semaphore(%dma_wait3A_151 : memref<!tpu.dma_semaphore, #tpu.memory_space<semaphore_mem>>) src(%dma_wait3A_143 : memref<128x16xf32, #tpu.memory_space<vmem>>) dst(%dma_wait3A_149 : memref<10240x16xf32, #tpu.memory_space<vmem_shared>>)
      %mul3A_152 = arith.constant 2 : i32
      %mul3A_153 = arith.muli %mul3A_152, %scan3A_37 : i32
      %add3A_154 = arith.constant 1 : i32
      %add3A_155 = arith.addi %mul3A_153, %add3A_154 : i32
      %mul3A_156 = arith.constant 2 : i32
      %mul3A_157 = arith.muli %add3A_155, %mul3A_156 : i32
      %add3A_158 = arith.constant 0 : i32
      %add3A_159 = arith.addi %mul3A_157, %add3A_158 : i32
      %dma_wait3A_160 = arith.constant 2 : i32
      %dma_wait3A_161 = arith.constant 1 : i32
      %dma_wait3A_162 = arith.constant 0 : i32
      %dma_wait3A_163 = arith.constant 0 : i32
      %dma_wait3A_164 = tpu.memref_slice %arg5[%dma_wait3A_160, %dma_wait3A_162, %dma_wait3A_163] : memref<4x128x16xf32, #tpu.memory_space<vmem>> -> memref<1x128x16xf32, #tpu.memory_space<vmem>>
      %dma_wait3A_165 = tpu.memref_squeeze %dma_wait3A_164 : memref<1x128x16xf32, #tpu.memory_space<vmem>> -> memref<128x16xf32, #tpu.memory_space<vmem>>
      %dma_wait3A_166 = arith.constant 0 : i32
      %dma_wait3A_167 = tpu.memref_slice %arg4[%add3A_159, %dma_wait3A_166] : memref<40x128xi32, #tpu.memory_space<vmem>> -> memref<1x128xi32, #tpu.memory_space<vmem>>
      %dma_wait3A_168 = tpu.memref_squeeze %dma_wait3A_167 : memref<1x128xi32, #tpu.memory_space<vmem>> -> memref<128xi32, #tpu.memory_space<vmem>>
      %dma_wait3A_169 = arith.constant 0 : i32
      %dma_wait3A_170 = arith.constant 0 : i32
      %dma_wait3A_171 = tpu.memref_slice %arg6[%dma_wait3A_169, %dma_wait3A_170] : memref<10240x16xf32, #tpu.memory_space<vmem_shared>> -> memref<10240x16xf32, #tpu.memory_space<vmem_shared>>
      %dma_wait3A_172 = tpu.memref_slice %arg8[%dma_wait3A_161] : memref<2x!tpu.dma_semaphore, #tpu.memory_space<semaphore_mem>> -> memref<1x!tpu.dma_semaphore, #tpu.memory_space<semaphore_mem>>
      %dma_wait3A_173 = tpu.memref_squeeze %dma_wait3A_172 : memref<1x!tpu.dma_semaphore, #tpu.memory_space<semaphore_mem>> -> memref<!tpu.dma_semaphore, #tpu.memory_space<semaphore_mem>>
      tpu.wait_indirect_dma semaphore(%dma_wait3A_173 : memref<!tpu.dma_semaphore, #tpu.memory_space<semaphore_mem>>) src(%dma_wait3A_165 : memref<128x16xf32, #tpu.memory_space<vmem>>) dst(%dma_wait3A_171 : memref<10240x16xf32, #tpu.memory_space<vmem_shared>>)
      %mul3A_174 = arith.constant 2 : i32
      %mul3A_175 = arith.muli %add3A_155, %mul3A_174 : i32
      %add3A_176 = arith.constant 1 : i32
      %add3A_177 = arith.addi %mul3A_175, %add3A_176 : i32
      %dma_wait3A_178 = arith.constant 3 : i32
      %dma_wait3A_179 = arith.constant 1 : i32
      %dma_wait3A_180 = arith.constant 0 : i32
      %dma_wait3A_181 = arith.constant 0 : i32
      %dma_wait3A_182 = tpu.memref_slice %arg5[%dma_wait3A_178, %dma_wait3A_180, %dma_wait3A_181] : memref<4x128x16xf32, #tpu.memory_space<vmem>> -> memref<1x128x16xf32, #tpu.memory_space<vmem>>
      %dma_wait3A_183 = tpu.memref_squeeze %dma_wait3A_182 : memref<1x128x16xf32, #tpu.memory_space<vmem>> -> memref<128x16xf32, #tpu.memory_space<vmem>>
      %dma_wait3A_184 = arith.constant 0 : i32
      %dma_wait3A_185 = tpu.memref_slice %arg4[%add3A_177, %dma_wait3A_184] : memref<40x128xi32, #tpu.memory_space<vmem>> -> memref<1x128xi32, #tpu.memory_space<vmem>>
      %dma_wait3A_186 = tpu.memref_squeeze %dma_wait3A_185 : memref<1x128xi32, #tpu.memory_space<vmem>> -> memref<128xi32, #tpu.memory_space<vmem>>
      %dma_wait3A_187 = arith.constant 0 : i32
      %dma_wait3A_188 = arith.constant 0 : i32
      %dma_wait3A_189 = tpu.memref_slice %arg6[%dma_wait3A_187, %dma_wait3A_188] : memref<10240x16xf32, #tpu.memory_space<vmem_shared>> -> memref<10240x16xf32, #tpu.memory_space<vmem_shared>>
      %dma_wait3A_190 = tpu.memref_slice %arg8[%dma_wait3A_179] : memref<2x!tpu.dma_semaphore, #tpu.memory_space<semaphore_mem>> -> memref<1x!tpu.dma_semaphore, #tpu.memory_space<semaphore_mem>>
      %dma_wait3A_191 = tpu.memref_squeeze %dma_wait3A_190 : memref<1x!tpu.dma_semaphore, #tpu.memory_space<semaphore_mem>> -> memref<!tpu.dma_semaphore, #tpu.memory_space<semaphore_mem>>
      tpu.wait_indirect_dma semaphore(%dma_wait3A_191 : memref<!tpu.dma_semaphore, #tpu.memory_space<semaphore_mem>>) src(%dma_wait3A_183 : memref<128x16xf32, #tpu.memory_space<vmem>>) dst(%dma_wait3A_189 : memref<10240x16xf32, #tpu.memory_space<vmem_shared>>)
    }
    %scan3A_35 = arith.constant 10 : i32
    %barrier3A_36 = arith.constant 0 : index
    tpu.barrier barrier_id(%barrier3A_36)
    "tpu.region"() ({
      %run_scoped3A_37 = tpu.sem_alloc : memref<!tpu.dma_semaphore, #tpu.memory_space<semaphore_mem>>
      %dma_start3A = arith.constant 0 : i32
      %dma_start3A_38 = tpu.memref_slice %arg3[%arg0, %mul3A_9, %dma_start3A] : memref<2x10240x16xf32, #tpu.memory_space<hbm>> -> memref<1x640x16xf32, #tpu.memory_space<hbm>>
      %dma_start3A_39 = tpu.memref_squeeze %dma_start3A_38 : memref<1x640x16xf32, #tpu.memory_space<hbm>> -> memref<640x16xf32, #tpu.memory_space<hbm>>
      %dma_start3A_40 = arith.constant 0 : i32
      %dma_start3A_41 = tpu.memref_slice %arg6[%mul3A_9, %dma_start3A_40] : memref<10240x16xf32, #tpu.memory_space<vmem_shared>> -> memref<640x16xf32, #tpu.memory_space<vmem_shared>>
      tpu.enqueue_dma source(%dma_start3A_41 : memref<640x16xf32, #tpu.memory_space<vmem_shared>>) target(%dma_start3A_39 : memref<640x16xf32, #tpu.memory_space<hbm>>) target_semaphore(%run_scoped3A_37 : memref<!tpu.dma_semaphore, #tpu.memory_space<semaphore_mem>>)
      %dma_wait3A = arith.constant 0 : i32
      %dma_wait3A_42 = tpu.memref_slice %arg3[%arg0, %mul3A_9, %dma_wait3A] : memref<2x10240x16xf32, #tpu.memory_space<hbm>> -> memref<1x640x16xf32, #tpu.memory_space<hbm>>
      %dma_wait3A_43 = tpu.memref_squeeze %dma_wait3A_42 : memref<1x640x16xf32, #tpu.memory_space<hbm>> -> memref<640x16xf32, #tpu.memory_space<hbm>>
      %dma_wait3A_44 = arith.constant 0 : i32
      %dma_wait3A_45 = tpu.memref_slice %arg6[%mul3A_9, %dma_wait3A_44] : memref<10240x16xf32, #tpu.memory_space<vmem_shared>> -> memref<640x16xf32, #tpu.memory_space<vmem_shared>>
      tpu.wait_dma2 semaphore(%run_scoped3A_37 : memref<!tpu.dma_semaphore, #tpu.memory_space<semaphore_mem>>) src(%dma_wait3A_45 : memref<640x16xf32, #tpu.memory_space<vmem_shared>>) dst(%dma_wait3A_43 : memref<640x16xf32, #tpu.memory_space<hbm>>)
      tpu.yield
    }) : () -> ()
    return
  }
}

#map = affine_map<(d0, d1) -> (0, 0)>
#map1 = affine_map<(d0, d1) -> (0, 0, 0)>
module attributes {stable_mosaic.version = 14 : i64} {
  func.func @body(%arg0: i32, %arg1: i32, %arg2: memref<10240x64xf32, #tpu.memory_space<hbm>>, %arg3: memref<1280x128xi32, #tpu.memory_space<hbm>>, %arg4: memref<1280x128xi32, #tpu.memory_space<hbm>>, %arg5: memref<2x10240x64xf32, #tpu.memory_space<hbm>>, %arg6: memref<40x128xi32, #tpu.memory_space<vmem>>, %arg7: memref<40x128xi32, #tpu.memory_space<vmem>>, %arg8: memref<4x128x64xf32, #tpu.memory_space<vmem>>, %arg9: memref<10240x64xf32, #tpu.memory_space<vmem_shared>>, %arg10: memref<10000x64xf32, #tpu.memory_space<vmem_shared>>, %arg11: memref<2x!tpu.dma_semaphore, #tpu.memory_space<semaphore_mem>>, %arg12: memref<2x!tpu.dma_semaphore, #tpu.memory_space<semaphore_mem>>) attributes {dimension_semantics = [#tpu.dimension_semantics<core_parallel>, #tpu.dimension_semantics<subcore_parallel>], iteration_bounds = array<i64: 2, 16>, scalar_prefetch = 0 : i64, scratch_operands = 7 : i64, tpu.core_type = #tpu.core_type<sc_vector_subcore>, window_params = [{transform_indices = #map}, {transform_indices = #map}, {transform_indices = #map}, {transform_indices = #map1}]} {
    %mul3A = arith.constant 16 : i32
    %mul3A_0 = arith.muli %arg0, %mul3A : i32
    %add3A = arith.addi %mul3A_0, %arg1 : i32
    %mul3A_1 = arith.constant 40 : i32
    %mul3A_2 = arith.muli %add3A, %mul3A_1 : i32
    "tpu.region"() ({
      %run_scoped3A_333 = tpu.sem_alloc : memref<!tpu.dma_semaphore, #tpu.memory_space<semaphore_mem>>
      %dma_start3A_334 = arith.constant 0 : i32
      %dma_start3A_335 = tpu.memref_slice %arg3[%mul3A_2, %dma_start3A_334] : memref<1280x128xi32, #tpu.memory_space<hbm>> -> memref<40x128xi32, #tpu.memory_space<hbm>>
      %dma_start3A_336 = arith.constant 0 : i32
      %dma_start3A_337 = tpu.memref_slice %arg3[%mul3A_2, %dma_start3A_336] : memref<1280x128xi32, #tpu.memory_space<hbm>> -> memref<40x128xi32, #tpu.memory_space<hbm>>
      tpu.enqueue_dma source(%dma_start3A_337 : memref<40x128xi32, #tpu.memory_space<hbm>>) target(%arg6 : memref<40x128xi32, #tpu.memory_space<vmem>>) target_semaphore(%run_scoped3A_333 : memref<!tpu.dma_semaphore, #tpu.memory_space<semaphore_mem>>)
      %dma_wait3A_338 = arith.constant 0 : i32
      %dma_wait3A_339 = tpu.memref_slice %arg3[%mul3A_2, %dma_wait3A_338] : memref<1280x128xi32, #tpu.memory_space<hbm>> -> memref<40x128xi32, #tpu.memory_space<hbm>>
      %dma_wait3A_340 = arith.constant 0 : i32
      %dma_wait3A_341 = tpu.memref_slice %arg3[%mul3A_2, %dma_wait3A_340] : memref<1280x128xi32, #tpu.memory_space<hbm>> -> memref<40x128xi32, #tpu.memory_space<hbm>>
      tpu.wait_dma2 semaphore(%run_scoped3A_333 : memref<!tpu.dma_semaphore, #tpu.memory_space<semaphore_mem>>) src(%dma_wait3A_341 : memref<40x128xi32, #tpu.memory_space<hbm>>) dst(%arg6 : memref<40x128xi32, #tpu.memory_space<vmem>>)
      tpu.yield
    }) : () -> ()
    %mul3A_3 = arith.constant 625 : i32
    %mul3A_4 = arith.muli %arg1, %mul3A_3 : i32
    %mul3A_5 = arith.constant 625 : i32
    %mul3A_6 = arith.muli %arg1, %mul3A_5 : i32
    "tpu.region"() ({
      %run_scoped3A_333 = tpu.sem_alloc : memref<!tpu.dma_semaphore, #tpu.memory_space<semaphore_mem>>
      %dma_start3A_334 = arith.constant 0 : i32
      %dma_start3A_335 = tpu.memref_slice %arg10[%mul3A_6, %dma_start3A_334] : memref<10000x64xf32, #tpu.memory_space<vmem_shared>> -> memref<625x64xf32, #tpu.memory_space<vmem_shared>>
      %dma_start3A_336 = arith.constant 0 : i32
      %dma_start3A_337 = tpu.memref_slice %arg2[%mul3A_4, %dma_start3A_336] : memref<10240x64xf32, #tpu.memory_space<hbm>> -> memref<625x64xf32, #tpu.memory_space<hbm>>
      tpu.enqueue_dma source(%dma_start3A_337 : memref<625x64xf32, #tpu.memory_space<hbm>>) target(%dma_start3A_335 : memref<625x64xf32, #tpu.memory_space<vmem_shared>>) target_semaphore(%run_scoped3A_333 : memref<!tpu.dma_semaphore, #tpu.memory_space<semaphore_mem>>)
      %dma_wait3A_338 = arith.constant 0 : i32
      %dma_wait3A_339 = tpu.memref_slice %arg10[%mul3A_6, %dma_wait3A_338] : memref<10000x64xf32, #tpu.memory_space<vmem_shared>> -> memref<625x64xf32, #tpu.memory_space<vmem_shared>>
      %dma_wait3A_340 = arith.constant 0 : i32
      %dma_wait3A_341 = tpu.memref_slice %arg2[%mul3A_4, %dma_wait3A_340] : memref<10240x64xf32, #tpu.memory_space<hbm>> -> memref<625x64xf32, #tpu.memory_space<hbm>>
      tpu.wait_dma2 semaphore(%run_scoped3A_333 : memref<!tpu.dma_semaphore, #tpu.memory_space<semaphore_mem>>) src(%dma_wait3A_341 : memref<625x64xf32, #tpu.memory_space<hbm>>) dst(%dma_wait3A_339 : memref<625x64xf32, #tpu.memory_space<vmem_shared>>)
      tpu.yield
    }) : () -> ()
    "tpu.region"() ({
      %run_scoped3A_333 = tpu.sem_alloc : memref<!tpu.dma_semaphore, #tpu.memory_space<semaphore_mem>>
      %dma_start3A_334 = arith.constant 0 : i32
      %dma_start3A_335 = tpu.memref_slice %arg4[%mul3A_2, %dma_start3A_334] : memref<1280x128xi32, #tpu.memory_space<hbm>> -> memref<40x128xi32, #tpu.memory_space<hbm>>
      %dma_start3A_336 = arith.constant 0 : i32
      %dma_start3A_337 = tpu.memref_slice %arg4[%mul3A_2, %dma_start3A_336] : memref<1280x128xi32, #tpu.memory_space<hbm>> -> memref<40x128xi32, #tpu.memory_space<hbm>>
      tpu.enqueue_dma source(%dma_start3A_337 : memref<40x128xi32, #tpu.memory_space<hbm>>) target(%arg7 : memref<40x128xi32, #tpu.memory_space<vmem>>) target_semaphore(%run_scoped3A_333 : memref<!tpu.dma_semaphore, #tpu.memory_space<semaphore_mem>>)
      %dma_wait3A_338 = arith.constant 0 : i32
      %dma_wait3A_339 = tpu.memref_slice %arg4[%mul3A_2, %dma_wait3A_338] : memref<1280x128xi32, #tpu.memory_space<hbm>> -> memref<40x128xi32, #tpu.memory_space<hbm>>
      %dma_wait3A_340 = arith.constant 0 : i32
      %dma_wait3A_341 = tpu.memref_slice %arg4[%mul3A_2, %dma_wait3A_340] : memref<1280x128xi32, #tpu.memory_space<hbm>> -> memref<40x128xi32, #tpu.memory_space<hbm>>
      tpu.wait_dma2 semaphore(%run_scoped3A_333 : memref<!tpu.dma_semaphore, #tpu.memory_space<semaphore_mem>>) src(%dma_wait3A_341 : memref<40x128xi32, #tpu.memory_space<hbm>>) dst(%arg7 : memref<40x128xi32, #tpu.memory_space<vmem>>)
      tpu.yield
    }) : () -> ()
    %scan3A = arith.constant 0 : i32
    %scan3A_7 = arith.constant 0 : i32
    %scan3A_8 = arith.constant 128 : i32
    %scan3A_9 = arith.addi %scan3A_7, %scan3A_8 : i32
    %scan3A_10 = arith.constant 1 : i32
    scf.for %scan3A_333 = %scan3A_7 to %scan3A_9 step %scan3A_10  : i32 {
      %broadcast_in_dim3A = arith.constant 0.000000e+00 : f32
      %broadcast_in_dim3A_334 = vector.broadcast %broadcast_in_dim3A : f32 to vector<16xf32>
      %swap3A = arith.constant 0 : i32
      %swap3A_335 = arith.index_cast %swap3A : i32 to index
      %swap3A_336 = arith.index_cast %scan3A_333 : i32 to index
      %swap3A_337 = arith.constant 0 : index
      %swap3A_338 = tpu.vector_load %arg8[%swap3A_335, %swap3A_336, %swap3A_337] {strides = array<i32>} : memref<4x128x64xf32, #tpu.memory_space<vmem>>, vector<1x1x16xf32>,
      %swap3A_339 = vector.shape_cast %swap3A_338 : vector<1x1x16xf32> to vector<16xf32>
      %swap3A_340 = vector.shape_cast %broadcast_in_dim3A_334 : vector<16xf32> to vector<1x1x16xf32>
      tpu.vector_store %arg8[%swap3A_335, %swap3A_336, %swap3A_337], %swap3A_340 {strides = array<i32>} : memref<4x128x64xf32, #tpu.memory_space<vmem>>, vector<1x1x16xf32>,
      %broadcast_in_dim3A_341 = arith.constant 0.000000e+00 : f32
      %broadcast_in_dim3A_342 = vector.broadcast %broadcast_in_dim3A_341 : f32 to vector<16xf32>
      %swap3A_343 = arith.constant 0 : i32
      %swap3A_344 = arith.index_cast %swap3A_343 : i32 to index
      %swap3A_345 = arith.index_cast %scan3A_333 : i32 to index
      %swap3A_346 = arith.constant 16 : index
      %swap3A_347 = tpu.vector_load %arg8[%swap3A_344, %swap3A_345, %swap3A_346] {strides = array<i32>} : memref<4x128x64xf32, #tpu.memory_space<vmem>>, vector<1x1x16xf32>,
      %swap3A_348 = vector.shape_cast %swap3A_347 : vector<1x1x16xf32> to vector<16xf32>
      %swap3A_349 = vector.shape_cast %broadcast_in_dim3A_342 : vector<16xf32> to vector<1x1x16xf32>
      tpu.vector_store %arg8[%swap3A_344, %swap3A_345, %swap3A_346], %swap3A_349 {strides = array<i32>} : memref<4x128x64xf32, #tpu.memory_space<vmem>>, vector<1x1x16xf32>,
      %broadcast_in_dim3A_350 = arith.constant 0.000000e+00 : f32
      %broadcast_in_dim3A_351 = vector.broadcast %broadcast_in_dim3A_350 : f32 to vector<16xf32>
      %swap3A_352 = arith.constant 0 : i32
      %swap3A_353 = arith.index_cast %swap3A_352 : i32 to index
      %swap3A_354 = arith.index_cast %scan3A_333 : i32 to index
      %swap3A_355 = arith.constant 32 : index
      %swap3A_356 = tpu.vector_load %arg8[%swap3A_353, %swap3A_354, %swap3A_355] {strides = array<i32>} : memref<4x128x64xf32, #tpu.memory_space<vmem>>, vector<1x1x16xf32>,
      %swap3A_357 = vector.shape_cast %swap3A_356 : vector<1x1x16xf32> to vector<16xf32>
      %swap3A_358 = vector.shape_cast %broadcast_in_dim3A_351 : vector<16xf32> to vector<1x1x16xf32>
      tpu.vector_store %arg8[%swap3A_353, %swap3A_354, %swap3A_355], %swap3A_358 {strides = array<i32>} : memref<4x128x64xf32, #tpu.memory_space<vmem>>, vector<1x1x16xf32>,
      %broadcast_in_dim3A_359 = arith.constant 0.000000e+00 : f32
      %broadcast_in_dim3A_360 = vector.broadcast %broadcast_in_dim3A_359 : f32 to vector<16xf32>
      %swap3A_361 = arith.constant 0 : i32
      %swap3A_362 = arith.index_cast %swap3A_361 : i32 to index
      %swap3A_363 = arith.index_cast %scan3A_333 : i32 to index
      %swap3A_364 = arith.constant 48 : index
      %swap3A_365 = tpu.vector_load %arg8[%swap3A_362, %swap3A_363, %swap3A_364] {strides = array<i32>} : memref<4x128x64xf32, #tpu.memory_space<vmem>>, vector<1x1x16xf32>,
      %swap3A_366 = vector.shape_cast %swap3A_365 : vector<1x1x16xf32> to vector<16xf32>
      %swap3A_367 = vector.shape_cast %broadcast_in_dim3A_360 : vector<16xf32> to vector<1x1x16xf32>
      tpu.vector_store %arg8[%swap3A_362, %swap3A_363, %swap3A_364], %swap3A_367 {strides = array<i32>} : memref<4x128x64xf32, #tpu.memory_space<vmem>>, vector<1x1x16xf32>,
    }
    %scan3A_11 = arith.constant 128 : i32
    %mul3A_12 = arith.constant 640 : i32
    %mul3A_13 = arith.muli %arg1, %mul3A_12 : i32
    %add3A_14 = arith.constant 0 : i32
    %add3A_15 = arith.addi %mul3A_13, %add3A_14 : i32
    %run_scoped3A = arith.constant 0 : i32
    "tpu.region"() ({
      %run_scoped3A_333 = tpu.sem_alloc : memref<!tpu.dma_semaphore, #tpu.memory_space<semaphore_mem>>
      %dma_start3A_334 = arith.constant 0 : i32
      %dma_start3A_335 = arith.constant 0 : i32
      %dma_start3A_336 = tpu.memref_slice %arg8[%run_scoped3A, %dma_start3A_334, %dma_start3A_335] : memref<4x128x64xf32, #tpu.memory_space<vmem>> -> memref<1x128x64xf32, #tpu.memory_space<vmem>>
      %dma_start3A_337 = tpu.memref_squeeze %dma_start3A_336 : memref<1x128x64xf32, #tpu.memory_space<vmem>> -> memref<128x64xf32, #tpu.memory_space<vmem>>
      %dma_start3A_338 = arith.constant 0 : i32
      %dma_start3A_339 = tpu.memref_slice %arg9[%add3A_15, %dma_start3A_338] : memref<10240x64xf32, #tpu.memory_space<vmem_shared>> -> memref<128x64xf32, #tpu.memory_space<vmem_shared>>
      %dma_start3A_340 = arith.constant 0 : i32
      %dma_start3A_341 = tpu.memref_slice %arg9[%add3A_15, %dma_start3A_340] : memref<10240x64xf32, #tpu.memory_space<vmem_shared>> -> memref<128x64xf32, #tpu.memory_space<vmem_shared>>
      %dma_start3A_342 = arith.constant 0 : i32
      %dma_start3A_343 = arith.constant 0 : i32
      %dma_start3A_344 = tpu.memref_slice %arg8[%run_scoped3A, %dma_start3A_342, %dma_start3A_343] : memref<4x128x64xf32, #tpu.memory_space<vmem>> -> memref<1x128x64xf32, #tpu.memory_space<vmem>>
      %dma_start3A_345 = tpu.memref_squeeze %dma_start3A_344 : memref<1x128x64xf32, #tpu.memory_space<vmem>> -> memref<128x64xf32, #tpu.memory_space<vmem>>
      tpu.enqueue_dma source(%dma_start3A_345 : memref<128x64xf32, #tpu.memory_space<vmem>>) target(%dma_start3A_341 : memref<128x64xf32, #tpu.memory_space<vmem_shared>>) target_semaphore(%run_scoped3A_333 : memref<!tpu.dma_semaphore, #tpu.memory_space<semaphore_mem>>)
      %dma_wait3A_346 = arith.constant 0 : i32
      %dma_wait3A_347 = arith.constant 0 : i32
      %dma_wait3A_348 = tpu.memref_slice %arg8[%run_scoped3A, %dma_wait3A_346, %dma_wait3A_347] : memref<4x128x64xf32, #tpu.memory_space<vmem>> -> memref<1x128x64xf32, #tpu.memory_space<vmem>>
      %dma_wait3A_349 = tpu.memref_squeeze %dma_wait3A_348 : memref<1x128x64xf32, #tpu.memory_space<vmem>> -> memref<128x64xf32, #tpu.memory_space<vmem>>
      %dma_wait3A_350 = arith.constant 0 : i32
      %dma_wait3A_351 = tpu.memref_slice %arg9[%add3A_15, %dma_wait3A_350] : memref<10240x64xf32, #tpu.memory_space<vmem_shared>> -> memref<128x64xf32, #tpu.memory_space<vmem_shared>>
      %dma_wait3A_352 = arith.constant 0 : i32
      %dma_wait3A_353 = tpu.memref_slice %arg9[%add3A_15, %dma_wait3A_352] : memref<10240x64xf32, #tpu.memory_space<vmem_shared>> -> memref<128x64xf32, #tpu.memory_space<vmem_shared>>
      %dma_wait3A_354 = arith.constant 0 : i32
      %dma_wait3A_355 = arith.constant 0 : i32
      %dma_wait3A_356 = tpu.memref_slice %arg8[%run_scoped3A, %dma_wait3A_354, %dma_wait3A_355] : memref<4x128x64xf32, #tpu.memory_space<vmem>> -> memref<1x128x64xf32, #tpu.memory_space<vmem>>
      %dma_wait3A_357 = tpu.memref_squeeze %dma_wait3A_356 : memref<1x128x64xf32, #tpu.memory_space<vmem>> -> memref<128x64xf32, #tpu.memory_space<vmem>>
      tpu.wait_dma2 semaphore(%run_scoped3A_333 : memref<!tpu.dma_semaphore, #tpu.memory_space<semaphore_mem>>) src(%dma_wait3A_357 : memref<128x64xf32, #tpu.memory_space<vmem>>) dst(%dma_wait3A_353 : memref<128x64xf32, #tpu.memory_space<vmem_shared>>)
      tpu.yield
    }) : () -> ()
    %add3A_16 = arith.constant 128 : i32
    %add3A_17 = arith.addi %mul3A_13, %add3A_16 : i32
    %run_scoped3A_18 = arith.constant 0 : i32
    "tpu.region"() ({
      %run_scoped3A_333 = tpu.sem_alloc : memref<!tpu.dma_semaphore, #tpu.memory_space<semaphore_mem>>
      %dma_start3A_334 = arith.constant 0 : i32
      %dma_start3A_335 = arith.constant 0 : i32
      %dma_start3A_336 = tpu.memref_slice %arg8[%run_scoped3A_18, %dma_start3A_334, %dma_start3A_335] : memref<4x128x64xf32, #tpu.memory_space<vmem>> -> memref<1x128x64xf32, #tpu.memory_space<vmem>>
      %dma_start3A_337 = tpu.memref_squeeze %dma_start3A_336 : memref<1x128x64xf32, #tpu.memory_space<vmem>> -> memref<128x64xf32, #tpu.memory_space<vmem>>
      %dma_start3A_338 = arith.constant 0 : i32
      %dma_start3A_339 = tpu.memref_slice %arg9[%add3A_17, %dma_start3A_338] : memref<10240x64xf32, #tpu.memory_space<vmem_shared>> -> memref<128x64xf32, #tpu.memory_space<vmem_shared>>
      %dma_start3A_340 = arith.constant 0 : i32
      %dma_start3A_341 = tpu.memref_slice %arg9[%add3A_17, %dma_start3A_340] : memref<10240x64xf32, #tpu.memory_space<vmem_shared>> -> memref<128x64xf32, #tpu.memory_space<vmem_shared>>
      %dma_start3A_342 = arith.constant 0 : i32
      %dma_start3A_343 = arith.constant 0 : i32
      %dma_start3A_344 = tpu.memref_slice %arg8[%run_scoped3A_18, %dma_start3A_342, %dma_start3A_343] : memref<4x128x64xf32, #tpu.memory_space<vmem>> -> memref<1x128x64xf32, #tpu.memory_space<vmem>>
      %dma_start3A_345 = tpu.memref_squeeze %dma_start3A_344 : memref<1x128x64xf32, #tpu.memory_space<vmem>> -> memref<128x64xf32, #tpu.memory_space<vmem>>
      tpu.enqueue_dma source(%dma_start3A_345 : memref<128x64xf32, #tpu.memory_space<vmem>>) target(%dma_start3A_341 : memref<128x64xf32, #tpu.memory_space<vmem_shared>>) target_semaphore(%run_scoped3A_333 : memref<!tpu.dma_semaphore, #tpu.memory_space<semaphore_mem>>)
      %dma_wait3A_346 = arith.constant 0 : i32
      %dma_wait3A_347 = arith.constant 0 : i32
      %dma_wait3A_348 = tpu.memref_slice %arg8[%run_scoped3A_18, %dma_wait3A_346, %dma_wait3A_347] : memref<4x128x64xf32, #tpu.memory_space<vmem>> -> memref<1x128x64xf32, #tpu.memory_space<vmem>>
      %dma_wait3A_349 = tpu.memref_squeeze %dma_wait3A_348 : memref<1x128x64xf32, #tpu.memory_space<vmem>> -> memref<128x64xf32, #tpu.memory_space<vmem>>
      %dma_wait3A_350 = arith.constant 0 : i32
      %dma_wait3A_351 = tpu.memref_slice %arg9[%add3A_17, %dma_wait3A_350] : memref<10240x64xf32, #tpu.memory_space<vmem_shared>> -> memref<128x64xf32, #tpu.memory_space<vmem_shared>>
      %dma_wait3A_352 = arith.constant 0 : i32
      %dma_wait3A_353 = tpu.memref_slice %arg9[%add3A_17, %dma_wait3A_352] : memref<10240x64xf32, #tpu.memory_space<vmem_shared>> -> memref<128x64xf32, #tpu.memory_space<vmem_shared>>
      %dma_wait3A_354 = arith.constant 0 : i32
      %dma_wait3A_355 = arith.constant 0 : i32
      %dma_wait3A_356 = tpu.memref_slice %arg8[%run_scoped3A_18, %dma_wait3A_354, %dma_wait3A_355] : memref<4x128x64xf32, #tpu.memory_space<vmem>> -> memref<1x128x64xf32, #tpu.memory_space<vmem>>
      %dma_wait3A_357 = tpu.memref_squeeze %dma_wait3A_356 : memref<1x128x64xf32, #tpu.memory_space<vmem>> -> memref<128x64xf32, #tpu.memory_space<vmem>>
      tpu.wait_dma2 semaphore(%run_scoped3A_333 : memref<!tpu.dma_semaphore, #tpu.memory_space<semaphore_mem>>) src(%dma_wait3A_357 : memref<128x64xf32, #tpu.memory_space<vmem>>) dst(%dma_wait3A_353 : memref<128x64xf32, #tpu.memory_space<vmem_shared>>)
      tpu.yield
    }) : () -> ()
    %add3A_19 = arith.constant 256 : i32
    %add3A_20 = arith.addi %mul3A_13, %add3A_19 : i32
    %run_scoped3A_21 = arith.constant 0 : i32
    "tpu.region"() ({
      %run_scoped3A_333 = tpu.sem_alloc : memref<!tpu.dma_semaphore, #tpu.memory_space<semaphore_mem>>
      %dma_start3A_334 = arith.constant 0 : i32
      %dma_start3A_335 = arith.constant 0 : i32
      %dma_start3A_336 = tpu.memref_slice %arg8[%run_scoped3A_21, %dma_start3A_334, %dma_start3A_335] : memref<4x128x64xf32, #tpu.memory_space<vmem>> -> memref<1x128x64xf32, #tpu.memory_space<vmem>>
      %dma_start3A_337 = tpu.memref_squeeze %dma_start3A_336 : memref<1x128x64xf32, #tpu.memory_space<vmem>> -> memref<128x64xf32, #tpu.memory_space<vmem>>
      %dma_start3A_338 = arith.constant 0 : i32
      %dma_start3A_339 = tpu.memref_slice %arg9[%add3A_20, %dma_start3A_338] : memref<10240x64xf32, #tpu.memory_space<vmem_shared>> -> memref<128x64xf32, #tpu.memory_space<vmem_shared>>
      %dma_start3A_340 = arith.constant 0 : i32
      %dma_start3A_341 = tpu.memref_slice %arg9[%add3A_20, %dma_start3A_340] : memref<10240x64xf32, #tpu.memory_space<vmem_shared>> -> memref<128x64xf32, #tpu.memory_space<vmem_shared>>
      %dma_start3A_342 = arith.constant 0 : i32
      %dma_start3A_343 = arith.constant 0 : i32
      %dma_start3A_344 = tpu.memref_slice %arg8[%run_scoped3A_21, %dma_start3A_342, %dma_start3A_343] : memref<4x128x64xf32, #tpu.memory_space<vmem>> -> memref<1x128x64xf32, #tpu.memory_space<vmem>>
      %dma_start3A_345 = tpu.memref_squeeze %dma_start3A_344 : memref<1x128x64xf32, #tpu.memory_space<vmem>> -> memref<128x64xf32, #tpu.memory_space<vmem>>
      tpu.enqueue_dma source(%dma_start3A_345 : memref<128x64xf32, #tpu.memory_space<vmem>>) target(%dma_start3A_341 : memref<128x64xf32, #tpu.memory_space<vmem_shared>>) target_semaphore(%run_scoped3A_333 : memref<!tpu.dma_semaphore, #tpu.memory_space<semaphore_mem>>)
      %dma_wait3A_346 = arith.constant 0 : i32
      %dma_wait3A_347 = arith.constant 0 : i32
      %dma_wait3A_348 = tpu.memref_slice %arg8[%run_scoped3A_21, %dma_wait3A_346, %dma_wait3A_347] : memref<4x128x64xf32, #tpu.memory_space<vmem>> -> memref<1x128x64xf32, #tpu.memory_space<vmem>>
      %dma_wait3A_349 = tpu.memref_squeeze %dma_wait3A_348 : memref<1x128x64xf32, #tpu.memory_space<vmem>> -> memref<128x64xf32, #tpu.memory_space<vmem>>
      %dma_wait3A_350 = arith.constant 0 : i32
      %dma_wait3A_351 = tpu.memref_slice %arg9[%add3A_20, %dma_wait3A_350] : memref<10240x64xf32, #tpu.memory_space<vmem_shared>> -> memref<128x64xf32, #tpu.memory_space<vmem_shared>>
      %dma_wait3A_352 = arith.constant 0 : i32
      %dma_wait3A_353 = tpu.memref_slice %arg9[%add3A_20, %dma_wait3A_352] : memref<10240x64xf32, #tpu.memory_space<vmem_shared>> -> memref<128x64xf32, #tpu.memory_space<vmem_shared>>
      %dma_wait3A_354 = arith.constant 0 : i32
      %dma_wait3A_355 = arith.constant 0 : i32
      %dma_wait3A_356 = tpu.memref_slice %arg8[%run_scoped3A_21, %dma_wait3A_354, %dma_wait3A_355] : memref<4x128x64xf32, #tpu.memory_space<vmem>> -> memref<1x128x64xf32, #tpu.memory_space<vmem>>
      %dma_wait3A_357 = tpu.memref_squeeze %dma_wait3A_356 : memref<1x128x64xf32, #tpu.memory_space<vmem>> -> memref<128x64xf32, #tpu.memory_space<vmem>>
      tpu.wait_dma2 semaphore(%run_scoped3A_333 : memref<!tpu.dma_semaphore, #tpu.memory_space<semaphore_mem>>) src(%dma_wait3A_357 : memref<128x64xf32, #tpu.memory_space<vmem>>) dst(%dma_wait3A_353 : memref<128x64xf32, #tpu.memory_space<vmem_shared>>)
      tpu.yield
    }) : () -> ()
    %add3A_22 = arith.constant 384 : i32
    %add3A_23 = arith.addi %mul3A_13, %add3A_22 : i32
    %run_scoped3A_24 = arith.constant 0 : i32
    "tpu.region"() ({
      %run_scoped3A_333 = tpu.sem_alloc : memref<!tpu.dma_semaphore, #tpu.memory_space<semaphore_mem>>
      %dma_start3A_334 = arith.constant 0 : i32
      %dma_start3A_335 = arith.constant 0 : i32
      %dma_start3A_336 = tpu.memref_slice %arg8[%run_scoped3A_24, %dma_start3A_334, %dma_start3A_335] : memref<4x128x64xf32, #tpu.memory_space<vmem>> -> memref<1x128x64xf32, #tpu.memory_space<vmem>>
      %dma_start3A_337 = tpu.memref_squeeze %dma_start3A_336 : memref<1x128x64xf32, #tpu.memory_space<vmem>> -> memref<128x64xf32, #tpu.memory_space<vmem>>
      %dma_start3A_338 = arith.constant 0 : i32
      %dma_start3A_339 = tpu.memref_slice %arg9[%add3A_23, %dma_start3A_338] : memref<10240x64xf32, #tpu.memory_space<vmem_shared>> -> memref<128x64xf32, #tpu.memory_space<vmem_shared>>
      %dma_start3A_340 = arith.constant 0 : i32
      %dma_start3A_341 = tpu.memref_slice %arg9[%add3A_23, %dma_start3A_340] : memref<10240x64xf32, #tpu.memory_space<vmem_shared>> -> memref<128x64xf32, #tpu.memory_space<vmem_shared>>
      %dma_start3A_342 = arith.constant 0 : i32
      %dma_start3A_343 = arith.constant 0 : i32
      %dma_start3A_344 = tpu.memref_slice %arg8[%run_scoped3A_24, %dma_start3A_342, %dma_start3A_343] : memref<4x128x64xf32, #tpu.memory_space<vmem>> -> memref<1x128x64xf32, #tpu.memory_space<vmem>>
      %dma_start3A_345 = tpu.memref_squeeze %dma_start3A_344 : memref<1x128x64xf32, #tpu.memory_space<vmem>> -> memref<128x64xf32, #tpu.memory_space<vmem>>
      tpu.enqueue_dma source(%dma_start3A_345 : memref<128x64xf32, #tpu.memory_space<vmem>>) target(%dma_start3A_341 : memref<128x64xf32, #tpu.memory_space<vmem_shared>>) target_semaphore(%run_scoped3A_333 : memref<!tpu.dma_semaphore, #tpu.memory_space<semaphore_mem>>)
      %dma_wait3A_346 = arith.constant 0 : i32
      %dma_wait3A_347 = arith.constant 0 : i32
      %dma_wait3A_348 = tpu.memref_slice %arg8[%run_scoped3A_24, %dma_wait3A_346, %dma_wait3A_347] : memref<4x128x64xf32, #tpu.memory_space<vmem>> -> memref<1x128x64xf32, #tpu.memory_space<vmem>>
      %dma_wait3A_349 = tpu.memref_squeeze %dma_wait3A_348 : memref<1x128x64xf32, #tpu.memory_space<vmem>> -> memref<128x64xf32, #tpu.memory_space<vmem>>
      %dma_wait3A_350 = arith.constant 0 : i32
      %dma_wait3A_351 = tpu.memref_slice %arg9[%add3A_23, %dma_wait3A_350] : memref<10240x64xf32, #tpu.memory_space<vmem_shared>> -> memref<128x64xf32, #tpu.memory_space<vmem_shared>>
      %dma_wait3A_352 = arith.constant 0 : i32
      %dma_wait3A_353 = tpu.memref_slice %arg9[%add3A_23, %dma_wait3A_352] : memref<10240x64xf32, #tpu.memory_space<vmem_shared>> -> memref<128x64xf32, #tpu.memory_space<vmem_shared>>
      %dma_wait3A_354 = arith.constant 0 : i32
      %dma_wait3A_355 = arith.constant 0 : i32
      %dma_wait3A_356 = tpu.memref_slice %arg8[%run_scoped3A_24, %dma_wait3A_354, %dma_wait3A_355] : memref<4x128x64xf32, #tpu.memory_space<vmem>> -> memref<1x128x64xf32, #tpu.memory_space<vmem>>
      %dma_wait3A_357 = tpu.memref_squeeze %dma_wait3A_356 : memref<1x128x64xf32, #tpu.memory_space<vmem>> -> memref<128x64xf32, #tpu.memory_space<vmem>>
      tpu.wait_dma2 semaphore(%run_scoped3A_333 : memref<!tpu.dma_semaphore, #tpu.memory_space<semaphore_mem>>) src(%dma_wait3A_357 : memref<128x64xf32, #tpu.memory_space<vmem>>) dst(%dma_wait3A_353 : memref<128x64xf32, #tpu.memory_space<vmem_shared>>)
      tpu.yield
    }) : () -> ()
    %add3A_25 = arith.constant 512 : i32
    %add3A_26 = arith.addi %mul3A_13, %add3A_25 : i32
    %run_scoped3A_27 = arith.constant 0 : i32
    "tpu.region"() ({
      %run_scoped3A_333 = tpu.sem_alloc : memref<!tpu.dma_semaphore, #tpu.memory_space<semaphore_mem>>
      %dma_start3A_334 = arith.constant 0 : i32
      %dma_start3A_335 = arith.constant 0 : i32
      %dma_start3A_336 = tpu.memref_slice %arg8[%run_scoped3A_27, %dma_start3A_334, %dma_start3A_335] : memref<4x128x64xf32, #tpu.memory_space<vmem>> -> memref<1x128x64xf32, #tpu.memory_space<vmem>>
      %dma_start3A_337 = tpu.memref_squeeze %dma_start3A_336 : memref<1x128x64xf32, #tpu.memory_space<vmem>> -> memref<128x64xf32, #tpu.memory_space<vmem>>
      %dma_start3A_338 = arith.constant 0 : i32
      %dma_start3A_339 = tpu.memref_slice %arg9[%add3A_26, %dma_start3A_338] : memref<10240x64xf32, #tpu.memory_space<vmem_shared>> -> memref<128x64xf32, #tpu.memory_space<vmem_shared>>
      %dma_start3A_340 = arith.constant 0 : i32
      %dma_start3A_341 = tpu.memref_slice %arg9[%add3A_26, %dma_start3A_340] : memref<10240x64xf32, #tpu.memory_space<vmem_shared>> -> memref<128x64xf32, #tpu.memory_space<vmem_shared>>
      %dma_start3A_342 = arith.constant 0 : i32
      %dma_start3A_343 = arith.constant 0 : i32
      %dma_start3A_344 = tpu.memref_slice %arg8[%run_scoped3A_27, %dma_start3A_342, %dma_start3A_343] : memref<4x128x64xf32, #tpu.memory_space<vmem>> -> memref<1x128x64xf32, #tpu.memory_space<vmem>>
      %dma_start3A_345 = tpu.memref_squeeze %dma_start3A_344 : memref<1x128x64xf32, #tpu.memory_space<vmem>> -> memref<128x64xf32, #tpu.memory_space<vmem>>
      tpu.enqueue_dma source(%dma_start3A_345 : memref<128x64xf32, #tpu.memory_space<vmem>>) target(%dma_start3A_341 : memref<128x64xf32, #tpu.memory_space<vmem_shared>>) target_semaphore(%run_scoped3A_333 : memref<!tpu.dma_semaphore, #tpu.memory_space<semaphore_mem>>)
      %dma_wait3A_346 = arith.constant 0 : i32
      %dma_wait3A_347 = arith.constant 0 : i32
      %dma_wait3A_348 = tpu.memref_slice %arg8[%run_scoped3A_27, %dma_wait3A_346, %dma_wait3A_347] : memref<4x128x64xf32, #tpu.memory_space<vmem>> -> memref<1x128x64xf32, #tpu.memory_space<vmem>>
      %dma_wait3A_349 = tpu.memref_squeeze %dma_wait3A_348 : memref<1x128x64xf32, #tpu.memory_space<vmem>> -> memref<128x64xf32, #tpu.memory_space<vmem>>
      %dma_wait3A_350 = arith.constant 0 : i32
      %dma_wait3A_351 = tpu.memref_slice %arg9[%add3A_26, %dma_wait3A_350] : memref<10240x64xf32, #tpu.memory_space<vmem_shared>> -> memref<128x64xf32, #tpu.memory_space<vmem_shared>>
      %dma_wait3A_352 = arith.constant 0 : i32
      %dma_wait3A_353 = tpu.memref_slice %arg9[%add3A_26, %dma_wait3A_352] : memref<10240x64xf32, #tpu.memory_space<vmem_shared>> -> memref<128x64xf32, #tpu.memory_space<vmem_shared>>
      %dma_wait3A_354 = arith.constant 0 : i32
      %dma_wait3A_355 = arith.constant 0 : i32
      %dma_wait3A_356 = tpu.memref_slice %arg8[%run_scoped3A_27, %dma_wait3A_354, %dma_wait3A_355] : memref<4x128x64xf32, #tpu.memory_space<vmem>> -> memref<1x128x64xf32, #tpu.memory_space<vmem>>
      %dma_wait3A_357 = tpu.memref_squeeze %dma_wait3A_356 : memref<1x128x64xf32, #tpu.memory_space<vmem>> -> memref<128x64xf32, #tpu.memory_space<vmem>>
      tpu.wait_dma2 semaphore(%run_scoped3A_333 : memref<!tpu.dma_semaphore, #tpu.memory_space<semaphore_mem>>) src(%dma_wait3A_357 : memref<128x64xf32, #tpu.memory_space<vmem>>) dst(%dma_wait3A_353 : memref<128x64xf32, #tpu.memory_space<vmem_shared>>)
      tpu.yield
    }) : () -> ()
    %barrier3A = arith.constant 0 : index
    tpu.barrier barrier_id(%barrier3A)
    %dma_start3A = arith.constant 0 : i32
    %dma_start3A_28 = arith.constant 0 : i32
    %dma_start3A_29 = arith.constant 0 : i32
    %dma_start3A_30 = arith.constant 0 : i32
    %dma_start3A_31 = arith.constant 0 : i32
    %dma_start3A_32 = tpu.memref_slice %arg8[%dma_start3A_28, %dma_start3A_30, %dma_start3A_31] : memref<4x128x64xf32, #tpu.memory_space<vmem>> -> memref<1x128x64xf32, #tpu.memory_space<vmem>>
    %dma_start3A_33 = tpu.memref_squeeze %dma_start3A_32 : memref<1x128x64xf32, #tpu.memory_space<vmem>> -> memref<128x64xf32, #tpu.memory_space<vmem>>
    %dma_start3A_34 = arith.constant 0 : i32
    %dma_start3A_35 = tpu.memref_slice %arg6[%dma_start3A, %dma_start3A_34] : memref<40x128xi32, #tpu.memory_space<vmem>> -> memref<1x128xi32, #tpu.memory_space<vmem>>
    %dma_start3A_36 = tpu.memref_squeeze %dma_start3A_35 : memref<1x128xi32, #tpu.memory_space<vmem>> -> memref<128xi32, #tpu.memory_space<vmem>>
    %dma_start3A_37 = arith.constant 0 : i32
    %dma_start3A_38 = arith.constant 0 : i32
    %dma_start3A_39 = tpu.memref_slice %arg10[%dma_start3A_37, %dma_start3A_38] : memref<10000x64xf32, #tpu.memory_space<vmem_shared>> -> memref<10000x64xf32, #tpu.memory_space<vmem_shared>>
    %dma_start3A_40 = tpu.memref_slice %arg11[%dma_start3A_29] : memref<2x!tpu.dma_semaphore, #tpu.memory_space<semaphore_mem>> -> memref<1x!tpu.dma_semaphore, #tpu.memory_space<semaphore_mem>>
    %dma_start3A_41 = tpu.memref_squeeze %dma_start3A_40 : memref<1x!tpu.dma_semaphore, #tpu.memory_space<semaphore_mem>> -> memref<!tpu.dma_semaphore, #tpu.memory_space<semaphore_mem>>
    tpu.enqueue_indirect_dma source(%dma_start3A_39 : memref<10000x64xf32, #tpu.memory_space<vmem_shared>>) target(%dma_start3A_33 : memref<128x64xf32, #tpu.memory_space<vmem>>) offsets(%dma_start3A_36 : memref<128xi32, #tpu.memory_space<vmem>>) semaphore(%dma_start3A_41 : memref<!tpu.dma_semaphore, #tpu.memory_space<semaphore_mem>>)
    %dma_start3A_42 = arith.constant 1 : i32
    %dma_start3A_43 = arith.constant 1 : i32
    %dma_start3A_44 = arith.constant 0 : i32
    %dma_start3A_45 = arith.constant 0 : i32
    %dma_start3A_46 = arith.constant 0 : i32
    %dma_start3A_47 = tpu.memref_slice %arg8[%dma_start3A_43, %dma_start3A_45, %dma_start3A_46] : memref<4x128x64xf32, #tpu.memory_space<vmem>> -> memref<1x128x64xf32, #tpu.memory_space<vmem>>
    %dma_start3A_48 = tpu.memref_squeeze %dma_start3A_47 : memref<1x128x64xf32, #tpu.memory_space<vmem>> -> memref<128x64xf32, #tpu.memory_space<vmem>>
    %dma_start3A_49 = arith.constant 0 : i32
    %dma_start3A_50 = tpu.memref_slice %arg6[%dma_start3A_42, %dma_start3A_49] : memref<40x128xi32, #tpu.memory_space<vmem>> -> memref<1x128xi32, #tpu.memory_space<vmem>>
    %dma_start3A_51 = tpu.memref_squeeze %dma_start3A_50 : memref<1x128xi32, #tpu.memory_space<vmem>> -> memref<128xi32, #tpu.memory_space<vmem>>
    %dma_start3A_52 = arith.constant 0 : i32
    %dma_start3A_53 = arith.constant 0 : i32
    %dma_start3A_54 = tpu.memref_slice %arg10[%dma_start3A_52, %dma_start3A_53] : memref<10000x64xf32, #tpu.memory_space<vmem_shared>> -> memref<10000x64xf32, #tpu.memory_space<vmem_shared>>
    %dma_start3A_55 = tpu.memref_slice %arg11[%dma_start3A_44] : memref<2x!tpu.dma_semaphore, #tpu.memory_space<semaphore_mem>> -> memref<1x!tpu.dma_semaphore, #tpu.memory_space<semaphore_mem>>
    %dma_start3A_56 = tpu.memref_squeeze %dma_start3A_55 : memref<1x!tpu.dma_semaphore, #tpu.memory_space<semaphore_mem>> -> memref<!tpu.dma_semaphore, #tpu.memory_space<semaphore_mem>>
    tpu.enqueue_indirect_dma source(%dma_start3A_54 : memref<10000x64xf32, #tpu.memory_space<vmem_shared>>) target(%dma_start3A_48 : memref<128x64xf32, #tpu.memory_space<vmem>>) offsets(%dma_start3A_51 : memref<128xi32, #tpu.memory_space<vmem>>) semaphore(%dma_start3A_56 : memref<!tpu.dma_semaphore, #tpu.memory_space<semaphore_mem>>)
    %dma_wait3A = arith.constant 0 : i32
    %dma_wait3A_57 = arith.constant 0 : i32
    %dma_wait3A_58 = arith.constant 0 : i32
    %dma_wait3A_59 = arith.constant 0 : i32
    %dma_wait3A_60 = arith.constant 0 : i32
    %dma_wait3A_61 = tpu.memref_slice %arg8[%dma_wait3A_57, %dma_wait3A_59, %dma_wait3A_60] : memref<4x128x64xf32, #tpu.memory_space<vmem>> -> memref<1x128x64xf32, #tpu.memory_space<vmem>>
    %dma_wait3A_62 = tpu.memref_squeeze %dma_wait3A_61 : memref<1x128x64xf32, #tpu.memory_space<vmem>> -> memref<128x64xf32, #tpu.memory_space<vmem>>
    %dma_wait3A_63 = arith.constant 0 : i32
    %dma_wait3A_64 = tpu.memref_slice %arg6[%dma_wait3A, %dma_wait3A_63] : memref<40x128xi32, #tpu.memory_space<vmem>> -> memref<1x128xi32, #tpu.memory_space<vmem>>
    %dma_wait3A_65 = tpu.memref_squeeze %dma_wait3A_64 : memref<1x128xi32, #tpu.memory_space<vmem>> -> memref<128xi32, #tpu.memory_space<vmem>>
    %dma_wait3A_66 = arith.constant 0 : i32
    %dma_wait3A_67 = arith.constant 0 : i32
    %dma_wait3A_68 = tpu.memref_slice %arg10[%dma_wait3A_66, %dma_wait3A_67] : memref<10000x64xf32, #tpu.memory_space<vmem_shared>> -> memref<10000x64xf32, #tpu.memory_space<vmem_shared>>
    %dma_wait3A_69 = tpu.memref_slice %arg11[%dma_wait3A_58] : memref<2x!tpu.dma_semaphore, #tpu.memory_space<semaphore_mem>> -> memref<1x!tpu.dma_semaphore, #tpu.memory_space<semaphore_mem>>
    %dma_wait3A_70 = tpu.memref_squeeze %dma_wait3A_69 : memref<1x!tpu.dma_semaphore, #tpu.memory_space<semaphore_mem>> -> memref<!tpu.dma_semaphore, #tpu.memory_space<semaphore_mem>>
    tpu.wait_indirect_dma semaphore(%dma_wait3A_70 : memref<!tpu.dma_semaphore, #tpu.memory_space<semaphore_mem>>) src(%dma_wait3A_68 : memref<10000x64xf32, #tpu.memory_space<vmem_shared>>) dst(%dma_wait3A_62 : memref<128x64xf32, #tpu.memory_space<vmem>>)
    %dma_wait3A_71 = arith.constant 1 : i32
    %dma_wait3A_72 = arith.constant 1 : i32
    %dma_wait3A_73 = arith.constant 0 : i32
    %dma_wait3A_74 = arith.constant 0 : i32
    %dma_wait3A_75 = arith.constant 0 : i32
    %dma_wait3A_76 = tpu.memref_slice %arg8[%dma_wait3A_72, %dma_wait3A_74, %dma_wait3A_75] : memref<4x128x64xf32, #tpu.memory_space<vmem>> -> memref<1x128x64xf32, #tpu.memory_space<vmem>>
    %dma_wait3A_77 = tpu.memref_squeeze %dma_wait3A_76 : memref<1x128x64xf32, #tpu.memory_space<vmem>> -> memref<128x64xf32, #tpu.memory_space<vmem>>
    %dma_wait3A_78 = arith.constant 0 : i32
    %dma_wait3A_79 = tpu.memref_slice %arg6[%dma_wait3A_71, %dma_wait3A_78] : memref<40x128xi32, #tpu.memory_space<vmem>> -> memref<1x128xi32, #tpu.memory_space<vmem>>
    %dma_wait3A_80 = tpu.memref_squeeze %dma_wait3A_79 : memref<1x128xi32, #tpu.memory_space<vmem>> -> memref<128xi32, #tpu.memory_space<vmem>>
    %dma_wait3A_81 = arith.constant 0 : i32
    %dma_wait3A_82 = arith.constant 0 : i32
    %dma_wait3A_83 = tpu.memref_slice %arg10[%dma_wait3A_81, %dma_wait3A_82] : memref<10000x64xf32, #tpu.memory_space<vmem_shared>> -> memref<10000x64xf32, #tpu.memory_space<vmem_shared>>
    %dma_wait3A_84 = tpu.memref_slice %arg11[%dma_wait3A_73] : memref<2x!tpu.dma_semaphore, #tpu.memory_space<semaphore_mem>> -> memref<1x!tpu.dma_semaphore, #tpu.memory_space<semaphore_mem>>
    %dma_wait3A_85 = tpu.memref_squeeze %dma_wait3A_84 : memref<1x!tpu.dma_semaphore, #tpu.memory_space<semaphore_mem>> -> memref<!tpu.dma_semaphore, #tpu.memory_space<semaphore_mem>>
    tpu.wait_indirect_dma semaphore(%dma_wait3A_85 : memref<!tpu.dma_semaphore, #tpu.memory_space<semaphore_mem>>) src(%dma_wait3A_83 : memref<10000x64xf32, #tpu.memory_space<vmem_shared>>) dst(%dma_wait3A_77 : memref<128x64xf32, #tpu.memory_space<vmem>>)
    %dma_start3A_86 = arith.constant 2 : i32
    %dma_start3A_87 = arith.constant 2 : i32
    %dma_start3A_88 = arith.constant 1 : i32
    %dma_start3A_89 = arith.constant 0 : i32
    %dma_start3A_90 = arith.constant 0 : i32
    %dma_start3A_91 = tpu.memref_slice %arg8[%dma_start3A_87, %dma_start3A_89, %dma_start3A_90] : memref<4x128x64xf32, #tpu.memory_space<vmem>> -> memref<1x128x64xf32, #tpu.memory_space<vmem>>
    %dma_start3A_92 = tpu.memref_squeeze %dma_start3A_91 : memref<1x128x64xf32, #tpu.memory_space<vmem>> -> memref<128x64xf32, #tpu.memory_space<vmem>>
    %dma_start3A_93 = arith.constant 0 : i32
    %dma_start3A_94 = tpu.memref_slice %arg6[%dma_start3A_86, %dma_start3A_93] : memref<40x128xi32, #tpu.memory_space<vmem>> -> memref<1x128xi32, #tpu.memory_space<vmem>>
    %dma_start3A_95 = tpu.memref_squeeze %dma_start3A_94 : memref<1x128xi32, #tpu.memory_space<vmem>> -> memref<128xi32, #tpu.memory_space<vmem>>
    %dma_start3A_96 = arith.constant 0 : i32
    %dma_start3A_97 = arith.constant 0 : i32
    %dma_start3A_98 = tpu.memref_slice %arg10[%dma_start3A_96, %dma_start3A_97] : memref<10000x64xf32, #tpu.memory_space<vmem_shared>> -> memref<10000x64xf32, #tpu.memory_space<vmem_shared>>
    %dma_start3A_99 = tpu.memref_slice %arg11[%dma_start3A_88] : memref<2x!tpu.dma_semaphore, #tpu.memory_space<semaphore_mem>> -> memref<1x!tpu.dma_semaphore, #tpu.memory_space<semaphore_mem>>
    %dma_start3A_100 = tpu.memref_squeeze %dma_start3A_99 : memref<1x!tpu.dma_semaphore, #tpu.memory_space<semaphore_mem>> -> memref<!tpu.dma_semaphore, #tpu.memory_space<semaphore_mem>>
    tpu.enqueue_indirect_dma source(%dma_start3A_98 : memref<10000x64xf32, #tpu.memory_space<vmem_shared>>) target(%dma_start3A_92 : memref<128x64xf32, #tpu.memory_space<vmem>>) offsets(%dma_start3A_95 : memref<128xi32, #tpu.memory_space<vmem>>) semaphore(%dma_start3A_100 : memref<!tpu.dma_semaphore, #tpu.memory_space<semaphore_mem>>)
    %dma_start3A_101 = arith.constant 3 : i32
    %dma_start3A_102 = arith.constant 3 : i32
    %dma_start3A_103 = arith.constant 1 : i32
    %dma_start3A_104 = arith.constant 0 : i32
    %dma_start3A_105 = arith.constant 0 : i32
    %dma_start3A_106 = tpu.memref_slice %arg8[%dma_start3A_102, %dma_start3A_104, %dma_start3A_105] : memref<4x128x64xf32, #tpu.memory_space<vmem>> -> memref<1x128x64xf32, #tpu.memory_space<vmem>>
    %dma_start3A_107 = tpu.memref_squeeze %dma_start3A_106 : memref<1x128x64xf32, #tpu.memory_space<vmem>> -> memref<128x64xf32, #tpu.memory_space<vmem>>
    %dma_start3A_108 = arith.constant 0 : i32
    %dma_start3A_109 = tpu.memref_slice %arg6[%dma_start3A_101, %dma_start3A_108] : memref<40x128xi32, #tpu.memory_space<vmem>> -> memref<1x128xi32, #tpu.memory_space<vmem>>
    %dma_start3A_110 = tpu.memref_squeeze %dma_start3A_109 : memref<1x128xi32, #tpu.memory_space<vmem>> -> memref<128xi32, #tpu.memory_space<vmem>>
    %dma_start3A_111 = arith.constant 0 : i32
    %dma_start3A_112 = arith.constant 0 : i32
    %dma_start3A_113 = tpu.memref_slice %arg10[%dma_start3A_111, %dma_start3A_112] : memref<10000x64xf32, #tpu.memory_space<vmem_shared>> -> memref<10000x64xf32, #tpu.memory_space<vmem_shared>>
    %dma_start3A_114 = tpu.memref_slice %arg11[%dma_start3A_103] : memref<2x!tpu.dma_semaphore, #tpu.memory_space<semaphore_mem>> -> memref<1x!tpu.dma_semaphore, #tpu.memory_space<semaphore_mem>>
    %dma_start3A_115 = tpu.memref_squeeze %dma_start3A_114 : memref<1x!tpu.dma_semaphore, #tpu.memory_space<semaphore_mem>> -> memref<!tpu.dma_semaphore, #tpu.memory_space<semaphore_mem>>
    tpu.enqueue_indirect_dma source(%dma_start3A_113 : memref<10000x64xf32, #tpu.memory_space<vmem_shared>>) target(%dma_start3A_107 : memref<128x64xf32, #tpu.memory_space<vmem>>) offsets(%dma_start3A_110 : memref<128xi32, #tpu.memory_space<vmem>>) semaphore(%dma_start3A_115 : memref<!tpu.dma_semaphore, #tpu.memory_space<semaphore_mem>>)
    %dma_start3A_116 = arith.constant 0 : i32
    %dma_start3A_117 = arith.constant 0 : i32
    %dma_start3A_118 = arith.constant 0 : i32
    %dma_start3A_119 = arith.constant 0 : i32
    %dma_start3A_120 = arith.constant 0 : i32
    %dma_start3A_121 = tpu.memref_slice %arg8[%dma_start3A_116, %dma_start3A_119, %dma_start3A_120] : memref<4x128x64xf32, #tpu.memory_space<vmem>> -> memref<1x128x64xf32, #tpu.memory_space<vmem>>
    %dma_start3A_122 = tpu.memref_squeeze %dma_start3A_121 : memref<1x128x64xf32, #tpu.memory_space<vmem>> -> memref<128x64xf32, #tpu.memory_space<vmem>>
    %dma_start3A_123 = arith.constant 0 : i32
    %dma_start3A_124 = tpu.memref_slice %arg7[%dma_start3A_117, %dma_start3A_123] : memref<40x128xi32, #tpu.memory_space<vmem>> -> memref<1x128xi32, #tpu.memory_space<vmem>>
    %dma_start3A_125 = tpu.memref_squeeze %dma_start3A_124 : memref<1x128xi32, #tpu.memory_space<vmem>> -> memref<128xi32, #tpu.memory_space<vmem>>
    %dma_start3A_126 = arith.constant 0 : i32
    %dma_start3A_127 = arith.constant 0 : i32
    %dma_start3A_128 = tpu.memref_slice %arg9[%dma_start3A_126, %dma_start3A_127] : memref<10240x64xf32, #tpu.memory_space<vmem_shared>> -> memref<10240x64xf32, #tpu.memory_space<vmem_shared>>
    %dma_start3A_129 = tpu.memref_slice %arg12[%dma_start3A_118] : memref<2x!tpu.dma_semaphore, #tpu.memory_space<semaphore_mem>> -> memref<1x!tpu.dma_semaphore, #tpu.memory_space<semaphore_mem>>
    %dma_start3A_130 = tpu.memref_squeeze %dma_start3A_129 : memref<1x!tpu.dma_semaphore, #tpu.memory_space<semaphore_mem>> -> memref<!tpu.dma_semaphore, #tpu.memory_space<semaphore_mem>>
    tpu.enqueue_indirect_dma source(%dma_start3A_122 : memref<128x64xf32, #tpu.memory_space<vmem>>) target(%dma_start3A_128 : memref<10240x64xf32, #tpu.memory_space<vmem_shared>>) offsets(%dma_start3A_125 : memref<128xi32, #tpu.memory_space<vmem>>) semaphore(%dma_start3A_130 : memref<!tpu.dma_semaphore, #tpu.memory_space<semaphore_mem>>) {add = true}
    %dma_start3A_131 = arith.constant 1 : i32
    %dma_start3A_132 = arith.constant 1 : i32
    %dma_start3A_133 = arith.constant 0 : i32
    %dma_start3A_134 = arith.constant 0 : i32
    %dma_start3A_135 = arith.constant 0 : i32
    %dma_start3A_136 = tpu.memref_slice %arg8[%dma_start3A_131, %dma_start3A_134, %dma_start3A_135] : memref<4x128x64xf32, #tpu.memory_space<vmem>> -> memref<1x128x64xf32, #tpu.memory_space<vmem>>
    %dma_start3A_137 = tpu.memref_squeeze %dma_start3A_136 : memref<1x128x64xf32, #tpu.memory_space<vmem>> -> memref<128x64xf32, #tpu.memory_space<vmem>>
    %dma_start3A_138 = arith.constant 0 : i32
    %dma_start3A_139 = tpu.memref_slice %arg7[%dma_start3A_132, %dma_start3A_138] : memref<40x128xi32, #tpu.memory_space<vmem>> -> memref<1x128xi32, #tpu.memory_space<vmem>>
    %dma_start3A_140 = tpu.memref_squeeze %dma_start3A_139 : memref<1x128xi32, #tpu.memory_space<vmem>> -> memref<128xi32, #tpu.memory_space<vmem>>
    %dma_start3A_141 = arith.constant 0 : i32
    %dma_start3A_142 = arith.constant 0 : i32
    %dma_start3A_143 = tpu.memref_slice %arg9[%dma_start3A_141, %dma_start3A_142] : memref<10240x64xf32, #tpu.memory_space<vmem_shared>> -> memref<10240x64xf32, #tpu.memory_space<vmem_shared>>
    %dma_start3A_144 = tpu.memref_slice %arg12[%dma_start3A_133] : memref<2x!tpu.dma_semaphore, #tpu.memory_space<semaphore_mem>> -> memref<1x!tpu.dma_semaphore, #tpu.memory_space<semaphore_mem>>
    %dma_start3A_145 = tpu.memref_squeeze %dma_start3A_144 : memref<1x!tpu.dma_semaphore, #tpu.memory_space<semaphore_mem>> -> memref<!tpu.dma_semaphore, #tpu.memory_space<semaphore_mem>>
    tpu.enqueue_indirect_dma source(%dma_start3A_137 : memref<128x64xf32, #tpu.memory_space<vmem>>) target(%dma_start3A_143 : memref<10240x64xf32, #tpu.memory_space<vmem_shared>>) offsets(%dma_start3A_140 : memref<128xi32, #tpu.memory_space<vmem>>) semaphore(%dma_start3A_145 : memref<!tpu.dma_semaphore, #tpu.memory_space<semaphore_mem>>) {add = true}
    %dma_wait3A_146 = arith.constant 2 : i32
    %dma_wait3A_147 = arith.constant 2 : i32
    %dma_wait3A_148 = arith.constant 1 : i32
    %dma_wait3A_149 = arith.constant 0 : i32
    %dma_wait3A_150 = arith.constant 0 : i32
    %dma_wait3A_151 = tpu.memref_slice %arg8[%dma_wait3A_147, %dma_wait3A_149, %dma_wait3A_150] : memref<4x128x64xf32, #tpu.memory_space<vmem>> -> memref<1x128x64xf32, #tpu.memory_space<vmem>>
    %dma_wait3A_152 = tpu.memref_squeeze %dma_wait3A_151 : memref<1x128x64xf32, #tpu.memory_space<vmem>> -> memref<128x64xf32, #tpu.memory_space<vmem>>
    %dma_wait3A_153 = arith.constant 0 : i32
    %dma_wait3A_154 = tpu.memref_slice %arg6[%dma_wait3A_146, %dma_wait3A_153] : memref<40x128xi32, #tpu.memory_space<vmem>> -> memref<1x128xi32, #tpu.memory_space<vmem>>
    %dma_wait3A_155 = tpu.memref_squeeze %dma_wait3A_154 : memref<1x128xi32, #tpu.memory_space<vmem>> -> memref<128xi32, #tpu.memory_space<vmem>>
    %dma_wait3A_156 = arith.constant 0 : i32
    %dma_wait3A_157 = arith.constant 0 : i32
    %dma_wait3A_158 = tpu.memref_slice %arg10[%dma_wait3A_156, %dma_wait3A_157] : memref<10000x64xf32, #tpu.memory_space<vmem_shared>> -> memref<10000x64xf32, #tpu.memory_space<vmem_shared>>
    %dma_wait3A_159 = tpu.memref_slice %arg11[%dma_wait3A_148] : memref<2x!tpu.dma_semaphore, #tpu.memory_space<semaphore_mem>> -> memref<1x!tpu.dma_semaphore, #tpu.memory_space<semaphore_mem>>
    %dma_wait3A_160 = tpu.memref_squeeze %dma_wait3A_159 : memref<1x!tpu.dma_semaphore, #tpu.memory_space<semaphore_mem>> -> memref<!tpu.dma_semaphore, #tpu.memory_space<semaphore_mem>>
    tpu.wait_indirect_dma semaphore(%dma_wait3A_160 : memref<!tpu.dma_semaphore, #tpu.memory_space<semaphore_mem>>) src(%dma_wait3A_158 : memref<10000x64xf32, #tpu.memory_space<vmem_shared>>) dst(%dma_wait3A_152 : memref<128x64xf32, #tpu.memory_space<vmem>>)
    %dma_wait3A_161 = arith.constant 3 : i32
    %dma_wait3A_162 = arith.constant 3 : i32
    %dma_wait3A_163 = arith.constant 1 : i32
    %dma_wait3A_164 = arith.constant 0 : i32
    %dma_wait3A_165 = arith.constant 0 : i32
    %dma_wait3A_166 = tpu.memref_slice %arg8[%dma_wait3A_162, %dma_wait3A_164, %dma_wait3A_165] : memref<4x128x64xf32, #tpu.memory_space<vmem>> -> memref<1x128x64xf32, #tpu.memory_space<vmem>>
    %dma_wait3A_167 = tpu.memref_squeeze %dma_wait3A_166 : memref<1x128x64xf32, #tpu.memory_space<vmem>> -> memref<128x64xf32, #tpu.memory_space<vmem>>
    %dma_wait3A_168 = arith.constant 0 : i32
    %dma_wait3A_169 = tpu.memref_slice %arg6[%dma_wait3A_161, %dma_wait3A_168] : memref<40x128xi32, #tpu.memory_space<vmem>> -> memref<1x128xi32, #tpu.memory_space<vmem>>
    %dma_wait3A_170 = tpu.memref_squeeze %dma_wait3A_169 : memref<1x128xi32, #tpu.memory_space<vmem>> -> memref<128xi32, #tpu.memory_space<vmem>>
    %dma_wait3A_171 = arith.constant 0 : i32
    %dma_wait3A_172 = arith.constant 0 : i32
    %dma_wait3A_173 = tpu.memref_slice %arg10[%dma_wait3A_171, %dma_wait3A_172] : memref<10000x64xf32, #tpu.memory_space<vmem_shared>> -> memref<10000x64xf32, #tpu.memory_space<vmem_shared>>
    %dma_wait3A_174 = tpu.memref_slice %arg11[%dma_wait3A_163] : memref<2x!tpu.dma_semaphore, #tpu.memory_space<semaphore_mem>> -> memref<1x!tpu.dma_semaphore, #tpu.memory_space<semaphore_mem>>
    %dma_wait3A_175 = tpu.memref_squeeze %dma_wait3A_174 : memref<1x!tpu.dma_semaphore, #tpu.memory_space<semaphore_mem>> -> memref<!tpu.dma_semaphore, #tpu.memory_space<semaphore_mem>>
    tpu.wait_indirect_dma semaphore(%dma_wait3A_175 : memref<!tpu.dma_semaphore, #tpu.memory_space<semaphore_mem>>) src(%dma_wait3A_173 : memref<10000x64xf32, #tpu.memory_space<vmem_shared>>) dst(%dma_wait3A_167 : memref<128x64xf32, #tpu.memory_space<vmem>>)
    %dma_wait3A_176 = arith.constant 0 : i32
    %dma_wait3A_177 = arith.constant 0 : i32
    %dma_wait3A_178 = arith.constant 0 : i32
    %dma_wait3A_179 = arith.constant 0 : i32
    %dma_wait3A_180 = arith.constant 0 : i32
    %dma_wait3A_181 = tpu.memref_slice %arg8[%dma_wait3A_176, %dma_wait3A_179, %dma_wait3A_180] : memref<4x128x64xf32, #tpu.memory_space<vmem>> -> memref<1x128x64xf32, #tpu.memory_space<vmem>>
    %dma_wait3A_182 = tpu.memref_squeeze %dma_wait3A_181 : memref<1x128x64xf32, #tpu.memory_space<vmem>> -> memref<128x64xf32, #tpu.memory_space<vmem>>
    %dma_wait3A_183 = arith.constant 0 : i32
    %dma_wait3A_184 = tpu.memref_slice %arg7[%dma_wait3A_177, %dma_wait3A_183] : memref<40x128xi32, #tpu.memory_space<vmem>> -> memref<1x128xi32, #tpu.memory_space<vmem>>
    %dma_wait3A_185 = tpu.memref_squeeze %dma_wait3A_184 : memref<1x128xi32, #tpu.memory_space<vmem>> -> memref<128xi32, #tpu.memory_space<vmem>>
    %dma_wait3A_186 = arith.constant 0 : i32
    %dma_wait3A_187 = arith.constant 0 : i32
    %dma_wait3A_188 = tpu.memref_slice %arg9[%dma_wait3A_186, %dma_wait3A_187] : memref<10240x64xf32, #tpu.memory_space<vmem_shared>> -> memref<10240x64xf32, #tpu.memory_space<vmem_shared>>
    %dma_wait3A_189 = tpu.memref_slice %arg12[%dma_wait3A_178] : memref<2x!tpu.dma_semaphore, #tpu.memory_space<semaphore_mem>> -> memref<1x!tpu.dma_semaphore, #tpu.memory_space<semaphore_mem>>
    %dma_wait3A_190 = tpu.memref_squeeze %dma_wait3A_189 : memref<1x!tpu.dma_semaphore, #tpu.memory_space<semaphore_mem>> -> memref<!tpu.dma_semaphore, #tpu.memory_space<semaphore_mem>>
    tpu.wait_indirect_dma semaphore(%dma_wait3A_190 : memref<!tpu.dma_semaphore, #tpu.memory_space<semaphore_mem>>) src(%dma_wait3A_182 : memref<128x64xf32, #tpu.memory_space<vmem>>) dst(%dma_wait3A_188 : memref<10240x64xf32, #tpu.memory_space<vmem_shared>>)
    %dma_wait3A_191 = arith.constant 1 : i32
    %dma_wait3A_192 = arith.constant 1 : i32
    %dma_wait3A_193 = arith.constant 0 : i32
    %dma_wait3A_194 = arith.constant 0 : i32
    %dma_wait3A_195 = arith.constant 0 : i32
    %dma_wait3A_196 = tpu.memref_slice %arg8[%dma_wait3A_191, %dma_wait3A_194, %dma_wait3A_195] : memref<4x128x64xf32, #tpu.memory_space<vmem>> -> memref<1x128x64xf32, #tpu.memory_space<vmem>>
    %dma_wait3A_197 = tpu.memref_squeeze %dma_wait3A_196 : memref<1x128x64xf32, #tpu.memory_space<vmem>> -> memref<128x64xf32, #tpu.memory_space<vmem>>
    %dma_wait3A_198 = arith.constant 0 : i32
    %dma_wait3A_199 = tpu.memref_slice %arg7[%dma_wait3A_192, %dma_wait3A_198] : memref<40x128xi32, #tpu.memory_space<vmem>> -> memref<1x128xi32, #tpu.memory_space<vmem>>
    %dma_wait3A_200 = tpu.memref_squeeze %dma_wait3A_199 : memref<1x128xi32, #tpu.memory_space<vmem>> -> memref<128xi32, #tpu.memory_space<vmem>>
    %dma_wait3A_201 = arith.constant 0 : i32
    %dma_wait3A_202 = arith.constant 0 : i32
    %dma_wait3A_203 = tpu.memref_slice %arg9[%dma_wait3A_201, %dma_wait3A_202] : memref<10240x64xf32, #tpu.memory_space<vmem_shared>> -> memref<10240x64xf32, #tpu.memory_space<vmem_shared>>
    %dma_wait3A_204 = tpu.memref_slice %arg12[%dma_wait3A_193] : memref<2x!tpu.dma_semaphore, #tpu.memory_space<semaphore_mem>> -> memref<1x!tpu.dma_semaphore, #tpu.memory_space<semaphore_mem>>
    %dma_wait3A_205 = tpu.memref_squeeze %dma_wait3A_204 : memref<1x!tpu.dma_semaphore, #tpu.memory_space<semaphore_mem>> -> memref<!tpu.dma_semaphore, #tpu.memory_space<semaphore_mem>>
    tpu.wait_indirect_dma semaphore(%dma_wait3A_205 : memref<!tpu.dma_semaphore, #tpu.memory_space<semaphore_mem>>) src(%dma_wait3A_197 : memref<128x64xf32, #tpu.memory_space<vmem>>) dst(%dma_wait3A_203 : memref<10240x64xf32, #tpu.memory_space<vmem_shared>>)
    %dma_start3A_206 = arith.constant 4 : i32
    %dma_start3A_207 = arith.constant 0 : i32
    %dma_start3A_208 = arith.constant 0 : i32
    %dma_start3A_209 = arith.constant 0 : i32
    %dma_start3A_210 = arith.constant 0 : i32
    %dma_start3A_211 = tpu.memref_slice %arg8[%dma_start3A_207, %dma_start3A_209, %dma_start3A_210] : memref<4x128x64xf32, #tpu.memory_space<vmem>> -> memref<1x128x64xf32, #tpu.memory_space<vmem>>
    %dma_start3A_212 = tpu.memref_squeeze %dma_start3A_211 : memref<1x128x64xf32, #tpu.memory_space<vmem>> -> memref<128x64xf32, #tpu.memory_space<vmem>>
    %dma_start3A_213 = arith.constant 0 : i32
    %dma_start3A_214 = tpu.memref_slice %arg6[%dma_start3A_206, %dma_start3A_213] : memref<40x128xi32, #tpu.memory_space<vmem>> -> memref<1x128xi32, #tpu.memory_space<vmem>>
    %dma_start3A_215 = tpu.memref_squeeze %dma_start3A_214 : memref<1x128xi32, #tpu.memory_space<vmem>> -> memref<128xi32, #tpu.memory_space<vmem>>
    %dma_start3A_216 = arith.constant 0 : i32
    %dma_start3A_217 = arith.constant 0 : i32
    %dma_start3A_218 = tpu.memref_slice %arg10[%dma_start3A_216, %dma_start3A_217] : memref<10000x64xf32, #tpu.memory_space<vmem_shared>> -> memref<10000x64xf32, #tpu.memory_space<vmem_shared>>
    %dma_start3A_219 = tpu.memref_slice %arg11[%dma_start3A_208] : memref<2x!tpu.dma_semaphore, #tpu.memory_space<semaphore_mem>> -> memref<1x!tpu.dma_semaphore, #tpu.memory_space<semaphore_mem>>
    %dma_start3A_220 = tpu.memref_squeeze %dma_start3A_219 : memref<1x!tpu.dma_semaphore, #tpu.memory_space<semaphore_mem>> -> memref<!tpu.dma_semaphore, #tpu.memory_space<semaphore_mem>>
    tpu.enqueue_indirect_dma source(%dma_start3A_218 : memref<10000x64xf32, #tpu.memory_space<vmem_shared>>) target(%dma_start3A_212 : memref<128x64xf32, #tpu.memory_space<vmem>>) offsets(%dma_start3A_215 : memref<128xi32, #tpu.memory_space<vmem>>) semaphore(%dma_start3A_220 : memref<!tpu.dma_semaphore, #tpu.memory_space<semaphore_mem>>)
    %dma_start3A_221 = arith.constant 5 : i32
    %dma_start3A_222 = arith.constant 1 : i32
    %dma_start3A_223 = arith.constant 0 : i32
    %dma_start3A_224 = arith.constant 0 : i32
    %dma_start3A_225 = arith.constant 0 : i32
    %dma_start3A_226 = tpu.memref_slice %arg8[%dma_start3A_222, %dma_start3A_224, %dma_start3A_225] : memref<4x128x64xf32, #tpu.memory_space<vmem>> -> memref<1x128x64xf32, #tpu.memory_space<vmem>>
    %dma_start3A_227 = tpu.memref_squeeze %dma_start3A_226 : memref<1x128x64xf32, #tpu.memory_space<vmem>> -> memref<128x64xf32, #tpu.memory_space<vmem>>
    %dma_start3A_228 = arith.constant 0 : i32
    %dma_start3A_229 = tpu.memref_slice %arg6[%dma_start3A_221, %dma_start3A_228] : memref<40x128xi32, #tpu.memory_space<vmem>> -> memref<1x128xi32, #tpu.memory_space<vmem>>
    %dma_start3A_230 = tpu.memref_squeeze %dma_start3A_229 : memref<1x128xi32, #tpu.memory_space<vmem>> -> memref<128xi32, #tpu.memory_space<vmem>>
    %dma_start3A_231 = arith.constant 0 : i32
    %dma_start3A_232 = arith.constant 0 : i32
    %dma_start3A_233 = tpu.memref_slice %arg10[%dma_start3A_231, %dma_start3A_232] : memref<10000x64xf32, #tpu.memory_space<vmem_shared>> -> memref<10000x64xf32, #tpu.memory_space<vmem_shared>>
    %dma_start3A_234 = tpu.memref_slice %arg11[%dma_start3A_223] : memref<2x!tpu.dma_semaphore, #tpu.memory_space<semaphore_mem>> -> memref<1x!tpu.dma_semaphore, #tpu.memory_space<semaphore_mem>>
    %dma_start3A_235 = tpu.memref_squeeze %dma_start3A_234 : memref<1x!tpu.dma_semaphore, #tpu.memory_space<semaphore_mem>> -> memref<!tpu.dma_semaphore, #tpu.memory_space<semaphore_mem>>
    tpu.enqueue_indirect_dma source(%dma_start3A_233 : memref<10000x64xf32, #tpu.memory_space<vmem_shared>>) target(%dma_start3A_227 : memref<128x64xf32, #tpu.memory_space<vmem>>) offsets(%dma_start3A_230 : memref<128xi32, #tpu.memory_space<vmem>>) semaphore(%dma_start3A_235 : memref<!tpu.dma_semaphore, #tpu.memory_space<semaphore_mem>>)
    %dma_start3A_236 = arith.constant 2 : i32
    %dma_start3A_237 = arith.constant 2 : i32
    %dma_start3A_238 = arith.constant 1 : i32
    %dma_start3A_239 = arith.constant 0 : i32
    %dma_start3A_240 = arith.constant 0 : i32
    %dma_start3A_241 = tpu.memref_slice %arg8[%dma_start3A_236, %dma_start3A_239, %dma_start3A_240] : memref<4x128x64xf32, #tpu.memory_space<vmem>> -> memref<1x128x64xf32, #tpu.memory_space<vmem>>
    %dma_start3A_242 = tpu.memref_squeeze %dma_start3A_241 : memref<1x128x64xf32, #tpu.memory_space<vmem>> -> memref<128x64xf32, #tpu.memory_space<vmem>>
    %dma_start3A_243 = arith.constant 0 : i32
    %dma_start3A_244 = tpu.memref_slice %arg7[%dma_start3A_237, %dma_start3A_243] : memref<40x128xi32, #tpu.memory_space<vmem>> -> memref<1x128xi32, #tpu.memory_space<vmem>>
    %dma_start3A_245 = tpu.memref_squeeze %dma_start3A_244 : memref<1x128xi32, #tpu.memory_space<vmem>> -> memref<128xi32, #tpu.memory_space<vmem>>
    %dma_start3A_246 = arith.constant 0 : i32
    %dma_start3A_247 = arith.constant 0 : i32
    %dma_start3A_248 = tpu.memref_slice %arg9[%dma_start3A_246, %dma_start3A_247] : memref<10240x64xf32, #tpu.memory_space<vmem_shared>> -> memref<10240x64xf32, #tpu.memory_space<vmem_shared>>
    %dma_start3A_249 = tpu.memref_slice %arg12[%dma_start3A_238] : memref<2x!tpu.dma_semaphore, #tpu.memory_space<semaphore_mem>> -> memref<1x!tpu.dma_semaphore, #tpu.memory_space<semaphore_mem>>
    %dma_start3A_250 = tpu.memref_squeeze %dma_start3A_249 : memref<1x!tpu.dma_semaphore, #tpu.memory_space<semaphore_mem>> -> memref<!tpu.dma_semaphore, #tpu.memory_space<semaphore_mem>>
    tpu.enqueue_indirect_dma source(%dma_start3A_242 : memref<128x64xf32, #tpu.memory_space<vmem>>) target(%dma_start3A_248 : memref<10240x64xf32, #tpu.memory_space<vmem_shared>>) offsets(%dma_start3A_245 : memref<128xi32, #tpu.memory_space<vmem>>) semaphore(%dma_start3A_250 : memref<!tpu.dma_semaphore, #tpu.memory_space<semaphore_mem>>) {add = true}
    %dma_start3A_251 = arith.constant 3 : i32
    %dma_start3A_252 = arith.constant 3 : i32
    %dma_start3A_253 = arith.constant 1 : i32
    %dma_start3A_254 = arith.constant 0 : i32
    %dma_start3A_255 = arith.constant 0 : i32
    %dma_start3A_256 = tpu.memref_slice %arg8[%dma_start3A_251, %dma_start3A_254, %dma_start3A_255] : memref<4x128x64xf32, #tpu.memory_space<vmem>> -> memref<1x128x64xf32, #tpu.memory_space<vmem>>
    %dma_start3A_257 = tpu.memref_squeeze %dma_start3A_256 : memref<1x128x64xf32, #tpu.memory_space<vmem>> -> memref<128x64xf32, #tpu.memory_space<vmem>>
    %dma_start3A_258 = arith.constant 0 : i32
    %dma_start3A_259 = tpu.memref_slice %arg7[%dma_start3A_252, %dma_start3A_258] : memref<40x128xi32, #tpu.memory_space<vmem>> -> memref<1x128xi32, #tpu.memory_space<vmem>>
    %dma_start3A_260 = tpu.memref_squeeze %dma_start3A_259 : memref<1x128xi32, #tpu.memory_space<vmem>> -> memref<128xi32, #tpu.memory_space<vmem>>
    %dma_start3A_261 = arith.constant 0 : i32
    %dma_start3A_262 = arith.constant 0 : i32
    %dma_start3A_263 = tpu.memref_slice %arg9[%dma_start3A_261, %dma_start3A_262] : memref<10240x64xf32, #tpu.memory_space<vmem_shared>> -> memref<10240x64xf32, #tpu.memory_space<vmem_shared>>
    %dma_start3A_264 = tpu.memref_slice %arg12[%dma_start3A_253] : memref<2x!tpu.dma_semaphore, #tpu.memory_space<semaphore_mem>> -> memref<1x!tpu.dma_semaphore, #tpu.memory_space<semaphore_mem>>
    %dma_start3A_265 = tpu.memref_squeeze %dma_start3A_264 : memref<1x!tpu.dma_semaphore, #tpu.memory_space<semaphore_mem>> -> memref<!tpu.dma_semaphore, #tpu.memory_space<semaphore_mem>>
    tpu.enqueue_indirect_dma source(%dma_start3A_257 : memref<128x64xf32, #tpu.memory_space<vmem>>) target(%dma_start3A_263 : memref<10240x64xf32, #tpu.memory_space<vmem_shared>>) offsets(%dma_start3A_260 : memref<128xi32, #tpu.memory_space<vmem>>) semaphore(%dma_start3A_265 : memref<!tpu.dma_semaphore, #tpu.memory_space<semaphore_mem>>) {add = true}
    %scan3A_266 = arith.constant 0 : i32
    %scan3A_267 = arith.constant 1 : i32
    %scan3A_268 = arith.constant 9 : i32
    %scan3A_269 = arith.addi %scan3A_267, %scan3A_268 : i32
    %scan3A_270 = arith.constant 1 : i32
    scf.for %scan3A_333 = %scan3A_267 to %scan3A_269 step %scan3A_270  : i32 {
      %mul3A_334 = arith.constant 2 : i32
      %mul3A_335 = arith.muli %mul3A_334, %scan3A_333 : i32
      %mul3A_336 = arith.constant 2 : i32
      %mul3A_337 = arith.muli %mul3A_335, %mul3A_336 : i32
      %add3A_338 = arith.constant 0 : i32
      %add3A_339 = arith.addi %mul3A_337, %add3A_338 : i32
      %jit3A = arith.constant 40 : i32
      %eq3A = arith.constant 0 : i32
      %eq3A_340 = arith.cmpi eq, %jit3A, %eq3A : i32
      %jit3A_341 = arith.constant 1 : i32
      %select_n3A = arith.select %eq3A_340, %jit3A_341, %jit3A : i32
      %rem3A = arith.remsi %add3A_339, %select_n3A : i32
      %ne3A = arith.constant 0 : i32
      %ne3A_342 = arith.cmpi ne, %rem3A, %ne3A : i32
      %lt3A = arith.constant 0 : i32
      %lt3A_343 = arith.cmpi slt, %rem3A, %lt3A : i32
      %lt3A_344 = arith.constant 0 : i32
      %lt3A_345 = arith.cmpi slt, %select_n3A, %lt3A_344 : i32
      %ne3A_346 = arith.xori %lt3A_343, %lt3A_345 : i1
      %and3A = arith.andi %ne3A_346, %ne3A_342 : i1
      %add3A_347 = arith.addi %rem3A, %select_n3A : i32
      %select_n3A_348 = arith.select %and3A, %add3A_347, %rem3A : i32
      %dma_wait3A_349 = arith.constant 0 : i32
      %dma_wait3A_350 = arith.constant 0 : i32
      %dma_wait3A_351 = arith.constant 0 : i32
      %dma_wait3A_352 = arith.constant 0 : i32
      %dma_wait3A_353 = tpu.memref_slice %arg8[%dma_wait3A_349, %dma_wait3A_351, %dma_wait3A_352] : memref<4x128x64xf32, #tpu.memory_space<vmem>> -> memref<1x128x64xf32, #tpu.memory_space<vmem>>
      %dma_wait3A_354 = tpu.memref_squeeze %dma_wait3A_353 : memref<1x128x64xf32, #tpu.memory_space<vmem>> -> memref<128x64xf32, #tpu.memory_space<vmem>>
      %dma_wait3A_355 = arith.constant 0 : i32
      %dma_wait3A_356 = tpu.memref_slice %arg6[%select_n3A_348, %dma_wait3A_355] : memref<40x128xi32, #tpu.memory_space<vmem>> -> memref<1x128xi32, #tpu.memory_space<vmem>>
      %dma_wait3A_357 = tpu.memref_squeeze %dma_wait3A_356 : memref<1x128xi32, #tpu.memory_space<vmem>> -> memref<128xi32, #tpu.memory_space<vmem>>
      %dma_wait3A_358 = arith.constant 0 : i32
      %dma_wait3A_359 = arith.constant 0 : i32
      %dma_wait3A_360 = tpu.memref_slice %arg10[%dma_wait3A_358, %dma_wait3A_359] : memref<10000x64xf32, #tpu.memory_space<vmem_shared>> -> memref<10000x64xf32, #tpu.memory_space<vmem_shared>>
      %dma_wait3A_361 = tpu.memref_slice %arg11[%dma_wait3A_350] : memref<2x!tpu.dma_semaphore, #tpu.memory_space<semaphore_mem>> -> memref<1x!tpu.dma_semaphore, #tpu.memory_space<semaphore_mem>>
      %dma_wait3A_362 = tpu.memref_squeeze %dma_wait3A_361 : memref<1x!tpu.dma_semaphore, #tpu.memory_space<semaphore_mem>> -> memref<!tpu.dma_semaphore, #tpu.memory_space<semaphore_mem>>
      tpu.wait_indirect_dma semaphore(%dma_wait3A_362 : memref<!tpu.dma_semaphore, #tpu.memory_space<semaphore_mem>>) src(%dma_wait3A_360 : memref<10000x64xf32, #tpu.memory_space<vmem_shared>>) dst(%dma_wait3A_354 : memref<128x64xf32, #tpu.memory_space<vmem>>)
      %mul3A_363 = arith.constant 2 : i32
      %mul3A_364 = arith.muli %mul3A_335, %mul3A_363 : i32
      %add3A_365 = arith.constant 1 : i32
      %add3A_366 = arith.addi %mul3A_364, %add3A_365 : i32
      %jit3A_367 = arith.constant 40 : i32
      %eq3A_368 = arith.constant 0 : i32
      %eq3A_369 = arith.cmpi eq, %jit3A_367, %eq3A_368 : i32
      %jit3A_370 = arith.constant 1 : i32
      %select_n3A_371 = arith.select %eq3A_369, %jit3A_370, %jit3A_367 : i32
      %rem3A_372 = arith.remsi %add3A_366, %select_n3A_371 : i32
      %ne3A_373 = arith.constant 0 : i32
      %ne3A_374 = arith.cmpi ne, %rem3A_372, %ne3A_373 : i32
      %lt3A_375 = arith.constant 0 : i32
      %lt3A_376 = arith.cmpi slt, %rem3A_372, %lt3A_375 : i32
      %lt3A_377 = arith.constant 0 : i32
      %lt3A_378 = arith.cmpi slt, %select_n3A_371, %lt3A_377 : i32
      %ne3A_379 = arith.xori %lt3A_376, %lt3A_378 : i1
      %and3A_380 = arith.andi %ne3A_379, %ne3A_374 : i1
      %add3A_381 = arith.addi %rem3A_372, %select_n3A_371 : i32
      %select_n3A_382 = arith.select %and3A_380, %add3A_381, %rem3A_372 : i32
      %dma_wait3A_383 = arith.constant 1 : i32
      %dma_wait3A_384 = arith.constant 0 : i32
      %dma_wait3A_385 = arith.constant 0 : i32
      %dma_wait3A_386 = arith.constant 0 : i32
      %dma_wait3A_387 = tpu.memref_slice %arg8[%dma_wait3A_383, %dma_wait3A_385, %dma_wait3A_386] : memref<4x128x64xf32, #tpu.memory_space<vmem>> -> memref<1x128x64xf32, #tpu.memory_space<vmem>>
      %dma_wait3A_388 = tpu.memref_squeeze %dma_wait3A_387 : memref<1x128x64xf32, #tpu.memory_space<vmem>> -> memref<128x64xf32, #tpu.memory_space<vmem>>
      %dma_wait3A_389 = arith.constant 0 : i32
      %dma_wait3A_390 = tpu.memref_slice %arg6[%select_n3A_382, %dma_wait3A_389] : memref<40x128xi32, #tpu.memory_space<vmem>> -> memref<1x128xi32, #tpu.memory_space<vmem>>
      %dma_wait3A_391 = tpu.memref_squeeze %dma_wait3A_390 : memref<1x128xi32, #tpu.memory_space<vmem>> -> memref<128xi32, #tpu.memory_space<vmem>>
      %dma_wait3A_392 = arith.constant 0 : i32
      %dma_wait3A_393 = arith.constant 0 : i32
      %dma_wait3A_394 = tpu.memref_slice %arg10[%dma_wait3A_392, %dma_wait3A_393] : memref<10000x64xf32, #tpu.memory_space<vmem_shared>> -> memref<10000x64xf32, #tpu.memory_space<vmem_shared>>
      %dma_wait3A_395 = tpu.memref_slice %arg11[%dma_wait3A_384] : memref<2x!tpu.dma_semaphore, #tpu.memory_space<semaphore_mem>> -> memref<1x!tpu.dma_semaphore, #tpu.memory_space<semaphore_mem>>
      %dma_wait3A_396 = tpu.memref_squeeze %dma_wait3A_395 : memref<1x!tpu.dma_semaphore, #tpu.memory_space<semaphore_mem>> -> memref<!tpu.dma_semaphore, #tpu.memory_space<semaphore_mem>>
      tpu.wait_indirect_dma semaphore(%dma_wait3A_396 : memref<!tpu.dma_semaphore, #tpu.memory_space<semaphore_mem>>) src(%dma_wait3A_394 : memref<10000x64xf32, #tpu.memory_space<vmem_shared>>) dst(%dma_wait3A_388 : memref<128x64xf32, #tpu.memory_space<vmem>>)
      %mul3A_397 = arith.constant 2 : i32
      %mul3A_398 = arith.muli %mul3A_397, %scan3A_333 : i32
      %sub3A = arith.constant 1 : i32
      %sub3A_399 = arith.subi %mul3A_398, %sub3A : i32
      %mul3A_400 = arith.constant 2 : i32
      %mul3A_401 = arith.muli %sub3A_399, %mul3A_400 : i32
      %add3A_402 = arith.constant 0 : i32
      %add3A_403 = arith.addi %mul3A_401, %add3A_402 : i32
      %dma_wait3A_404 = arith.constant 2 : i32
      %dma_wait3A_405 = arith.constant 1 : i32
      %dma_wait3A_406 = arith.constant 0 : i32
      %dma_wait3A_407 = arith.constant 0 : i32
      %dma_wait3A_408 = tpu.memref_slice %arg8[%dma_wait3A_404, %dma_wait3A_406, %dma_wait3A_407] : memref<4x128x64xf32, #tpu.memory_space<vmem>> -> memref<1x128x64xf32, #tpu.memory_space<vmem>>
      %dma_wait3A_409 = tpu.memref_squeeze %dma_wait3A_408 : memref<1x128x64xf32, #tpu.memory_space<vmem>> -> memref<128x64xf32, #tpu.memory_space<vmem>>
      %dma_wait3A_410 = arith.constant 0 : i32
      %dma_wait3A_411 = tpu.memref_slice %arg7[%add3A_403, %dma_wait3A_410] : memref<40x128xi32, #tpu.memory_space<vmem>> -> memref<1x128xi32, #tpu.memory_space<vmem>>
      %dma_wait3A_412 = tpu.memref_squeeze %dma_wait3A_411 : memref<1x128xi32, #tpu.memory_space<vmem>> -> memref<128xi32, #tpu.memory_space<vmem>>
      %dma_wait3A_413 = arith.constant 0 : i32
      %dma_wait3A_414 = arith.constant 0 : i32
      %dma_wait3A_415 = tpu.memref_slice %arg9[%dma_wait3A_413, %dma_wait3A_414] : memref<10240x64xf32, #tpu.memory_space<vmem_shared>> -> memref<10240x64xf32, #tpu.memory_space<vmem_shared>>
      %dma_wait3A_416 = tpu.memref_slice %arg12[%dma_wait3A_405] : memref<2x!tpu.dma_semaphore, #tpu.memory_space<semaphore_mem>> -> memref<1x!tpu.dma_semaphore, #tpu.memory_space<semaphore_mem>>
      %dma_wait3A_417 = tpu.memref_squeeze %dma_wait3A_416 : memref<1x!tpu.dma_semaphore, #tpu.memory_space<semaphore_mem>> -> memref<!tpu.dma_semaphore, #tpu.memory_space<semaphore_mem>>
      tpu.wait_indirect_dma semaphore(%dma_wait3A_417 : memref<!tpu.dma_semaphore, #tpu.memory_space<semaphore_mem>>) src(%dma_wait3A_409 : memref<128x64xf32, #tpu.memory_space<vmem>>) dst(%dma_wait3A_415 : memref<10240x64xf32, #tpu.memory_space<vmem_shared>>)
      %mul3A_418 = arith.constant 2 : i32
      %mul3A_419 = arith.muli %sub3A_399, %mul3A_418 : i32
      %add3A_420 = arith.constant 1 : i32
      %add3A_421 = arith.addi %mul3A_419, %add3A_420 : i32
      %dma_wait3A_422 = arith.constant 3 : i32
      %dma_wait3A_423 = arith.constant 1 : i32
      %dma_wait3A_424 = arith.constant 0 : i32
      %dma_wait3A_425 = arith.constant 0 : i32
      %dma_wait3A_426 = tpu.memref_slice %arg8[%dma_wait3A_422, %dma_wait3A_424, %dma_wait3A_425] : memref<4x128x64xf32, #tpu.memory_space<vmem>> -> memref<1x128x64xf32, #tpu.memory_space<vmem>>
      %dma_wait3A_427 = tpu.memref_squeeze %dma_wait3A_426 : memref<1x128x64xf32, #tpu.memory_space<vmem>> -> memref<128x64xf32, #tpu.memory_space<vmem>>
      %dma_wait3A_428 = arith.constant 0 : i32
      %dma_wait3A_429 = tpu.memref_slice %arg7[%add3A_421, %dma_wait3A_428] : memref<40x128xi32, #tpu.memory_space<vmem>> -> memref<1x128xi32, #tpu.memory_space<vmem>>
      %dma_wait3A_430 = tpu.memref_squeeze %dma_wait3A_429 : memref<1x128xi32, #tpu.memory_space<vmem>> -> memref<128xi32, #tpu.memory_space<vmem>>
      %dma_wait3A_431 = arith.constant 0 : i32
      %dma_wait3A_432 = arith.constant 0 : i32
      %dma_wait3A_433 = tpu.memref_slice %arg9[%dma_wait3A_431, %dma_wait3A_432] : memref<10240x64xf32, #tpu.memory_space<vmem_shared>> -> memref<10240x64xf32, #tpu.memory_space<vmem_shared>>
      %dma_wait3A_434 = tpu.memref_slice %arg12[%dma_wait3A_423] : memref<2x!tpu.dma_semaphore, #tpu.memory_space<semaphore_mem>> -> memref<1x!tpu.dma_semaphore, #tpu.memory_space<semaphore_mem>>
      %dma_wait3A_435 = tpu.memref_squeeze %dma_wait3A_434 : memref<1x!tpu.dma_semaphore, #tpu.memory_space<semaphore_mem>> -> memref<!tpu.dma_semaphore, #tpu.memory_space<semaphore_mem>>
      tpu.wait_indirect_dma semaphore(%dma_wait3A_435 : memref<!tpu.dma_semaphore, #tpu.memory_space<semaphore_mem>>) src(%dma_wait3A_427 : memref<128x64xf32, #tpu.memory_space<vmem>>) dst(%dma_wait3A_433 : memref<10240x64xf32, #tpu.memory_space<vmem_shared>>)
      %mul3A_436 = arith.constant 2 : i32
      %mul3A_437 = arith.muli %mul3A_436, %scan3A_333 : i32
      %add3A_438 = arith.constant 1 : i32
      %add3A_439 = arith.addi %mul3A_437, %add3A_438 : i32
      %mul3A_440 = arith.constant 2 : i32
      %mul3A_441 = arith.muli %add3A_439, %mul3A_440 : i32
      %add3A_442 = arith.constant 0 : i32
      %add3A_443 = arith.addi %mul3A_441, %add3A_442 : i32
      %jit3A_444 = arith.constant 40 : i32
      %eq3A_445 = arith.constant 0 : i32
      %eq3A_446 = arith.cmpi eq, %jit3A_444, %eq3A_445 : i32
      %jit3A_447 = arith.constant 1 : i32
      %select_n3A_448 = arith.select %eq3A_446, %jit3A_447, %jit3A_444 : i32
      %rem3A_449 = arith.remsi %add3A_443, %select_n3A_448 : i32
      %ne3A_450 = arith.constant 0 : i32
      %ne3A_451 = arith.cmpi ne, %rem3A_449, %ne3A_450 : i32
      %lt3A_452 = arith.constant 0 : i32
      %lt3A_453 = arith.cmpi slt, %rem3A_449, %lt3A_452 : i32
      %lt3A_454 = arith.constant 0 : i32
      %lt3A_455 = arith.cmpi slt, %select_n3A_448, %lt3A_454 : i32
      %ne3A_456 = arith.xori %lt3A_453, %lt3A_455 : i1
      %and3A_457 = arith.andi %ne3A_456, %ne3A_451 : i1
      %add3A_458 = arith.addi %rem3A_449, %select_n3A_448 : i32
      %select_n3A_459 = arith.select %and3A_457, %add3A_458, %rem3A_449 : i32
      %dma_start3A_460 = arith.constant 2 : i32
      %dma_start3A_461 = arith.constant 1 : i32
      %dma_start3A_462 = arith.constant 0 : i32
      %dma_start3A_463 = arith.constant 0 : i32
      %dma_start3A_464 = tpu.memref_slice %arg8[%dma_start3A_460, %dma_start3A_462, %dma_start3A_463] : memref<4x128x64xf32, #tpu.memory_space<vmem>> -> memref<1x128x64xf32, #tpu.memory_space<vmem>>
      %dma_start3A_465 = tpu.memref_squeeze %dma_start3A_464 : memref<1x128x64xf32, #tpu.memory_space<vmem>> -> memref<128x64xf32, #tpu.memory_space<vmem>>
      %dma_start3A_466 = arith.constant 0 : i32
      %dma_start3A_467 = tpu.memref_slice %arg6[%select_n3A_459, %dma_start3A_466] : memref<40x128xi32, #tpu.memory_space<vmem>> -> memref<1x128xi32, #tpu.memory_space<vmem>>
      %dma_start3A_468 = tpu.memref_squeeze %dma_start3A_467 : memref<1x128xi32, #tpu.memory_space<vmem>> -> memref<128xi32, #tpu.memory_space<vmem>>
      %dma_start3A_469 = arith.constant 0 : i32
      %dma_start3A_470 = arith.constant 0 : i32
      %dma_start3A_471 = tpu.memref_slice %arg10[%dma_start3A_469, %dma_start3A_470] : memref<10000x64xf32, #tpu.memory_space<vmem_shared>> -> memref<10000x64xf32, #tpu.memory_space<vmem_shared>>
      %dma_start3A_472 = tpu.memref_slice %arg11[%dma_start3A_461] : memref<2x!tpu.dma_semaphore, #tpu.memory_space<semaphore_mem>> -> memref<1x!tpu.dma_semaphore, #tpu.memory_space<semaphore_mem>>
      %dma_start3A_473 = tpu.memref_squeeze %dma_start3A_472 : memref<1x!tpu.dma_semaphore, #tpu.memory_space<semaphore_mem>> -> memref<!tpu.dma_semaphore, #tpu.memory_space<semaphore_mem>>
      tpu.enqueue_indirect_dma source(%dma_start3A_471 : memref<10000x64xf32, #tpu.memory_space<vmem_shared>>) target(%dma_start3A_465 : memref<128x64xf32, #tpu.memory_space<vmem>>) offsets(%dma_start3A_468 : memref<128xi32, #tpu.memory_space<vmem>>) semaphore(%dma_start3A_473 : memref<!tpu.dma_semaphore, #tpu.memory_space<semaphore_mem>>)
      %mul3A_474 = arith.constant 2 : i32
      %mul3A_475 = arith.muli %add3A_439, %mul3A_474 : i32
      %add3A_476 = arith.constant 1 : i32
      %add3A_477 = arith.addi %mul3A_475, %add3A_476 : i32
      %jit3A_478 = arith.constant 40 : i32
      %eq3A_479 = arith.constant 0 : i32
      %eq3A_480 = arith.cmpi eq, %jit3A_478, %eq3A_479 : i32
      %jit3A_481 = arith.constant 1 : i32
      %select_n3A_482 = arith.select %eq3A_480, %jit3A_481, %jit3A_478 : i32
      %rem3A_483 = arith.remsi %add3A_477, %select_n3A_482 : i32
      %ne3A_484 = arith.constant 0 : i32
      %ne3A_485 = arith.cmpi ne, %rem3A_483, %ne3A_484 : i32
      %lt3A_486 = arith.constant 0 : i32
      %lt3A_487 = arith.cmpi slt, %rem3A_483, %lt3A_486 : i32
      %lt3A_488 = arith.constant 0 : i32
      %lt3A_489 = arith.cmpi slt, %select_n3A_482, %lt3A_488 : i32
      %ne3A_490 = arith.xori %lt3A_487, %lt3A_489 : i1
      %and3A_491 = arith.andi %ne3A_490, %ne3A_485 : i1
      %add3A_492 = arith.addi %rem3A_483, %select_n3A_482 : i32
      %select_n3A_493 = arith.select %and3A_491, %add3A_492, %rem3A_483 : i32
      %dma_start3A_494 = arith.constant 3 : i32
      %dma_start3A_495 = arith.constant 1 : i32
      %dma_start3A_496 = arith.constant 0 : i32
      %dma_start3A_497 = arith.constant 0 : i32
      %dma_start3A_498 = tpu.memref_slice %arg8[%dma_start3A_494, %dma_start3A_496, %dma_start3A_497] : memref<4x128x64xf32, #tpu.memory_space<vmem>> -> memref<1x128x64xf32, #tpu.memory_space<vmem>>
      %dma_start3A_499 = tpu.memref_squeeze %dma_start3A_498 : memref<1x128x64xf32, #tpu.memory_space<vmem>> -> memref<128x64xf32, #tpu.memory_space<vmem>>
      %dma_start3A_500 = arith.constant 0 : i32
      %dma_start3A_501 = tpu.memref_slice %arg6[%select_n3A_493, %dma_start3A_500] : memref<40x128xi32, #tpu.memory_space<vmem>> -> memref<1x128xi32, #tpu.memory_space<vmem>>
      %dma_start3A_502 = tpu.memref_squeeze %dma_start3A_501 : memref<1x128xi32, #tpu.memory_space<vmem>> -> memref<128xi32, #tpu.memory_space<vmem>>
      %dma_start3A_503 = arith.constant 0 : i32
      %dma_start3A_504 = arith.constant 0 : i32
      %dma_start3A_505 = tpu.memref_slice %arg10[%dma_start3A_503, %dma_start3A_504] : memref<10000x64xf32, #tpu.memory_space<vmem_shared>> -> memref<10000x64xf32, #tpu.memory_space<vmem_shared>>
      %dma_start3A_506 = tpu.memref_slice %arg11[%dma_start3A_495] : memref<2x!tpu.dma_semaphore, #tpu.memory_space<semaphore_mem>> -> memref<1x!tpu.dma_semaphore, #tpu.memory_space<semaphore_mem>>
      %dma_start3A_507 = tpu.memref_squeeze %dma_start3A_506 : memref<1x!tpu.dma_semaphore, #tpu.memory_space<semaphore_mem>> -> memref<!tpu.dma_semaphore, #tpu.memory_space<semaphore_mem>>
      tpu.enqueue_indirect_dma source(%dma_start3A_505 : memref<10000x64xf32, #tpu.memory_space<vmem_shared>>) target(%dma_start3A_499 : memref<128x64xf32, #tpu.memory_space<vmem>>) offsets(%dma_start3A_502 : memref<128xi32, #tpu.memory_space<vmem>>) semaphore(%dma_start3A_507 : memref<!tpu.dma_semaphore, #tpu.memory_space<semaphore_mem>>)
      %mul3A_508 = arith.constant 2 : i32
      %mul3A_509 = arith.muli %mul3A_508, %scan3A_333 : i32
      %mul3A_510 = arith.constant 2 : i32
      %mul3A_511 = arith.muli %mul3A_509, %mul3A_510 : i32
      %add3A_512 = arith.constant 0 : i32
      %add3A_513 = arith.addi %mul3A_511, %add3A_512 : i32
      %dma_start3A_514 = arith.constant 0 : i32
      %dma_start3A_515 = arith.constant 0 : i32
      %dma_start3A_516 = arith.constant 0 : i32
      %dma_start3A_517 = arith.constant 0 : i32
      %dma_start3A_518 = tpu.memref_slice %arg8[%dma_start3A_514, %dma_start3A_516, %dma_start3A_517] : memref<4x128x64xf32, #tpu.memory_space<vmem>> -> memref<1x128x64xf32, #tpu.memory_space<vmem>>
      %dma_start3A_519 = tpu.memref_squeeze %dma_start3A_518 : memref<1x128x64xf32, #tpu.memory_space<vmem>> -> memref<128x64xf32, #tpu.memory_space<vmem>>
      %dma_start3A_520 = arith.constant 0 : i32
      %dma_start3A_521 = tpu.memref_slice %arg7[%add3A_513, %dma_start3A_520] : memref<40x128xi32, #tpu.memory_space<vmem>> -> memref<1x128xi32, #tpu.memory_space<vmem>>
      %dma_start3A_522 = tpu.memref_squeeze %dma_start3A_521 : memref<1x128xi32, #tpu.memory_space<vmem>> -> memref<128xi32, #tpu.memory_space<vmem>>
      %dma_start3A_523 = arith.constant 0 : i32
      %dma_start3A_524 = arith.constant 0 : i32
      %dma_start3A_525 = tpu.memref_slice %arg9[%dma_start3A_523, %dma_start3A_524] : memref<10240x64xf32, #tpu.memory_space<vmem_shared>> -> memref<10240x64xf32, #tpu.memory_space<vmem_shared>>
      %dma_start3A_526 = tpu.memref_slice %arg12[%dma_start3A_515] : memref<2x!tpu.dma_semaphore, #tpu.memory_space<semaphore_mem>> -> memref<1x!tpu.dma_semaphore, #tpu.memory_space<semaphore_mem>>
      %dma_start3A_527 = tpu.memref_squeeze %dma_start3A_526 : memref<1x!tpu.dma_semaphore, #tpu.memory_space<semaphore_mem>> -> memref<!tpu.dma_semaphore, #tpu.memory_space<semaphore_mem>>
      tpu.enqueue_indirect_dma source(%dma_start3A_519 : memref<128x64xf32, #tpu.memory_space<vmem>>) target(%dma_start3A_525 : memref<10240x64xf32, #tpu.memory_space<vmem_shared>>) offsets(%dma_start3A_522 : memref<128xi32, #tpu.memory_space<vmem>>) semaphore(%dma_start3A_527 : memref<!tpu.dma_semaphore, #tpu.memory_space<semaphore_mem>>) {add = true}
      %mul3A_528 = arith.constant 2 : i32
      %mul3A_529 = arith.muli %mul3A_509, %mul3A_528 : i32
      %add3A_530 = arith.constant 1 : i32
      %add3A_531 = arith.addi %mul3A_529, %add3A_530 : i32
      %dma_start3A_532 = arith.constant 1 : i32
      %dma_start3A_533 = arith.constant 0 : i32
      %dma_start3A_534 = arith.constant 0 : i32
      %dma_start3A_535 = arith.constant 0 : i32
      %dma_start3A_536 = tpu.memref_slice %arg8[%dma_start3A_532, %dma_start3A_534, %dma_start3A_535] : memref<4x128x64xf32, #tpu.memory_space<vmem>> -> memref<1x128x64xf32, #tpu.memory_space<vmem>>
      %dma_start3A_537 = tpu.memref_squeeze %dma_start3A_536 : memref<1x128x64xf32, #tpu.memory_space<vmem>> -> memref<128x64xf32, #tpu.memory_space<vmem>>
      %dma_start3A_538 = arith.constant 0 : i32
      %dma_start3A_539 = tpu.memref_slice %arg7[%add3A_531, %dma_start3A_538] : memref<40x128xi32, #tpu.memory_space<vmem>> -> memref<1x128xi32, #tpu.memory_space<vmem>>
      %dma_start3A_540 = tpu.memref_squeeze %dma_start3A_539 : memref<1x128xi32, #tpu.memory_space<vmem>> -> memref<128xi32, #tpu.memory_space<vmem>>
      %dma_start3A_541 = arith.constant 0 : i32
      %dma_start3A_542 = arith.constant 0 : i32
      %dma_start3A_543 = tpu.memref_slice %arg9[%dma_start3A_541, %dma_start3A_542] : memref<10240x64xf32, #tpu.memory_space<vmem_shared>> -> memref<10240x64xf32, #tpu.memory_space<vmem_shared>>
      %dma_start3A_544 = tpu.memref_slice %arg12[%dma_start3A_533] : memref<2x!tpu.dma_semaphore, #tpu.memory_space<semaphore_mem>> -> memref<1x!tpu.dma_semaphore, #tpu.memory_space<semaphore_mem>>
      %dma_start3A_545 = tpu.memref_squeeze %dma_start3A_544 : memref<1x!tpu.dma_semaphore, #tpu.memory_space<semaphore_mem>> -> memref<!tpu.dma_semaphore, #tpu.memory_space<semaphore_mem>>
      tpu.enqueue_indirect_dma source(%dma_start3A_537 : memref<128x64xf32, #tpu.memory_space<vmem>>) target(%dma_start3A_543 : memref<10240x64xf32, #tpu.memory_space<vmem_shared>>) offsets(%dma_start3A_540 : memref<128xi32, #tpu.memory_space<vmem>>) semaphore(%dma_start3A_545 : memref<!tpu.dma_semaphore, #tpu.memory_space<semaphore_mem>>) {add = true}
      %mul3A_546 = arith.constant 2 : i32
      %mul3A_547 = arith.muli %mul3A_546, %scan3A_333 : i32
      %add3A_548 = arith.constant 1 : i32
      %add3A_549 = arith.addi %mul3A_547, %add3A_548 : i32
      %mul3A_550 = arith.constant 2 : i32
      %mul3A_551 = arith.muli %add3A_549, %mul3A_550 : i32
      %add3A_552 = arith.constant 0 : i32
      %add3A_553 = arith.addi %mul3A_551, %add3A_552 : i32
      %jit3A_554 = arith.constant 40 : i32
      %eq3A_555 = arith.constant 0 : i32
      %eq3A_556 = arith.cmpi eq, %jit3A_554, %eq3A_555 : i32
      %jit3A_557 = arith.constant 1 : i32
      %select_n3A_558 = arith.select %eq3A_556, %jit3A_557, %jit3A_554 : i32
      %rem3A_559 = arith.remsi %add3A_553, %select_n3A_558 : i32
      %ne3A_560 = arith.constant 0 : i32
      %ne3A_561 = arith.cmpi ne, %rem3A_559, %ne3A_560 : i32
      %lt3A_562 = arith.constant 0 : i32
      %lt3A_563 = arith.cmpi slt, %rem3A_559, %lt3A_562 : i32
      %lt3A_564 = arith.constant 0 : i32
      %lt3A_565 = arith.cmpi slt, %select_n3A_558, %lt3A_564 : i32
      %ne3A_566 = arith.xori %lt3A_563, %lt3A_565 : i1
      %and3A_567 = arith.andi %ne3A_566, %ne3A_561 : i1
      %add3A_568 = arith.addi %rem3A_559, %select_n3A_558 : i32
      %select_n3A_569 = arith.select %and3A_567, %add3A_568, %rem3A_559 : i32
      %dma_wait3A_570 = arith.constant 2 : i32
      %dma_wait3A_571 = arith.constant 1 : i32
      %dma_wait3A_572 = arith.constant 0 : i32
      %dma_wait3A_573 = arith.constant 0 : i32
      %dma_wait3A_574 = tpu.memref_slice %arg8[%dma_wait3A_570, %dma_wait3A_572, %dma_wait3A_573] : memref<4x128x64xf32, #tpu.memory_space<vmem>> -> memref<1x128x64xf32, #tpu.memory_space<vmem>>
      %dma_wait3A_575 = tpu.memref_squeeze %dma_wait3A_574 : memref<1x128x64xf32, #tpu.memory_space<vmem>> -> memref<128x64xf32, #tpu.memory_space<vmem>>
      %dma_wait3A_576 = arith.constant 0 : i32
      %dma_wait3A_577 = tpu.memref_slice %arg6[%select_n3A_569, %dma_wait3A_576] : memref<40x128xi32, #tpu.memory_space<vmem>> -> memref<1x128xi32, #tpu.memory_space<vmem>>
      %dma_wait3A_578 = tpu.memref_squeeze %dma_wait3A_577 : memref<1x128xi32, #tpu.memory_space<vmem>> -> memref<128xi32, #tpu.memory_space<vmem>>
      %dma_wait3A_579 = arith.constant 0 : i32
      %dma_wait3A_580 = arith.constant 0 : i32
      %dma_wait3A_581 = tpu.memref_slice %arg10[%dma_wait3A_579, %dma_wait3A_580] : memref<10000x64xf32, #tpu.memory_space<vmem_shared>> -> memref<10000x64xf32, #tpu.memory_space<vmem_shared>>
      %dma_wait3A_582 = tpu.memref_slice %arg11[%dma_wait3A_571] : memref<2x!tpu.dma_semaphore, #tpu.memory_space<semaphore_mem>> -> memref<1x!tpu.dma_semaphore, #tpu.memory_space<semaphore_mem>>
      %dma_wait3A_583 = tpu.memref_squeeze %dma_wait3A_582 : memref<1x!tpu.dma_semaphore, #tpu.memory_space<semaphore_mem>> -> memref<!tpu.dma_semaphore, #tpu.memory_space<semaphore_mem>>
      tpu.wait_indirect_dma semaphore(%dma_wait3A_583 : memref<!tpu.dma_semaphore, #tpu.memory_space<semaphore_mem>>) src(%dma_wait3A_581 : memref<10000x64xf32, #tpu.memory_space<vmem_shared>>) dst(%dma_wait3A_575 : memref<128x64xf32, #tpu.memory_space<vmem>>)
      %mul3A_584 = arith.constant 2 : i32
      %mul3A_585 = arith.muli %add3A_549, %mul3A_584 : i32
      %add3A_586 = arith.constant 1 : i32
      %add3A_587 = arith.addi %mul3A_585, %add3A_586 : i32
      %jit3A_588 = arith.constant 40 : i32
      %eq3A_589 = arith.constant 0 : i32
      %eq3A_590 = arith.cmpi eq, %jit3A_588, %eq3A_589 : i32
      %jit3A_591 = arith.constant 1 : i32
      %select_n3A_592 = arith.select %eq3A_590, %jit3A_591, %jit3A_588 : i32
      %rem3A_593 = arith.remsi %add3A_587, %select_n3A_592 : i32
      %ne3A_594 = arith.constant 0 : i32
      %ne3A_595 = arith.cmpi ne, %rem3A_593, %ne3A_594 : i32
      %lt3A_596 = arith.constant 0 : i32
      %lt3A_597 = arith.cmpi slt, %rem3A_593, %lt3A_596 : i32
      %lt3A_598 = arith.constant 0 : i32
      %lt3A_599 = arith.cmpi slt, %select_n3A_592, %lt3A_598 : i32
      %ne3A_600 = arith.xori %lt3A_597, %lt3A_599 : i1
      %and3A_601 = arith.andi %ne3A_600, %ne3A_595 : i1
      %add3A_602 = arith.addi %rem3A_593, %select_n3A_592 : i32
      %select_n3A_603 = arith.select %and3A_601, %add3A_602, %rem3A_593 : i32
      %dma_wait3A_604 = arith.constant 3 : i32
      %dma_wait3A_605 = arith.constant 1 : i32
      %dma_wait3A_606 = arith.constant 0 : i32
      %dma_wait3A_607 = arith.constant 0 : i32
      %dma_wait3A_608 = tpu.memref_slice %arg8[%dma_wait3A_604, %dma_wait3A_606, %dma_wait3A_607] : memref<4x128x64xf32, #tpu.memory_space<vmem>> -> memref<1x128x64xf32, #tpu.memory_space<vmem>>
      %dma_wait3A_609 = tpu.memref_squeeze %dma_wait3A_608 : memref<1x128x64xf32, #tpu.memory_space<vmem>> -> memref<128x64xf32, #tpu.memory_space<vmem>>
      %dma_wait3A_610 = arith.constant 0 : i32
      %dma_wait3A_611 = tpu.memref_slice %arg6[%select_n3A_603, %dma_wait3A_610] : memref<40x128xi32, #tpu.memory_space<vmem>> -> memref<1x128xi32, #tpu.memory_space<vmem>>
      %dma_wait3A_612 = tpu.memref_squeeze %dma_wait3A_611 : memref<1x128xi32, #tpu.memory_space<vmem>> -> memref<128xi32, #tpu.memory_space<vmem>>
      %dma_wait3A_613 = arith.constant 0 : i32
      %dma_wait3A_614 = arith.constant 0 : i32
      %dma_wait3A_615 = tpu.memref_slice %arg10[%dma_wait3A_613, %dma_wait3A_614] : memref<10000x64xf32, #tpu.memory_space<vmem_shared>> -> memref<10000x64xf32, #tpu.memory_space<vmem_shared>>
      %dma_wait3A_616 = tpu.memref_slice %arg11[%dma_wait3A_605] : memref<2x!tpu.dma_semaphore, #tpu.memory_space<semaphore_mem>> -> memref<1x!tpu.dma_semaphore, #tpu.memory_space<semaphore_mem>>
      %dma_wait3A_617 = tpu.memref_squeeze %dma_wait3A_616 : memref<1x!tpu.dma_semaphore, #tpu.memory_space<semaphore_mem>> -> memref<!tpu.dma_semaphore, #tpu.memory_space<semaphore_mem>>
      tpu.wait_indirect_dma semaphore(%dma_wait3A_617 : memref<!tpu.dma_semaphore, #tpu.memory_space<semaphore_mem>>) src(%dma_wait3A_615 : memref<10000x64xf32, #tpu.memory_space<vmem_shared>>) dst(%dma_wait3A_609 : memref<128x64xf32, #tpu.memory_space<vmem>>)
      %mul3A_618 = arith.constant 2 : i32
      %mul3A_619 = arith.muli %mul3A_618, %scan3A_333 : i32
      %mul3A_620 = arith.constant 2 : i32
      %mul3A_621 = arith.muli %mul3A_619, %mul3A_620 : i32
      %add3A_622 = arith.constant 0 : i32
      %add3A_623 = arith.addi %mul3A_621, %add3A_622 : i32
      %dma_wait3A_624 = arith.constant 0 : i32
      %dma_wait3A_625 = arith.constant 0 : i32
      %dma_wait3A_626 = arith.constant 0 : i32
      %dma_wait3A_627 = arith.constant 0 : i32
      %dma_wait3A_628 = tpu.memref_slice %arg8[%dma_wait3A_624, %dma_wait3A_626, %dma_wait3A_627] : memref<4x128x64xf32, #tpu.memory_space<vmem>> -> memref<1x128x64xf32, #tpu.memory_space<vmem>>
      %dma_wait3A_629 = tpu.memref_squeeze %dma_wait3A_628 : memref<1x128x64xf32, #tpu.memory_space<vmem>> -> memref<128x64xf32, #tpu.memory_space<vmem>>
      %dma_wait3A_630 = arith.constant 0 : i32
      %dma_wait3A_631 = tpu.memref_slice %arg7[%add3A_623, %dma_wait3A_630] : memref<40x128xi32, #tpu.memory_space<vmem>> -> memref<1x128xi32, #tpu.memory_space<vmem>>
      %dma_wait3A_632 = tpu.memref_squeeze %dma_wait3A_631 : memref<1x128xi32, #tpu.memory_space<vmem>> -> memref<128xi32, #tpu.memory_space<vmem>>
      %dma_wait3A_633 = arith.constant 0 : i32
      %dma_wait3A_634 = arith.constant 0 : i32
      %dma_wait3A_635 = tpu.memref_slice %arg9[%dma_wait3A_633, %dma_wait3A_634] : memref<10240x64xf32, #tpu.memory_space<vmem_shared>> -> memref<10240x64xf32, #tpu.memory_space<vmem_shared>>
      %dma_wait3A_636 = tpu.memref_slice %arg12[%dma_wait3A_625] : memref<2x!tpu.dma_semaphore, #tpu.memory_space<semaphore_mem>> -> memref<1x!tpu.dma_semaphore, #tpu.memory_space<semaphore_mem>>
      %dma_wait3A_637 = tpu.memref_squeeze %dma_wait3A_636 : memref<1x!tpu.dma_semaphore, #tpu.memory_space<semaphore_mem>> -> memref<!tpu.dma_semaphore, #tpu.memory_space<semaphore_mem>>
      tpu.wait_indirect_dma semaphore(%dma_wait3A_637 : memref<!tpu.dma_semaphore, #tpu.memory_space<semaphore_mem>>) src(%dma_wait3A_629 : memref<128x64xf32, #tpu.memory_space<vmem>>) dst(%dma_wait3A_635 : memref<10240x64xf32, #tpu.memory_space<vmem_shared>>)
      %mul3A_638 = arith.constant 2 : i32
      %mul3A_639 = arith.muli %mul3A_619, %mul3A_638 : i32
      %add3A_640 = arith.constant 1 : i32
      %add3A_641 = arith.addi %mul3A_639, %add3A_640 : i32
      %dma_wait3A_642 = arith.constant 1 : i32
      %dma_wait3A_643 = arith.constant 0 : i32
      %dma_wait3A_644 = arith.constant 0 : i32
      %dma_wait3A_645 = arith.constant 0 : i32
      %dma_wait3A_646 = tpu.memref_slice %arg8[%dma_wait3A_642, %dma_wait3A_644, %dma_wait3A_645] : memref<4x128x64xf32, #tpu.memory_space<vmem>> -> memref<1x128x64xf32, #tpu.memory_space<vmem>>
      %dma_wait3A_647 = tpu.memref_squeeze %dma_wait3A_646 : memref<1x128x64xf32, #tpu.memory_space<vmem>> -> memref<128x64xf32, #tpu.memory_space<vmem>>
      %dma_wait3A_648 = arith.constant 0 : i32
      %dma_wait3A_649 = tpu.memref_slice %arg7[%add3A_641, %dma_wait3A_648] : memref<40x128xi32, #tpu.memory_space<vmem>> -> memref<1x128xi32, #tpu.memory_space<vmem>>
      %dma_wait3A_650 = tpu.memref_squeeze %dma_wait3A_649 : memref<1x128xi32, #tpu.memory_space<vmem>> -> memref<128xi32, #tpu.memory_space<vmem>>
      %dma_wait3A_651 = arith.constant 0 : i32
      %dma_wait3A_652 = arith.constant 0 : i32
      %dma_wait3A_653 = tpu.memref_slice %arg9[%dma_wait3A_651, %dma_wait3A_652] : memref<10240x64xf32, #tpu.memory_space<vmem_shared>> -> memref<10240x64xf32, #tpu.memory_space<vmem_shared>>
      %dma_wait3A_654 = tpu.memref_slice %arg12[%dma_wait3A_643] : memref<2x!tpu.dma_semaphore, #tpu.memory_space<semaphore_mem>> -> memref<1x!tpu.dma_semaphore, #tpu.memory_space<semaphore_mem>>
      %dma_wait3A_655 = tpu.memref_squeeze %dma_wait3A_654 : memref<1x!tpu.dma_semaphore, #tpu.memory_space<semaphore_mem>> -> memref<!tpu.dma_semaphore, #tpu.memory_space<semaphore_mem>>
      tpu.wait_indirect_dma semaphore(%dma_wait3A_655 : memref<!tpu.dma_semaphore, #tpu.memory_space<semaphore_mem>>) src(%dma_wait3A_647 : memref<128x64xf32, #tpu.memory_space<vmem>>) dst(%dma_wait3A_653 : memref<10240x64xf32, #tpu.memory_space<vmem_shared>>)
      %mul3A_656 = arith.constant 2 : i32
      %mul3A_657 = arith.muli %mul3A_656, %scan3A_333 : i32
      %add3A_658 = arith.constant 2 : i32
      %add3A_659 = arith.addi %mul3A_657, %add3A_658 : i32
      %mul3A_660 = arith.constant 2 : i32
      %mul3A_661 = arith.muli %add3A_659, %mul3A_660 : i32
      %add3A_662 = arith.constant 0 : i32
      %add3A_663 = arith.addi %mul3A_661, %add3A_662 : i32
      %jit3A_664 = arith.constant 40 : i32
      %eq3A_665 = arith.constant 0 : i32
      %eq3A_666 = arith.cmpi eq, %jit3A_664, %eq3A_665 : i32
      %jit3A_667 = arith.constant 1 : i32
      %select_n3A_668 = arith.select %eq3A_666, %jit3A_667, %jit3A_664 : i32
      %rem3A_669 = arith.remsi %add3A_663, %select_n3A_668 : i32
      %ne3A_670 = arith.constant 0 : i32
      %ne3A_671 = arith.cmpi ne, %rem3A_669, %ne3A_670 : i32
      %lt3A_672 = arith.constant 0 : i32
      %lt3A_673 = arith.cmpi slt, %rem3A_669, %lt3A_672 : i32
      %lt3A_674 = arith.constant 0 : i32
      %lt3A_675 = arith.cmpi slt, %select_n3A_668, %lt3A_674 : i32
      %ne3A_676 = arith.xori %lt3A_673, %lt3A_675 : i1
      %and3A_677 = arith.andi %ne3A_676, %ne3A_671 : i1
      %add3A_678 = arith.addi %rem3A_669, %select_n3A_668 : i32
      %select_n3A_679 = arith.select %and3A_677, %add3A_678, %rem3A_669 : i32
      %dma_start3A_680 = arith.constant 0 : i32
      %dma_start3A_681 = arith.constant 0 : i32
      %dma_start3A_682 = arith.constant 0 : i32
      %dma_start3A_683 = arith.constant 0 : i32
      %dma_start3A_684 = tpu.memref_slice %arg8[%dma_start3A_680, %dma_start3A_682, %dma_start3A_683] : memref<4x128x64xf32, #tpu.memory_space<vmem>> -> memref<1x128x64xf32, #tpu.memory_space<vmem>>
      %dma_start3A_685 = tpu.memref_squeeze %dma_start3A_684 : memref<1x128x64xf32, #tpu.memory_space<vmem>> -> memref<128x64xf32, #tpu.memory_space<vmem>>
      %dma_start3A_686 = arith.constant 0 : i32
      %dma_start3A_687 = tpu.memref_slice %arg6[%select_n3A_679, %dma_start3A_686] : memref<40x128xi32, #tpu.memory_space<vmem>> -> memref<1x128xi32, #tpu.memory_space<vmem>>
      %dma_start3A_688 = tpu.memref_squeeze %dma_start3A_687 : memref<1x128xi32, #tpu.memory_space<vmem>> -> memref<128xi32, #tpu.memory_space<vmem>>
      %dma_start3A_689 = arith.constant 0 : i32
      %dma_start3A_690 = arith.constant 0 : i32
      %dma_start3A_691 = tpu.memref_slice %arg10[%dma_start3A_689, %dma_start3A_690] : memref<10000x64xf32, #tpu.memory_space<vmem_shared>> -> memref<10000x64xf32, #tpu.memory_space<vmem_shared>>
      %dma_start3A_692 = tpu.memref_slice %arg11[%dma_start3A_681] : memref<2x!tpu.dma_semaphore, #tpu.memory_space<semaphore_mem>> -> memref<1x!tpu.dma_semaphore, #tpu.memory_space<semaphore_mem>>
      %dma_start3A_693 = tpu.memref_squeeze %dma_start3A_692 : memref<1x!tpu.dma_semaphore, #tpu.memory_space<semaphore_mem>> -> memref<!tpu.dma_semaphore, #tpu.memory_space<semaphore_mem>>
      tpu.enqueue_indirect_dma source(%dma_start3A_691 : memref<10000x64xf32, #tpu.memory_space<vmem_shared>>) target(%dma_start3A_685 : memref<128x64xf32, #tpu.memory_space<vmem>>) offsets(%dma_start3A_688 : memref<128xi32, #tpu.memory_space<vmem>>) semaphore(%dma_start3A_693 : memref<!tpu.dma_semaphore, #tpu.memory_space<semaphore_mem>>)
      %mul3A_694 = arith.constant 2 : i32
      %mul3A_695 = arith.muli %add3A_659, %mul3A_694 : i32
      %add3A_696 = arith.constant 1 : i32
      %add3A_697 = arith.addi %mul3A_695, %add3A_696 : i32
      %jit3A_698 = arith.constant 40 : i32
      %eq3A_699 = arith.constant 0 : i32
      %eq3A_700 = arith.cmpi eq, %jit3A_698, %eq3A_699 : i32
      %jit3A_701 = arith.constant 1 : i32
      %select_n3A_702 = arith.select %eq3A_700, %jit3A_701, %jit3A_698 : i32
      %rem3A_703 = arith.remsi %add3A_697, %select_n3A_702 : i32
      %ne3A_704 = arith.constant 0 : i32
      %ne3A_705 = arith.cmpi ne, %rem3A_703, %ne3A_704 : i32
      %lt3A_706 = arith.constant 0 : i32
      %lt3A_707 = arith.cmpi slt, %rem3A_703, %lt3A_706 : i32
      %lt3A_708 = arith.constant 0 : i32
      %lt3A_709 = arith.cmpi slt, %select_n3A_702, %lt3A_708 : i32
      %ne3A_710 = arith.xori %lt3A_707, %lt3A_709 : i1
      %and3A_711 = arith.andi %ne3A_710, %ne3A_705 : i1
      %add3A_712 = arith.addi %rem3A_703, %select_n3A_702 : i32
      %select_n3A_713 = arith.select %and3A_711, %add3A_712, %rem3A_703 : i32
      %dma_start3A_714 = arith.constant 1 : i32
      %dma_start3A_715 = arith.constant 0 : i32
      %dma_start3A_716 = arith.constant 0 : i32
      %dma_start3A_717 = arith.constant 0 : i32
      %dma_start3A_718 = tpu.memref_slice %arg8[%dma_start3A_714, %dma_start3A_716, %dma_start3A_717] : memref<4x128x64xf32, #tpu.memory_space<vmem>> -> memref<1x128x64xf32, #tpu.memory_space<vmem>>
      %dma_start3A_719 = tpu.memref_squeeze %dma_start3A_718 : memref<1x128x64xf32, #tpu.memory_space<vmem>> -> memref<128x64xf32, #tpu.memory_space<vmem>>
      %dma_start3A_720 = arith.constant 0 : i32
      %dma_start3A_721 = tpu.memref_slice %arg6[%select_n3A_713, %dma_start3A_720] : memref<40x128xi32, #tpu.memory_space<vmem>> -> memref<1x128xi32, #tpu.memory_space<vmem>>
      %dma_start3A_722 = tpu.memref_squeeze %dma_start3A_721 : memref<1x128xi32, #tpu.memory_space<vmem>> -> memref<128xi32, #tpu.memory_space<vmem>>
      %dma_start3A_723 = arith.constant 0 : i32
      %dma_start3A_724 = arith.constant 0 : i32
      %dma_start3A_725 = tpu.memref_slice %arg10[%dma_start3A_723, %dma_start3A_724] : memref<10000x64xf32, #tpu.memory_space<vmem_shared>> -> memref<10000x64xf32, #tpu.memory_space<vmem_shared>>
      %dma_start3A_726 = tpu.memref_slice %arg11[%dma_start3A_715] : memref<2x!tpu.dma_semaphore, #tpu.memory_space<semaphore_mem>> -> memref<1x!tpu.dma_semaphore, #tpu.memory_space<semaphore_mem>>
      %dma_start3A_727 = tpu.memref_squeeze %dma_start3A_726 : memref<1x!tpu.dma_semaphore, #tpu.memory_space<semaphore_mem>> -> memref<!tpu.dma_semaphore, #tpu.memory_space<semaphore_mem>>
      tpu.enqueue_indirect_dma source(%dma_start3A_725 : memref<10000x64xf32, #tpu.memory_space<vmem_shared>>) target(%dma_start3A_719 : memref<128x64xf32, #tpu.memory_space<vmem>>) offsets(%dma_start3A_722 : memref<128xi32, #tpu.memory_space<vmem>>) semaphore(%dma_start3A_727 : memref<!tpu.dma_semaphore, #tpu.memory_space<semaphore_mem>>)
      %mul3A_728 = arith.constant 2 : i32
      %mul3A_729 = arith.muli %mul3A_728, %scan3A_333 : i32
      %add3A_730 = arith.constant 1 : i32
      %add3A_731 = arith.addi %mul3A_729, %add3A_730 : i32
      %mul3A_732 = arith.constant 2 : i32
      %mul3A_733 = arith.muli %add3A_731, %mul3A_732 : i32
      %add3A_734 = arith.constant 0 : i32
      %add3A_735 = arith.addi %mul3A_733, %add3A_734 : i32
      %dma_start3A_736 = arith.constant 2 : i32
      %dma_start3A_737 = arith.constant 1 : i32
      %dma_start3A_738 = arith.constant 0 : i32
      %dma_start3A_739 = arith.constant 0 : i32
      %dma_start3A_740 = tpu.memref_slice %arg8[%dma_start3A_736, %dma_start3A_738, %dma_start3A_739] : memref<4x128x64xf32, #tpu.memory_space<vmem>> -> memref<1x128x64xf32, #tpu.memory_space<vmem>>
      %dma_start3A_741 = tpu.memref_squeeze %dma_start3A_740 : memref<1x128x64xf32, #tpu.memory_space<vmem>> -> memref<128x64xf32, #tpu.memory_space<vmem>>
      %dma_start3A_742 = arith.constant 0 : i32
      %dma_start3A_743 = tpu.memref_slice %arg7[%add3A_735, %dma_start3A_742] : memref<40x128xi32, #tpu.memory_space<vmem>> -> memref<1x128xi32, #tpu.memory_space<vmem>>
      %dma_start3A_744 = tpu.memref_squeeze %dma_start3A_743 : memref<1x128xi32, #tpu.memory_space<vmem>> -> memref<128xi32, #tpu.memory_space<vmem>>
      %dma_start3A_745 = arith.constant 0 : i32
      %dma_start3A_746 = arith.constant 0 : i32
      %dma_start3A_747 = tpu.memref_slice %arg9[%dma_start3A_745, %dma_start3A_746] : memref<10240x64xf32, #tpu.memory_space<vmem_shared>> -> memref<10240x64xf32, #tpu.memory_space<vmem_shared>>
      %dma_start3A_748 = tpu.memref_slice %arg12[%dma_start3A_737] : memref<2x!tpu.dma_semaphore, #tpu.memory_space<semaphore_mem>> -> memref<1x!tpu.dma_semaphore, #tpu.memory_space<semaphore_mem>>
      %dma_start3A_749 = tpu.memref_squeeze %dma_start3A_748 : memref<1x!tpu.dma_semaphore, #tpu.memory_space<semaphore_mem>> -> memref<!tpu.dma_semaphore, #tpu.memory_space<semaphore_mem>>
      tpu.enqueue_indirect_dma source(%dma_start3A_741 : memref<128x64xf32, #tpu.memory_space<vmem>>) target(%dma_start3A_747 : memref<10240x64xf32, #tpu.memory_space<vmem_shared>>) offsets(%dma_start3A_744 : memref<128xi32, #tpu.memory_space<vmem>>) semaphore(%dma_start3A_749 : memref<!tpu.dma_semaphore, #tpu.memory_space<semaphore_mem>>) {add = true}
      %mul3A_750 = arith.constant 2 : i32
      %mul3A_751 = arith.muli %add3A_731, %mul3A_750 : i32
      %add3A_752 = arith.constant 1 : i32
      %add3A_753 = arith.addi %mul3A_751, %add3A_752 : i32
      %dma_start3A_754 = arith.constant 3 : i32
      %dma_start3A_755 = arith.constant 1 : i32
      %dma_start3A_756 = arith.constant 0 : i32
      %dma_start3A_757 = arith.constant 0 : i32
      %dma_start3A_758 = tpu.memref_slice %arg8[%dma_start3A_754, %dma_start3A_756, %dma_start3A_757] : memref<4x128x64xf32, #tpu.memory_space<vmem>> -> memref<1x128x64xf32, #tpu.memory_space<vmem>>
      %dma_start3A_759 = tpu.memref_squeeze %dma_start3A_758 : memref<1x128x64xf32, #tpu.memory_space<vmem>> -> memref<128x64xf32, #tpu.memory_space<vmem>>
      %dma_start3A_760 = arith.constant 0 : i32
      %dma_start3A_761 = tpu.memref_slice %arg7[%add3A_753, %dma_start3A_760] : memref<40x128xi32, #tpu.memory_space<vmem>> -> memref<1x128xi32, #tpu.memory_space<vmem>>
      %dma_start3A_762 = tpu.memref_squeeze %dma_start3A_761 : memref<1x128xi32, #tpu.memory_space<vmem>> -> memref<128xi32, #tpu.memory_space<vmem>>
      %dma_start3A_763 = arith.constant 0 : i32
      %dma_start3A_764 = arith.constant 0 : i32
      %dma_start3A_765 = tpu.memref_slice %arg9[%dma_start3A_763, %dma_start3A_764] : memref<10240x64xf32, #tpu.memory_space<vmem_shared>> -> memref<10240x64xf32, #tpu.memory_space<vmem_shared>>
      %dma_start3A_766 = tpu.memref_slice %arg12[%dma_start3A_755] : memref<2x!tpu.dma_semaphore, #tpu.memory_space<semaphore_mem>> -> memref<1x!tpu.dma_semaphore, #tpu.memory_space<semaphore_mem>>
      %dma_start3A_767 = tpu.memref_squeeze %dma_start3A_766 : memref<1x!tpu.dma_semaphore, #tpu.memory_space<semaphore_mem>> -> memref<!tpu.dma_semaphore, #tpu.memory_space<semaphore_mem>>
      tpu.enqueue_indirect_dma source(%dma_start3A_759 : memref<128x64xf32, #tpu.memory_space<vmem>>) target(%dma_start3A_765 : memref<10240x64xf32, #tpu.memory_space<vmem_shared>>) offsets(%dma_start3A_762 : memref<128xi32, #tpu.memory_space<vmem>>) semaphore(%dma_start3A_767 : memref<!tpu.dma_semaphore, #tpu.memory_space<semaphore_mem>>) {add = true}
    }
    %scan3A_271 = arith.constant 9 : i32
    %dma_wait3A_272 = arith.constant 0 : i32
    %dma_wait3A_273 = arith.constant 0 : i32
    %dma_wait3A_274 = arith.constant 0 : i32
    %dma_wait3A_275 = arith.constant 0 : i32
    %dma_wait3A_276 = arith.constant 0 : i32
    %dma_wait3A_277 = tpu.memref_slice %arg8[%dma_wait3A_273, %dma_wait3A_275, %dma_wait3A_276] : memref<4x128x64xf32, #tpu.memory_space<vmem>> -> memref<1x128x64xf32, #tpu.memory_space<vmem>>
    %dma_wait3A_278 = tpu.memref_squeeze %dma_wait3A_277 : memref<1x128x64xf32, #tpu.memory_space<vmem>> -> memref<128x64xf32, #tpu.memory_space<vmem>>
    %dma_wait3A_279 = arith.constant 0 : i32
    %dma_wait3A_280 = tpu.memref_slice %arg6[%dma_wait3A_272, %dma_wait3A_279] : memref<40x128xi32, #tpu.memory_space<vmem>> -> memref<1x128xi32, #tpu.memory_space<vmem>>
    %dma_wait3A_281 = tpu.memref_squeeze %dma_wait3A_280 : memref<1x128xi32, #tpu.memory_space<vmem>> -> memref<128xi32, #tpu.memory_space<vmem>>
    %dma_wait3A_282 = arith.constant 0 : i32
    %dma_wait3A_283 = arith.constant 0 : i32
    %dma_wait3A_284 = tpu.memref_slice %arg10[%dma_wait3A_282, %dma_wait3A_283] : memref<10000x64xf32, #tpu.memory_space<vmem_shared>> -> memref<10000x64xf32, #tpu.memory_space<vmem_shared>>
    %dma_wait3A_285 = tpu.memref_slice %arg11[%dma_wait3A_274] : memref<2x!tpu.dma_semaphore, #tpu.memory_space<semaphore_mem>> -> memref<1x!tpu.dma_semaphore, #tpu.memory_space<semaphore_mem>>
    %dma_wait3A_286 = tpu.memref_squeeze %dma_wait3A_285 : memref<1x!tpu.dma_semaphore, #tpu.memory_space<semaphore_mem>> -> memref<!tpu.dma_semaphore, #tpu.memory_space<semaphore_mem>>
    tpu.wait_indirect_dma semaphore(%dma_wait3A_286 : memref<!tpu.dma_semaphore, #tpu.memory_space<semaphore_mem>>) src(%dma_wait3A_284 : memref<10000x64xf32, #tpu.memory_space<vmem_shared>>) dst(%dma_wait3A_278 : memref<128x64xf32, #tpu.memory_space<vmem>>)
    %dma_wait3A_287 = arith.constant 1 : i32
    %dma_wait3A_288 = arith.constant 1 : i32
    %dma_wait3A_289 = arith.constant 0 : i32
    %dma_wait3A_290 = arith.constant 0 : i32
    %dma_wait3A_291 = arith.constant 0 : i32
    %dma_wait3A_292 = tpu.memref_slice %arg8[%dma_wait3A_288, %dma_wait3A_290, %dma_wait3A_291] : memref<4x128x64xf32, #tpu.memory_space<vmem>> -> memref<1x128x64xf32, #tpu.memory_space<vmem>>
    %dma_wait3A_293 = tpu.memref_squeeze %dma_wait3A_292 : memref<1x128x64xf32, #tpu.memory_space<vmem>> -> memref<128x64xf32, #tpu.memory_space<vmem>>
    %dma_wait3A_294 = arith.constant 0 : i32
    %dma_wait3A_295 = tpu.memref_slice %arg6[%dma_wait3A_287, %dma_wait3A_294] : memref<40x128xi32, #tpu.memory_space<vmem>> -> memref<1x128xi32, #tpu.memory_space<vmem>>
    %dma_wait3A_296 = tpu.memref_squeeze %dma_wait3A_295 : memref<1x128xi32, #tpu.memory_space<vmem>> -> memref<128xi32, #tpu.memory_space<vmem>>
    %dma_wait3A_297 = arith.constant 0 : i32
    %dma_wait3A_298 = arith.constant 0 : i32
    %dma_wait3A_299 = tpu.memref_slice %arg10[%dma_wait3A_297, %dma_wait3A_298] : memref<10000x64xf32, #tpu.memory_space<vmem_shared>> -> memref<10000x64xf32, #tpu.memory_space<vmem_shared>>
    %dma_wait3A_300 = tpu.memref_slice %arg11[%dma_wait3A_289] : memref<2x!tpu.dma_semaphore, #tpu.memory_space<semaphore_mem>> -> memref<1x!tpu.dma_semaphore, #tpu.memory_space<semaphore_mem>>
    %dma_wait3A_301 = tpu.memref_squeeze %dma_wait3A_300 : memref<1x!tpu.dma_semaphore, #tpu.memory_space<semaphore_mem>> -> memref<!tpu.dma_semaphore, #tpu.memory_space<semaphore_mem>>
    tpu.wait_indirect_dma semaphore(%dma_wait3A_301 : memref<!tpu.dma_semaphore, #tpu.memory_space<semaphore_mem>>) src(%dma_wait3A_299 : memref<10000x64xf32, #tpu.memory_space<vmem_shared>>) dst(%dma_wait3A_293 : memref<128x64xf32, #tpu.memory_space<vmem>>)
    %dma_wait3A_302 = arith.constant 2 : i32
    %dma_wait3A_303 = arith.constant 38 : i32
    %dma_wait3A_304 = arith.constant 1 : i32
    %dma_wait3A_305 = arith.constant 0 : i32
    %dma_wait3A_306 = arith.constant 0 : i32
    %dma_wait3A_307 = tpu.memref_slice %arg8[%dma_wait3A_302, %dma_wait3A_305, %dma_wait3A_306] : memref<4x128x64xf32, #tpu.memory_space<vmem>> -> memref<1x128x64xf32, #tpu.memory_space<vmem>>
    %dma_wait3A_308 = tpu.memref_squeeze %dma_wait3A_307 : memref<1x128x64xf32, #tpu.memory_space<vmem>> -> memref<128x64xf32, #tpu.memory_space<vmem>>
    %dma_wait3A_309 = arith.constant 0 : i32
    %dma_wait3A_310 = tpu.memref_slice %arg7[%dma_wait3A_303, %dma_wait3A_309] : memref<40x128xi32, #tpu.memory_space<vmem>> -> memref<1x128xi32, #tpu.memory_space<vmem>>
    %dma_wait3A_311 = tpu.memref_squeeze %dma_wait3A_310 : memref<1x128xi32, #tpu.memory_space<vmem>> -> memref<128xi32, #tpu.memory_space<vmem>>
    %dma_wait3A_312 = arith.constant 0 : i32
    %dma_wait3A_313 = arith.constant 0 : i32
    %dma_wait3A_314 = tpu.memref_slice %arg9[%dma_wait3A_312, %dma_wait3A_313] : memref<10240x64xf32, #tpu.memory_space<vmem_shared>> -> memref<10240x64xf32, #tpu.memory_space<vmem_shared>>
    %dma_wait3A_315 = tpu.memref_slice %arg12[%dma_wait3A_304] : memref<2x!tpu.dma_semaphore, #tpu.memory_space<semaphore_mem>> -> memref<1x!tpu.dma_semaphore, #tpu.memory_space<semaphore_mem>>
    %dma_wait3A_316 = tpu.memref_squeeze %dma_wait3A_315 : memref<1x!tpu.dma_semaphore, #tpu.memory_space<semaphore_mem>> -> memref<!tpu.dma_semaphore, #tpu.memory_space<semaphore_mem>>
    tpu.wait_indirect_dma semaphore(%dma_wait3A_316 : memref<!tpu.dma_semaphore, #tpu.memory_space<semaphore_mem>>) src(%dma_wait3A_308 : memref<128x64xf32, #tpu.memory_space<vmem>>) dst(%dma_wait3A_314 : memref<10240x64xf32, #tpu.memory_space<vmem_shared>>)
    %dma_wait3A_317 = arith.constant 3 : i32
    %dma_wait3A_318 = arith.constant 39 : i32
    %dma_wait3A_319 = arith.constant 1 : i32
    %dma_wait3A_320 = arith.constant 0 : i32
    %dma_wait3A_321 = arith.constant 0 : i32
    %dma_wait3A_322 = tpu.memref_slice %arg8[%dma_wait3A_317, %dma_wait3A_320, %dma_wait3A_321] : memref<4x128x64xf32, #tpu.memory_space<vmem>> -> memref<1x128x64xf32, #tpu.memory_space<vmem>>
    %dma_wait3A_323 = tpu.memref_squeeze %dma_wait3A_322 : memref<1x128x64xf32, #tpu.memory_space<vmem>> -> memref<128x64xf32, #tpu.memory_space<vmem>>
    %dma_wait3A_324 = arith.constant 0 : i32
    %dma_wait3A_325 = tpu.memref_slice %arg7[%dma_wait3A_318, %dma_wait3A_324] : memref<40x128xi32, #tpu.memory_space<vmem>> -> memref<1x128xi32, #tpu.memory_space<vmem>>
    %dma_wait3A_326 = tpu.memref_squeeze %dma_wait3A_325 : memref<1x128xi32, #tpu.memory_space<vmem>> -> memref<128xi32, #tpu.memory_space<vmem>>
    %dma_wait3A_327 = arith.constant 0 : i32
    %dma_wait3A_328 = arith.constant 0 : i32
    %dma_wait3A_329 = tpu.memref_slice %arg9[%dma_wait3A_327, %dma_wait3A_328] : memref<10240x64xf32, #tpu.memory_space<vmem_shared>> -> memref<10240x64xf32, #tpu.memory_space<vmem_shared>>
    %dma_wait3A_330 = tpu.memref_slice %arg12[%dma_wait3A_319] : memref<2x!tpu.dma_semaphore, #tpu.memory_space<semaphore_mem>> -> memref<1x!tpu.dma_semaphore, #tpu.memory_space<semaphore_mem>>
    %dma_wait3A_331 = tpu.memref_squeeze %dma_wait3A_330 : memref<1x!tpu.dma_semaphore, #tpu.memory_space<semaphore_mem>> -> memref<!tpu.dma_semaphore, #tpu.memory_space<semaphore_mem>>
    tpu.wait_indirect_dma semaphore(%dma_wait3A_331 : memref<!tpu.dma_semaphore, #tpu.memory_space<semaphore_mem>>) src(%dma_wait3A_323 : memref<128x64xf32, #tpu.memory_space<vmem>>) dst(%dma_wait3A_329 : memref<10240x64xf32, #tpu.memory_space<vmem_shared>>)
    %barrier3A_332 = arith.constant 0 : index
    tpu.barrier barrier_id(%barrier3A_332)
    "tpu.region"() ({
      %run_scoped3A_333 = tpu.sem_alloc : memref<!tpu.dma_semaphore, #tpu.memory_space<semaphore_mem>>
      %dma_start3A_334 = arith.constant 0 : i32
      %dma_start3A_335 = tpu.memref_slice %arg5[%arg0, %mul3A_13, %dma_start3A_334] : memref<2x10240x64xf32, #tpu.memory_space<hbm>> -> memref<1x640x64xf32, #tpu.memory_space<hbm>>
      %dma_start3A_336 = tpu.memref_squeeze %dma_start3A_335 : memref<1x640x64xf32, #tpu.memory_space<hbm>> -> memref<640x64xf32, #tpu.memory_space<hbm>>
      %dma_start3A_337 = arith.constant 0 : i32
      %dma_start3A_338 = tpu.memref_slice %arg9[%mul3A_13, %dma_start3A_337] : memref<10240x64xf32, #tpu.memory_space<vmem_shared>> -> memref<640x64xf32, #tpu.memory_space<vmem_shared>>
      tpu.enqueue_dma source(%dma_start3A_338 : memref<640x64xf32, #tpu.memory_space<vmem_shared>>) target(%dma_start3A_336 : memref<640x64xf32, #tpu.memory_space<hbm>>) target_semaphore(%run_scoped3A_333 : memref<!tpu.dma_semaphore, #tpu.memory_space<semaphore_mem>>)
      %dma_wait3A_339 = arith.constant 0 : i32
      %dma_wait3A_340 = tpu.memref_slice %arg5[%arg0, %mul3A_13, %dma_wait3A_339] : memref<2x10240x64xf32, #tpu.memory_space<hbm>> -> memref<1x640x64xf32, #tpu.memory_space<hbm>>
      %dma_wait3A_341 = tpu.memref_squeeze %dma_wait3A_340 : memref<1x640x64xf32, #tpu.memory_space<hbm>> -> memref<640x64xf32, #tpu.memory_space<hbm>>
      %dma_wait3A_342 = arith.constant 0 : i32
      %dma_wait3A_343 = tpu.memref_slice %arg9[%mul3A_13, %dma_wait3A_342] : memref<10240x64xf32, #tpu.memory_space<vmem_shared>> -> memref<640x64xf32, #tpu.memory_space<vmem_shared>>
      tpu.wait_dma2 semaphore(%run_scoped3A_333 : memref<!tpu.dma_semaphore, #tpu.memory_space<semaphore_mem>>) src(%dma_wait3A_343 : memref<640x64xf32, #tpu.memory_space<vmem_shared>>) dst(%dma_wait3A_341 : memref<640x64xf32, #tpu.memory_space<hbm>>)
      tpu.yield
    }) : () -> ()
    return
  }
}

module attributes {stable_mosaic.version = 14 : i64} {
  func.func @_mm1_body(%arg0: i32, %arg1: memref<1000x640xf32, #tpu.memory_space<vmem>>, %arg2: memref<640x64xf32, #tpu.memory_space<vmem>>, %arg3: memref<1000x64xf32, #tpu.memory_space<vmem>>) attributes {dimension_semantics = [#tpu.dimension_semantics<arbitrary>], iteration_bounds = array<i64: 10>, scalar_prefetch = 0 : i64, scratch_operands = 0 : i64, tpu.core_type = #tpu.core_type<tc>, window_params = [{transform_indices = @transform_0, window_bounds = array<i64: 1000, 640>}, {pipeline_mode = #tpu.pipeline_mode<synchronous>, transform_indices = @transform_1, window_bounds = array<i64: 640, 64>}, {transform_indices = @transform_2, window_bounds = array<i64: 1000, 64>}]} {
    %get3A = arith.constant 0 : index
    %get3A_0 = arith.constant 0 : index
    %get3A_1 = vector.load %arg1[%get3A, %get3A_0] : memref<1000x640xf32, #tpu.memory_space<vmem>>, vector<1000x640xf32>
    %get3A_2 = arith.constant 0 : index
    %get3A_3 = arith.constant 0 : index
    %get3A_4 = vector.load %arg2[%get3A_2, %get3A_3] : memref<640x64xf32, #tpu.memory_space<vmem>>, vector<640x64xf32>
    %dot_general3A = arith.constant dense<0.000000e+00> : vector<1000x64xf32>
    %dot_general3A_5 = tpu.matmul %get3A_1, %get3A_4, %dot_general3A {dimension_numbers = #tpu.dot_dimension_numbers<[1], [0], [0], [1], [0, 0, 1, 1], [], []>, transpose_lhs_hint = false} : vector<1000x640xf32>, vector<640x64xf32>, vector<1000x64xf32> -> vector<1000x64xf32>
    %swap3A = arith.constant 0 : index
    %swap3A_6 = arith.constant 0 : index
    %swap3A_7 = vector.load %arg3[%swap3A, %swap3A_6] : memref<1000x64xf32, #tpu.memory_space<vmem>>, vector<1000x64xf32>
    tpu.vector_store %arg3[%swap3A, %swap3A_6], %dot_general3A_5 {strides = array<i32>} : memref<1000x64xf32, #tpu.memory_space<vmem>>, vector<1000x64xf32>,
    return
  }
  func.func @transform_0(%arg0: i32) -> (i32, i32) {
    %c0_i32 = arith.constant 0 : i32
    %c0_i32_0 = arith.constant 0 : i32
    return %arg0, %c0_i32 : i32, i32
  }
  func.func @transform_1(%arg0: i32) -> (i32, i32) {
    %c0_i32 = arith.constant 0 : i32
    %c0_i32_0 = arith.constant 0 : i32
    %c0_i32_1 = arith.constant 0 : i32
    return %c0_i32, %c0_i32_0 : i32, i32
  }
  func.func @transform_2(%arg0: i32) -> (i32, i32) {
    %c0_i32 = arith.constant 0 : i32
    %c0_i32_0 = arith.constant 0 : i32
    return %arg0, %c0_i32 : i32, i32
  }
}

module attributes {stable_mosaic.version = 14 : i64} {
  func.func @_scale1_body(%arg0: i32, %arg1: memref<2000x64xf32, #tpu.memory_space<vmem>>, %arg2: memref<1x2000x16xf32, #tpu.memory_space<vmem>>, %arg3: memref<1x2000x16xf32, #tpu.memory_space<vmem>>, %arg4: memref<1000x128xf32, #tpu.memory_space<vmem>>, %arg5: memref<1000x128xf32, #tpu.memory_space<vmem>>) attributes {dimension_semantics = [#tpu.dimension_semantics<arbitrary>], iteration_bounds = array<i64: 5>, scalar_prefetch = 0 : i64, scratch_operands = 0 : i64, tpu.core_type = #tpu.core_type<tc>, window_params = [{transform_indices = @transform_0, window_bounds = array<i64: 2000, 64>}, {transform_indices = @transform_1, window_bounds = array<i64: 1, 2000, 16>}, {transform_indices = @transform_2, window_bounds = array<i64: 1, 2000, 16>}, {transform_indices = @transform_3, window_bounds = array<i64: 1000, 128>}, {transform_indices = @transform_4, window_bounds = array<i64: 1000, 128>}]} {
    %get3A = arith.constant 0 : index
    %get3A_0 = arith.constant 0 : index
    %get3A_1 = arith.constant 0 : index
    %get3A_2 = vector.load %arg2[%get3A, %get3A_0, %get3A_1] : memref<1x2000x16xf32, #tpu.memory_space<vmem>>, vector<1x2000x16xf32>
    %get3A_3 = vector.shape_cast %get3A_2 : vector<1x2000x16xf32> to vector<2000x16xf32>
    %get3A_4 = arith.constant 0 : index
    %get3A_5 = arith.constant 0 : index
    %get3A_6 = arith.constant 0 : index
    %get3A_7 = vector.load %arg3[%get3A_4, %get3A_5, %get3A_6] : memref<1x2000x16xf32, #tpu.memory_space<vmem>>, vector<1x2000x16xf32>
    %get3A_8 = vector.shape_cast %get3A_7 : vector<1x2000x16xf32> to vector<2000x16xf32>
    %add3A = arith.addf %get3A_3, %get3A_8 : vector<2000x16xf32>
    %add3A_9 = arith.constant 1.000000e+00 : f32
    %add3A_10 = vector.broadcast %add3A_9 : f32 to vector<2000x16xf32>
    %add3A_11 = arith.addf %add3A, %add3A_10 : vector<2000x16xf32>
    %slice3A = vector.extract_strided_slice %add3A_11 {offsets = [0, 0], sizes = [2000, 1], strides = [1, 1]} : vector<2000x16xf32> to vector<2000x1xf32>
    %rsqrt3A = math.rsqrt %slice3A : vector<2000x1xf32>
    %reshape3A = vector.shape_cast %rsqrt3A : vector<2000x1xf32> to vector<1000x2x1xf32>
    %slice3A_12 = vector.extract_strided_slice %reshape3A {offsets = [0, 0, 0], sizes = [1000, 1, 1], strides = [1, 1, 1]} : vector<1000x2x1xf32> to vector<1000x1x1xf32>
    %squeeze3A = vector.shape_cast %slice3A_12 : vector<1000x1x1xf32> to vector<1000x1xf32>
    %slice3A_13 = vector.extract_strided_slice %reshape3A {offsets = [0, 1, 0], sizes = [1000, 1, 1], strides = [1, 1, 1]} : vector<1000x2x1xf32> to vector<1000x1x1xf32>
    %squeeze3A_14 = vector.shape_cast %slice3A_13 : vector<1000x1x1xf32> to vector<1000x1xf32>
    %broadcast_in_dim3A = vector.shape_cast %squeeze3A : vector<1000x1xf32> to vector<1000x1xf32>
    %broadcast_in_dim3A_15 = vector.broadcast %broadcast_in_dim3A : vector<1000x1xf32> to vector<1000x64xf32>
    %broadcast_in_dim3A_16 = vector.shape_cast %squeeze3A_14 : vector<1000x1xf32> to vector<1000x1xf32>
    %broadcast_in_dim3A_17 = vector.broadcast %broadcast_in_dim3A_16 : vector<1000x1xf32> to vector<1000x64xf32>
    %concatenate3A = tpu.concatenate %broadcast_in_dim3A_15, %broadcast_in_dim3A_17 in 1 : vector<1000x64xf32>, vector<1000x64xf32> -> vector<1000x128xf32>
    %swap3A = arith.constant 0 : index
    %swap3A_18 = arith.constant 0 : index
    %swap3A_19 = vector.load %arg5[%swap3A, %swap3A_18] : memref<1000x128xf32, #tpu.memory_space<vmem>>, vector<1000x128xf32>
    tpu.vector_store %arg5[%swap3A, %swap3A_18], %concatenate3A {strides = array<i32>} : memref<1000x128xf32, #tpu.memory_space<vmem>>, vector<1000x128xf32>,
    %get3A_20 = arith.constant 0 : index
    %get3A_21 = arith.constant 0 : index
    %get3A_22 = vector.load %arg1[%get3A_20, %get3A_21] : memref<2000x64xf32, #tpu.memory_space<vmem>>, vector<2000x64xf32>
    %reshape3A_23 = vector.shape_cast %get3A_22 : vector<2000x64xf32> to vector<1000x2x64xf32>
    %slice3A_24 = vector.extract_strided_slice %reshape3A_23 {offsets = [0, 0, 0], sizes = [1000, 1, 64], strides = [1, 1, 1]} : vector<1000x2x64xf32> to vector<1000x1x64xf32>
    %squeeze3A_25 = vector.shape_cast %slice3A_24 : vector<1000x1x64xf32> to vector<1000x64xf32>
    %mul3A = vector.broadcast %squeeze3A : vector<1000x1xf32> to vector<1000x64xf32>
    %mul3A_26 = arith.mulf %mul3A, %squeeze3A_25 : vector<1000x64xf32>
    %slice3A_27 = vector.extract_strided_slice %reshape3A_23 {offsets = [0, 1, 0], sizes = [1000, 1, 64], strides = [1, 1, 1]} : vector<1000x2x64xf32> to vector<1000x1x64xf32>
    %squeeze3A_28 = vector.shape_cast %slice3A_27 : vector<1000x1x64xf32> to vector<1000x64xf32>
    %mul3A_29 = vector.broadcast %squeeze3A_14 : vector<1000x1xf32> to vector<1000x64xf32>
    %mul3A_30 = arith.mulf %mul3A_29, %squeeze3A_28 : vector<1000x64xf32>
    %concatenate3A_31 = tpu.concatenate %mul3A_26, %mul3A_30 in 1 : vector<1000x64xf32>, vector<1000x64xf32> -> vector<1000x128xf32>
    %swap3A_32 = arith.constant 0 : index
    %swap3A_33 = arith.constant 0 : index
    %swap3A_34 = vector.load %arg4[%swap3A_32, %swap3A_33] : memref<1000x128xf32, #tpu.memory_space<vmem>>, vector<1000x128xf32>
    tpu.vector_store %arg4[%swap3A_32, %swap3A_33], %concatenate3A_31 {strides = array<i32>} : memref<1000x128xf32, #tpu.memory_space<vmem>>, vector<1000x128xf32>,
    return
  }
  func.func @transform_0(%arg0: i32) -> (i32, i32) {
    %c0_i32 = arith.constant 0 : i32
    %c0_i32_0 = arith.constant 0 : i32
    return %arg0, %c0_i32 : i32, i32
  }
  func.func @transform_1(%arg0: i32) -> (i32, i32, i32) {
    %c0_i32 = arith.constant 0 : i32
    %c0_i32_0 = arith.constant 0 : i32
    %c0_i32_1 = arith.constant 0 : i32
    return %c0_i32, %arg0, %c0_i32_0 : i32, i32, i32
  }
  func.func @transform_2(%arg0: i32) -> (i32, i32, i32) {
    %c1_i32 = arith.constant 1 : i32
    %c0_i32 = arith.constant 0 : i32
    %c0_i32_0 = arith.constant 0 : i32
    return %c1_i32, %arg0, %c0_i32 : i32, i32, i32
  }
  func.func @transform_3(%arg0: i32) -> (i32, i32) {
    %c0_i32 = arith.constant 0 : i32
    %c0_i32_0 = arith.constant 0 : i32
    return %arg0, %c0_i32 : i32, i32
  }
  func.func @transform_4(%arg0: i32) -> (i32, i32) {
    %c0_i32 = arith.constant 0 : i32
    %c0_i32_0 = arith.constant 0 : i32
    return %arg0, %c0_i32 : i32, i32
  }
}

module attributes {stable_mosaic.version = 14 : i64} {
  func.func @_layer3_body(%arg0: i32, %arg1: memref<1x1000x128xf32, #tpu.memory_space<vmem>>, %arg2: memref<1x1000x128xf32, #tpu.memory_space<vmem>>, %arg3: memref<1000x128xf32, #tpu.memory_space<vmem>>, %arg4: memref<1000x128xf32, #tpu.memory_space<vmem>>, %arg5: memref<1x128xf32, #tpu.memory_space<vmem>>, %arg6: memref<1000x128xf32, #tpu.memory_space<vmem>>) attributes {dimension_semantics = [#tpu.dimension_semantics<arbitrary>], iteration_bounds = array<i64: 5>, scalar_prefetch = 0 : i64, scratch_operands = 0 : i64, tpu.core_type = #tpu.core_type<tc>, window_params = [{transform_indices = @transform_0, window_bounds = array<i64: 1, 1000, 128>}, {transform_indices = @transform_1, window_bounds = array<i64: 1, 1000, 128>}, {transform_indices = @transform_2, window_bounds = array<i64: 1000, 128>}, {transform_indices = @transform_3, window_bounds = array<i64: 1000, 128>}, {pipeline_mode = #tpu.pipeline_mode<synchronous>, transform_indices = @transform_4, window_bounds = array<i64: 1, 128>}, {transform_indices = @transform_5, window_bounds = array<i64: 1000, 128>}]} {
    %get3A = arith.constant 0 : index
    %get3A_0 = arith.constant 0 : index
    %get3A_1 = vector.load %arg4[%get3A, %get3A_0] : memref<1000x128xf32, #tpu.memory_space<vmem>>, vector<1000x128xf32>
    %get3A_2 = arith.constant 0 : index
    %get3A_3 = arith.constant 0 : index
    %get3A_4 = arith.constant 0 : index
    %get3A_5 = vector.load %arg1[%get3A_2, %get3A_3, %get3A_4] : memref<1x1000x128xf32, #tpu.memory_space<vmem>>, vector<1x1000x128xf32>
    %get3A_6 = vector.shape_cast %get3A_5 : vector<1x1000x128xf32> to vector<1000x128xf32>
    %get3A_7 = arith.constant 0 : index
    %get3A_8 = arith.constant 0 : index
    %get3A_9 = arith.constant 0 : index
    %get3A_10 = vector.load %arg2[%get3A_7, %get3A_8, %get3A_9] : memref<1x1000x128xf32, #tpu.memory_space<vmem>>, vector<1x1000x128xf32>
    %get3A_11 = vector.shape_cast %get3A_10 : vector<1x1000x128xf32> to vector<1000x128xf32>
    %add3A = arith.addf %get3A_6, %get3A_11 : vector<1000x128xf32>
    %get3A_12 = arith.constant 0 : index
    %get3A_13 = arith.constant 0 : index
    %get3A_14 = vector.load %arg3[%get3A_12, %get3A_13] : memref<1000x128xf32, #tpu.memory_space<vmem>>, vector<1000x128xf32>
    %add3A_15 = arith.addf %add3A, %get3A_14 : vector<1000x128xf32>
    %mul3A = arith.mulf %get3A_1, %add3A_15 : vector<1000x128xf32>
    %get3A_16 = arith.constant 0 : index
    %get3A_17 = arith.constant 0 : index
    %get3A_18 = vector.load %arg5[%get3A_16, %get3A_17] : memref<1x128xf32, #tpu.memory_space<vmem>>, vector<1x128xf32>
    %add3A_19 = vector.broadcast %get3A_18 : vector<1x128xf32> to vector<1000x128xf32>
    %add3A_20 = arith.addf %mul3A, %add3A_19 : vector<1000x128xf32>
    %max3A = arith.constant 0.000000e+00 : f32
    %max3A_21 = vector.broadcast %max3A : f32 to vector<1000x128xf32>
    %max3A_22 = arith.maximumf %add3A_20, %max3A_21 : vector<1000x128xf32>
    %mul3A_23 = arith.mulf %get3A_1, %max3A_22 : vector<1000x128xf32>
    %swap3A = arith.constant 0 : index
    %swap3A_24 = arith.constant 0 : index
    %swap3A_25 = vector.load %arg6[%swap3A, %swap3A_24] : memref<1000x128xf32, #tpu.memory_space<vmem>>, vector<1000x128xf32>
    tpu.vector_store %arg6[%swap3A, %swap3A_24], %mul3A_23 {strides = array<i32>} : memref<1000x128xf32, #tpu.memory_space<vmem>>, vector<1000x128xf32>,
    return
  }
  func.func @transform_0(%arg0: i32) -> (i32, i32, i32) {
    %c0_i32 = arith.constant 0 : i32
    %c0_i32_0 = arith.constant 0 : i32
    %c0_i32_1 = arith.constant 0 : i32
    return %c0_i32, %arg0, %c0_i32_0 : i32, i32, i32
  }
  func.func @transform_1(%arg0: i32) -> (i32, i32, i32) {
    %c1_i32 = arith.constant 1 : i32
    %c0_i32 = arith.constant 0 : i32
    %c0_i32_0 = arith.constant 0 : i32
    return %c1_i32, %arg0, %c0_i32 : i32, i32, i32
  }
  func.func @transform_2(%arg0: i32) -> (i32, i32) {
    %c0_i32 = arith.constant 0 : i32
    %c0_i32_0 = arith.constant 0 : i32
    return %arg0, %c0_i32 : i32, i32
  }
  func.func @transform_3(%arg0: i32) -> (i32, i32) {
    %c0_i32 = arith.constant 0 : i32
    %c0_i32_0 = arith.constant 0 : i32
    return %arg0, %c0_i32 : i32, i32
  }
  func.func @transform_4(%arg0: i32) -> (i32, i32) {
    %c0_i32 = arith.constant 0 : i32
    %c0_i32_0 = arith.constant 0 : i32
    %c0_i32_1 = arith.constant 0 : i32
    return %c0_i32, %c0_i32_0 : i32, i32
  }
  func.func @transform_5(%arg0: i32) -> (i32, i32) {
    %c0_i32 = arith.constant 0 : i32
    %c0_i32_0 = arith.constant 0 : i32
    return %arg0, %c0_i32 : i32, i32
  }
}

module attributes {stable_mosaic.version = 14 : i64} {
  func.func @_layer2_body(%arg0: i32, %arg1: memref<1x1000x128xf32, #tpu.memory_space<vmem>>, %arg2: memref<1x1000x128xf32, #tpu.memory_space<vmem>>, %arg3: memref<1000x128xf32, #tpu.memory_space<vmem>>, %arg4: memref<1000x128xf32, #tpu.memory_space<vmem>>, %arg5: memref<64x64xf32, #tpu.memory_space<vmem>>, %arg6: memref<1x128xf32, #tpu.memory_space<vmem>>, %arg7: memref<1000x128xf32, #tpu.memory_space<vmem>>) attributes {dimension_semantics = [#tpu.dimension_semantics<arbitrary>], iteration_bounds = array<i64: 5>, scalar_prefetch = 0 : i64, scratch_operands = 0 : i64, tpu.core_type = #tpu.core_type<tc>, window_params = [{transform_indices = @transform_0, window_bounds = array<i64: 1, 1000, 128>}, {transform_indices = @transform_1, window_bounds = array<i64: 1, 1000, 128>}, {transform_indices = @transform_2, window_bounds = array<i64: 1000, 128>}, {transform_indices = @transform_3, window_bounds = array<i64: 1000, 128>}, {pipeline_mode = #tpu.pipeline_mode<synchronous>, transform_indices = @transform_4, window_bounds = array<i64: 64, 64>}, {pipeline_mode = #tpu.pipeline_mode<synchronous>, transform_indices = @transform_5, window_bounds = array<i64: 1, 128>}, {transform_indices = @transform_6, window_bounds = array<i64: 1000, 128>}]} {
    %get3A = arith.constant 0 : index
    %get3A_0 = arith.constant 0 : index
    %get3A_1 = vector.load %arg4[%get3A, %get3A_0] : memref<1000x128xf32, #tpu.memory_space<vmem>>, vector<1000x128xf32>
    %get3A_2 = arith.constant 0 : index
    %get3A_3 = arith.constant 0 : index
    %get3A_4 = arith.constant 0 : index
    %get3A_5 = vector.load %arg1[%get3A_2, %get3A_3, %get3A_4] : memref<1x1000x128xf32, #tpu.memory_space<vmem>>, vector<1x1000x128xf32>
    %get3A_6 = vector.shape_cast %get3A_5 : vector<1x1000x128xf32> to vector<1000x128xf32>
    %get3A_7 = arith.constant 0 : index
    %get3A_8 = arith.constant 0 : index
    %get3A_9 = arith.constant 0 : index
    %get3A_10 = vector.load %arg2[%get3A_7, %get3A_8, %get3A_9] : memref<1x1000x128xf32, #tpu.memory_space<vmem>>, vector<1x1000x128xf32>
    %get3A_11 = vector.shape_cast %get3A_10 : vector<1x1000x128xf32> to vector<1000x128xf32>
    %add3A = arith.addf %get3A_6, %get3A_11 : vector<1000x128xf32>
    %get3A_12 = arith.constant 0 : index
    %get3A_13 = arith.constant 0 : index
    %get3A_14 = vector.load %arg3[%get3A_12, %get3A_13] : memref<1000x128xf32, #tpu.memory_space<vmem>>, vector<1000x128xf32>
    %add3A_15 = arith.addf %add3A, %get3A_14 : vector<1000x128xf32>
    %mul3A = arith.mulf %get3A_1, %add3A_15 : vector<1000x128xf32>
    %get3A_16 = arith.constant 0 : index
    %get3A_17 = arith.constant 0 : index
    %get3A_18 = vector.load %arg6[%get3A_16, %get3A_17] : memref<1x128xf32, #tpu.memory_space<vmem>>, vector<1x128xf32>
    %add3A_19 = vector.broadcast %get3A_18 : vector<1x128xf32> to vector<1000x128xf32>
    %add3A_20 = arith.addf %mul3A, %add3A_19 : vector<1000x128xf32>
    %max3A = arith.constant 0.000000e+00 : f32
    %max3A_21 = vector.broadcast %max3A : f32 to vector<1000x128xf32>
    %max3A_22 = arith.maximumf %add3A_20, %max3A_21 : vector<1000x128xf32>
    %slice3A = vector.extract_strided_slice %max3A_22 {offsets = [0, 0], sizes = [1000, 64], strides = [1, 1]} : vector<1000x128xf32> to vector<1000x64xf32>
    %get3A_23 = arith.constant 0 : index
    %get3A_24 = arith.constant 0 : index
    %get3A_25 = vector.load %arg5[%get3A_23, %get3A_24] : memref<64x64xf32, #tpu.memory_space<vmem>>, vector<64x64xf32>
    %dot_general3A = arith.constant dense<0.000000e+00> : vector<1000x64xf32>
    %dot_general3A_26 = tpu.matmul %slice3A, %get3A_25, %dot_general3A {dimension_numbers = #tpu.dot_dimension_numbers<[1], [0], [0], [1], [0, 0, 1, 1], [], []>, transpose_lhs_hint = false} : vector<1000x64xf32>, vector<64x64xf32>, vector<1000x64xf32> -> vector<1000x64xf32>
    %slice3A_27 = vector.extract_strided_slice %max3A_22 {offsets = [0, 64], sizes = [1000, 64], strides = [1, 1]} : vector<1000x128xf32> to vector<1000x64xf32>
    %get3A_28 = arith.constant 0 : index
    %get3A_29 = arith.constant 0 : index
    %get3A_30 = vector.load %arg5[%get3A_28, %get3A_29] : memref<64x64xf32, #tpu.memory_space<vmem>>, vector<64x64xf32>
    %dot_general3A_31 = arith.constant dense<0.000000e+00> : vector<1000x64xf32>
    %dot_general3A_32 = tpu.matmul %slice3A_27, %get3A_30, %dot_general3A_31 {dimension_numbers = #tpu.dot_dimension_numbers<[1], [0], [0], [1], [0, 0, 1, 1], [], []>, transpose_lhs_hint = false} : vector<1000x64xf32>, vector<64x64xf32>, vector<1000x64xf32> -> vector<1000x64xf32>
    %slice3A_33 = vector.extract_strided_slice %get3A_1 {offsets = [0, 0], sizes = [1000, 1], strides = [1, 1]} : vector<1000x128xf32> to vector<1000x1xf32>
    %mul3A_34 = vector.broadcast %slice3A_33 : vector<1000x1xf32> to vector<1000x64xf32>
    %mul3A_35 = arith.mulf %mul3A_34, %dot_general3A_26 : vector<1000x64xf32>
    %slice3A_36 = vector.extract_strided_slice %get3A_1 {offsets = [0, 64], sizes = [1000, 1], strides = [1, 1]} : vector<1000x128xf32> to vector<1000x1xf32>
    %mul3A_37 = vector.broadcast %slice3A_36 : vector<1000x1xf32> to vector<1000x64xf32>
    %mul3A_38 = arith.mulf %mul3A_37, %dot_general3A_32 : vector<1000x64xf32>
    %concatenate3A = tpu.concatenate %mul3A_35, %mul3A_38 in 1 : vector<1000x64xf32>, vector<1000x64xf32> -> vector<1000x128xf32>
    %swap3A = arith.constant 0 : index
    %swap3A_39 = arith.constant 0 : index
    %swap3A_40 = vector.load %arg7[%swap3A, %swap3A_39] : memref<1000x128xf32, #tpu.memory_space<vmem>>, vector<1000x128xf32>
    tpu.vector_store %arg7[%swap3A, %swap3A_39], %concatenate3A {strides = array<i32>} : memref<1000x128xf32, #tpu.memory_space<vmem>>, vector<1000x128xf32>,
    return
  }
  func.func @transform_0(%arg0: i32) -> (i32, i32, i32) {
    %c0_i32 = arith.constant 0 : i32
    %c0_i32_0 = arith.constant 0 : i32
    %c0_i32_1 = arith.constant 0 : i32
    return %c0_i32, %arg0, %c0_i32_0 : i32, i32, i32
  }
  func.func @transform_1(%arg0: i32) -> (i32, i32, i32) {
    %c1_i32 = arith.constant 1 : i32
    %c0_i32 = arith.constant 0 : i32
    %c0_i32_0 = arith.constant 0 : i32
    return %c1_i32, %arg0, %c0_i32 : i32, i32, i32
  }
  func.func @transform_2(%arg0: i32) -> (i32, i32) {
    %c0_i32 = arith.constant 0 : i32
    %c0_i32_0 = arith.constant 0 : i32
    return %arg0, %c0_i32 : i32, i32
  }
  func.func @transform_3(%arg0: i32) -> (i32, i32) {
    %c0_i32 = arith.constant 0 : i32
    %c0_i32_0 = arith.constant 0 : i32
    return %arg0, %c0_i32 : i32, i32
  }
  func.func @transform_4(%arg0: i32) -> (i32, i32) {
    %c0_i32 = arith.constant 0 : i32
    %c0_i32_0 = arith.constant 0 : i32
    %c0_i32_1 = arith.constant 0 : i32
    return %c0_i32, %c0_i32_0 : i32, i32
  }
  func.func @transform_5(%arg0: i32) -> (i32, i32) {
    %c0_i32 = arith.constant 0 : i32
    %c0_i32_0 = arith.constant 0 : i32
    %c0_i32_1 = arith.constant 0 : i32
    return %c0_i32, %c0_i32_0 : i32, i32
  }
  func.func @transform_6(%arg0: i32) -> (i32, i32) {
    %c0_i32 = arith.constant 0 : i32
    %c0_i32_0 = arith.constant 0 : i32
    return %arg0, %c0_i32 : i32, i32
  }
}

module attributes {stable_mosaic.version = 14 : i64} {
  func.func @_zfin_body(%arg0: i32, %arg1: memref<1x1000x128xf32, #tpu.memory_space<vmem>>, %arg2: memref<1x1000x128xf32, #tpu.memory_space<vmem>>, %arg3: memref<1000x128xf32, #tpu.memory_space<vmem>>, %arg4: memref<1000x128xf32, #tpu.memory_space<vmem>>, %arg5: memref<1000x128xf32, #tpu.memory_space<vmem>>) attributes {dimension_semantics = [#tpu.dimension_semantics<arbitrary>], iteration_bounds = array<i64: 5>, scalar_prefetch = 0 : i64, scratch_operands = 0 : i64, tpu.core_type = #tpu.core_type<tc>, window_params = [{transform_indices = @transform_0, window_bounds = array<i64: 1, 1000, 128>}, {transform_indices = @transform_1, window_bounds = array<i64: 1, 1000, 128>}, {transform_indices = @transform_2, window_bounds = array<i64: 1000, 128>}, {transform_indices = @transform_3, window_bounds = array<i64: 1000, 128>}, {transform_indices = @transform_4, window_bounds = array<i64: 1000, 128>}]} {
    %get3A = arith.constant 0 : index
    %get3A_0 = arith.constant 0 : index
    %get3A_1 = vector.load %arg4[%get3A, %get3A_0] : memref<1000x128xf32, #tpu.memory_space<vmem>>, vector<1000x128xf32>
    %get3A_2 = arith.constant 0 : index
    %get3A_3 = arith.constant 0 : index
    %get3A_4 = arith.constant 0 : index
    %get3A_5 = vector.load %arg1[%get3A_2, %get3A_3, %get3A_4] : memref<1x1000x128xf32, #tpu.memory_space<vmem>>, vector<1x1000x128xf32>
    %get3A_6 = vector.shape_cast %get3A_5 : vector<1x1000x128xf32> to vector<1000x128xf32>
    %get3A_7 = arith.constant 0 : index
    %get3A_8 = arith.constant 0 : index
    %get3A_9 = arith.constant 0 : index
    %get3A_10 = vector.load %arg2[%get3A_7, %get3A_8, %get3A_9] : memref<1x1000x128xf32, #tpu.memory_space<vmem>>, vector<1x1000x128xf32>
    %get3A_11 = vector.shape_cast %get3A_10 : vector<1x1000x128xf32> to vector<1000x128xf32>
    %add3A = arith.addf %get3A_6, %get3A_11 : vector<1000x128xf32>
    %get3A_12 = arith.constant 0 : index
    %get3A_13 = arith.constant 0 : index
    %get3A_14 = vector.load %arg3[%get3A_12, %get3A_13] : memref<1000x128xf32, #tpu.memory_space<vmem>>, vector<1000x128xf32>
    %add3A_15 = arith.addf %add3A, %get3A_14 : vector<1000x128xf32>
    %mul3A = arith.mulf %get3A_1, %add3A_15 : vector<1000x128xf32>
    %swap3A = arith.constant 0 : index
    %swap3A_16 = arith.constant 0 : index
    %swap3A_17 = vector.load %arg5[%swap3A, %swap3A_16] : memref<1000x128xf32, #tpu.memory_space<vmem>>, vector<1000x128xf32>
    tpu.vector_store %arg5[%swap3A, %swap3A_16], %mul3A {strides = array<i32>} : memref<1000x128xf32, #tpu.memory_space<vmem>>, vector<1000x128xf32>,
    return
  }
  func.func @transform_0(%arg0: i32) -> (i32, i32, i32) {
    %c0_i32 = arith.constant 0 : i32
    %c0_i32_0 = arith.constant 0 : i32
    %c0_i32_1 = arith.constant 0 : i32
    return %c0_i32, %arg0, %c0_i32_0 : i32, i32, i32
  }
  func.func @transform_1(%arg0: i32) -> (i32, i32, i32) {
    %c1_i32 = arith.constant 1 : i32
    %c0_i32 = arith.constant 0 : i32
    %c0_i32_0 = arith.constant 0 : i32
    return %c1_i32, %arg0, %c0_i32 : i32, i32, i32
  }
  func.func @transform_2(%arg0: i32) -> (i32, i32) {
    %c0_i32 = arith.constant 0 : i32
    %c0_i32_0 = arith.constant 0 : i32
    return %arg0, %c0_i32 : i32, i32
  }
  func.func @transform_3(%arg0: i32) -> (i32, i32) {
    %c0_i32 = arith.constant 0 : i32
    %c0_i32_0 = arith.constant 0 : i32
    return %arg0, %c0_i32 : i32, i32
  }
  func.func @transform_4(%arg0: i32) -> (i32, i32) {
    %c0_i32 = arith.constant 0 : i32
    %c0_i32_0 = arith.constant 0 : i32
    return %arg0, %c0_i32 : i32, i32
  }
}

module attributes {stable_mosaic.version = 14 : i64} {
  func.func @_mm3_body(%arg0: i32, %arg1: memref<1000x64xf32, #tpu.memory_space<vmem>>, %arg2: memref<64x640xf32, #tpu.memory_space<vmem>>, %arg3: memref<1x640xf32, #tpu.memory_space<vmem>>, %arg4: memref<1000x640xf32, #tpu.memory_space<vmem>>) attributes {dimension_semantics = [#tpu.dimension_semantics<arbitrary>], iteration_bounds = array<i64: 10>, scalar_prefetch = 0 : i64, scratch_operands = 0 : i64, tpu.core_type = #tpu.core_type<tc>, window_params = [{transform_indices = @transform_0, window_bounds = array<i64: 1000, 64>}, {pipeline_mode = #tpu.pipeline_mode<synchronous>, transform_indices = @transform_1, window_bounds = array<i64: 64, 640>}, {pipeline_mode = #tpu.pipeline_mode<synchronous>, transform_indices = @transform_2, window_bounds = array<i64: 1, 640>}, {transform_indices = @transform_3, window_bounds = array<i64: 1000, 640>}]} {
    %get3A = arith.constant 0 : index
    %get3A_0 = arith.constant 0 : index
    %get3A_1 = vector.load %arg1[%get3A, %get3A_0] : memref<1000x64xf32, #tpu.memory_space<vmem>>, vector<1000x64xf32>
    %get3A_2 = arith.constant 0 : index
    %get3A_3 = arith.constant 0 : index
    %get3A_4 = vector.load %arg2[%get3A_2, %get3A_3] : memref<64x640xf32, #tpu.memory_space<vmem>>, vector<64x640xf32>
    %dot_general3A = arith.constant dense<0.000000e+00> : vector<1000x640xf32>
    %dot_general3A_5 = tpu.matmul %get3A_1, %get3A_4, %dot_general3A {dimension_numbers = #tpu.dot_dimension_numbers<[1], [0], [0], [1], [0, 0, 1, 1], [], []>, transpose_lhs_hint = false} : vector<1000x64xf32>, vector<64x640xf32>, vector<1000x640xf32> -> vector<1000x640xf32>
    %get3A_6 = arith.constant 0 : index
    %get3A_7 = arith.constant 0 : index
    %get3A_8 = vector.load %arg3[%get3A_6, %get3A_7] : memref<1x640xf32, #tpu.memory_space<vmem>>, vector<1x640xf32>
    %add3A = vector.broadcast %get3A_8 : vector<1x640xf32> to vector<1000x640xf32>
    %add3A_9 = arith.addf %dot_general3A_5, %add3A : vector<1000x640xf32>
    %swap3A = arith.constant 0 : index
    %swap3A_10 = arith.constant 0 : index
    %swap3A_11 = vector.load %arg4[%swap3A, %swap3A_10] : memref<1000x640xf32, #tpu.memory_space<vmem>>, vector<1000x640xf32>
    tpu.vector_store %arg4[%swap3A, %swap3A_10], %add3A_9 {strides = array<i32>} : memref<1000x640xf32, #tpu.memory_space<vmem>>, vector<1000x640xf32>,
    return
  }
  func.func @transform_0(%arg0: i32) -> (i32, i32) {
    %c0_i32 = arith.constant 0 : i32
    %c0_i32_0 = arith.constant 0 : i32
    return %arg0, %c0_i32 : i32, i32
  }
  func.func @transform_1(%arg0: i32) -> (i32, i32) {
    %c0_i32 = arith.constant 0 : i32
    %c0_i32_0 = arith.constant 0 : i32
    %c0_i32_1 = arith.constant 0 : i32
    return %c0_i32, %c0_i32_0 : i32, i32
  }
  func.func @transform_2(%arg0: i32) -> (i32, i32) {
    %c0_i32 = arith.constant 0 : i32
    %c0_i32_0 = arith.constant 0 : i32
    %c0_i32_1 = arith.constant 0 : i32
    return %c0_i32, %c0_i32_0 : i32, i32
  }
  func.func @transform_3(%arg0: i32) -> (i32, i32) {
    %c0_i32 = arith.constant 0 : i32
    %c0_i32_0 = arith.constant 0 : i32
    return %arg0, %c0_i32 : i32, i32
  }
}

</mosaic_0001>

<sc_bundles>
// kernel: kernel.12.cloned.1.call-start
scs
__scs_entry_jumppad:
0x0: {  	(pc) =	sbr.rel $0x88, $3  }
0x1: {  	(tag) =	ssettag $0x0;
	lr =	simm.s32 $0x1  }
0x2: {  	[smem:$0x3F99] =	sst lr;
	_ =	strace $0xD0000000  }
0x3: {  	_ = 	snop  }
0x4: {  	_ = 	snop  }
0x5: {  	_ = 	snop  }
0x6: {  	_ = 	snop  }
0x7: {  	_ = 	snop  }
__scs_overlays_trampoline_lowered:
0x8: {  	[smem:$0x3FA8] =	sst s0  }
0x9: {  	[smem:$0x3FA9] =	sst s1  }
0xa: {  	[smem:$0x3FAA] =	sst s2  }
0xb: {  	[smem:$0x3FAB] =	sst s3  }
0xc: {  	[smem:$0x3FAC] =	sst s4  }
0xd: {  	[smem:$0x3FAD] =	sst s5  }
0xe: {  	[smem:$0x3FAE] =	sst s6  }
0xf: {  	[smem:$0x3FAF] =	sst s7  }
0x10: {  	[smem:$0x3FB0] =	sst s8  }
0x11: {  	[smem:$0x3FB1] =	sst s9;
	s0 =	simm.s32 @!p0 $0x0  }
0x12: {  	s1 =	sld [smem:$0x3F97];
	s0 =	simm.s32 @p0 $0x1  }
0x13: {  	[smem:$0x3FB2] =	sst s0;
	s0 =	simm.s32 @!p1 $0x0  }
0x14: {  	s2 =	sld [smem:$0x3F96];
	s0 =	simm.s32 @p1 $0x1  }
0x15: {  	[smem:$0x3FB3] =	sst s0;
	s0 =	simm.s32 @!p2 $0x0  }
0x16: {  	s3 =	sld [smem:$0x3FDB];
	s0 =	simm.s32 @p2 $0x1  }
0x17: {  	s4 =	simm.s32 $0x1BF5;
	[smem:$0x3FB5] =	sst s0  }
0x18: {  	s0 =	sld [smem:$0x3F98];
	_ =	swait.ge [sflag:s4], $0x0  }
0x19: {  	s7 =	sld [smem:$0x3F99]  }
0x1a: {  	s8 =	sadd.s32 $0xFFFFE003, lr  }
0x1b: {  	s9 =	sadd.s32 $0xFFFFFEF7, lr;
	s5 =	simm.s32 $0xFFFFFFFF;
	p2 =	slt.u32 s8, $0xFFFFF086  }
0x1c: {  	p1 =	slt.u32 s9, $0xF7A;
	s5 =	simm.s32 @!p2 $0x0  }
0x1d: {  	s5 =	simm.s32 @p1 $0x1;
	p0 =	seq.s32 s7, s2  }
0x1e: {  	s7 =	smul.u32 @!p0 $0xF7A, s2;
	p2 =	seq.s32 @!p0 s5, $0x0  }
0x1f: {  	s9 =	smul.u32 $0xF7A, s1;
	s8 =	simm.s32 @!p0 $0x1BF5;
	p2 =	por !p2, p0  }
0x20: {  	[sflag:s8] =	ssyncset.s32 @!p0 $0xFFFFF086;
	s6 =	sadd.s32 @!p0 s3, s7;
	s7 =	simm.s32 @!p0 $0x108  }
0x21: {  	s3 =	sadd.s32 s3, s9;
	s6 =	sadd.s32 @!p0 $0x88, s6;
	s7 =	simm.s32 @p2 $0x1082  }
0x22: {  	[simem:s7], [sflag:s8] =	dma.local @!p0 [hbm:s6], $0xF7A  }
0x23: {  	s9 =	sor.u32 $0xD0000000, s2;
	s6 =	simm.s32 $0x108;
	_ =	swait.ge @!p0 [sflag:s8], $0x0  }
0x24: {  	s3 =	sadd.s32 $0x88, s3;
	s6 =	simm.s32 @!p1 $0x1082;
	[sflag:s4] =	ssyncset.s32 $0xFFFFF086  }
0x25: {  	[simem:s6], [sflag:s4] =	dma.local [hbm:s3], $0xF7A  }
0x26: {  	[smem:$0x3F99] =	sst s1;
	(tag) =	ssettag s2;
	_ =	strace s9  }
0x27: {  	s1 =	sld [smem:$0x3FA9]  }
0x28: {  	s2 =	sld [smem:$0x3FAA]  }
0x29: {  	s4 =	sld [smem:$0x3FAC]  }
0x2a: {  	p0 =	seq.s32 s5, $0x0;
	s5 =	sld [smem:$0x3FAD]  }
0x2b: {  	s6 =	sld [smem:$0x3FAE]  }
0x2c: {  	s7 =	sld [smem:$0x3FAF]  }
0x2d: {  	s3 =	simm.s32 $0x108;
	s8 =	sld [smem:$0x3FB0]  }
0x2e: {  	s3 =	simm.s32 @!p0 $0x1082;
	s9 =	sld [smem:$0x3FB1]  }
0x2f: {  	lr =	sadd.s32 s0, s3;
	s0 =	sld [smem:$0x3FA8]  }
0x30: {  	s3 =	sld [smem:$0x3FAB]  }
0x31: {  	[smem:$0x3FB4] =	sst s10  }
0x32: {  	s10 =	sld [smem:$0x3FB2];
	_ =	sdelay $0x3  }
0x33: {  	p0 =	seq.s32 s10, $0x1;
	s10 =	sld [smem:$0x3FB4];
	_ =	sdelay $0x3  }
0x34: {  	[smem:$0x3FB4] =	sst s10  }
0x35: {  	s10 =	sld [smem:$0x3FB3];
	_ =	sdelay $0x3  }
0x36: {  	p1 =	seq.s32 s10, $0x1;
	s10 =	sld [smem:$0x3FB4];
	_ =	sdelay $0x3  }
0x37: {  	[smem:$0x3FB4] =	sst s10  }
0x38: {  	s10 =	sld [smem:$0x3FB5]  }
0x39: {  	_ = 	snop;
	(pc) =	sbr.ind lr, $3  }
0x3a: {  	_ = 	snop  }
0x3b: {  	_ = 	snop  }
0x3c: {  	p2 =	seq.s32 s10, $0x1;
	s10 =	sld [smem:$0x3FB4]  }
0x3d: {  	_ =	shalt  }
0x3e: {  	_ =	shalt  }
0x3f: {  	_ =	shalt  }
0x40: {  	_ =	shalt  }
0x41: {  	_ =	shalt  }
0x42: {  	_ =	shalt  }
0x43: {  	_ =	shalt  }
0x44: {  	_ =	shalt  }
0x45: {  	_ =	shalt  }
0x46: {  	_ =	shalt  }
0x47: {  	_ =	shalt  }
0x48: {  	_ =	shalt  }
0x49: {  	_ =	shalt  }
0x4a: {  	_ =	shalt  }
0x4b: {  	_ =	shalt  }
0x4c: {  	_ =	shalt  }
0x4d: {  	_ =	shalt  }
0x4e: {  	_ =	shalt  }
0x4f: {  	_ =	shalt  }
0x50: {  	_ =	shalt  }
0x51: {  	_ =	shalt  }
0x52: {  	_ =	shalt  }
0x53: {  	_ =	shalt  }
0x54: {  	_ =	shalt  }
0x55: {  	_ =	shalt  }
0x56: {  	_ =	shalt  }
0x57: {  	_ =	shalt  }
0x58: {  	_ =	shalt  }
0x59: {  	_ =	shalt  }
0x5a: {  	_ =	shalt  }
0x5b: {  	_ =	shalt  }
0x5c: {  	_ =	shalt  }
0x5d: {  	_ =	shalt  }
0x5e: {  	_ =	shalt  }
0x5f: {  	_ =	shalt  }
0x60: {  	_ =	shalt  }
0x61: {  	_ =	shalt  }
0x62: {  	_ =	shalt  }
0x63: {  	_ =	shalt  }
0x64: {  	_ =	shalt  }
0x65: {  	_ =	shalt  }
0x66: {  	_ =	shalt  }
0x67: {  	_ =	shalt  }
0x68: {  	_ =	shalt  }
0x69: {  	_ =	shalt  }
0x6a: {  	_ =	shalt  }
0x6b: {  	_ =	shalt  }
0x6c: {  	_ =	shalt  }
0x6d: {  	_ =	shalt  }
0x6e: {  	_ =	shalt  }
0x6f: {  	_ =	shalt  }
0x70: {  	_ =	shalt  }
0x71: {  	_ =	shalt  }
0x72: {  	_ =	shalt  }
0x73: {  	_ =	shalt  }
0x74: {  	_ =	shalt  }
0x75: {  	_ =	shalt  }
0x76: {  	_ =	shalt  }
0x77: {  	_ =	shalt  }
0x78: {  	_ =	shalt  }
0x79: {  	_ =	shalt  }
0x7a: {  	_ =	shalt  }
0x7b: {  	_ =	shalt  }
0x7c: {  	_ =	shalt  }
0x7d: {  	_ =	shalt  }
0x7e: {  	_ =	shalt  }
0x7f: {  	_ =	shalt  }
0x80: {  	_ =	shalt  }
0x81: {  	_ =	shalt  }
0x82: {  	_ =	shalt  }
0x83: {  	_ =	shalt  }
0x84: {  	_ =	shalt  }
0x85: {  	_ =	shalt  }
0x86: {  	_ =	shalt  }
0x87: {  	_ =	shalt  }
.Lfunc_end0:
.L_simem_size_0:
called_computation_lowered:
.L_overlay_start_0:
0x88: {  	s2 =	sld [smem:$0x3FD9]  }
0x89: {  	s3 =	sld [smem:$0x3FFE];
	_ =	sdelay $0x1  }
0x8a: {  	s1 =	srdreg.scid  }
0x8b: {  	s0 =	sand.u32 $0x1, s1  }
0x8c: {  	s17 =	sshll.u32 s0, $0xA;
	s2 =	sadd.s32 s3, s2  }
0x8d: {  	s2 =	sadd.s32 s2, s17  }
0x8e: {  	[smem:$0x3FC0] =	sst s2  }
0x8f: {  	_ = 	snop  }
0x90: {  	s2 =	sld [smem:$0x3FD0];
	(tm) =	ssettm $0x1  }
0x91: {  	s18 =	sld [smem:$0x3FFB];
	_ =	sdelay $0x3  }
0x92: {  	_ =	strace s18  }
0x93: {  	s3 =	sld [smem:$0x3FFC];
	_ =	sdelay $0x3  }
0x94: {  	_ =	strace s3  }
0x95: {  	s3 =	sld [smem:$0x3FFD];
	_ =	sdelay $0x3  }
0x96: {  	_ =	strace s3  }
0x97: {  	_ =	strace $0x8FFFFFFF  }
0x98: {  	s19 =	sld [smem:$0x3FDB];
	_ =	sdelay $0x1  }
0x99: {  	s4 =	simm.s32 $_scs_section_size  }
0x9a: {  	s5 =	simm.s32 $_size__tile_overlayer_lowered;
	s6 =	simm.s32 $_tile_overlayer_lowered  }
0x9b: {  	s22 =	simm.s32 $0x1BFF;
	s21 =	sshll.u32 s6, $0x1;
	s3 =	sadd.s32 s4, s19  }
0x9c: {  	s7 =	simm.s32 $0x0;
	s20 =	sshll.u32 s5, $0x1;
	s5 =	sadd.s32 s21, s3  }
0x9d: {  	[timem:s7], [sflag:s22] =	dma.local [hbm:s5], s20  }
0x9e: {  	_ =	swait.ge [sflag:s22], s20  }
0x9f: {  	s4 =	ssub.s32 $0x0, s20;
	[sflag:s22] =	ssyncset.done $0x0  }
0xa0: {  	[sflag:s22] =	ssyncadd.s32 s4;
	_ =	sdelay $0x1  }
0xa1: {  	s23 =	simm.s32 $0x1B8B  }
0xa2: {  	_ =	swait.ge [sflag:s23], $0x1  }
0xa3: {  	[sflag:s23] =	ssyncset.done $0x0  }
0xa4: {  	s25 =	simm.s32 $0x1B8E;
	s24 =	sld [smem:$0x3FFE];
	[sflag:s23] =	ssyncadd.s32 $0xFFFFFFFF  }
0xa5: {  	s26 =	simm.s32 $execute0_lowered;
	[smem:$0x3FD2] =	sst s25  }
0xa6: {  	s5 =	sshll.u32 s26, $0x1;
	_ =	strace $0x80000046;
	[dreg:$0x1] =	wrdreg $0xFFFFFFFF  }
0xa7: {  	s28 =	simm.s32 $_size_execute0_lowered;
	s3 =	sadd.s32 s3, s5;
	[dreg:$0x0] =	wrdreg $0x0  }
0xa8: {  	s5 =	sshll.u32 s28, $0x1;
	[dreg:$0x2] =	wrdreg s3  }
0xa9: {  	[dreg:$0x3] =	wrdreg s5  }
0xaa: {  	[dreg:$0x4] =	wrdreg $0xC0  }
0xab: {  	_ =	task [dreg:s7], $0x5FFFF  }
0xac: {  	[dreg:$0x1] =	wrdreg $0xFFFFFFFF  }
0xad: {  	[dreg:$0x0] =	wrdreg $0x60  }
0xae: {  	[dreg:$0x2] =	wrdreg s24  }
0xaf: {  	[dreg:$0x3] =	wrdreg s2  }
0xb0: {  	[dreg:$0x4] =	wrdreg $0x34000  }
0xb1: {  	[dreg:$0x5] =	wrdreg $0x9  }
0xb2: {  	_ =	task.clear_ibuf [dreg:s7], $0x6FFFF;
	_ =	strace $0x90000046  }
0xb3: {  	s29 =	simm.s32 $0x9;
	_ =	strace $0x80000048  }
0xb4: {  	_ =	swait.ge [sflag:s29], $0x1  }
0xb5: {  	[sflag:s29] =	ssyncadd.s32 $0xFFFFFFFF  }
0xb6: {  	_ =	strace $0x90000048  }
0xb7: {  	_ =	sfence  }
0xb8: {  	s30 =	sld [smem:$0x0];
	_ =	sdelay $0x2  }
0xb9: {  	s31 =	sshll.u32 s1, $0xD;
	s1 =	sshrl.u32 s1, $0x2  }
0xba: {  	s3 =	sand.u32 $0x4000, s31;
	s1 =	sadd.s32 s1, s30  }
0xbb: {  	s0 =	sor.u32 s3, s0;
	s1 =	sshll.u32 s1, $0x11  }
0xbc: {  	s0 =	sor.u32 s1, s0  }
0xbd: {  	s0 =	sadd.s32 $0x8F2B, s0  }
0xbe: {  	[sflag:s0] =	ssyncadd.remote.s32 $0x1  }
0xbf: {  	_ =	sfence.sel $0xFFFF  }
0xc0: {  	[dreg:$0x0] =	wrdreg $0xFFFFFFFF;
	(pc) =	sbr.abs _section_cstart, $3  }
0xc1: {  	[dreg:$0x1] =	wrdreg $0xFFFFFFFF  }
0xc2: {  	_ =	task.clear_ibuf [dreg:s7], $0x2FFFF;
	_ =	strace $0x9FFFFFFF  }
0xc3: {  	(tm) =	ssettm $0x7FFFFFFF  }
tec
execute0_lowered:
.L_overlay_start_1:
0x0: {  	(tag) =	ssettag $0x1  }
0x1: {  	s0 =	srdreg.scid;
	s1 =	rddreg [dreg:$0x0]  }
0x2: {  	s10 =	rddreg [dreg:$0x1];
	s7 =	stileid.u32  }
0x3: {  	s2 =	rddreg [dreg:$0x2];
	s12 =	simm.s32 $0x3;
	s13 =	simm.s32 $0x1400  }
0x4: {  	s14 =	simm.s32 $0x80;
	s15 =	simm.s32 $0x1C00;
	s17 =	simm.s32 $0x2400  }
0x5: {  	s19 =	simm.s32 $0x2C00;
	s20 =	simm.s32 $0x1;
	s21 =	simm.s32 $0x2  }
0x6: {  	s23 =	simm.s32 $0xF80;
	s24 =	simm.s32 $0x1000;
	s28 =	simm.s32 $0x1180  }
0x7: {  	s29 =	simm.s32 $0x1200;
	s30 =	simm.s32 $0x1280;
	s31 =	simm.s32 $0x1300  }
0x8: {  	s16 =	simm.s32 $0x0;
	s0 =	sand.u32 $0x1, s0;
	s6 =	smul.u32 $0x2800, s7  }
0x9: {  	s3 =	sshll.u32 s0, $0x4;
	s5 =	ssub.s32 $0x2, s0;
	s0 =	smul.u32 $0x28000, s0  }
0xa: {  	s4 =	sor.u32 s7, s3;
	s3 =	simm.s32 $0x0;
	s7 =	smul.u32 $0xA000, s7  }
0xb: {  	s25 =	sshrl.u32 s5, $0x1;
	s4 =	smul.u32 $0x280, s4;
	[smem:$0x7FF] =	sst s3  }
0xc: {  	s11 =	ssub.s32 s5, s25;
	s5 =	sadd.s32 s6, s2;
	s0 =	sadd.s32 s6, s0  }
0xd: {  	s25 =	simm.s32 $0x1080;
	_ =	strace $0x80000047;
	s26 =	sshrl.u32 s7, $0x2  }
0xe: {  	s0 =	sshrl.u32 s0, $0x3;
	s11 =	smax.u32 s11, $0x1;
	s1 =	sadd.s32 s4, s1  }
0xf: {  	s10 =	sadd.s32 s10, s0;
	s4 =	sadd.s32 $0x2800, s1;
	s1 =	sadd.s32 s26, s2  }
0x10: {  	s26 =	simm.s32 $0x1100;
	s6 =	sadd.s32 $0x800, s1;
	s7 =	sadd.s32 $0x1000, s1  }
0x11: {  	v0 =	vimm.f32 $0.0e+00;
	v1 =	vimm.f32 $1.000000000e+00;
	s8 =	sadd.s32 $0x1800, s1;
	s9 =	sadd.s32 $0x2000, s1;
	s1 =	simm.s32 $0x1380  }
.LBB2_1:
0x12: {  	[tilespmem:s3], [sflag:$0x3] =	stream.linear.gather [hbm4b:s4+s3], $0x1400, $0x38;
	[tilespmem:$0x5C00] =	vst v63  }
0x13: {  	_ =	swait.ge [sflag:s12], $0x1400  }
0x14: {  	[sflag:s12] =	ssyncset.done $0x0  }
0x15: {  	s0 =	simm.s32 $0x40;
	s18 =	simm.s32 $0x0;
	[sflag:s12] =	ssyncadd.s32 $0xFFFFEC00  }
.LBB2_2:
0x16: {  	p0 =	sne.s32 s0, $0x1FC0;
	[tilespmem:s18+$0x1400] =	vst v0;
	s18 =	smov.u32 s0;
	s0 =	sadd.s32 $0x40, s0  }
.Ltmp0:
0x17: {  	(pc) =	sbr.rel @p0 .LBB2_2-.Ltmp0, $2  }
0x18: {  	_ =	sdelay $0x2  }
0x19: {  	s18 =	sshra.s32 s18, $0x2  }
0x1a: {  	[tilespmem:s18+$0x1400] =	vst v0  }
0x1b: {  	[spmem:s5] =	stream.linear.scatter [tilespmem:s13], [sflag:$0x3], $0x800, $0x38;
	[tilespmem:$0x5C00] =	vst v63  }
0x1c: {  	_ =	swait.ge [sflag:s12], $0x800  }
0x1d: {  	[sflag:s12] =	ssyncset.done $0x0  }
0x1e: {  	[sflag:s12] =	ssyncadd.s32 $0xFFFFF800  }
0x1f: {  	[spmem:s6] =	stream.linear.scatter [tilespmem:s13], [sflag:$0x3], $0x800, $0x38;
	[tilespmem:$0x5C00] =	vst v63  }
0x20: {  	_ =	swait.ge [sflag:s12], $0x800  }
0x21: {  	[sflag:s12] =	ssyncset.done $0x0  }
0x22: {  	[sflag:s12] =	ssyncadd.s32 $0xFFFFF800  }
0x23: {  	[spmem:s7] =	stream.linear.scatter [tilespmem:s13], [sflag:$0x3], $0x800, $0x38;
	[tilespmem:$0x5C00] =	vst v63  }
0x24: {  	_ =	swait.ge [sflag:s12], $0x800  }
0x25: {  	[sflag:s12] =	ssyncset.done $0x0  }
0x26: {  	[sflag:s12] =	ssyncadd.s32 $0xFFFFF800  }
0x27: {  	[spmem:s8] =	stream.linear.scatter [tilespmem:s13], [sflag:$0x3], $0x800, $0x38;
	[tilespmem:$0x5C00] =	vst v63  }
0x28: {  	_ =	swait.ge [sflag:s12], $0x800  }
0x29: {  	[sflag:s12] =	ssyncset.done $0x0  }
0x2a: {  	[sflag:s12] =	ssyncadd.s32 $0xFFFFF800  }
0x2b: {  	[spmem:s9] =	stream.linear.scatter [tilespmem:s13], [sflag:$0x3], $0x800, $0x38;
	[tilespmem:$0x5C00] =	vst v63  }
0x2c: {  	_ =	swait.ge [sflag:s12], $0x800  }
0x2d: {  	[sflag:s12] =	ssyncset.done $0x0  }
0x2e: {  	s18 =	simm.s32 $0x40;
	s0 =	simm.s32 $0x0;
	[sflag:s12] =	ssyncadd.s32 $0xFFFFF800  }
.LBB2_4:
0x2f: {  	p0 =	sne.s32 s18, $0x1FC0;
	[tilespmem:s0+$0x2C00] =	vst v1;
	s22 =	smov.u32 s18;
	s18 =	sadd.s32 $0x40, s18  }
.Ltmp1:
0x30: {  	[tilespmem:s0+$0x2400] =	vst v1;
	(pc) =	sbr.rel @p0 .LBB2_4-.Ltmp1, $3  }
0x31: {  	[tilespmem:s0+$0x1400] =	vst v1  }
0x32: {  	[tilespmem:s0+$0x1C00] =	vst v1;
	_ =	sdelay $0x1  }
0x33: {  	s0 =	sshra.s32 s22, $0x2  }
0x34: {  	[tilespmem:s0+$0x2C00] =	vst v1  }
0x35: {  	[tilespmem:s0+$0x2400] =	vst v1  }
0x36: {  	[tilespmem:s0+$0x1400] =	vst v1  }
0x37: {  	[tilespmem:s0+$0x1C00] =	vst v1  }
0x38: {  	[bflag:$0x0] =	sbarrier.arrive $0xFFFF  }
0x39: {  	[spmem:s2] =	stream.indirect.scatter.add.f32 [tilespmem:s13], [sflag:$0x1], $0x10, s3, s14, $0xb8;
	[tilespmem:$0x5C00] =	vst v63  }
0x3a: {  	_ = 	snop  }
0x3b: {  	[spmem:s2] =	stream.indirect.scatter.add.f32 [tilespmem:s15], [sflag:$0x1], $0x10, s14, s14, $0xb8;
	[tilespmem:$0x5C00] =	vst v63  }
0x3c: {  	s18 =	simm.s32 $0x100  }
0x3d: {  	[spmem:s2] =	stream.indirect.scatter.add.f32 [tilespmem:s17], [sflag:$0x2], $0x10, s18, s14, $0xb8;
	[tilespmem:$0x5C00] =	vst v63  }
0x3e: {  	s22 =	simm.s32 $0x180  }
0x3f: {  	[spmem:s2] =	stream.indirect.scatter.add.f32 [tilespmem:s19], [sflag:$0x2], $0x10, s22, s14, $0xb8;
	[tilespmem:$0x5C00] =	vst v63  }
0x40: {  	_ =	swait.ge [sflag:s20], $0x800  }
0x41: {  	[sflag:s20] =	ssyncset.done $0x0  }
0x42: {  	[sflag:s20] =	ssyncadd.s32 $0xFFFFF800  }
0x43: {  	_ =	swait.ge [sflag:s20], $0x800  }
0x44: {  	[sflag:s20] =	ssyncset.done $0x0  }
0x45: {  	[sflag:s20] =	ssyncadd.s32 $0xFFFFF800  }
0x46: {  	_ =	swait.ge [sflag:s21], $0x800  }
0x47: {  	[sflag:s21] =	ssyncset.done $0x0  }
0x48: {  	[sflag:s21] =	ssyncadd.s32 $0xFFFFF800  }
0x49: {  	_ =	swait.ge [sflag:s21], $0x800  }
0x4a: {  	[sflag:s21] =	ssyncset.done $0x0  }
0x4b: {  	s18 =	simm.s32 $0x200;
	[sflag:s21] =	ssyncadd.s32 $0xFFFFF800  }
0x4c: {  	[spmem:s2] =	stream.indirect.scatter.add.f32 [tilespmem:s13], [sflag:$0x1], $0x10, s18, s14, $0xb8;
	[tilespmem:$0x5C00] =	vst v63  }
0x4d: {  	s22 =	simm.s32 $0x280  }
0x4e: {  	[spmem:s2] =	stream.indirect.scatter.add.f32 [tilespmem:s15], [sflag:$0x1], $0x10, s22, s14, $0xb8;
	[tilespmem:$0x5C00] =	vst v63  }
0x4f: {  	s18 =	simm.s32 $0x300  }
0x50: {  	[spmem:s2] =	stream.indirect.scatter.add.f32 [tilespmem:s17], [sflag:$0x2], $0x10, s18, s14, $0xb8;
	[tilespmem:$0x5C00] =	vst v63  }
0x51: {  	s22 =	simm.s32 $0x380  }
0x52: {  	[spmem:s2] =	stream.indirect.scatter.add.f32 [tilespmem:s19], [sflag:$0x2], $0x10, s22, s14, $0xb8;
	[tilespmem:$0x5C00] =	vst v63  }
0x53: {  	_ =	swait.ge [sflag:s20], $0x800  }
0x54: {  	[sflag:s20] =	ssyncset.done $0x0  }
0x55: {  	[sflag:s20] =	ssyncadd.s32 $0xFFFFF800  }
0x56: {  	_ =	swait.ge [sflag:s20], $0x800  }
0x57: {  	[sflag:s20] =	ssyncset.done $0x0  }
0x58: {  	[sflag:s20] =	ssyncadd.s32 $0xFFFFF800  }
0x59: {  	_ =	swait.ge [sflag:s21], $0x800  }
0x5a: {  	[sflag:s21] =	ssyncset.done $0x0  }
0x5b: {  	[sflag:s21] =	ssyncadd.s32 $0xFFFFF800  }
0x5c: {  	_ =	swait.ge [sflag:s21], $0x800  }
0x5d: {  	[sflag:s21] =	ssyncset.done $0x0  }
0x5e: {  	s18 =	simm.s32 $0x400;
	[sflag:s21] =	ssyncadd.s32 $0xFFFFF800  }
0x5f: {  	[spmem:s2] =	stream.indirect.scatter.add.f32 [tilespmem:s13], [sflag:$0x1], $0x10, s18, s14, $0xb8;
	[tilespmem:$0x5C00] =	vst v63  }
0x60: {  	s22 =	simm.s32 $0x480  }
0x61: {  	[spmem:s2] =	stream.indirect.scatter.add.f32 [tilespmem:s15], [sflag:$0x1], $0x10, s22, s14, $0xb8;
	[tilespmem:$0x5C00] =	vst v63  }
0x62: {  	s18 =	simm.s32 $0x500  }
0x63: {  	[spmem:s2] =	stream.indirect.scatter.add.f32 [tilespmem:s17], [sflag:$0x2], $0x10, s18, s14, $0xb8;
	[tilespmem:$0x5C00] =	vst v63  }
0x64: {  	s22 =	simm.s32 $0x580  }
0x65: {  	[spmem:s2] =	stream.indirect.scatter.add.f32 [tilespmem:s19], [sflag:$0x2], $0x10, s22, s14, $0xb8;
	[tilespmem:$0x5C00] =	vst v63  }
0x66: {  	_ =	swait.ge [sflag:s20], $0x800  }
0x67: {  	[sflag:s20] =	ssyncset.done $0x0  }
0x68: {  	[sflag:s20] =	ssyncadd.s32 $0xFFFFF800  }
0x69: {  	_ =	swait.ge [sflag:s20], $0x800  }
0x6a: {  	[sflag:s20] =	ssyncset.done $0x0  }
0x6b: {  	[sflag:s20] =	ssyncadd.s32 $0xFFFFF800  }
0x6c: {  	_ =	swait.ge [sflag:s21], $0x800  }
0x6d: {  	[sflag:s21] =	ssyncset.done $0x0  }
0x6e: {  	[sflag:s21] =	ssyncadd.s32 $0xFFFFF800  }
0x6f: {  	_ =	swait.ge [sflag:s21], $0x800  }
0x70: {  	[sflag:s21] =	ssyncset.done $0x0  }
0x71: {  	s18 =	simm.s32 $0x600;
	[sflag:s21] =	ssyncadd.s32 $0xFFFFF800  }
0x72: {  	[spmem:s2] =	stream.indirect.scatter.add.f32 [tilespmem:s13], [sflag:$0x1], $0x10, s18, s14, $0xb8;
	[tilespmem:$0x5C00] =	vst v63  }
0x73: {  	s22 =	simm.s32 $0x680  }
0x74: {  	[spmem:s2] =	stream.indirect.scatter.add.f32 [tilespmem:s15], [sflag:$0x1], $0x10, s22, s14, $0xb8;
	[tilespmem:$0x5C00] =	vst v63  }
0x75: {  	s18 =	simm.s32 $0x700  }
0x76: {  	[spmem:s2] =	stream.indirect.scatter.add.f32 [tilespmem:s17], [sflag:$0x2], $0x10, s18, s14, $0xb8;
	[tilespmem:$0x5C00] =	vst v63  }
0x77: {  	s22 =	simm.s32 $0x780  }
0x78: {  	[spmem:s2] =	stream.indirect.scatter.add.f32 [tilespmem:s19], [sflag:$0x2], $0x10, s22, s14, $0xb8;
	[tilespmem:$0x5C00] =	vst v63  }
0x79: {  	_ =	swait.ge [sflag:s20], $0x800  }
0x7a: {  	[sflag:s20] =	ssyncset.done $0x0  }
0x7b: {  	[sflag:s20] =	ssyncadd.s32 $0xFFFFF800  }
0x7c: {  	_ =	swait.ge [sflag:s20], $0x800  }
0x7d: {  	[sflag:s20] =	ssyncset.done $0x0  }
0x7e: {  	[sflag:s20] =	ssyncadd.s32 $0xFFFFF800  }
0x7f: {  	_ =	swait.ge [sflag:s21], $0x800  }
0x80: {  	[sflag:s21] =	ssyncset.done $0x0  }
0x81: {  	[sflag:s21] =	ssyncadd.s32 $0xFFFFF800  }
0x82: {  	_ =	swait.ge [sflag:s21], $0x800  }
0x83: {  	[sflag:s21] =	ssyncset.done $0x0  }
0x84: {  	s18 =	simm.s32 $0x800;
	[sflag:s21] =	ssyncadd.s32 $0xFFFFF800  }
0x85: {  	[spmem:s2] =	stream.indirect.scatter.add.f32 [tilespmem:s13], [sflag:$0x1], $0x10, s18, s14, $0xb8;
	[tilespmem:$0x5C00] =	vst v63  }
0x86: {  	s22 =	simm.s32 $0x880  }
0x87: {  	[spmem:s2] =	stream.indirect.scatter.add.f32 [tilespmem:s15], [sflag:$0x1], $0x10, s22, s14, $0xb8;
	[tilespmem:$0x5C00] =	vst v63  }
0x88: {  	s18 =	simm.s32 $0x900  }
0x89: {  	[spmem:s2] =	stream.indirect.scatter.add.f32 [tilespmem:s17], [sflag:$0x2], $0x10, s18, s14, $0xb8;
	[tilespmem:$0x5C00] =	vst v63  }
0x8a: {  	s22 =	simm.s32 $0x980  }
0x8b: {  	[spmem:s2] =	stream.indirect.scatter.add.f32 [tilespmem:s19], [sflag:$0x2], $0x10, s22, s14, $0xb8;
	[tilespmem:$0x5C00] =	vst v63  }
0x8c: {  	_ =	swait.ge [sflag:s20], $0x800  }
0x8d: {  	[sflag:s20] =	ssyncset.done $0x0  }
0x8e: {  	[sflag:s20] =	ssyncadd.s32 $0xFFFFF800  }
0x8f: {  	_ =	swait.ge [sflag:s20], $0x800  }
0x90: {  	[sflag:s20] =	ssyncset.done $0x0  }
0x91: {  	[sflag:s20] =	ssyncadd.s32 $0xFFFFF800  }
0x92: {  	_ =	swait.ge [sflag:s21], $0x800  }
0x93: {  	[sflag:s21] =	ssyncset.done $0x0  }
0x94: {  	[sflag:s21] =	ssyncadd.s32 $0xFFFFF800  }
0x95: {  	_ =	swait.ge [sflag:s21], $0x800  }
0x96: {  	[sflag:s21] =	ssyncset.done $0x0  }
0x97: {  	s18 =	simm.s32 $0xA00;
	[sflag:s21] =	ssyncadd.s32 $0xFFFFF800  }
0x98: {  	[spmem:s2] =	stream.indirect.scatter.add.f32 [tilespmem:s13], [sflag:$0x1], $0x10, s18, s14, $0xb8;
	[tilespmem:$0x5C00] =	vst v63  }
0x99: {  	s22 =	simm.s32 $0xA80  }
0x9a: {  	[spmem:s2] =	stream.indirect.scatter.add.f32 [tilespmem:s15], [sflag:$0x1], $0x10, s22, s14, $0xb8;
	[tilespmem:$0x5C00] =	vst v63  }
0x9b: {  	s18 =	simm.s32 $0xB00  }
0x9c: {  	[spmem:s2] =	stream.indirect.scatter.add.f32 [tilespmem:s17], [sflag:$0x2], $0x10, s18, s14, $0xb8;
	[tilespmem:$0x5C00] =	vst v63  }
0x9d: {  	s22 =	simm.s32 $0xB80  }
0x9e: {  	[spmem:s2] =	stream.indirect.scatter.add.f32 [tilespmem:s19], [sflag:$0x2], $0x10, s22, s14, $0xb8;
	[tilespmem:$0x5C00] =	vst v63  }
0x9f: {  	_ =	swait.ge [sflag:s20], $0x800  }
0xa0: {  	[sflag:s20] =	ssyncset.done $0x0  }
0xa1: {  	[sflag:s20] =	ssyncadd.s32 $0xFFFFF800  }
0xa2: {  	_ =	swait.ge [sflag:s20], $0x800  }
0xa3: {  	[sflag:s20] =	ssyncset.done $0x0  }
0xa4: {  	[sflag:s20] =	ssyncadd.s32 $0xFFFFF800  }
0xa5: {  	_ =	swait.ge [sflag:s21], $0x800  }
0xa6: {  	[sflag:s21] =	ssyncset.done $0x0  }
0xa7: {  	[sflag:s21] =	ssyncadd.s32 $0xFFFFF800  }
0xa8: {  	_ =	swait.ge [sflag:s21], $0x800  }
0xa9: {  	[sflag:s21] =	ssyncset.done $0x0  }
0xaa: {  	s18 =	simm.s32 $0xC00;
	[sflag:s21] =	ssyncadd.s32 $0xFFFFF800  }
0xab: {  	[spmem:s2] =	stream.indirect.scatter.add.f32 [tilespmem:s13], [sflag:$0x1], $0x10, s18, s14, $0xb8;
	[tilespmem:$0x5C00] =	vst v63  }
0xac: {  	s22 =	simm.s32 $0xC80  }
0xad: {  	[spmem:s2] =	stream.indirect.scatter.add.f32 [tilespmem:s15], [sflag:$0x1], $0x10, s22, s14, $0xb8;
	[tilespmem:$0x5C00] =	vst v63  }
0xae: {  	s18 =	simm.s32 $0xD00  }
0xaf: {  	[spmem:s2] =	stream.indirect.scatter.add.f32 [tilespmem:s17], [sflag:$0x2], $0x10, s18, s14, $0xb8;
	[tilespmem:$0x5C00] =	vst v63  }
0xb0: {  	s22 =	simm.s32 $0xD80  }
0xb1: {  	[spmem:s2] =	stream.indirect.scatter.add.f32 [tilespmem:s19], [sflag:$0x2], $0x10, s22, s14, $0xb8;
	[tilespmem:$0x5C00] =	vst v63  }
0xb2: {  	_ =	swait.ge [sflag:s20], $0x800  }
0xb3: {  	[sflag:s20] =	ssyncset.done $0x0  }
0xb4: {  	[sflag:s20] =	ssyncadd.s32 $0xFFFFF800  }
0xb5: {  	_ =	swait.ge [sflag:s20], $0x800  }
0xb6: {  	[sflag:s20] =	ssyncset.done $0x0  }
0xb7: {  	[sflag:s20] =	ssyncadd.s32 $0xFFFFF800  }
0xb8: {  	_ =	swait.ge [sflag:s21], $0x800  }
0xb9: {  	[sflag:s21] =	ssyncset.done $0x0  }
0xba: {  	[sflag:s21] =	ssyncadd.s32 $0xFFFFF800  }
0xbb: {  	_ =	swait.ge [sflag:s21], $0x800  }
0xbc: {  	[sflag:s21] =	ssyncset.done $0x0  }
0xbd: {  	s18 =	simm.s32 $0xE00;
	[sflag:s21] =	ssyncadd.s32 $0xFFFFF800  }
0xbe: {  	[spmem:s2] =	stream.indirect.scatter.add.f32 [tilespmem:s13], [sflag:$0x1], $0x10, s18, s14, $0xb8;
	[tilespmem:$0x5C00] =	vst v63  }
0xbf: {  	s22 =	simm.s32 $0xE80  }
0xc0: {  	[spmem:s2] =	stream.indirect.scatter.add.f32 [tilespmem:s15], [sflag:$0x1], $0x10, s22, s14, $0xb8;
	[tilespmem:$0x5C00] =	vst v63  }
0xc1: {  	s18 =	simm.s32 $0xF00  }
0xc2: {  	[spmem:s2] =	stream.indirect.scatter.add.f32 [tilespmem:s17], [sflag:$0x2], $0x10, s18, s14, $0xb8;
	[tilespmem:$0x5C00] =	vst v63  }
0xc3: {  	_ = 	snop  }
0xc4: {  	[spmem:s2] =	stream.indirect.scatter.add.f32 [tilespmem:s19], [sflag:$0x2], $0x10, s23, s14, $0xb8;
	[tilespmem:$0x5C00] =	vst v63  }
0xc5: {  	_ =	swait.ge [sflag:s20], $0x800  }
0xc6: {  	[sflag:s20] =	ssyncset.done $0x0  }
0xc7: {  	[sflag:s20] =	ssyncadd.s32 $0xFFFFF800  }
0xc8: {  	_ =	swait.ge [sflag:s20], $0x800  }
0xc9: {  	[sflag:s20] =	ssyncset.done $0x0  }
0xca: {  	[sflag:s20] =	ssyncadd.s32 $0xFFFFF800  }
0xcb: {  	_ =	swait.ge [sflag:s21], $0x800  }
0xcc: {  	[sflag:s21] =	ssyncset.done $0x0  }
0xcd: {  	[sflag:s21] =	ssyncadd.s32 $0xFFFFF800  }
0xce: {  	_ =	swait.ge [sflag:s21], $0x800  }
0xcf: {  	[sflag:s21] =	ssyncset.done $0x0  }
0xd0: {  	[sflag:s21] =	ssyncadd.s32 $0xFFFFF800  }
0xd1: {  	[spmem:s2] =	stream.indirect.scatter.add.f32 [tilespmem:s13], [sflag:$0x1], $0x10, s24, s14, $0xb8;
	[tilespmem:$0x5C00] =	vst v63  }
0xd2: {  	_ = 	snop  }
0xd3: {  	[spmem:s2] =	stream.indirect.scatter.add.f32 [tilespmem:s15], [sflag:$0x1], $0x10, s25, s14, $0xb8;
	[tilespmem:$0x5C00] =	vst v63  }
0xd4: {  	_ = 	snop  }
0xd5: {  	[spmem:s2] =	stream.indirect.scatter.add.f32 [tilespmem:s17], [sflag:$0x2], $0x10, s26, s14, $0xb8;
	[tilespmem:$0x5C00] =	vst v63  }
0xd6: {  	_ = 	snop  }
0xd7: {  	[spmem:s2] =	stream.indirect.scatter.add.f32 [tilespmem:s19], [sflag:$0x2], $0x10, s28, s14, $0xb8;
	[tilespmem:$0x5C00] =	vst v63  }
0xd8: {  	_ =	swait.ge [sflag:s20], $0x800  }
0xd9: {  	[sflag:s20] =	ssyncset.done $0x0  }
0xda: {  	[sflag:s20] =	ssyncadd.s32 $0xFFFFF800  }
0xdb: {  	_ =	swait.ge [sflag:s20], $0x800  }
0xdc: {  	[sflag:s20] =	ssyncset.done $0x0  }
0xdd: {  	[sflag:s20] =	ssyncadd.s32 $0xFFFFF800  }
0xde: {  	_ =	swait.ge [sflag:s21], $0x800  }
0xdf: {  	[sflag:s21] =	ssyncset.done $0x0  }
0xe0: {  	[sflag:s21] =	ssyncadd.s32 $0xFFFFF800  }
0xe1: {  	_ =	swait.ge [sflag:s21], $0x800  }
0xe2: {  	[sflag:s21] =	ssyncset.done $0x0  }
0xe3: {  	[sflag:s21] =	ssyncadd.s32 $0xFFFFF800  }
0xe4: {  	[spmem:s2] =	stream.indirect.scatter.add.f32 [tilespmem:s13], [sflag:$0x1], $0x10, s29, s14, $0xb8;
	[tilespmem:$0x5C00] =	vst v63  }
0xe5: {  	_ = 	snop  }
0xe6: {  	[spmem:s2] =	stream.indirect.scatter.add.f32 [tilespmem:s15], [sflag:$0x1], $0x10, s30, s14, $0xb8;
	[tilespmem:$0x5C00] =	vst v63  }
0xe7: {  	_ = 	snop  }
0xe8: {  	[spmem:s2] =	stream.indirect.scatter.add.f32 [tilespmem:s17], [sflag:$0x2], $0x10, s31, s14, $0xb8;
	[tilespmem:$0x5C00] =	vst v63  }
0xe9: {  	_ = 	snop  }
0xea: {  	[spmem:s2] =	stream.indirect.scatter.add.f32 [tilespmem:s19], [sflag:$0x2], $0x10, s1, s14, $0xb8;
	[tilespmem:$0x5C00] =	vst v63  }
0xeb: {  	_ =	swait.ge [sflag:s20], $0x800  }
0xec: {  	[sflag:s20] =	ssyncset.done $0x0  }
0xed: {  	[sflag:s20] =	ssyncadd.s32 $0xFFFFF800  }
0xee: {  	_ =	swait.ge [sflag:s20], $0x800  }
0xef: {  	[sflag:s20] =	ssyncset.done $0x0  }
0xf0: {  	[sflag:s20] =	ssyncadd.s32 $0xFFFFF800  }
0xf1: {  	_ =	swait.ge [sflag:s21], $0x800  }
0xf2: {  	[sflag:s21] =	ssyncset.done $0x0  }
0xf3: {  	[sflag:s21] =	ssyncadd.s32 $0xFFFFF800  }
0xf4: {  	s22 =	stileid.u32;
	_ =	swait.ge [sflag:s21], $0x800  }
0xf5: {  	s16 =	sadd.s32 $0x1, s16;
	s0 =	sshll.u32 s22, $0x6;
	[sflag:s21] =	ssyncset.done $0x0  }
0xf6: {  	p0 =	sne.s32 s16, s11;
	s0 =	sor.u32 $0x1C03, s0;
	[sflag:s21] =	ssyncadd.s32 $0xFFFFF800  }
.Ltmp2:
0xf7: {  	s18 =	sshrl.u32 s5, $0x3;
	[bflag:$0x0] =	sbarrier.arrive $0xFFFF;
	(pc) =	sbr.rel @p0 .LBB2_1-.Ltmp2, $4  }
0xf8: {  	[hbm:s10], [sflag:s0] =	dma.local [spmem:s18], $0x500  }
0xf9: {  	_ =	swait.ge [sflag:s12], $0x500  }
0xfa: {  	[sflag:s12] =	ssyncset.done $0x0  }
0xfb: {  	[sflag:s12] =	ssyncadd.s32 $0xFFFFFB00  }
0xfc: {  	_ =	sfence.sel $0x180000  }
0xfd: {  	[bflag:$0x0] =	sbarrier.arrive $0xFFFF  }
0xfe: {  	_ =	strace $0x90000047  }
0xff: {  	s0 =	stileid.u32;
	[bflag:$0x2] =	sbarrier.arrive $0xFFFF  }
0x100: {  	p0 =	sne.s32 s0, $0x0;
	s0 =	rddreg [dreg:$0x3]  }
0x101: {  	s0 =	sadd.s32 @!p0 $0x100000, s0  }
0x102: {  	[sflag:s0] =	ssyncadd.tile.s32 @!p0 $0x1;
	_ =	shalt  }
.Lfunc_end2:
_tile_overlayer_lowered:
.L_overlay_start_2:
0x103: {  	(tag) =	ssettag $0x2  }
0x104: {  	s0 =	rddreg [dreg:$0x0];
	s2 =	stileid.u32  }
0x105: {  	s1 =	rddreg [dreg:$0x1];
	p0 =	sne.s32 s2, $0x0  }
0x106: {  	s3 =	rddreg [dreg:$0x2];
	[bflag:$0x3] =	sbarrier.arrive $0xFFFF;
	s2 =	simm.s32 @!p0 $0x1C03  }
0x107: {  	[timem:s3], [sflag:s2] =	dma.local @!p0 [hbm:s0], s1  }
0x108: {  	s0 =	simm.s32 @!p0 $0x3  }
0x109: {  	_ =	swait.ge @!p0 [sflag:s0], s1  }
0x10a: {  	s1 =	ssub.s32 @!p0 $0x0, s1;
	[sflag:s0] =	ssyncset.done @!p0 $0x0  }
0x10b: {  	[sflag:s0] =	ssyncadd.s32 @!p0 s1  }
0x10c: {  	[bflag:$0x3] =	sbarrier.arrive $0xFFFF  }
0x10d: {  	_ =	shalt  }

// kernel: kernel.15.cloned.1.call-start
scs
__scs_entry_jumppad:
0x0: {  	(pc) =	sbr.rel $0x88, $3  }
0x1: {  	(tag) =	ssettag $0x0;
	lr =	simm.s32 $0x1  }
0x2: {  	[smem:$0x3F99] =	sst lr;
	_ =	strace $0xD0000000  }
0x3: {  	_ = 	snop  }
0x4: {  	_ = 	snop  }
0x5: {  	_ = 	snop  }
0x6: {  	_ = 	snop  }
0x7: {  	_ = 	snop  }
__scs_overlays_trampoline_lowered:
0x8: {  	[smem:$0x3FA8] =	sst s0  }
0x9: {  	[smem:$0x3FA9] =	sst s1  }
0xa: {  	[smem:$0x3FAA] =	sst s2  }
0xb: {  	[smem:$0x3FAB] =	sst s3  }
0xc: {  	[smem:$0x3FAC] =	sst s4  }
0xd: {  	[smem:$0x3FAD] =	sst s5  }
0xe: {  	[smem:$0x3FAE] =	sst s6  }
0xf: {  	[smem:$0x3FAF] =	sst s7  }
0x10: {  	[smem:$0x3FB0] =	sst s8  }
0x11: {  	[smem:$0x3FB1] =	sst s9;
	s0 =	simm.s32 @!p0 $0x0  }
0x12: {  	s1 =	sld [smem:$0x3F97];
	s0 =	simm.s32 @p0 $0x1  }
0x13: {  	[smem:$0x3FB2] =	sst s0;
	s0 =	simm.s32 @!p1 $0x0  }
0x14: {  	s2 =	sld [smem:$0x3F96];
	s0 =	simm.s32 @p1 $0x1  }
0x15: {  	[smem:$0x3FB3] =	sst s0;
	s0 =	simm.s32 @!p2 $0x0  }
0x16: {  	s3 =	sld [smem:$0x3FDB];
	s0 =	simm.s32 @p2 $0x1  }
0x17: {  	s4 =	simm.s32 $0x1BF5;
	[smem:$0x3FB5] =	sst s0  }
0x18: {  	s0 =	sld [smem:$0x3F98];
	_ =	swait.ge [sflag:s4], $0x0  }
0x19: {  	s7 =	sld [smem:$0x3F99]  }
0x1a: {  	s8 =	sadd.s32 $0xFFFFE003, lr  }
0x1b: {  	s9 =	sadd.s32 $0xFFFFFEF7, lr;
	s5 =	simm.s32 $0xFFFFFFFF;
	p2 =	slt.u32 s8, $0xFFFFF086  }
0x1c: {  	p1 =	slt.u32 s9, $0xF7A;
	s5 =	simm.s32 @!p2 $0x0  }
0x1d: {  	s5 =	simm.s32 @p1 $0x1;
	p0 =	seq.s32 s7, s2  }
0x1e: {  	s7 =	smul.u32 @!p0 $0xF7A, s2;
	p2 =	seq.s32 @!p0 s5, $0x0  }
0x1f: {  	s9 =	smul.u32 $0xF7A, s1;
	s8 =	simm.s32 @!p0 $0x1BF5;
	p2 =	por !p2, p0  }
0x20: {  	[sflag:s8] =	ssyncset.s32 @!p0 $0xFFFFF086;
	s6 =	sadd.s32 @!p0 s3, s7;
	s7 =	simm.s32 @!p0 $0x108  }
0x21: {  	s3 =	sadd.s32 s3, s9;
	s6 =	sadd.s32 @!p0 $0x88, s6;
	s7 =	simm.s32 @p2 $0x1082  }
0x22: {  	[simem:s7], [sflag:s8] =	dma.local @!p0 [hbm:s6], $0xF7A  }
0x23: {  	s9 =	sor.u32 $0xD0000000, s2;
	s6 =	simm.s32 $0x108;
	_ =	swait.ge @!p0 [sflag:s8], $0x0  }
0x24: {  	s3 =	sadd.s32 $0x88, s3;
	s6 =	simm.s32 @!p1 $0x1082;
	[sflag:s4] =	ssyncset.s32 $0xFFFFF086  }
0x25: {  	[simem:s6], [sflag:s4] =	dma.local [hbm:s3], $0xF7A  }
0x26: {  	[smem:$0x3F99] =	sst s1;
	(tag) =	ssettag s2;
	_ =	strace s9  }
0x27: {  	s1 =	sld [smem:$0x3FA9]  }
0x28: {  	s2 =	sld [smem:$0x3FAA]  }
0x29: {  	s4 =	sld [smem:$0x3FAC]  }
0x2a: {  	p0 =	seq.s32 s5, $0x0;
	s5 =	sld [smem:$0x3FAD]  }
0x2b: {  	s6 =	sld [smem:$0x3FAE]  }
0x2c: {  	s7 =	sld [smem:$0x3FAF]  }
0x2d: {  	s3 =	simm.s32 $0x108;
	s8 =	sld [smem:$0x3FB0]  }
0x2e: {  	s3 =	simm.s32 @!p0 $0x1082;
	s9 =	sld [smem:$0x3FB1]  }
0x2f: {  	lr =	sadd.s32 s0, s3;
	s0 =	sld [smem:$0x3FA8]  }
0x30: {  	s3 =	sld [smem:$0x3FAB]  }
0x31: {  	[smem:$0x3FB4] =	sst s10  }
0x32: {  	s10 =	sld [smem:$0x3FB2];
	_ =	sdelay $0x3  }
0x33: {  	p0 =	seq.s32 s10, $0x1;
	s10 =	sld [smem:$0x3FB4];
	_ =	sdelay $0x3  }
0x34: {  	[smem:$0x3FB4] =	sst s10  }
0x35: {  	s10 =	sld [smem:$0x3FB3];
	_ =	sdelay $0x3  }
0x36: {  	p1 =	seq.s32 s10, $0x1;
	s10 =	sld [smem:$0x3FB4];
	_ =	sdelay $0x3  }
0x37: {  	[smem:$0x3FB4] =	sst s10  }
0x38: {  	s10 =	sld [smem:$0x3FB5]  }
0x39: {  	_ = 	snop;
	(pc) =	sbr.ind lr, $3  }
0x3a: {  	_ = 	snop  }
0x3b: {  	_ = 	snop  }
0x3c: {  	p2 =	seq.s32 s10, $0x1;
	s10 =	sld [smem:$0x3FB4]  }
0x3d: {  	_ =	shalt  }
0x3e: {  	_ =	shalt  }
0x3f: {  	_ =	shalt  }
0x40: {  	_ =	shalt  }
0x41: {  	_ =	shalt  }
0x42: {  	_ =	shalt  }
0x43: {  	_ =	shalt  }
0x44: {  	_ =	shalt  }
0x45: {  	_ =	shalt  }
0x46: {  	_ =	shalt  }
0x47: {  	_ =	shalt  }
0x48: {  	_ =	shalt  }
0x49: {  	_ =	shalt  }
0x4a: {  	_ =	shalt  }
0x4b: {  	_ =	shalt  }
0x4c: {  	_ =	shalt  }
0x4d: {  	_ =	shalt  }
0x4e: {  	_ =	shalt  }
0x4f: {  	_ =	shalt  }
0x50: {  	_ =	shalt  }
0x51: {  	_ =	shalt  }
0x52: {  	_ =	shalt  }
0x53: {  	_ =	shalt  }
0x54: {  	_ =	shalt  }
0x55: {  	_ =	shalt  }
0x56: {  	_ =	shalt  }
0x57: {  	_ =	shalt  }
0x58: {  	_ =	shalt  }
0x59: {  	_ =	shalt  }
0x5a: {  	_ =	shalt  }
0x5b: {  	_ =	shalt  }
0x5c: {  	_ =	shalt  }
0x5d: {  	_ =	shalt  }
0x5e: {  	_ =	shalt  }
0x5f: {  	_ =	shalt  }
0x60: {  	_ =	shalt  }
0x61: {  	_ =	shalt  }
0x62: {  	_ =	shalt  }
0x63: {  	_ =	shalt  }
0x64: {  	_ =	shalt  }
0x65: {  	_ =	shalt  }
0x66: {  	_ =	shalt  }
0x67: {  	_ =	shalt  }
0x68: {  	_ =	shalt  }
0x69: {  	_ =	shalt  }
0x6a: {  	_ =	shalt  }
0x6b: {  	_ =	shalt  }
0x6c: {  	_ =	shalt  }
0x6d: {  	_ =	shalt  }
0x6e: {  	_ =	shalt  }
0x6f: {  	_ =	shalt  }
0x70: {  	_ =	shalt  }
0x71: {  	_ =	shalt  }
0x72: {  	_ =	shalt  }
0x73: {  	_ =	shalt  }
0x74: {  	_ =	shalt  }
0x75: {  	_ =	shalt  }
0x76: {  	_ =	shalt  }
0x77: {  	_ =	shalt  }
0x78: {  	_ =	shalt  }
0x79: {  	_ =	shalt  }
0x7a: {  	_ =	shalt  }
0x7b: {  	_ =	shalt  }
0x7c: {  	_ =	shalt  }
0x7d: {  	_ =	shalt  }
0x7e: {  	_ =	shalt  }
0x7f: {  	_ =	shalt  }
0x80: {  	_ =	shalt  }
0x81: {  	_ =	shalt  }
0x82: {  	_ =	shalt  }
0x83: {  	_ =	shalt  }
0x84: {  	_ =	shalt  }
0x85: {  	_ =	shalt  }
0x86: {  	_ =	shalt  }
0x87: {  	_ =	shalt  }
.Lfunc_end0:
.L_simem_size_0:
called_computation.1_lowered:
.L_overlay_start_0:
0x88: {  	s2 =	sld [smem:$0x3FD9]  }
0x89: {  	s3 =	sld [smem:$0x3FFE];
	_ =	sdelay $0x1  }
0x8a: {  	s1 =	srdreg.scid  }
0x8b: {  	s0 =	sand.u32 $0x1, s1  }
0x8c: {  	s17 =	sshll.u32 s0, $0xA;
	s2 =	sadd.s32 s3, s2  }
0x8d: {  	s2 =	sadd.s32 s2, s17  }
0x8e: {  	[smem:$0x3FC0] =	sst s2  }
0x8f: {  	_ = 	snop  }
0x90: {  	s2 =	sld [smem:$0x3FD0];
	(tm) =	ssettm $0x1  }
0x91: {  	s18 =	sld [smem:$0x3FFB];
	_ =	sdelay $0x3  }
0x92: {  	_ =	strace s18  }
0x93: {  	s3 =	sld [smem:$0x3FFC];
	_ =	sdelay $0x3  }
0x94: {  	_ =	strace s3  }
0x95: {  	s3 =	sld [smem:$0x3FFD];
	_ =	sdelay $0x3  }
0x96: {  	_ =	strace s3  }
0x97: {  	_ =	strace $0x8FFFFFFF  }
0x98: {  	s19 =	sld [smem:$0x3FDB];
	_ =	sdelay $0x1  }
0x99: {  	s4 =	simm.s32 $_scs_section_size  }
0x9a: {  	s5 =	simm.s32 $_size__tile_overlayer_lowered;
	s6 =	simm.s32 $_tile_overlayer_lowered  }
0x9b: {  	s22 =	simm.s32 $0x1BFF;
	s21 =	sshll.u32 s6, $0x1;
	s3 =	sadd.s32 s4, s19  }
0x9c: {  	s7 =	simm.s32 $0x0;
	s20 =	sshll.u32 s5, $0x1;
	s5 =	sadd.s32 s21, s3  }
0x9d: {  	[timem:s7], [sflag:s22] =	dma.local [hbm:s5], s20  }
0x9e: {  	_ =	swait.ge [sflag:s22], s20  }
0x9f: {  	s4 =	ssub.s32 $0x0, s20;
	[sflag:s22] =	ssyncset.done $0x0  }
0xa0: {  	[sflag:s22] =	ssyncadd.s32 s4;
	_ =	sdelay $0x1  }
0xa1: {  	s23 =	simm.s32 $0x1B8B  }
0xa2: {  	_ =	swait.ge [sflag:s23], $0x1  }
0xa3: {  	[sflag:s23] =	ssyncset.done $0x0  }
0xa4: {  	s25 =	simm.s32 $0x1B8E;
	s24 =	sld [smem:$0x3FFE];
	[sflag:s23] =	ssyncadd.s32 $0xFFFFFFFF  }
0xa5: {  	s26 =	simm.s32 $execute0_lowered;
	[smem:$0x3FD2] =	sst s25  }
0xa6: {  	s5 =	sshll.u32 s26, $0x1;
	_ =	strace $0x80000049;
	[dreg:$0x1] =	wrdreg $0xFFFFFFFF  }
0xa7: {  	s28 =	simm.s32 $_size_execute0_lowered;
	s3 =	sadd.s32 s3, s5;
	[dreg:$0x0] =	wrdreg $0x0  }
0xa8: {  	s5 =	sshll.u32 s28, $0x1;
	[dreg:$0x2] =	wrdreg s3  }
0xa9: {  	[dreg:$0x3] =	wrdreg s5  }
0xaa: {  	[dreg:$0x4] =	wrdreg $0xC0  }
0xab: {  	_ =	task [dreg:s7], $0x5FFFF  }
0xac: {  	[dreg:$0x1] =	wrdreg $0xFFFFFFFF  }
0xad: {  	[dreg:$0x0] =	wrdreg $0x60  }
0xae: {  	[dreg:$0x2] =	wrdreg s24  }
0xaf: {  	[dreg:$0x3] =	wrdreg s2  }
0xb0: {  	[dreg:$0x4] =	wrdreg $0x148000  }
0xb1: {  	[dreg:$0x5] =	wrdreg $0xA8000  }
0xb2: {  	[dreg:$0x6] =	wrdreg $0x9  }
0xb3: {  	_ =	task.clear_ibuf [dreg:s7], $0x7FFFF;
	_ =	strace $0x90000049  }
0xb4: {  	s29 =	simm.s32 $0x9;
	_ =	strace $0x8000004B  }
0xb5: {  	_ =	swait.ge [sflag:s29], $0x1  }
0xb6: {  	[sflag:s29] =	ssyncadd.s32 $0xFFFFFFFF  }
0xb7: {  	_ =	strace $0x9000004B  }
0xb8: {  	_ =	sfence  }
0xb9: {  	s30 =	sld [smem:$0x0];
	_ =	sdelay $0x2  }
0xba: {  	s31 =	sshll.u32 s1, $0xD;
	s1 =	sshrl.u32 s1, $0x2  }
0xbb: {  	s3 =	sand.u32 $0x4000, s31;
	s1 =	sadd.s32 s1, s30  }
0xbc: {  	s0 =	sor.u32 s3, s0;
	s1 =	sshll.u32 s1, $0x11  }
0xbd: {  	s0 =	sor.u32 s1, s0  }
0xbe: {  	s0 =	sadd.s32 $0x8F2B, s0  }
0xbf: {  	[sflag:s0] =	ssyncadd.remote.s32 $0x1  }
0xc0: {  	_ =	sfence.sel $0xFFFF  }
0xc1: {  	[dreg:$0x0] =	wrdreg $0xFFFFFFFF;
	(pc) =	sbr.abs _section_cstart, $3  }
0xc2: {  	[dreg:$0x1] =	wrdreg $0xFFFFFFFF  }
0xc3: {  	_ =	task.clear_ibuf [dreg:s7], $0x2FFFF;
	_ =	strace $0x9FFFFFFF  }
0xc4: {  	(tm) =	ssettm $0x7FFFFFFF  }
0xc5: {  	_ =	shalt  }
tec
execute0_lowered:
.L_overlay_start_1:
0x0: {  	(tag) =	ssettag $0x1  }
0x1: {  	s0 =	rddreg [dreg:$0x0]  }
0x2: {  	s1 =	rddreg [dreg:$0x1]  }
0x3: {  	s2 =	rddreg [dreg:$0x2]  }
0x4: {  	s3 =	rddreg [dreg:$0x3]  }
0x5: {  	s4 =	srdreg.scid;
	s15 =	stileid.u32  }
0x6: {  	s18 =	simm.s32 $0x1400;
	s19 =	simm.s32 $0x2800;
	s20 =	simm.s32 $0x80  }
0x7: {  	s21 =	simm.s32 $0x4800;
	s22 =	simm.s32 $0x1;
	s29 =	simm.s32 $0x2  }
0x8: {  	s30 =	simm.s32 $0x3;
	s28 =	simm.s32 $0x2780;
	s6 =	smul.u32 $0x9C40, s15  }
0x9: {  	s31 =	simm.s32 $0x0;
	s7 =	sand.u32 $0x1, s4;
	s23 =	smul.u32 $0x28000, s15  }
0xa: {  	s4 =	simm.s32 $0x0;
	s11 =	smul.u32 $0xA000, s15;
	s26 =	sshll.u32 s15, $0x6  }
0xb: {  	s5 =	sshll.u32 s7, $0x4;
	[smem:$0x7FF] =	sst s4;
	s9 =	ssub.s32 $0x2, s7  }
0xc: {  	s12 =	smul.u32 $0xA0000, s7;
	s16 =	sor.u32 $0x1C05, s26;
	s26 =	simm.s32 $0x8800  }
0xd: {  	s5 =	sor.u32 s15, s5;
	s8 =	sshrl.u32 s6, $0x3;
	_ =	strace $0x8000004A  }
0xe: {  	s10 =	sshrl.u32 s9, $0x1;
	s17 =	sadd.s32 s6, s2;
	s15 =	simm.s32 $0x5  }
0xf: {  	s5 =	smul.u32 $0x280, s5;
	s8 =	sadd.s32 s8, s0;
	s14 =	ssub.s32 s9, s10  }
0x10: {  	s9 =	sshrl.u32 s23, $0x2;
	s13 =	sadd.s32 s11, s12;
	s17 =	sshrl.u32 s17, $0x3  }
0x11: {  	s6 =	sadd.s32 $0xC800, s8;
	s8 =	sadd.s32 s11, s3;
	s24 =	sadd.s32 s9, s3  }
0x12: {  	s25 =	sshrl.u32 s13, $0x3;
	s14 =	smax.u32 s14, $0x1;
	s0 =	sadd.s32 s5, s0  }
0x13: {  	s9 =	sadd.s32 $0x2000, s24;
	s10 =	sadd.s32 $0x4000, s24;
	s11 =	sadd.s32 $0x6000, s24  }
0x14: {  	s12 =	sadd.s32 $0x8000, s24;
	s13 =	sadd.s32 s1, s25;
	s24 =	simm.s32 $0x6800  }
0x15: {  	v0 =	vimm.f32 $0.0e+00;
	s25 =	simm.s32 $0x4;
	s5 =	sadd.s32 $0x7800, s0;
	s7 =	sadd.s32 $0x2800, s0  }
.LBB2_1:
0x16: {  	[tilespmem:s4], [sflag:$0x5] =	stream.linear.gather [hbm4b:s5+s4], $0x1400, $0x38;
	[tilespmem:$0x1E440] =	vst v63  }
0x17: {  	_ =	swait.ge [sflag:s15], $0x1400  }
0x18: {  	[sflag:s15] =	ssyncset.done $0x0  }
0x19: {  	[sflag:s15] =	ssyncadd.s32 $0xFFFFEC00  }
0x1a: {  	[spmem:s17], [sflag:s16] =	dma.local [hbm:s6], $0x1388  }
0x1b: {  	_ =	swait.ge [sflag:s15], $0x1388  }
0x1c: {  	[sflag:s15] =	ssyncset.done $0x0  }
0x1d: {  	[sflag:s15] =	ssyncadd.s32 $0xFFFFEC78  }
0x1e: {  	[tilespmem:s18], [sflag:$0x5] =	stream.linear.gather [hbm4b:s7+s4], $0x1400, $0x38;
	[tilespmem:$0x1E440] =	vst v63  }
0x1f: {  	_ =	swait.ge [sflag:s15], $0x1400  }
0x20: {  	[sflag:s15] =	ssyncset.done $0x0  }
0x21: {  	s1 =	simm.s32 $0x100;
	s0 =	simm.s32 $0x0;
	[sflag:s15] =	ssyncadd.s32 $0xFFFFEC00  }
.LBB2_2:
0x22: {  	p0 =	sne.s32 s1, $0x7F00;
	[tilespmem:s0+$0x2830] =	vst v0;
	s23 =	smov.u32 s1;
	s1 =	sadd.s32 $0x100, s1  }
.Ltmp0:
0x23: {  	[tilespmem:s0+$0x2820] =	vst v0;
	(pc) =	sbr.rel @p0 .LBB2_2-.Ltmp0, $3  }
0x24: {  	[tilespmem:s0+$0x2800] =	vst v0  }
0x25: {  	[tilespmem:s0+$0x2810] =	vst v0;
	_ =	sdelay $0x1  }
0x26: {  	s0 =	sshra.s32 s23, $0x2  }
0x27: {  	[tilespmem:s0+$0x2830] =	vst v0  }
0x28: {  	[tilespmem:s0+$0x2820] =	vst v0  }
0x29: {  	[tilespmem:s0+$0x2800] =	vst v0  }
0x2a: {  	[tilespmem:s0+$0x2810] =	vst v0  }
0x2b: {  	[spmem:s8] =	stream.linear.scatter [tilespmem:s19], [sflag:$0x5], $0x2000, $0x38;
	[tilespmem:$0x1E440] =	vst v63  }
0x2c: {  	_ =	swait.ge [sflag:s15], $0x2000  }
0x2d: {  	[sflag:s15] =	ssyncset.done $0x0  }
0x2e: {  	[sflag:s15] =	ssyncadd.s32 $0xFFFFE000  }
0x2f: {  	[spmem:s9] =	stream.linear.scatter [tilespmem:s19], [sflag:$0x5], $0x2000, $0x38;
	[tilespmem:$0x1E440] =	vst v63  }
0x30: {  	_ =	swait.ge [sflag:s15], $0x2000  }
0x31: {  	[sflag:s15] =	ssyncset.done $0x0  }
0x32: {  	[sflag:s15] =	ssyncadd.s32 $0xFFFFE000  }
0x33: {  	[spmem:s10] =	stream.linear.scatter [tilespmem:s19], [sflag:$0x5], $0x2000, $0x38;
	[tilespmem:$0x1E440] =	vst v63  }
0x34: {  	_ =	swait.ge [sflag:s15], $0x2000  }
0x35: {  	[sflag:s15] =	ssyncset.done $0x0  }
0x36: {  	[sflag:s15] =	ssyncadd.s32 $0xFFFFE000  }
0x37: {  	[spmem:s11] =	stream.linear.scatter [tilespmem:s19], [sflag:$0x5], $0x2000, $0x38;
	[tilespmem:$0x1E440] =	vst v63  }
0x38: {  	_ =	swait.ge [sflag:s15], $0x2000  }
0x39: {  	[sflag:s15] =	ssyncset.done $0x0  }
0x3a: {  	[sflag:s15] =	ssyncadd.s32 $0xFFFFE000  }
0x3b: {  	[spmem:s12] =	stream.linear.scatter [tilespmem:s19], [sflag:$0x5], $0x2000, $0x38;
	[tilespmem:$0x1E440] =	vst v63  }
0x3c: {  	_ =	swait.ge [sflag:s15], $0x2000  }
0x3d: {  	[sflag:s15] =	ssyncset.done $0x0  }
0x3e: {  	[sflag:s15] =	ssyncadd.s32 $0xFFFFE000  }
0x3f: {  	s23 =	simm.s32 $0x0;
	[bflag:$0x0] =	sbarrier.arrive $0xFFFF  }
0x40: {  	[tilespmem:s19], [sflag:$0x1] =	stream.indirect.gather [spmem:s2], $0x40, s23, s20, $0xb8;
	[tilespmem:$0x1E440] =	vst v63  }
0x41: {  	_ = 	snop  }
0x42: {  	[tilespmem:s21], [sflag:$0x1] =	stream.indirect.gather [spmem:s2], $0x40, s20, s20, $0xb8;
	[tilespmem:$0x1E440] =	vst v63  }
0x43: {  	_ =	swait.ge [sflag:s22], $0x2000  }
0x44: {  	[sflag:s22] =	ssyncset.done $0x0  }
0x45: {  	[sflag:s22] =	ssyncadd.s32 $0xFFFFE000  }
0x46: {  	_ =	swait.ge [sflag:s22], $0x2000  }
0x47: {  	[sflag:s22] =	ssyncset.done $0x0  }
0x48: {  	s1 =	simm.s32 $0x100;
	[sflag:s22] =	ssyncadd.s32 $0xFFFFE000  }
0x49: {  	[tilespmem:s24], [sflag:$0x2] =	stream.indirect.gather [spmem:s2], $0x40, s1, s20, $0xb8;
	[tilespmem:$0x1E440] =	vst v63  }
0x4a: {  	s23 =	simm.s32 $0x180  }
0x4b: {  	[tilespmem:s26], [sflag:$0x2] =	stream.indirect.gather [spmem:s2], $0x40, s23, s20, $0xb8;
	[tilespmem:$0x1E440] =	vst v63  }
0x4c: {  	_ = 	snop  }
0x4d: {  	[spmem:s3] =	stream.indirect.scatter.add.f32 [tilespmem:s19], [sflag:$0x3], $0x40, s18, s20, $0xb8;
	[tilespmem:$0x1E440] =	vst v63  }
0x4e: {  	s1 =	simm.s32 $0x1480  }
0x4f: {  	[spmem:s3] =	stream.indirect.scatter.add.f32 [tilespmem:s21], [sflag:$0x3], $0x40, s1, s20, $0xb8;
	[tilespmem:$0x1E440] =	vst v63  }
0x50: {  	_ =	swait.ge [sflag:s29], $0x2000  }
0x51: {  	[sflag:s29] =	ssyncset.done $0x0  }
0x52: {  	[sflag:s29] =	ssyncadd.s32 $0xFFFFE000  }
0x53: {  	_ =	swait.ge [sflag:s29], $0x2000  }
0x54: {  	[sflag:s29] =	ssyncset.done $0x0  }
0x55: {  	[sflag:s29] =	ssyncadd.s32 $0xFFFFE000  }
0x56: {  	_ =	swait.ge [sflag:s30], $0x2000  }
0x57: {  	[sflag:s30] =	ssyncset.done $0x0  }
0x58: {  	[sflag:s30] =	ssyncadd.s32 $0xFFFFE000  }
0x59: {  	_ =	swait.ge [sflag:s30], $0x2000  }
0x5a: {  	[sflag:s30] =	ssyncset.done $0x0  }
0x5b: {  	s23 =	simm.s32 $0x200;
	[sflag:s30] =	ssyncadd.s32 $0xFFFFE000  }
0x5c: {  	[tilespmem:s19], [sflag:$0x1] =	stream.indirect.gather [spmem:s2], $0x40, s23, s20, $0xb8;
	[tilespmem:$0x1E440] =	vst v63  }
0x5d: {  	s1 =	simm.s32 $0x280  }
0x5e: {  	[tilespmem:s21], [sflag:$0x1] =	stream.indirect.gather [spmem:s2], $0x40, s1, s20, $0xb8;
	[tilespmem:$0x1E440] =	vst v63  }
0x5f: {  	s23 =	simm.s32 $0x1500  }
0x60: {  	[spmem:s3] =	stream.indirect.scatter.add.f32 [tilespmem:s24], [sflag:$0x4], $0x40, s23, s20, $0xb8;
	[tilespmem:$0x1E440] =	vst v63  }
0x61: {  	s1 =	simm.s32 $0x1580  }
0x62: {  	[spmem:s3] =	stream.indirect.scatter.add.f32 [tilespmem:s26], [sflag:$0x4], $0x40, s1, s20, $0xb8;
	[tilespmem:$0x1E440] =	vst v63  }
0x63: {  	_ =	swait.ge [sflag:s22], $0x2000  }
0x64: {  	[sflag:s22] =	ssyncset.done $0x0  }
0x65: {  	[sflag:s22] =	ssyncadd.s32 $0xFFFFE000  }
0x66: {  	_ =	swait.ge [sflag:s22], $0x2000  }
0x67: {  	[sflag:s22] =	ssyncset.done $0x0  }
0x68: {  	[sflag:s22] =	ssyncadd.s32 $0xFFFFE000  }
0x69: {  	_ =	swait.ge [sflag:s25], $0x2000  }
0x6a: {  	[sflag:s25] =	ssyncset.done $0x0  }
0x6b: {  	[sflag:s25] =	ssyncadd.s32 $0xFFFFE000  }
0x6c: {  	_ =	swait.ge [sflag:s25], $0x2000  }
0x6d: {  	[sflag:s25] =	ssyncset.done $0x0  }
0x6e: {  	s23 =	simm.s32 $0x300;
	[sflag:s25] =	ssyncadd.s32 $0xFFFFE000  }
0x6f: {  	[tilespmem:s24], [sflag:$0x2] =	stream.indirect.gather [spmem:s2], $0x40, s23, s20, $0xb8;
	[tilespmem:$0x1E440] =	vst v63  }
0x70: {  	s1 =	simm.s32 $0x380  }
0x71: {  	[tilespmem:s26], [sflag:$0x2] =	stream.indirect.gather [spmem:s2], $0x40, s1, s20, $0xb8;
	[tilespmem:$0x1E440] =	vst v63  }
0x72: {  	s23 =	simm.s32 $0x1600  }
0x73: {  	[spmem:s3] =	stream.indirect.scatter.add.f32 [tilespmem:s19], [sflag:$0x3], $0x40, s23, s20, $0xb8;
	[tilespmem:$0x1E440] =	vst v63  }
0x74: {  	s1 =	simm.s32 $0x1680  }
0x75: {  	[spmem:s3] =	stream.indirect.scatter.add.f32 [tilespmem:s21], [sflag:$0x3], $0x40, s1, s20, $0xb8;
	[tilespmem:$0x1E440] =	vst v63  }
0x76: {  	_ =	swait.ge [sflag:s29], $0x2000  }
0x77: {  	[sflag:s29] =	ssyncset.done $0x0  }
0x78: {  	[sflag:s29] =	ssyncadd.s32 $0xFFFFE000  }
0x79: {  	_ =	swait.ge [sflag:s29], $0x2000  }
0x7a: {  	[sflag:s29] =	ssyncset.done $0x0  }
0x7b: {  	[sflag:s29] =	ssyncadd.s32 $0xFFFFE000  }
0x7c: {  	_ =	swait.ge [sflag:s30], $0x2000  }
0x7d: {  	[sflag:s30] =	ssyncset.done $0x0  }
0x7e: {  	[sflag:s30] =	ssyncadd.s32 $0xFFFFE000  }
0x7f: {  	_ =	swait.ge [sflag:s30], $0x2000  }
0x80: {  	[sflag:s30] =	ssyncset.done $0x0  }
0x81: {  	s23 =	simm.s32 $0x400;
	[sflag:s30] =	ssyncadd.s32 $0xFFFFE000  }
0x82: {  	[tilespmem:s19], [sflag:$0x1] =	stream.indirect.gather [spmem:s2], $0x40, s23, s20, $0xb8;
	[tilespmem:$0x1E440] =	vst v63  }
0x83: {  	s1 =	simm.s32 $0x480  }
0x84: {  	[tilespmem:s21], [sflag:$0x1] =	stream.indirect.gather [spmem:s2], $0x40, s1, s20, $0xb8;
	[tilespmem:$0x1E440] =	vst v63  }
0x85: {  	s0 =	simm.s32 $0x800;
	s23 =	simm.s32 $0x1700;
	s1 =	simm.s32 $0x1780  }
0x86: {  	[spmem:s3] =	stream.indirect.scatter.add.f32 [tilespmem:s24], [sflag:$0x4], $0x40, s23, s20, $0xb8;
	[tilespmem:$0x1E440] =	vst v63  }
.LBB2_4:
0x87: {  	[spmem:s3] =	stream.indirect.scatter.add.f32 [tilespmem:s26], [sflag:$0x4], $0x40, s1, s20, $0xb8;
	[tilespmem:$0x1E440] =	vst v63  }
0x88: {  	s1 =	smov.u32 s0  }
0x89: {  	p0 =	sne.s32 s0, $0x3800;
	s0 =	sadd.s32 $0x800, s0;
	_ =	swait.ge [sflag:s22], $0x2000  }
0x8a: {  	[sflag:s22] =	ssyncset.done $0x0  }
0x8b: {  	[sflag:s22] =	ssyncadd.s32 $0xFFFFE000  }
0x8c: {  	_ =	swait.ge [sflag:s22], $0x2000  }
0x8d: {  	[sflag:s22] =	ssyncset.done $0x0  }
0x8e: {  	[sflag:s22] =	ssyncadd.s32 $0xFFFFE000  }
0x8f: {  	_ =	swait.ge [sflag:s25], $0x2000  }
0x90: {  	[sflag:s25] =	ssyncset.done $0x0  }
0x91: {  	[sflag:s25] =	ssyncadd.s32 $0xFFFFE000  }
0x92: {  	_ =	swait.ge [sflag:s25], $0x2000  }
0x93: {  	s1 =	sshra.s32 s1, $0x2;
	[sflag:s25] =	ssyncset.done $0x0  }
0x94: {  	s23 =	sadd.s32 $0x300, s1;
	[sflag:s25] =	ssyncadd.s32 $0xFFFFE000  }
0x95: {  	[tilespmem:s24], [sflag:$0x2] =	stream.indirect.gather [spmem:s2], $0x40, s23, s20, $0xb8;
	[tilespmem:$0x1E440] =	vst v63  }
0x96: {  	s23 =	sadd.s32 $0x380, s1  }
0x97: {  	[tilespmem:s26], [sflag:$0x2] =	stream.indirect.gather [spmem:s2], $0x40, s23, s20, $0xb8;
	[tilespmem:$0x1E440] =	vst v63  }
0x98: {  	s23 =	sadd.s32 $0x1600, s1  }
0x99: {  	[spmem:s3] =	stream.indirect.scatter.add.f32 [tilespmem:s19], [sflag:$0x3], $0x40, s23, s20, $0xb8;
	[tilespmem:$0x1E440] =	vst v63  }
0x9a: {  	s23 =	sadd.s32 $0x1680, s1  }
0x9b: {  	[spmem:s3] =	stream.indirect.scatter.add.f32 [tilespmem:s21], [sflag:$0x3], $0x40, s23, s20, $0xb8;
	[tilespmem:$0x1E440] =	vst v63  }
0x9c: {  	_ =	swait.ge [sflag:s29], $0x2000  }
0x9d: {  	[sflag:s29] =	ssyncset.done $0x0  }
0x9e: {  	[sflag:s29] =	ssyncadd.s32 $0xFFFFE000  }
0x9f: {  	_ =	swait.ge [sflag:s29], $0x2000  }
0xa0: {  	[sflag:s29] =	ssyncset.done $0x0  }
0xa1: {  	[sflag:s29] =	ssyncadd.s32 $0xFFFFE000  }
0xa2: {  	_ =	swait.ge [sflag:s30], $0x2000  }
0xa3: {  	[sflag:s30] =	ssyncset.done $0x0  }
0xa4: {  	[sflag:s30] =	ssyncadd.s32 $0xFFFFE000  }
0xa5: {  	_ =	swait.ge [sflag:s30], $0x2000  }
0xa6: {  	[sflag:s30] =	ssyncset.done $0x0  }
0xa7: {  	s23 =	sadd.s32 $0x400, s1;
	[sflag:s30] =	ssyncadd.s32 $0xFFFFE000  }
0xa8: {  	[tilespmem:s19], [sflag:$0x1] =	stream.indirect.gather [spmem:s2], $0x40, s23, s20, $0xb8;
	[tilespmem:$0x1E440] =	vst v63  }
.Ltmp1:
0xa9: {  	s23 =	sadd.s32 $0x480, s1;
	(pc) =	sbr.rel @p0 .LBB2_4-.Ltmp1, $4  }
0xaa: {  	[tilespmem:s21], [sflag:$0x1] =	stream.indirect.gather [spmem:s2], $0x40, s23, s20, $0xb8;
	[tilespmem:$0x1E440] =	vst v63  }
0xab: {  	s23 =	sadd.s32 $0x1700, s1  }
0xac: {  	[spmem:s3] =	stream.indirect.scatter.add.f32 [tilespmem:s24], [sflag:$0x4], $0x40, s23, s20, $0xb8;
	[tilespmem:$0x1E440] =	vst v63  }
0xad: {  	s1 =	sadd.s32 $0x1780, s1  }
0xae: {  	[spmem:s3] =	stream.indirect.scatter.add.f32 [tilespmem:s26], [sflag:$0x4], $0x40, s1, s20, $0xb8;
	[tilespmem:$0x1E440] =	vst v63  }
0xaf: {  	_ =	swait.ge [sflag:s22], $0x2000  }
0xb0: {  	[sflag:s22] =	ssyncset.done $0x0  }
0xb1: {  	[sflag:s22] =	ssyncadd.s32 $0xFFFFE000  }
0xb2: {  	_ =	swait.ge [sflag:s22], $0x2000  }
0xb3: {  	[sflag:s22] =	ssyncset.done $0x0  }
0xb4: {  	[sflag:s22] =	ssyncadd.s32 $0xFFFFE000  }
0xb5: {  	_ =	swait.ge [sflag:s25], $0x2000  }
0xb6: {  	[sflag:s25] =	ssyncset.done $0x0  }
0xb7: {  	[sflag:s25] =	ssyncadd.s32 $0xFFFFE000  }
0xb8: {  	_ =	swait.ge [sflag:s25], $0x2000  }
0xb9: {  	[sflag:s25] =	ssyncset.done $0x0  }
0xba: {  	s0 =	simm.s32 $0x1300;
	[sflag:s25] =	ssyncadd.s32 $0xFFFFE000  }
0xbb: {  	[tilespmem:s24], [sflag:$0x2] =	stream.indirect.gather [spmem:s2], $0x40, s0, s20, $0xb8;
	[tilespmem:$0x1E440] =	vst v63  }
0xbc: {  	s23 =	simm.s32 $0x1380  }
0xbd: {  	[tilespmem:s26], [sflag:$0x2] =	stream.indirect.gather [spmem:s2], $0x40, s23, s20, $0xb8;
	[tilespmem:$0x1E440] =	vst v63  }
0xbe: {  	s1 =	simm.s32 $0x2600  }
0xbf: {  	[spmem:s3] =	stream.indirect.scatter.add.f32 [tilespmem:s19], [sflag:$0x3], $0x40, s1, s20, $0xb8;
	[tilespmem:$0x1E440] =	vst v63  }
0xc0: {  	s23 =	simm.s32 $0x2680  }
0xc1: {  	[spmem:s3] =	stream.indirect.scatter.add.f32 [tilespmem:s21], [sflag:$0x3], $0x40, s23, s20, $0xb8;
	[tilespmem:$0x1E440] =	vst v63  }
0xc2: {  	_ =	swait.ge [sflag:s29], $0x2000  }
0xc3: {  	[sflag:s29] =	ssyncset.done $0x0  }
0xc4: {  	[sflag:s29] =	ssyncadd.s32 $0xFFFFE000  }
0xc5: {  	_ =	swait.ge [sflag:s29], $0x2000  }
0xc6: {  	[sflag:s29] =	ssyncset.done $0x0  }
0xc7: {  	[sflag:s29] =	ssyncadd.s32 $0xFFFFE000  }
0xc8: {  	_ =	swait.ge [sflag:s30], $0x2000  }
0xc9: {  	[sflag:s30] =	ssyncset.done $0x0  }
0xca: {  	[sflag:s30] =	ssyncadd.s32 $0xFFFFE000  }
0xcb: {  	_ =	swait.ge [sflag:s30], $0x2000  }
0xcc: {  	[sflag:s30] =	ssyncset.done $0x0  }
0xcd: {  	[sflag:s30] =	ssyncadd.s32 $0xFFFFE000  }
0xce: {  	[tilespmem:s19], [sflag:$0x1] =	stream.indirect.gather [spmem:s2], $0x40, s4, s20, $0xb8;
	[tilespmem:$0x1E440] =	vst v63  }
0xcf: {  	_ = 	snop  }
0xd0: {  	[tilespmem:s21], [sflag:$0x1] =	stream.indirect.gather [spmem:s2], $0x40, s20, s20, $0xb8;
	[tilespmem:$0x1E440] =	vst v63  }
0xd1: {  	s1 =	simm.s32 $0x2700  }
0xd2: {  	[spmem:s3] =	stream.indirect.scatter.add.f32 [tilespmem:s24], [sflag:$0x4], $0x40, s1, s20, $0xb8;
	[tilespmem:$0x1E440] =	vst v63  }
0xd3: {  	_ = 	snop  }
0xd4: {  	[spmem:s3] =	stream.indirect.scatter.add.f32 [tilespmem:s26], [sflag:$0x4], $0x40, s28, s20, $0xb8;
	[tilespmem:$0x1E440] =	vst v63  }
0xd5: {  	_ =	swait.ge [sflag:s22], $0x2000  }
0xd6: {  	[sflag:s22] =	ssyncset.done $0x0  }
0xd7: {  	[sflag:s22] =	ssyncadd.s32 $0xFFFFE000  }
0xd8: {  	_ =	swait.ge [sflag:s22], $0x2000  }
0xd9: {  	[sflag:s22] =	ssyncset.done $0x0  }
0xda: {  	[sflag:s22] =	ssyncadd.s32 $0xFFFFE000  }
0xdb: {  	_ =	swait.ge [sflag:s25], $0x2000  }
0xdc: {  	[sflag:s25] =	ssyncset.done $0x0  }
0xdd: {  	[sflag:s25] =	ssyncadd.s32 $0xFFFFE000  }
0xde: {  	_ =	swait.ge [sflag:s25], $0x2000  }
0xdf: {  	s31 =	sadd.s32 $0x1, s31;
	[sflag:s25] =	ssyncset.done $0x0  }
0xe0: {  	p0 =	sne.s32 s31, s14;
	[sflag:s25] =	ssyncadd.s32 $0xFFFFE000  }
.Ltmp2:
0xe1: {  	s23 =	sshrl.u32 s8, $0x3;
	[bflag:$0x0] =	sbarrier.arrive $0xFFFF;
	(pc) =	sbr.rel @p0 .LBB2_1-.Ltmp2, $4  }
0xe2: {  	[hbm:s13], [sflag:s16] =	dma.local [spmem:s23], $0x1400  }
0xe3: {  	_ =	swait.ge [sflag:s15], $0x1400  }
0xe4: {  	[sflag:s15] =	ssyncset.done $0x0  }
0xe5: {  	[sflag:s15] =	ssyncadd.s32 $0xFFFFEC00  }
0xe6: {  	_ =	sfence.sel $0x180000  }
0xe7: {  	[bflag:$0x0] =	sbarrier.arrive $0xFFFF  }
0xe8: {  	_ =	strace $0x9000004A  }
0xe9: {  	s0 =	stileid.u32;
	[bflag:$0x2] =	sbarrier.arrive $0xFFFF  }
0xea: {  	p0 =	sne.s32 s0, $0x0;
	s0 =	rddreg [dreg:$0x4]  }
0xeb: {  	s0 =	sadd.s32 @!p0 $0x100000, s0  }
0xec: {  	[sflag:s0] =	ssyncadd.tile.s32 @!p0 $0x1;
	_ =	shalt  }
.Lfunc_end2:
_tile_overlayer_lowered:
.L_overlay_start_2:
0xed: {  	(tag) =	ssettag $0x2  }
0xee: {  	s0 =	rddreg [dreg:$0x0];
	s2 =	stileid.u32  }
0xef: {  	s1 =	rddreg [dreg:$0x1];
	p0 =	sne.s32 s2, $0x0  }
0xf0: {  	s3 =	rddreg [dreg:$0x2];
	[bflag:$0x3] =	sbarrier.arrive $0xFFFF;
	s2 =	simm.s32 @!p0 $0x1C05  }
0xf1: {  	[timem:s3], [sflag:s2] =	dma.local @!p0 [hbm:s0], s1  }
0xf2: {  	s0 =	simm.s32 @!p0 $0x5  }
0xf3: {  	_ =	swait.ge @!p0 [sflag:s0], s1  }
0xf4: {  	s1 =	ssub.s32 @!p0 $0x0, s1;
	[sflag:s0] =	ssyncset.done @!p0 $0x0  }
0xf5: {  	[sflag:s0] =	ssyncadd.s32 @!p0 s1  }
0xf6: {  	[bflag:$0x3] =	sbarrier.arrive $0xFFFF  }
0xf7: {  	_ =	shalt  }

// kernel: kernel.18.cloned.1.call-start
scs
__scs_entry_jumppad:
0x0: {  	(pc) =	sbr.rel $0x88, $3  }
0x1: {  	(tag) =	ssettag $0x0;
	lr =	simm.s32 $0x1  }
0x2: {  	[smem:$0x3F99] =	sst lr;
	_ =	strace $0xD0000000  }
0x3: {  	_ = 	snop  }
0x4: {  	_ = 	snop  }
0x5: {  	_ = 	snop  }
0x6: {  	_ = 	snop  }
0x7: {  	_ = 	snop  }
__scs_overlays_trampoline_lowered:
0x8: {  	[smem:$0x3FA8] =	sst s0  }
0x9: {  	[smem:$0x3FA9] =	sst s1  }
0xa: {  	[smem:$0x3FAA] =	sst s2  }
0xb: {  	[smem:$0x3FAB] =	sst s3  }
0xc: {  	[smem:$0x3FAC] =	sst s4  }
0xd: {  	[smem:$0x3FAD] =	sst s5  }
0xe: {  	[smem:$0x3FAE] =	sst s6  }
0xf: {  	[smem:$0x3FAF] =	sst s7  }
0x10: {  	[smem:$0x3FB0] =	sst s8  }
0x11: {  	[smem:$0x3FB1] =	sst s9;
	s0 =	simm.s32 @!p0 $0x0  }
0x12: {  	s1 =	sld [smem:$0x3F97];
	s0 =	simm.s32 @p0 $0x1  }
0x13: {  	[smem:$0x3FB2] =	sst s0;
	s0 =	simm.s32 @!p1 $0x0  }
0x14: {  	s2 =	sld [smem:$0x3F96];
	s0 =	simm.s32 @p1 $0x1  }
0x15: {  	[smem:$0x3FB3] =	sst s0;
	s0 =	simm.s32 @!p2 $0x0  }
0x16: {  	s3 =	sld [smem:$0x3FDB];
	s0 =	simm.s32 @p2 $0x1  }
0x17: {  	s4 =	simm.s32 $0x1BF5;
	[smem:$0x3FB5] =	sst s0  }
0x18: {  	s0 =	sld [smem:$0x3F98];
	_ =	swait.ge [sflag:s4], $0x0  }
0x19: {  	s7 =	sld [smem:$0x3F99]  }
0x1a: {  	s8 =	sadd.s32 $0xFFFFE003, lr  }
0x1b: {  	s9 =	sadd.s32 $0xFFFFFEF7, lr;
	s5 =	simm.s32 $0xFFFFFFFF;
	p2 =	slt.u32 s8, $0xFFFFF086  }
0x1c: {  	p1 =	slt.u32 s9, $0xF7A;
	s5 =	simm.s32 @!p2 $0x0  }
0x1d: {  	s5 =	simm.s32 @p1 $0x1;
	p0 =	seq.s32 s7, s2  }
0x1e: {  	s7 =	smul.u32 @!p0 $0xF7A, s2;
	p2 =	seq.s32 @!p0 s5, $0x0  }
0x1f: {  	s9 =	smul.u32 $0xF7A, s1;
	s8 =	simm.s32 @!p0 $0x1BF5;
	p2 =	por !p2, p0  }
0x20: {  	[sflag:s8] =	ssyncset.s32 @!p0 $0xFFFFF086;
	s6 =	sadd.s32 @!p0 s3, s7;
	s7 =	simm.s32 @!p0 $0x108  }
0x21: {  	s3 =	sadd.s32 s3, s9;
	s6 =	sadd.s32 @!p0 $0x88, s6;
	s7 =	simm.s32 @p2 $0x1082  }
0x22: {  	[simem:s7], [sflag:s8] =	dma.local @!p0 [hbm:s6], $0xF7A  }
0x23: {  	s9 =	sor.u32 $0xD0000000, s2;
	s6 =	simm.s32 $0x108;
	_ =	swait.ge @!p0 [sflag:s8], $0x0  }
0x24: {  	s3 =	sadd.s32 $0x88, s3;
	s6 =	simm.s32 @!p1 $0x1082;
	[sflag:s4] =	ssyncset.s32 $0xFFFFF086  }
0x25: {  	[simem:s6], [sflag:s4] =	dma.local [hbm:s3], $0xF7A  }
0x26: {  	[smem:$0x3F99] =	sst s1;
	(tag) =	ssettag s2;
	_ =	strace s9  }
0x27: {  	s1 =	sld [smem:$0x3FA9]  }
0x28: {  	s2 =	sld [smem:$0x3FAA]  }
0x29: {  	s4 =	sld [smem:$0x3FAC]  }
0x2a: {  	p0 =	seq.s32 s5, $0x0;
	s5 =	sld [smem:$0x3FAD]  }
0x2b: {  	s6 =	sld [smem:$0x3FAE]  }
0x2c: {  	s7 =	sld [smem:$0x3FAF]  }
0x2d: {  	s3 =	simm.s32 $0x108;
	s8 =	sld [smem:$0x3FB0]  }
0x2e: {  	s3 =	simm.s32 @!p0 $0x1082;
	s9 =	sld [smem:$0x3FB1]  }
0x2f: {  	lr =	sadd.s32 s0, s3;
	s0 =	sld [smem:$0x3FA8]  }
0x30: {  	s3 =	sld [smem:$0x3FAB]  }
0x31: {  	[smem:$0x3FB4] =	sst s10  }
0x32: {  	s10 =	sld [smem:$0x3FB2];
	_ =	sdelay $0x3  }
0x33: {  	p0 =	seq.s32 s10, $0x1;
	s10 =	sld [smem:$0x3FB4];
	_ =	sdelay $0x3  }
0x34: {  	[smem:$0x3FB4] =	sst s10  }
0x35: {  	s10 =	sld [smem:$0x3FB3];
	_ =	sdelay $0x3  }
0x36: {  	p1 =	seq.s32 s10, $0x1;
	s10 =	sld [smem:$0x3FB4];
	_ =	sdelay $0x3  }
0x37: {  	[smem:$0x3FB4] =	sst s10  }
0x38: {  	s10 =	sld [smem:$0x3FB5]  }
0x39: {  	_ = 	snop;
	(pc) =	sbr.ind lr, $3  }
0x3a: {  	_ = 	snop  }
0x3b: {  	_ = 	snop  }
0x3c: {  	p2 =	seq.s32 s10, $0x1;
	s10 =	sld [smem:$0x3FB4]  }
0x3d: {  	_ =	shalt  }
0x3e: {  	_ =	shalt  }
0x3f: {  	_ =	shalt  }
0x40: {  	_ =	shalt  }
0x41: {  	_ =	shalt  }
0x42: {  	_ =	shalt  }
0x43: {  	_ =	shalt  }
0x44: {  	_ =	shalt  }
0x45: {  	_ =	shalt  }
0x46: {  	_ =	shalt  }
0x47: {  	_ =	shalt  }
0x48: {  	_ =	shalt  }
0x49: {  	_ =	shalt  }
0x4a: {  	_ =	shalt  }
0x4b: {  	_ =	shalt  }
0x4c: {  	_ =	shalt  }
0x4d: {  	_ =	shalt  }
0x4e: {  	_ =	shalt  }
0x4f: {  	_ =	shalt  }
0x50: {  	_ =	shalt  }
0x51: {  	_ =	shalt  }
0x52: {  	_ =	shalt  }
0x53: {  	_ =	shalt  }
0x54: {  	_ =	shalt  }
0x55: {  	_ =	shalt  }
0x56: {  	_ =	shalt  }
0x57: {  	_ =	shalt  }
0x58: {  	_ =	shalt  }
0x59: {  	_ =	shalt  }
0x5a: {  	_ =	shalt  }
0x5b: {  	_ =	shalt  }
0x5c: {  	_ =	shalt  }
0x5d: {  	_ =	shalt  }
0x5e: {  	_ =	shalt  }
0x5f: {  	_ =	shalt  }
0x60: {  	_ =	shalt  }
0x61: {  	_ =	shalt  }
0x62: {  	_ =	shalt  }
0x63: {  	_ =	shalt  }
0x64: {  	_ =	shalt  }
0x65: {  	_ =	shalt  }
0x66: {  	_ =	shalt  }
0x67: {  	_ =	shalt  }
0x68: {  	_ =	shalt  }
0x69: {  	_ =	shalt  }
0x6a: {  	_ =	shalt  }
0x6b: {  	_ =	shalt  }
0x6c: {  	_ =	shalt  }
0x6d: {  	_ =	shalt  }
0x6e: {  	_ =	shalt  }
0x6f: {  	_ =	shalt  }
0x70: {  	_ =	shalt  }
0x71: {  	_ =	shalt  }
0x72: {  	_ =	shalt  }
0x73: {  	_ =	shalt  }
0x74: {  	_ =	shalt  }
0x75: {  	_ =	shalt  }
0x76: {  	_ =	shalt  }
0x77: {  	_ =	shalt  }
0x78: {  	_ =	shalt  }
0x79: {  	_ =	shalt  }
0x7a: {  	_ =	shalt  }
0x7b: {  	_ =	shalt  }
0x7c: {  	_ =	shalt  }
0x7d: {  	_ =	shalt  }
0x7e: {  	_ =	shalt  }
0x7f: {  	_ =	shalt  }
0x80: {  	_ =	shalt  }
0x81: {  	_ =	shalt  }
0x82: {  	_ =	shalt  }
0x83: {  	_ =	shalt  }
0x84: {  	_ =	shalt  }
0x85: {  	_ =	shalt  }
0x86: {  	_ =	shalt  }
0x87: {  	_ =	shalt  }
.Lfunc_end0:
.L_simem_size_0:
called_computation.2_lowered:
.L_overlay_start_0:
0x88: {  	s2 =	sld [smem:$0x3FD9]  }
0x89: {  	s3 =	sld [smem:$0x3FFE];
	_ =	sdelay $0x1  }
0x8a: {  	s1 =	srdreg.scid  }
0x8b: {  	s0 =	sand.u32 $0x1, s1  }
0x8c: {  	s17 =	sshll.u32 s0, $0xA;
	s2 =	sadd.s32 s3, s2  }
0x8d: {  	s2 =	sadd.s32 s2, s17  }
0x8e: {  	[smem:$0x3FC0] =	sst s2  }
0x8f: {  	_ = 	snop  }
0x90: {  	s2 =	sld [smem:$0x3FD0];
	(tm) =	ssettm $0x1  }
0x91: {  	s18 =	sld [smem:$0x3FFB];
	_ =	sdelay $0x3  }
0x92: {  	_ =	strace s18  }
0x93: {  	s3 =	sld [smem:$0x3FFC];
	_ =	sdelay $0x3  }
0x94: {  	_ =	strace s3  }
0x95: {  	s3 =	sld [smem:$0x3FFD];
	_ =	sdelay $0x3  }
0x96: {  	_ =	strace s3  }
0x97: {  	_ =	strace $0x8FFFFFFF  }
0x98: {  	s19 =	sld [smem:$0x3FDB];
	_ =	sdelay $0x1  }
0x99: {  	s4 =	simm.s32 $_scs_section_size  }
0x9a: {  	s5 =	simm.s32 $_size__tile_overlayer_lowered;
	s6 =	simm.s32 $_tile_overlayer_lowered  }
0x9b: {  	s22 =	simm.s32 $0x1BFF;
	s21 =	sshll.u32 s6, $0x1;
	s3 =	sadd.s32 s4, s19  }
0x9c: {  	s7 =	simm.s32 $0x0;
	s20 =	sshll.u32 s5, $0x1;
	s5 =	sadd.s32 s21, s3  }
0x9d: {  	[timem:s7], [sflag:s22] =	dma.local [hbm:s5], s20  }
0x9e: {  	_ =	swait.ge [sflag:s22], s20  }
0x9f: {  	s4 =	ssub.s32 $0x0, s20;
	[sflag:s22] =	ssyncset.done $0x0  }
0xa0: {  	[sflag:s22] =	ssyncadd.s32 s4;
	_ =	sdelay $0x1  }
0xa1: {  	s23 =	simm.s32 $0x1B8B  }
0xa2: {  	_ =	swait.ge [sflag:s23], $0x1  }
0xa3: {  	[sflag:s23] =	ssyncset.done $0x0  }
0xa4: {  	s25 =	simm.s32 $0x1B8E;
	s24 =	sld [smem:$0x3FFE];
	[sflag:s23] =	ssyncadd.s32 $0xFFFFFFFF  }
0xa5: {  	s26 =	simm.s32 $execute0_lowered;
	[smem:$0x3FD2] =	sst s25  }
0xa6: {  	s5 =	sshll.u32 s26, $0x1;
	_ =	strace $0x8000004C;
	[dreg:$0x1] =	wrdreg $0xFFFFFFFF  }
0xa7: {  	s28 =	simm.s32 $_size_execute0_lowered;
	s3 =	sadd.s32 s3, s5;
	[dreg:$0x0] =	wrdreg $0x0  }
0xa8: {  	s5 =	sshll.u32 s28, $0x1;
	[dreg:$0x2] =	wrdreg s3  }
0xa9: {  	[dreg:$0x3] =	wrdreg s5  }
0xaa: {  	[dreg:$0x4] =	wrdreg $0xC0  }
0xab: {  	_ =	task [dreg:s7], $0x5FFFF  }
0xac: {  	[dreg:$0x1] =	wrdreg $0xFFFFFFFF  }
0xad: {  	[dreg:$0x0] =	wrdreg $0x60  }
0xae: {  	[dreg:$0x2] =	wrdreg s24  }
0xaf: {  	[dreg:$0x3] =	wrdreg s2  }
0xb0: {  	[dreg:$0x4] =	wrdreg $0x148000  }
0xb1: {  	[dreg:$0x5] =	wrdreg $0xA8000  }
0xb2: {  	[dreg:$0x6] =	wrdreg $0x9  }
0xb3: {  	_ =	task.clear_ibuf [dreg:s7], $0x7FFFF;
	_ =	strace $0x9000004C  }
0xb4: {  	s29 =	simm.s32 $0x9;
	_ =	strace $0x8000004E  }
0xb5: {  	_ =	swait.ge [sflag:s29], $0x1  }
0xb6: {  	[sflag:s29] =	ssyncadd.s32 $0xFFFFFFFF  }
0xb7: {  	_ =	strace $0x9000004E  }
0xb8: {  	_ =	sfence  }
0xb9: {  	s30 =	sld [smem:$0x0];
	_ =	sdelay $0x2  }
0xba: {  	s31 =	sshll.u32 s1, $0xD;
	s1 =	sshrl.u32 s1, $0x2  }
0xbb: {  	s3 =	sand.u32 $0x4000, s31;
	s1 =	sadd.s32 s1, s30  }
0xbc: {  	s0 =	sor.u32 s3, s0;
	s1 =	sshll.u32 s1, $0x11  }
0xbd: {  	s0 =	sor.u32 s1, s0  }
0xbe: {  	s0 =	sadd.s32 $0x8F2B, s0  }
0xbf: {  	[sflag:s0] =	ssyncadd.remote.s32 $0x1  }
0xc0: {  	_ =	sfence.sel $0xFFFF  }
0xc1: {  	[dreg:$0x0] =	wrdreg $0xFFFFFFFF;
	(pc) =	sbr.abs _section_cstart, $3  }
0xc2: {  	[dreg:$0x1] =	wrdreg $0xFFFFFFFF  }
0xc3: {  	_ =	task.clear_ibuf [dreg:s7], $0x2FFFF;
	_ =	strace $0x9FFFFFFF  }
0xc4: {  	(tm) =	ssettm $0x7FFFFFFF  }
0xc5: {  	_ =	shalt  }
tec
execute0_lowered:
.L_overlay_start_1:
0x0: {  	(tag) =	ssettag $0x1  }
0x1: {  	s0 =	rddreg [dreg:$0x0]  }
0x2: {  	s1 =	rddreg [dreg:$0x1]  }
0x3: {  	s2 =	rddreg [dreg:$0x2]  }
0x4: {  	s3 =	rddreg [dreg:$0x3]  }
0x5: {  	s4 =	srdreg.scid;
	s15 =	stileid.u32  }
0x6: {  	s18 =	simm.s32 $0x1400;
	s19 =	simm.s32 $0x2800;
	s20 =	simm.s32 $0x80  }
0x7: {  	s21 =	simm.s32 $0x4800;
	s22 =	simm.s32 $0x1;
	s29 =	simm.s32 $0x2  }
0x8: {  	s30 =	simm.s32 $0x3;
	s28 =	simm.s32 $0x2780;
	s6 =	smul.u32 $0x9C40, s15  }
0x9: {  	s31 =	simm.s32 $0x0;
	s7 =	sand.u32 $0x1, s4;
	s23 =	smul.u32 $0x28000, s15  }
0xa: {  	s4 =	simm.s32 $0x0;
	s11 =	smul.u32 $0xA000, s15;
	s26 =	sshll.u32 s15, $0x6  }
0xb: {  	s5 =	sshll.u32 s7, $0x4;
	[smem:$0x7FF] =	sst s4;
	s9 =	ssub.s32 $0x2, s7  }
0xc: {  	s12 =	smul.u32 $0xA0000, s7;
	s16 =	sor.u32 $0x1C05, s26;
	s26 =	simm.s32 $0x8800  }
0xd: {  	s5 =	sor.u32 s15, s5;
	s8 =	sshrl.u32 s6, $0x3;
	_ =	strace $0x8000004D  }
0xe: {  	s10 =	sshrl.u32 s9, $0x1;
	s17 =	sadd.s32 s6, s2;
	s15 =	simm.s32 $0x5  }
0xf: {  	s5 =	smul.u32 $0x280, s5;
	s8 =	sadd.s32 s8, s0;
	s14 =	ssub.s32 s9, s10  }
0x10: {  	s9 =	sshrl.u32 s23, $0x2;
	s13 =	sadd.s32 s11, s12;
	s17 =	sshrl.u32 s17, $0x3  }
0x11: {  	s6 =	sadd.s32 $0xC800, s8;
	s8 =	sadd.s32 s11, s3;
	s24 =	sadd.s32 s9, s3  }
0x12: {  	s25 =	sshrl.u32 s13, $0x3;
	s14 =	smax.u32 s14, $0x1;
	s0 =	sadd.s32 s5, s0  }
0x13: {  	s9 =	sadd.s32 $0x2000, s24;
	s10 =	sadd.s32 $0x4000, s24;
	s11 =	sadd.s32 $0x6000, s24  }
0x14: {  	s12 =	sadd.s32 $0x8000, s24;
	s13 =	sadd.s32 s1, s25;
	s24 =	simm.s32 $0x6800  }
0x15: {  	v0 =	vimm.f32 $0.0e+00;
	s25 =	simm.s32 $0x4;
	s5 =	sadd.s32 $0x7800, s0;
	s7 =	sadd.s32 $0x2800, s0  }
.LBB2_1:
0x16: {  	[tilespmem:s4], [sflag:$0x5] =	stream.linear.gather [hbm4b:s5+s4], $0x1400, $0x38;
	[tilespmem:$0x1E440] =	vst v63  }
0x17: {  	_ =	swait.ge [sflag:s15], $0x1400  }
0x18: {  	[sflag:s15] =	ssyncset.done $0x0  }
0x19: {  	[sflag:s15] =	ssyncadd.s32 $0xFFFFEC00  }
0x1a: {  	[spmem:s17], [sflag:s16] =	dma.local [hbm:s6], $0x1388  }
0x1b: {  	_ =	swait.ge [sflag:s15], $0x1388  }
0x1c: {  	[sflag:s15] =	ssyncset.done $0x0  }
0x1d: {  	[sflag:s15] =	ssyncadd.s32 $0xFFFFEC78  }
0x1e: {  	[tilespmem:s18], [sflag:$0x5] =	stream.linear.gather [hbm4b:s7+s4], $0x1400, $0x38;
	[tilespmem:$0x1E440] =	vst v63  }
0x1f: {  	_ =	swait.ge [sflag:s15], $0x1400  }
0x20: {  	[sflag:s15] =	ssyncset.done $0x0  }
0x21: {  	s1 =	simm.s32 $0x100;
	s0 =	simm.s32 $0x0;
	[sflag:s15] =	ssyncadd.s32 $0xFFFFEC00  }
.LBB2_2:
0x22: {  	p0 =	sne.s32 s1, $0x7F00;
	[tilespmem:s0+$0x2830] =	vst v0;
	s23 =	smov.u32 s1;
	s1 =	sadd.s32 $0x100, s1  }
.Ltmp0:
0x23: {  	[tilespmem:s0+$0x2820] =	vst v0;
	(pc) =	sbr.rel @p0 .LBB2_2-.Ltmp0, $3  }
0x24: {  	[tilespmem:s0+$0x2800] =	vst v0  }
0x25: {  	[tilespmem:s0+$0x2810] =	vst v0;
	_ =	sdelay $0x1  }
0x26: {  	s0 =	sshra.s32 s23, $0x2  }
0x27: {  	[tilespmem:s0+$0x2830] =	vst v0  }
0x28: {  	[tilespmem:s0+$0x2820] =	vst v0  }
0x29: {  	[tilespmem:s0+$0x2800] =	vst v0  }
0x2a: {  	[tilespmem:s0+$0x2810] =	vst v0  }
0x2b: {  	[spmem:s8] =	stream.linear.scatter [tilespmem:s19], [sflag:$0x5], $0x2000, $0x38;
	[tilespmem:$0x1E440] =	vst v63  }
0x2c: {  	_ =	swait.ge [sflag:s15], $0x2000  }
0x2d: {  	[sflag:s15] =	ssyncset.done $0x0  }
0x2e: {  	[sflag:s15] =	ssyncadd.s32 $0xFFFFE000  }
0x2f: {  	[spmem:s9] =	stream.linear.scatter [tilespmem:s19], [sflag:$0x5], $0x2000, $0x38;
	[tilespmem:$0x1E440] =	vst v63  }
0x30: {  	_ =	swait.ge [sflag:s15], $0x2000  }
0x31: {  	[sflag:s15] =	ssyncset.done $0x0  }
0x32: {  	[sflag:s15] =	ssyncadd.s32 $0xFFFFE000  }
0x33: {  	[spmem:s10] =	stream.linear.scatter [tilespmem:s19], [sflag:$0x5], $0x2000, $0x38;
	[tilespmem:$0x1E440] =	vst v63  }
0x34: {  	_ =	swait.ge [sflag:s15], $0x2000  }
0x35: {  	[sflag:s15] =	ssyncset.done $0x0  }
0x36: {  	[sflag:s15] =	ssyncadd.s32 $0xFFFFE000  }
0x37: {  	[spmem:s11] =	stream.linear.scatter [tilespmem:s19], [sflag:$0x5], $0x2000, $0x38;
	[tilespmem:$0x1E440] =	vst v63  }
0x38: {  	_ =	swait.ge [sflag:s15], $0x2000  }
0x39: {  	[sflag:s15] =	ssyncset.done $0x0  }
0x3a: {  	[sflag:s15] =	ssyncadd.s32 $0xFFFFE000  }
0x3b: {  	[spmem:s12] =	stream.linear.scatter [tilespmem:s19], [sflag:$0x5], $0x2000, $0x38;
	[tilespmem:$0x1E440] =	vst v63  }
0x3c: {  	_ =	swait.ge [sflag:s15], $0x2000  }
0x3d: {  	[sflag:s15] =	ssyncset.done $0x0  }
0x3e: {  	[sflag:s15] =	ssyncadd.s32 $0xFFFFE000  }
0x3f: {  	s23 =	simm.s32 $0x0;
	[bflag:$0x0] =	sbarrier.arrive $0xFFFF  }
0x40: {  	[tilespmem:s19], [sflag:$0x1] =	stream.indirect.gather [spmem:s2], $0x40, s23, s20, $0xb8;
	[tilespmem:$0x1E440] =	vst v63  }
0x41: {  	_ = 	snop  }
0x42: {  	[tilespmem:s21], [sflag:$0x1] =	stream.indirect.gather [spmem:s2], $0x40, s20, s20, $0xb8;
	[tilespmem:$0x1E440] =	vst v63  }
0x43: {  	_ =	swait.ge [sflag:s22], $0x2000  }
0x44: {  	[sflag:s22] =	ssyncset.done $0x0  }
0x45: {  	[sflag:s22] =	ssyncadd.s32 $0xFFFFE000  }
0x46: {  	_ =	swait.ge [sflag:s22], $0x2000  }
0x47: {  	[sflag:s22] =	ssyncset.done $0x0  }
0x48: {  	s1 =	simm.s32 $0x100;
	[sflag:s22] =	ssyncadd.s32 $0xFFFFE000  }
0x49: {  	[tilespmem:s24], [sflag:$0x2] =	stream.indirect.gather [spmem:s2], $0x40, s1, s20, $0xb8;
	[tilespmem:$0x1E440] =	vst v63  }
0x4a: {  	s23 =	simm.s32 $0x180  }
0x4b: {  	[tilespmem:s26], [sflag:$0x2] =	stream.indirect.gather [spmem:s2], $0x40, s23, s20, $0xb8;
	[tilespmem:$0x1E440] =	vst v63  }
0x4c: {  	_ = 	snop  }
0x4d: {  	[spmem:s3] =	stream.indirect.scatter.add.f32 [tilespmem:s19], [sflag:$0x3], $0x40, s18, s20, $0xb8;
	[tilespmem:$0x1E440] =	vst v63  }
0x4e: {  	s1 =	simm.s32 $0x1480  }
0x4f: {  	[spmem:s3] =	stream.indirect.scatter.add.f32 [tilespmem:s21], [sflag:$0x3], $0x40, s1, s20, $0xb8;
	[tilespmem:$0x1E440] =	vst v63  }
0x50: {  	_ =	swait.ge [sflag:s29], $0x2000  }
0x51: {  	[sflag:s29] =	ssyncset.done $0x0  }
0x52: {  	[sflag:s29] =	ssyncadd.s32 $0xFFFFE000  }
0x53: {  	_ =	swait.ge [sflag:s29], $0x2000  }
0x54: {  	[sflag:s29] =	ssyncset.done $0x0  }
0x55: {  	[sflag:s29] =	ssyncadd.s32 $0xFFFFE000  }
0x56: {  	_ =	swait.ge [sflag:s30], $0x2000  }
0x57: {  	[sflag:s30] =	ssyncset.done $0x0  }
0x58: {  	[sflag:s30] =	ssyncadd.s32 $0xFFFFE000  }
0x59: {  	_ =	swait.ge [sflag:s30], $0x2000  }
0x5a: {  	[sflag:s30] =	ssyncset.done $0x0  }
0x5b: {  	s23 =	simm.s32 $0x200;
	[sflag:s30] =	ssyncadd.s32 $0xFFFFE000  }
0x5c: {  	[tilespmem:s19], [sflag:$0x1] =	stream.indirect.gather [spmem:s2], $0x40, s23, s20, $0xb8;
	[tilespmem:$0x1E440] =	vst v63  }
0x5d: {  	s1 =	simm.s32 $0x280  }
0x5e: {  	[tilespmem:s21], [sflag:$0x1] =	stream.indirect.gather [spmem:s2], $0x40, s1, s20, $0xb8;
	[tilespmem:$0x1E440] =	vst v63  }
0x5f: {  	s23 =	simm.s32 $0x1500  }
0x60: {  	[spmem:s3] =	stream.indirect.scatter.add.f32 [tilespmem:s24], [sflag:$0x4], $0x40, s23, s20, $0xb8;
	[tilespmem:$0x1E440] =	vst v63  }
0x61: {  	s1 =	simm.s32 $0x1580  }
0x62: {  	[spmem:s3] =	stream.indirect.scatter.add.f32 [tilespmem:s26], [sflag:$0x4], $0x40, s1, s20, $0xb8;
	[tilespmem:$0x1E440] =	vst v63  }
0x63: {  	_ =	swait.ge [sflag:s22], $0x2000  }
0x64: {  	[sflag:s22] =	ssyncset.done $0x0  }
0x65: {  	[sflag:s22] =	ssyncadd.s32 $0xFFFFE000  }
0x66: {  	_ =	swait.ge [sflag:s22], $0x2000  }
0x67: {  	[sflag:s22] =	ssyncset.done $0x0  }
0x68: {  	[sflag:s22] =	ssyncadd.s32 $0xFFFFE000  }
0x69: {  	_ =	swait.ge [sflag:s25], $0x2000  }
0x6a: {  	[sflag:s25] =	ssyncset.done $0x0  }
0x6b: {  	[sflag:s25] =	ssyncadd.s32 $0xFFFFE000  }
0x6c: {  	_ =	swait.ge [sflag:s25], $0x2000  }
0x6d: {  	[sflag:s25] =	ssyncset.done $0x0  }
0x6e: {  	s23 =	simm.s32 $0x300;
	[sflag:s25] =	ssyncadd.s32 $0xFFFFE000  }
0x6f: {  	[tilespmem:s24], [sflag:$0x2] =	stream.indirect.gather [spmem:s2], $0x40, s23, s20, $0xb8;
	[tilespmem:$0x1E440] =	vst v63  }
0x70: {  	s1 =	simm.s32 $0x380  }
0x71: {  	[tilespmem:s26], [sflag:$0x2] =	stream.indirect.gather [spmem:s2], $0x40, s1, s20, $0xb8;
	[tilespmem:$0x1E440] =	vst v63  }
0x72: {  	s23 =	simm.s32 $0x1600  }
0x73: {  	[spmem:s3] =	stream.indirect.scatter.add.f32 [tilespmem:s19], [sflag:$0x3], $0x40, s23, s20, $0xb8;
	[tilespmem:$0x1E440] =	vst v63  }
0x74: {  	s1 =	simm.s32 $0x1680  }
0x75: {  	[spmem:s3] =	stream.indirect.scatter.add.f32 [tilespmem:s21], [sflag:$0x3], $0x40, s1, s20, $0xb8;
	[tilespmem:$0x1E440] =	vst v63  }
0x76: {  	_ =	swait.ge [sflag:s29], $0x2000  }
0x77: {  	[sflag:s29] =	ssyncset.done $0x0  }
0x78: {  	[sflag:s29] =	ssyncadd.s32 $0xFFFFE000  }
0x79: {  	_ =	swait.ge [sflag:s29], $0x2000  }
0x7a: {  	[sflag:s29] =	ssyncset.done $0x0  }
0x7b: {  	[sflag:s29] =	ssyncadd.s32 $0xFFFFE000  }
0x7c: {  	_ =	swait.ge [sflag:s30], $0x2000  }
0x7d: {  	[sflag:s30] =	ssyncset.done $0x0  }
0x7e: {  	[sflag:s30] =	ssyncadd.s32 $0xFFFFE000  }
0x7f: {  	_ =	swait.ge [sflag:s30], $0x2000  }
0x80: {  	[sflag:s30] =	ssyncset.done $0x0  }
0x81: {  	s23 =	simm.s32 $0x400;
	[sflag:s30] =	ssyncadd.s32 $0xFFFFE000  }
0x82: {  	[tilespmem:s19], [sflag:$0x1] =	stream.indirect.gather [spmem:s2], $0x40, s23, s20, $0xb8;
	[tilespmem:$0x1E440] =	vst v63  }
0x83: {  	s1 =	simm.s32 $0x480  }
0x84: {  	[tilespmem:s21], [sflag:$0x1] =	stream.indirect.gather [spmem:s2], $0x40, s1, s20, $0xb8;
	[tilespmem:$0x1E440] =	vst v63  }
0x85: {  	s0 =	simm.s32 $0x800;
	s23 =	simm.s32 $0x1700;
	s1 =	simm.s32 $0x1780  }
0x86: {  	[spmem:s3] =	stream.indirect.scatter.add.f32 [tilespmem:s24], [sflag:$0x4], $0x40, s23, s20, $0xb8;
	[tilespmem:$0x1E440] =	vst v63  }
.LBB2_4:
0x87: {  	[spmem:s3] =	stream.indirect.scatter.add.f32 [tilespmem:s26], [sflag:$0x4], $0x40, s1, s20, $0xb8;
	[tilespmem:$0x1E440] =	vst v63  }
0x88: {  	s1 =	smov.u32 s0  }
0x89: {  	p0 =	sne.s32 s0, $0x3800;
	s0 =	sadd.s32 $0x800, s0;
	_ =	swait.ge [sflag:s22], $0x2000  }
0x8a: {  	[sflag:s22] =	ssyncset.done $0x0  }
0x8b: {  	[sflag:s22] =	ssyncadd.s32 $0xFFFFE000  }
0x8c: {  	_ =	swait.ge [sflag:s22], $0x2000  }
0x8d: {  	[sflag:s22] =	ssyncset.done $0x0  }
0x8e: {  	[sflag:s22] =	ssyncadd.s32 $0xFFFFE000  }
0x8f: {  	_ =	swait.ge [sflag:s25], $0x2000  }
0x90: {  	[sflag:s25] =	ssyncset.done $0x0  }
0x91: {  	[sflag:s25] =	ssyncadd.s32 $0xFFFFE000  }
0x92: {  	_ =	swait.ge [sflag:s25], $0x2000  }
0x93: {  	s1 =	sshra.s32 s1, $0x2;
	[sflag:s25] =	ssyncset.done $0x0  }
0x94: {  	s23 =	sadd.s32 $0x300, s1;
	[sflag:s25] =	ssyncadd.s32 $0xFFFFE000  }
0x95: {  	[tilespmem:s24], [sflag:$0x2] =	stream.indirect.gather [spmem:s2], $0x40, s23, s20, $0xb8;
	[tilespmem:$0x1E440] =	vst v63  }
0x96: {  	s23 =	sadd.s32 $0x380, s1  }
0x97: {  	[tilespmem:s26], [sflag:$0x2] =	stream.indirect.gather [spmem:s2], $0x40, s23, s20, $0xb8;
	[tilespmem:$0x1E440] =	vst v63  }
0x98: {  	s23 =	sadd.s32 $0x1600, s1  }
0x99: {  	[spmem:s3] =	stream.indirect.scatter.add.f32 [tilespmem:s19], [sflag:$0x3], $0x40, s23, s20, $0xb8;
	[tilespmem:$0x1E440] =	vst v63  }
0x9a: {  	s23 =	sadd.s32 $0x1680, s1  }
0x9b: {  	[spmem:s3] =	stream.indirect.scatter.add.f32 [tilespmem:s21], [sflag:$0x3], $0x40, s23, s20, $0xb8;
	[tilespmem:$0x1E440] =	vst v63  }
0x9c: {  	_ =	swait.ge [sflag:s29], $0x2000  }
0x9d: {  	[sflag:s29] =	ssyncset.done $0x0  }
0x9e: {  	[sflag:s29] =	ssyncadd.s32 $0xFFFFE000  }
0x9f: {  	_ =	swait.ge [sflag:s29], $0x2000  }
0xa0: {  	[sflag:s29] =	ssyncset.done $0x0  }
0xa1: {  	[sflag:s29] =	ssyncadd.s32 $0xFFFFE000  }
0xa2: {  	_ =	swait.ge [sflag:s30], $0x2000  }
0xa3: {  	[sflag:s30] =	ssyncset.done $0x0  }
0xa4: {  	[sflag:s30] =	ssyncadd.s32 $0xFFFFE000  }
0xa5: {  	_ =	swait.ge [sflag:s30], $0x2000  }
0xa6: {  	[sflag:s30] =	ssyncset.done $0x0  }
0xa7: {  	s23 =	sadd.s32 $0x400, s1;
	[sflag:s30] =	ssyncadd.s32 $0xFFFFE000  }
0xa8: {  	[tilespmem:s19], [sflag:$0x1] =	stream.indirect.gather [spmem:s2], $0x40, s23, s20, $0xb8;
	[tilespmem:$0x1E440] =	vst v63  }
.Ltmp1:
0xa9: {  	s23 =	sadd.s32 $0x480, s1;
	(pc) =	sbr.rel @p0 .LBB2_4-.Ltmp1, $4  }
0xaa: {  	[tilespmem:s21], [sflag:$0x1] =	stream.indirect.gather [spmem:s2], $0x40, s23, s20, $0xb8;
	[tilespmem:$0x1E440] =	vst v63  }
0xab: {  	s23 =	sadd.s32 $0x1700, s1  }
0xac: {  	[spmem:s3] =	stream.indirect.scatter.add.f32 [tilespmem:s24], [sflag:$0x4], $0x40, s23, s20, $0xb8;
	[tilespmem:$0x1E440] =	vst v63  }
0xad: {  	s1 =	sadd.s32 $0x1780, s1  }
0xae: {  	[spmem:s3] =	stream.indirect.scatter.add.f32 [tilespmem:s26], [sflag:$0x4], $0x40, s1, s20, $0xb8;
	[tilespmem:$0x1E440] =	vst v63  }
0xaf: {  	_ =	swait.ge [sflag:s22], $0x2000  }
0xb0: {  	[sflag:s22] =	ssyncset.done $0x0  }
0xb1: {  	[sflag:s22] =	ssyncadd.s32 $0xFFFFE000  }
0xb2: {  	_ =	swait.ge [sflag:s22], $0x2000  }
0xb3: {  	[sflag:s22] =	ssyncset.done $0x0  }
0xb4: {  	[sflag:s22] =	ssyncadd.s32 $0xFFFFE000  }
0xb5: {  	_ =	swait.ge [sflag:s25], $0x2000  }
0xb6: {  	[sflag:s25] =	ssyncset.done $0x0  }
0xb7: {  	[sflag:s25] =	ssyncadd.s32 $0xFFFFE000  }
0xb8: {  	_ =	swait.ge [sflag:s25], $0x2000  }
0xb9: {  	[sflag:s25] =	ssyncset.done $0x0  }
0xba: {  	s0 =	simm.s32 $0x1300;
	[sflag:s25] =	ssyncadd.s32 $0xFFFFE000  }
0xbb: {  	[tilespmem:s24], [sflag:$0x2] =	stream.indirect.gather [spmem:s2], $0x40, s0, s20, $0xb8;
	[tilespmem:$0x1E440] =	vst v63  }
0xbc: {  	s23 =	simm.s32 $0x1380  }
0xbd: {  	[tilespmem:s26], [sflag:$0x2] =	stream.indirect.gather [spmem:s2], $0x40, s23, s20, $0xb8;
	[tilespmem:$0x1E440] =	vst v63  }
0xbe: {  	s1 =	simm.s32 $0x2600  }
0xbf: {  	[spmem:s3] =	stream.indirect.scatter.add.f32 [tilespmem:s19], [sflag:$0x3], $0x40, s1, s20, $0xb8;
	[tilespmem:$0x1E440] =	vst v63  }
0xc0: {  	s23 =	simm.s32 $0x2680  }
0xc1: {  	[spmem:s3] =	stream.indirect.scatter.add.f32 [tilespmem:s21], [sflag:$0x3], $0x40, s23, s20, $0xb8;
	[tilespmem:$0x1E440] =	vst v63  }
0xc2: {  	_ =	swait.ge [sflag:s29], $0x2000  }
0xc3: {  	[sflag:s29] =	ssyncset.done $0x0  }
0xc4: {  	[sflag:s29] =	ssyncadd.s32 $0xFFFFE000  }
0xc5: {  	_ =	swait.ge [sflag:s29], $0x2000  }
0xc6: {  	[sflag:s29] =	ssyncset.done $0x0  }
0xc7: {  	[sflag:s29] =	ssyncadd.s32 $0xFFFFE000  }
0xc8: {  	_ =	swait.ge [sflag:s30], $0x2000  }
0xc9: {  	[sflag:s30] =	ssyncset.done $0x0  }
0xca: {  	[sflag:s30] =	ssyncadd.s32 $0xFFFFE000  }
0xcb: {  	_ =	swait.ge [sflag:s30], $0x2000  }
0xcc: {  	[sflag:s30] =	ssyncset.done $0x0  }
0xcd: {  	[sflag:s30] =	ssyncadd.s32 $0xFFFFE000  }
0xce: {  	[tilespmem:s19], [sflag:$0x1] =	stream.indirect.gather [spmem:s2], $0x40, s4, s20, $0xb8;
	[tilespmem:$0x1E440] =	vst v63  }
0xcf: {  	_ = 	snop  }
0xd0: {  	[tilespmem:s21], [sflag:$0x1] =	stream.indirect.gather [spmem:s2], $0x40, s20, s20, $0xb8;
	[tilespmem:$0x1E440] =	vst v63  }
0xd1: {  	s1 =	simm.s32 $0x2700  }
0xd2: {  	[spmem:s3] =	stream.indirect.scatter.add.f32 [tilespmem:s24], [sflag:$0x4], $0x40, s1, s20, $0xb8;
	[tilespmem:$0x1E440] =	vst v63  }
0xd3: {  	_ = 	snop  }
0xd4: {  	[spmem:s3] =	stream.indirect.scatter.add.f32 [tilespmem:s26], [sflag:$0x4], $0x40, s28, s20, $0xb8;
	[tilespmem:$0x1E440] =	vst v63  }
0xd5: {  	_ =	swait.ge [sflag:s22], $0x2000  }
0xd6: {  	[sflag:s22] =	ssyncset.done $0x0  }
0xd7: {  	[sflag:s22] =	ssyncadd.s32 $0xFFFFE000  }
0xd8: {  	_ =	swait.ge [sflag:s22], $0x2000  }
0xd9: {  	[sflag:s22] =	ssyncset.done $0x0  }
0xda: {  	[sflag:s22] =	ssyncadd.s32 $0xFFFFE000  }
0xdb: {  	_ =	swait.ge [sflag:s25], $0x2000  }
0xdc: {  	[sflag:s25] =	ssyncset.done $0x0  }
0xdd: {  	[sflag:s25] =	ssyncadd.s32 $0xFFFFE000  }
0xde: {  	_ =	swait.ge [sflag:s25], $0x2000  }
0xdf: {  	s31 =	sadd.s32 $0x1, s31;
	[sflag:s25] =	ssyncset.done $0x0  }
0xe0: {  	p0 =	sne.s32 s31, s14;
	[sflag:s25] =	ssyncadd.s32 $0xFFFFE000  }
.Ltmp2:
0xe1: {  	s23 =	sshrl.u32 s8, $0x3;
	[bflag:$0x0] =	sbarrier.arrive $0xFFFF;
	(pc) =	sbr.rel @p0 .LBB2_1-.Ltmp2, $4  }
0xe2: {  	[hbm:s13], [sflag:s16] =	dma.local [spmem:s23], $0x1400  }
0xe3: {  	_ =	swait.ge [sflag:s15], $0x1400  }
0xe4: {  	[sflag:s15] =	ssyncset.done $0x0  }
0xe5: {  	[sflag:s15] =	ssyncadd.s32 $0xFFFFEC00  }
0xe6: {  	_ =	sfence.sel $0x180000  }
0xe7: {  	[bflag:$0x0] =	sbarrier.arrive $0xFFFF  }
0xe8: {  	_ =	strace $0x9000004D  }
0xe9: {  	s0 =	stileid.u32;
	[bflag:$0x2] =	sbarrier.arrive $0xFFFF  }
0xea: {  	p0 =	sne.s32 s0, $0x0;
	s0 =	rddreg [dreg:$0x4]  }
0xeb: {  	s0 =	sadd.s32 @!p0 $0x100000, s0  }
0xec: {  	[sflag:s0] =	ssyncadd.tile.s32 @!p0 $0x1;
	_ =	shalt  }
.Lfunc_end2:
_tile_overlayer_lowered:
.L_overlay_start_2:
0xed: {  	(tag) =	ssettag $0x2  }
0xee: {  	s0 =	rddreg [dreg:$0x0];
	s2 =	stileid.u32  }
0xef: {  	s1 =	rddreg [dreg:$0x1];
	p0 =	sne.s32 s2, $0x0  }
0xf0: {  	s3 =	rddreg [dreg:$0x2];
	[bflag:$0x3] =	sbarrier.arrive $0xFFFF;
	s2 =	simm.s32 @!p0 $0x1C05  }
0xf1: {  	[timem:s3], [sflag:s2] =	dma.local @!p0 [hbm:s0], s1  }
0xf2: {  	s0 =	simm.s32 @!p0 $0x5  }
0xf3: {  	_ =	swait.ge @!p0 [sflag:s0], s1  }
0xf4: {  	s1 =	ssub.s32 @!p0 $0x0, s1;
	[sflag:s0] =	ssyncset.done @!p0 $0x0  }
0xf5: {  	[sflag:s0] =	ssyncadd.s32 @!p0 s1  }
0xf6: {  	[bflag:$0x3] =	sbarrier.arrive $0xFFFF  }
0xf7: {  	_ =	shalt  }

// kernel: kernel.21.cloned.1.call-start
scs
__scs_entry_jumppad:
0x0: {  	(pc) =	sbr.rel $0x88, $3  }
0x1: {  	(tag) =	ssettag $0x0;
	lr =	simm.s32 $0x1  }
0x2: {  	[smem:$0x3F99] =	sst lr;
	_ =	strace $0xD0000000  }
0x3: {  	_ = 	snop  }
0x4: {  	_ = 	snop  }
0x5: {  	_ = 	snop  }
0x6: {  	_ = 	snop  }
0x7: {  	_ = 	snop  }
__scs_overlays_trampoline_lowered:
0x8: {  	[smem:$0x3FA8] =	sst s0  }
0x9: {  	[smem:$0x3FA9] =	sst s1  }
0xa: {  	[smem:$0x3FAA] =	sst s2  }
0xb: {  	[smem:$0x3FAB] =	sst s3  }
0xc: {  	[smem:$0x3FAC] =	sst s4  }
0xd: {  	[smem:$0x3FAD] =	sst s5  }
0xe: {  	[smem:$0x3FAE] =	sst s6  }
0xf: {  	[smem:$0x3FAF] =	sst s7  }
0x10: {  	[smem:$0x3FB0] =	sst s8  }
0x11: {  	[smem:$0x3FB1] =	sst s9;
	s0 =	simm.s32 @!p0 $0x0  }
0x12: {  	s1 =	sld [smem:$0x3F97];
	s0 =	simm.s32 @p0 $0x1  }
0x13: {  	[smem:$0x3FB2] =	sst s0;
	s0 =	simm.s32 @!p1 $0x0  }
0x14: {  	s2 =	sld [smem:$0x3F96];
	s0 =	simm.s32 @p1 $0x1  }
0x15: {  	[smem:$0x3FB3] =	sst s0;
	s0 =	simm.s32 @!p2 $0x0  }
0x16: {  	s3 =	sld [smem:$0x3FDB];
	s0 =	simm.s32 @p2 $0x1  }
0x17: {  	s4 =	simm.s32 $0x1BF5;
	[smem:$0x3FB5] =	sst s0  }
0x18: {  	s0 =	sld [smem:$0x3F98];
	_ =	swait.ge [sflag:s4], $0x0  }
0x19: {  	s7 =	sld [smem:$0x3F99]  }
0x1a: {  	s8 =	sadd.s32 $0xFFFFE003, lr  }
0x1b: {  	s9 =	sadd.s32 $0xFFFFFEF7, lr;
	s5 =	simm.s32 $0xFFFFFFFF;
	p2 =	slt.u32 s8, $0xFFFFF086  }
0x1c: {  	p1 =	slt.u32 s9, $0xF7A;
	s5 =	simm.s32 @!p2 $0x0  }
0x1d: {  	s5 =	simm.s32 @p1 $0x1;
	p0 =	seq.s32 s7, s2  }
0x1e: {  	s7 =	smul.u32 @!p0 $0xF7A, s2;
	p2 =	seq.s32 @!p0 s5, $0x0  }
0x1f: {  	s9 =	smul.u32 $0xF7A, s1;
	s8 =	simm.s32 @!p0 $0x1BF5;
	p2 =	por !p2, p0  }
0x20: {  	[sflag:s8] =	ssyncset.s32 @!p0 $0xFFFFF086;
	s6 =	sadd.s32 @!p0 s3, s7;
	s7 =	simm.s32 @!p0 $0x108  }
0x21: {  	s3 =	sadd.s32 s3, s9;
	s6 =	sadd.s32 @!p0 $0x88, s6;
	s7 =	simm.s32 @p2 $0x1082  }
0x22: {  	[simem:s7], [sflag:s8] =	dma.local @!p0 [hbm:s6], $0xF7A  }
0x23: {  	s9 =	sor.u32 $0xD0000000, s2;
	s6 =	simm.s32 $0x108;
	_ =	swait.ge @!p0 [sflag:s8], $0x0  }
0x24: {  	s3 =	sadd.s32 $0x88, s3;
	s6 =	simm.s32 @!p1 $0x1082;
	[sflag:s4] =	ssyncset.s32 $0xFFFFF086  }
0x25: {  	[simem:s6], [sflag:s4] =	dma.local [hbm:s3], $0xF7A  }
0x26: {  	[smem:$0x3F99] =	sst s1;
	(tag) =	ssettag s2;
	_ =	strace s9  }
0x27: {  	s1 =	sld [smem:$0x3FA9]  }
0x28: {  	s2 =	sld [smem:$0x3FAA]  }
0x29: {  	s4 =	sld [smem:$0x3FAC]  }
0x2a: {  	p0 =	seq.s32 s5, $0x0;
	s5 =	sld [smem:$0x3FAD]  }
0x2b: {  	s6 =	sld [smem:$0x3FAE]  }
0x2c: {  	s7 =	sld [smem:$0x3FAF]  }
0x2d: {  	s3 =	simm.s32 $0x108;
	s8 =	sld [smem:$0x3FB0]  }
0x2e: {  	s3 =	simm.s32 @!p0 $0x1082;
	s9 =	sld [smem:$0x3FB1]  }
0x2f: {  	lr =	sadd.s32 s0, s3;
	s0 =	sld [smem:$0x3FA8]  }
0x30: {  	s3 =	sld [smem:$0x3FAB]  }
0x31: {  	[smem:$0x3FB4] =	sst s10  }
0x32: {  	s10 =	sld [smem:$0x3FB2];
	_ =	sdelay $0x3  }
0x33: {  	p0 =	seq.s32 s10, $0x1;
	s10 =	sld [smem:$0x3FB4];
	_ =	sdelay $0x3  }
0x34: {  	[smem:$0x3FB4] =	sst s10  }
0x35: {  	s10 =	sld [smem:$0x3FB3];
	_ =	sdelay $0x3  }
0x36: {  	p1 =	seq.s32 s10, $0x1;
	s10 =	sld [smem:$0x3FB4];
	_ =	sdelay $0x3  }
0x37: {  	[smem:$0x3FB4] =	sst s10  }
0x38: {  	s10 =	sld [smem:$0x3FB5]  }
0x39: {  	_ = 	snop;
	(pc) =	sbr.ind lr, $3  }
0x3a: {  	_ = 	snop  }
0x3b: {  	_ = 	snop  }
0x3c: {  	p2 =	seq.s32 s10, $0x1;
	s10 =	sld [smem:$0x3FB4]  }
0x3d: {  	_ =	shalt  }
0x3e: {  	_ =	shalt  }
0x3f: {  	_ =	shalt  }
0x40: {  	_ =	shalt  }
0x41: {  	_ =	shalt  }
0x42: {  	_ =	shalt  }
0x43: {  	_ =	shalt  }
0x44: {  	_ =	shalt  }
0x45: {  	_ =	shalt  }
0x46: {  	_ =	shalt  }
0x47: {  	_ =	shalt  }
0x48: {  	_ =	shalt  }
0x49: {  	_ =	shalt  }
0x4a: {  	_ =	shalt  }
0x4b: {  	_ =	shalt  }
0x4c: {  	_ =	shalt  }
0x4d: {  	_ =	shalt  }
0x4e: {  	_ =	shalt  }
0x4f: {  	_ =	shalt  }
0x50: {  	_ =	shalt  }
0x51: {  	_ =	shalt  }
0x52: {  	_ =	shalt  }
0x53: {  	_ =	shalt  }
0x54: {  	_ =	shalt  }
0x55: {  	_ =	shalt  }
0x56: {  	_ =	shalt  }
0x57: {  	_ =	shalt  }
0x58: {  	_ =	shalt  }
0x59: {  	_ =	shalt  }
0x5a: {  	_ =	shalt  }
0x5b: {  	_ =	shalt  }
0x5c: {  	_ =	shalt  }
0x5d: {  	_ =	shalt  }
0x5e: {  	_ =	shalt  }
0x5f: {  	_ =	shalt  }
0x60: {  	_ =	shalt  }
0x61: {  	_ =	shalt  }
0x62: {  	_ =	shalt  }
0x63: {  	_ =	shalt  }
0x64: {  	_ =	shalt  }
0x65: {  	_ =	shalt  }
0x66: {  	_ =	shalt  }
0x67: {  	_ =	shalt  }
0x68: {  	_ =	shalt  }
0x69: {  	_ =	shalt  }
0x6a: {  	_ =	shalt  }
0x6b: {  	_ =	shalt  }
0x6c: {  	_ =	shalt  }
0x6d: {  	_ =	shalt  }
0x6e: {  	_ =	shalt  }
0x6f: {  	_ =	shalt  }
0x70: {  	_ =	shalt  }
0x71: {  	_ =	shalt  }
0x72: {  	_ =	shalt  }
0x73: {  	_ =	shalt  }
0x74: {  	_ =	shalt  }
0x75: {  	_ =	shalt  }
0x76: {  	_ =	shalt  }
0x77: {  	_ =	shalt  }
0x78: {  	_ =	shalt  }
0x79: {  	_ =	shalt  }
0x7a: {  	_ =	shalt  }
0x7b: {  	_ =	shalt  }
0x7c: {  	_ =	shalt  }
0x7d: {  	_ =	shalt  }
0x7e: {  	_ =	shalt  }
0x7f: {  	_ =	shalt  }
0x80: {  	_ =	shalt  }
0x81: {  	_ =	shalt  }
0x82: {  	_ =	shalt  }
0x83: {  	_ =	shalt  }
0x84: {  	_ =	shalt  }
0x85: {  	_ =	shalt  }
0x86: {  	_ =	shalt  }
0x87: {  	_ =	shalt  }
.Lfunc_end0:
.L_simem_size_0:
called_computation.3_lowered:
.L_overlay_start_0:
0x88: {  	s2 =	sld [smem:$0x3FD9]  }
0x89: {  	s3 =	sld [smem:$0x3FFE];
	_ =	sdelay $0x1  }
0x8a: {  	s1 =	srdreg.scid  }
0x8b: {  	s0 =	sand.u32 $0x1, s1  }
0x8c: {  	s17 =	sshll.u32 s0, $0xA;
	s2 =	sadd.s32 s3, s2  }
0x8d: {  	s2 =	sadd.s32 s2, s17  }
0x8e: {  	[smem:$0x3FC0] =	sst s2  }
0x8f: {  	_ = 	snop  }
0x90: {  	s2 =	sld [smem:$0x3FD0];
	(tm) =	ssettm $0x1  }
0x91: {  	s18 =	sld [smem:$0x3FFB];
	_ =	sdelay $0x3  }
0x92: {  	_ =	strace s18  }
0x93: {  	s3 =	sld [smem:$0x3FFC];
	_ =	sdelay $0x3  }
0x94: {  	_ =	strace s3  }
0x95: {  	s3 =	sld [smem:$0x3FFD];
	_ =	sdelay $0x3  }
0x96: {  	_ =	strace s3  }
0x97: {  	_ =	strace $0x8FFFFFFF  }
0x98: {  	s19 =	sld [smem:$0x3FDB];
	_ =	sdelay $0x1  }
0x99: {  	s4 =	simm.s32 $_scs_section_size  }
0x9a: {  	s5 =	simm.s32 $_size__tile_overlayer_lowered;
	s6 =	simm.s32 $_tile_overlayer_lowered  }
0x9b: {  	s22 =	simm.s32 $0x1BFF;
	s21 =	sshll.u32 s6, $0x1;
	s3 =	sadd.s32 s4, s19  }
0x9c: {  	s7 =	simm.s32 $0x0;
	s20 =	sshll.u32 s5, $0x1;
	s5 =	sadd.s32 s21, s3  }
0x9d: {  	[timem:s7], [sflag:s22] =	dma.local [hbm:s5], s20  }
0x9e: {  	_ =	swait.ge [sflag:s22], s20  }
0x9f: {  	s4 =	ssub.s32 $0x0, s20;
	[sflag:s22] =	ssyncset.done $0x0  }
0xa0: {  	[sflag:s22] =	ssyncadd.s32 s4;
	_ =	sdelay $0x1  }
0xa1: {  	s23 =	simm.s32 $0x1B8B  }
0xa2: {  	_ =	swait.ge [sflag:s23], $0x1  }
0xa3: {  	[sflag:s23] =	ssyncset.done $0x0  }
0xa4: {  	s25 =	simm.s32 $0x1B8E;
	s24 =	sld [smem:$0x3FFE];
	[sflag:s23] =	ssyncadd.s32 $0xFFFFFFFF  }
0xa5: {  	s26 =	simm.s32 $execute0_lowered;
	[smem:$0x3FD2] =	sst s25  }
0xa6: {  	s5 =	sshll.u32 s26, $0x1;
	_ =	strace $0x8000004F;
	[dreg:$0x1] =	wrdreg $0xFFFFFFFF  }
0xa7: {  	s28 =	simm.s32 $_size_execute0_lowered;
	s3 =	sadd.s32 s3, s5;
	[dreg:$0x0] =	wrdreg $0x0  }
0xa8: {  	s5 =	sshll.u32 s28, $0x1;
	[dreg:$0x2] =	wrdreg s3  }
0xa9: {  	[dreg:$0x3] =	wrdreg s5  }
0xaa: {  	[dreg:$0x4] =	wrdreg $0xC0  }
0xab: {  	_ =	task [dreg:s7], $0x5FFFF  }
0xac: {  	[dreg:$0x1] =	wrdreg $0xFFFFFFFF  }
0xad: {  	[dreg:$0x0] =	wrdreg $0x60  }
0xae: {  	[dreg:$0x2] =	wrdreg s24  }
0xaf: {  	[dreg:$0x3] =	wrdreg s2  }
0xb0: {  	[dreg:$0x4] =	wrdreg $0x148000  }
0xb1: {  	[dreg:$0x5] =	wrdreg $0xA8000  }
0xb2: {  	[dreg:$0x6] =	wrdreg $0x9  }
0xb3: {  	_ =	task.clear_ibuf [dreg:s7], $0x7FFFF;
	_ =	strace $0x9000004F  }
0xb4: {  	s29 =	simm.s32 $0x9;
	_ =	strace $0x80000051  }
0xb5: {  	_ =	swait.ge [sflag:s29], $0x1  }
0xb6: {  	[sflag:s29] =	ssyncadd.s32 $0xFFFFFFFF  }
0xb7: {  	_ =	strace $0x90000051  }
0xb8: {  	_ =	sfence  }
0xb9: {  	s30 =	sld [smem:$0x0];
	_ =	sdelay $0x2  }
0xba: {  	s31 =	sshll.u32 s1, $0xD;
	s1 =	sshrl.u32 s1, $0x2  }
0xbb: {  	s3 =	sand.u32 $0x4000, s31;
	s1 =	sadd.s32 s1, s30  }
0xbc: {  	s0 =	sor.u32 s3, s0;
	s1 =	sshll.u32 s1, $0x11  }
0xbd: {  	s0 =	sor.u32 s1, s0  }
0xbe: {  	s0 =	sadd.s32 $0x8F2B, s0  }
0xbf: {  	[sflag:s0] =	ssyncadd.remote.s32 $0x1  }
0xc0: {  	_ =	sfence.sel $0xFFFF  }
0xc1: {  	[dreg:$0x0] =	wrdreg $0xFFFFFFFF;
	(pc) =	sbr.abs _section_cstart, $3  }
0xc2: {  	[dreg:$0x1] =	wrdreg $0xFFFFFFFF  }
0xc3: {  	_ =	task.clear_ibuf [dreg:s7], $0x2FFFF;
	_ =	strace $0x9FFFFFFF  }
0xc4: {  	(tm) =	ssettm $0x7FFFFFFF  }
0xc5: {  	_ =	shalt  }
tec
execute0_lowered:
.L_overlay_start_1:
0x0: {  	(tag) =	ssettag $0x1  }
0x1: {  	s0 =	rddreg [dreg:$0x0]  }
0x2: {  	s1 =	rddreg [dreg:$0x1]  }
0x3: {  	s2 =	rddreg [dreg:$0x2]  }
0x4: {  	s3 =	rddreg [dreg:$0x3]  }
0x5: {  	s4 =	srdreg.scid;
	s15 =	stileid.u32  }
0x6: {  	s18 =	simm.s32 $0x1400;
	s19 =	simm.s32 $0x2800;
	s20 =	simm.s32 $0x80  }
0x7: {  	s21 =	simm.s32 $0x4800;
	s22 =	simm.s32 $0x1;
	s29 =	simm.s32 $0x2  }
0x8: {  	s30 =	simm.s32 $0x3;
	s28 =	simm.s32 $0x2780;
	s6 =	smul.u32 $0x9C40, s15  }
0x9: {  	s31 =	simm.s32 $0x0;
	s7 =	sand.u32 $0x1, s4;
	s23 =	smul.u32 $0x28000, s15  }
0xa: {  	s4 =	simm.s32 $0x0;
	s11 =	smul.u32 $0xA000, s15;
	s26 =	sshll.u32 s15, $0x6  }
0xb: {  	s5 =	sshll.u32 s7, $0x4;
	[smem:$0x7FF] =	sst s4;
	s9 =	ssub.s32 $0x2, s7  }
0xc: {  	s12 =	smul.u32 $0xA0000, s7;
	s16 =	sor.u32 $0x1C05, s26;
	s26 =	simm.s32 $0x8800  }
0xd: {  	s5 =	sor.u32 s15, s5;
	s8 =	sshrl.u32 s6, $0x3;
	_ =	strace $0x80000050  }
0xe: {  	s10 =	sshrl.u32 s9, $0x1;
	s17 =	sadd.s32 s6, s2;
	s15 =	simm.s32 $0x5  }
0xf: {  	s5 =	smul.u32 $0x280, s5;
	s8 =	sadd.s32 s8, s0;
	s14 =	ssub.s32 s9, s10  }
0x10: {  	s9 =	sshrl.u32 s23, $0x2;
	s13 =	sadd.s32 s11, s12;
	s17 =	sshrl.u32 s17, $0x3  }
0x11: {  	s6 =	sadd.s32 $0xC800, s8;
	s8 =	sadd.s32 s11, s3;
	s24 =	sadd.s32 s9, s3  }
0x12: {  	s25 =	sshrl.u32 s13, $0x3;
	s14 =	smax.u32 s14, $0x1;
	s0 =	sadd.s32 s5, s0  }
0x13: {  	s9 =	sadd.s32 $0x2000, s24;
	s10 =	sadd.s32 $0x4000, s24;
	s11 =	sadd.s32 $0x6000, s24  }
0x14: {  	s12 =	sadd.s32 $0x8000, s24;
	s13 =	sadd.s32 s1, s25;
	s24 =	simm.s32 $0x6800  }
0x15: {  	v0 =	vimm.f32 $0.0e+00;
	s25 =	simm.s32 $0x4;
	s5 =	sadd.s32 $0x7800, s0;
	s7 =	sadd.s32 $0x2800, s0  }
.LBB2_1:
0x16: {  	[tilespmem:s4], [sflag:$0x5] =	stream.linear.gather [hbm4b:s5+s4], $0x1400, $0x38;
	[tilespmem:$0x1E440] =	vst v63  }
0x17: {  	_ =	swait.ge [sflag:s15], $0x1400  }
0x18: {  	[sflag:s15] =	ssyncset.done $0x0  }
0x19: {  	[sflag:s15] =	ssyncadd.s32 $0xFFFFEC00  }
0x1a: {  	[spmem:s17], [sflag:s16] =	dma.local [hbm:s6], $0x1388  }
0x1b: {  	_ =	swait.ge [sflag:s15], $0x1388  }
0x1c: {  	[sflag:s15] =	ssyncset.done $0x0  }
0x1d: {  	[sflag:s15] =	ssyncadd.s32 $0xFFFFEC78  }
0x1e: {  	[tilespmem:s18], [sflag:$0x5] =	stream.linear.gather [hbm4b:s7+s4], $0x1400, $0x38;
	[tilespmem:$0x1E440] =	vst v63  }
0x1f: {  	_ =	swait.ge [sflag:s15], $0x1400  }
0x20: {  	[sflag:s15] =	ssyncset.done $0x0  }
0x21: {  	s1 =	simm.s32 $0x100;
	s0 =	simm.s32 $0x0;
	[sflag:s15] =	ssyncadd.s32 $0xFFFFEC00  }
.LBB2_2:
0x22: {  	p0 =	sne.s32 s1, $0x7F00;
	[tilespmem:s0+$0x2830] =	vst v0;
	s23 =	smov.u32 s1;
	s1 =	sadd.s32 $0x100, s1  }
.Ltmp0:
0x23: {  	[tilespmem:s0+$0x2820] =	vst v0;
	(pc) =	sbr.rel @p0 .LBB2_2-.Ltmp0, $3  }
0x24: {  	[tilespmem:s0+$0x2800] =	vst v0  }
0x25: {  	[tilespmem:s0+$0x2810] =	vst v0;
	_ =	sdelay $0x1  }
0x26: {  	s0 =	sshra.s32 s23, $0x2  }
0x27: {  	[tilespmem:s0+$0x2830] =	vst v0  }
0x28: {  	[tilespmem:s0+$0x2820] =	vst v0  }
0x29: {  	[tilespmem:s0+$0x2800] =	vst v0  }
0x2a: {  	[tilespmem:s0+$0x2810] =	vst v0  }
0x2b: {  	[spmem:s8] =	stream.linear.scatter [tilespmem:s19], [sflag:$0x5], $0x2000, $0x38;
	[tilespmem:$0x1E440] =	vst v63  }
0x2c: {  	_ =	swait.ge [sflag:s15], $0x2000  }
0x2d: {  	[sflag:s15] =	ssyncset.done $0x0  }
0x2e: {  	[sflag:s15] =	ssyncadd.s32 $0xFFFFE000  }
0x2f: {  	[spmem:s9] =	stream.linear.scatter [tilespmem:s19], [sflag:$0x5], $0x2000, $0x38;
	[tilespmem:$0x1E440] =	vst v63  }
0x30: {  	_ =	swait.ge [sflag:s15], $0x2000  }
0x31: {  	[sflag:s15] =	ssyncset.done $0x0  }
0x32: {  	[sflag:s15] =	ssyncadd.s32 $0xFFFFE000  }
0x33: {  	[spmem:s10] =	stream.linear.scatter [tilespmem:s19], [sflag:$0x5], $0x2000, $0x38;
	[tilespmem:$0x1E440] =	vst v63  }
0x34: {  	_ =	swait.ge [sflag:s15], $0x2000  }
0x35: {  	[sflag:s15] =	ssyncset.done $0x0  }
0x36: {  	[sflag:s15] =	ssyncadd.s32 $0xFFFFE000  }
0x37: {  	[spmem:s11] =	stream.linear.scatter [tilespmem:s19], [sflag:$0x5], $0x2000, $0x38;
	[tilespmem:$0x1E440] =	vst v63  }
0x38: {  	_ =	swait.ge [sflag:s15], $0x2000  }
0x39: {  	[sflag:s15] =	ssyncset.done $0x0  }
0x3a: {  	[sflag:s15] =	ssyncadd.s32 $0xFFFFE000  }
0x3b: {  	[spmem:s12] =	stream.linear.scatter [tilespmem:s19], [sflag:$0x5], $0x2000, $0x38;
	[tilespmem:$0x1E440] =	vst v63  }
0x3c: {  	_ =	swait.ge [sflag:s15], $0x2000  }
0x3d: {  	[sflag:s15] =	ssyncset.done $0x0  }
0x3e: {  	[sflag:s15] =	ssyncadd.s32 $0xFFFFE000  }
0x3f: {  	s23 =	simm.s32 $0x0;
	[bflag:$0x0] =	sbarrier.arrive $0xFFFF  }
0x40: {  	[tilespmem:s19], [sflag:$0x1] =	stream.indirect.gather [spmem:s2], $0x40, s23, s20, $0xb8;
	[tilespmem:$0x1E440] =	vst v63  }
0x41: {  	_ = 	snop  }
0x42: {  	[tilespmem:s21], [sflag:$0x1] =	stream.indirect.gather [spmem:s2], $0x40, s20, s20, $0xb8;
	[tilespmem:$0x1E440] =	vst v63  }
0x43: {  	_ =	swait.ge [sflag:s22], $0x2000  }
0x44: {  	[sflag:s22] =	ssyncset.done $0x0  }
0x45: {  	[sflag:s22] =	ssyncadd.s32 $0xFFFFE000  }
0x46: {  	_ =	swait.ge [sflag:s22], $0x2000  }
0x47: {  	[sflag:s22] =	ssyncset.done $0x0  }
0x48: {  	s1 =	simm.s32 $0x100;
	[sflag:s22] =	ssyncadd.s32 $0xFFFFE000  }
0x49: {  	[tilespmem:s24], [sflag:$0x2] =	stream.indirect.gather [spmem:s2], $0x40, s1, s20, $0xb8;
	[tilespmem:$0x1E440] =	vst v63  }
0x4a: {  	s23 =	simm.s32 $0x180  }
0x4b: {  	[tilespmem:s26], [sflag:$0x2] =	stream.indirect.gather [spmem:s2], $0x40, s23, s20, $0xb8;
	[tilespmem:$0x1E440] =	vst v63  }
0x4c: {  	_ = 	snop  }
0x4d: {  	[spmem:s3] =	stream.indirect.scatter.add.f32 [tilespmem:s19], [sflag:$0x3], $0x40, s18, s20, $0xb8;
	[tilespmem:$0x1E440] =	vst v63  }
0x4e: {  	s1 =	simm.s32 $0x1480  }
0x4f: {  	[spmem:s3] =	stream.indirect.scatter.add.f32 [tilespmem:s21], [sflag:$0x3], $0x40, s1, s20, $0xb8;
	[tilespmem:$0x1E440] =	vst v63  }
0x50: {  	_ =	swait.ge [sflag:s29], $0x2000  }
0x51: {  	[sflag:s29] =	ssyncset.done $0x0  }
0x52: {  	[sflag:s29] =	ssyncadd.s32 $0xFFFFE000  }
0x53: {  	_ =	swait.ge [sflag:s29], $0x2000  }
0x54: {  	[sflag:s29] =	ssyncset.done $0x0  }
0x55: {  	[sflag:s29] =	ssyncadd.s32 $0xFFFFE000  }
0x56: {  	_ =	swait.ge [sflag:s30], $0x2000  }
0x57: {  	[sflag:s30] =	ssyncset.done $0x0  }
0x58: {  	[sflag:s30] =	ssyncadd.s32 $0xFFFFE000  }
0x59: {  	_ =	swait.ge [sflag:s30], $0x2000  }
0x5a: {  	[sflag:s30] =	ssyncset.done $0x0  }
0x5b: {  	s23 =	simm.s32 $0x200;
	[sflag:s30] =	ssyncadd.s32 $0xFFFFE000  }
0x5c: {  	[tilespmem:s19], [sflag:$0x1] =	stream.indirect.gather [spmem:s2], $0x40, s23, s20, $0xb8;
	[tilespmem:$0x1E440] =	vst v63  }
0x5d: {  	s1 =	simm.s32 $0x280  }
0x5e: {  	[tilespmem:s21], [sflag:$0x1] =	stream.indirect.gather [spmem:s2], $0x40, s1, s20, $0xb8;
	[tilespmem:$0x1E440] =	vst v63  }
0x5f: {  	s23 =	simm.s32 $0x1500  }
0x60: {  	[spmem:s3] =	stream.indirect.scatter.add.f32 [tilespmem:s24], [sflag:$0x4], $0x40, s23, s20, $0xb8;
	[tilespmem:$0x1E440] =	vst v63  }
0x61: {  	s1 =	simm.s32 $0x1580  }
0x62: {  	[spmem:s3] =	stream.indirect.scatter.add.f32 [tilespmem:s26], [sflag:$0x4], $0x40, s1, s20, $0xb8;
	[tilespmem:$0x1E440] =	vst v63  }
0x63: {  	_ =	swait.ge [sflag:s22], $0x2000  }
0x64: {  	[sflag:s22] =	ssyncset.done $0x0  }
0x65: {  	[sflag:s22] =	ssyncadd.s32 $0xFFFFE000  }
0x66: {  	_ =	swait.ge [sflag:s22], $0x2000  }
0x67: {  	[sflag:s22] =	ssyncset.done $0x0  }
0x68: {  	[sflag:s22] =	ssyncadd.s32 $0xFFFFE000  }
0x69: {  	_ =	swait.ge [sflag:s25], $0x2000  }
0x6a: {  	[sflag:s25] =	ssyncset.done $0x0  }
0x6b: {  	[sflag:s25] =	ssyncadd.s32 $0xFFFFE000  }
0x6c: {  	_ =	swait.ge [sflag:s25], $0x2000  }
0x6d: {  	[sflag:s25] =	ssyncset.done $0x0  }
0x6e: {  	s23 =	simm.s32 $0x300;
	[sflag:s25] =	ssyncadd.s32 $0xFFFFE000  }
0x6f: {  	[tilespmem:s24], [sflag:$0x2] =	stream.indirect.gather [spmem:s2], $0x40, s23, s20, $0xb8;
	[tilespmem:$0x1E440] =	vst v63  }
0x70: {  	s1 =	simm.s32 $0x380  }
0x71: {  	[tilespmem:s26], [sflag:$0x2] =	stream.indirect.gather [spmem:s2], $0x40, s1, s20, $0xb8;
	[tilespmem:$0x1E440] =	vst v63  }
0x72: {  	s23 =	simm.s32 $0x1600  }
0x73: {  	[spmem:s3] =	stream.indirect.scatter.add.f32 [tilespmem:s19], [sflag:$0x3], $0x40, s23, s20, $0xb8;
	[tilespmem:$0x1E440] =	vst v63  }
0x74: {  	s1 =	simm.s32 $0x1680  }
0x75: {  	[spmem:s3] =	stream.indirect.scatter.add.f32 [tilespmem:s21], [sflag:$0x3], $0x40, s1, s20, $0xb8;
	[tilespmem:$0x1E440] =	vst v63  }
0x76: {  	_ =	swait.ge [sflag:s29], $0x2000  }
0x77: {  	[sflag:s29] =	ssyncset.done $0x0  }
0x78: {  	[sflag:s29] =	ssyncadd.s32 $0xFFFFE000  }
0x79: {  	_ =	swait.ge [sflag:s29], $0x2000  }
0x7a: {  	[sflag:s29] =	ssyncset.done $0x0  }
0x7b: {  	[sflag:s29] =	ssyncadd.s32 $0xFFFFE000  }
0x7c: {  	_ =	swait.ge [sflag:s30], $0x2000  }
0x7d: {  	[sflag:s30] =	ssyncset.done $0x0  }
0x7e: {  	[sflag:s30] =	ssyncadd.s32 $0xFFFFE000  }
0x7f: {  	_ =	swait.ge [sflag:s30], $0x2000  }
0x80: {  	[sflag:s30] =	ssyncset.done $0x0  }
0x81: {  	s23 =	simm.s32 $0x400;
	[sflag:s30] =	ssyncadd.s32 $0xFFFFE000  }
0x82: {  	[tilespmem:s19], [sflag:$0x1] =	stream.indirect.gather [spmem:s2], $0x40, s23, s20, $0xb8;
	[tilespmem:$0x1E440] =	vst v63  }
0x83: {  	s1 =	simm.s32 $0x480  }
0x84: {  	[tilespmem:s21], [sflag:$0x1] =	stream.indirect.gather [spmem:s2], $0x40, s1, s20, $0xb8;
	[tilespmem:$0x1E440] =	vst v63  }
0x85: {  	s0 =	simm.s32 $0x800;
	s23 =	simm.s32 $0x1700;
	s1 =	simm.s32 $0x1780  }
0x86: {  	[spmem:s3] =	stream.indirect.scatter.add.f32 [tilespmem:s24], [sflag:$0x4], $0x40, s23, s20, $0xb8;
	[tilespmem:$0x1E440] =	vst v63  }
.LBB2_4:
0x87: {  	[spmem:s3] =	stream.indirect.scatter.add.f32 [tilespmem:s26], [sflag:$0x4], $0x40, s1, s20, $0xb8;
	[tilespmem:$0x1E440] =	vst v63  }
0x88: {  	s1 =	smov.u32 s0  }
0x89: {  	p0 =	sne.s32 s0, $0x3800;
	s0 =	sadd.s32 $0x800, s0;
	_ =	swait.ge [sflag:s22], $0x2000  }
0x8a: {  	[sflag:s22] =	ssyncset.done $0x0  }
0x8b: {  	[sflag:s22] =	ssyncadd.s32 $0xFFFFE000  }
0x8c: {  	_ =	swait.ge [sflag:s22], $0x2000  }
0x8d: {  	[sflag:s22] =	ssyncset.done $0x0  }
0x8e: {  	[sflag:s22] =	ssyncadd.s32 $0xFFFFE000  }
0x8f: {  	_ =	swait.ge [sflag:s25], $0x2000  }
0x90: {  	[sflag:s25] =	ssyncset.done $0x0  }
0x91: {  	[sflag:s25] =	ssyncadd.s32 $0xFFFFE000  }
0x92: {  	_ =	swait.ge [sflag:s25], $0x2000  }
0x93: {  	s1 =	sshra.s32 s1, $0x2;
	[sflag:s25] =	ssyncset.done $0x0  }
0x94: {  	s23 =	sadd.s32 $0x300, s1;
	[sflag:s25] =	ssyncadd.s32 $0xFFFFE000  }
0x95: {  	[tilespmem:s24], [sflag:$0x2] =	stream.indirect.gather [spmem:s2], $0x40, s23, s20, $0xb8;
	[tilespmem:$0x1E440] =	vst v63  }
0x96: {  	s23 =	sadd.s32 $0x380, s1  }
0x97: {  	[tilespmem:s26], [sflag:$0x2] =	stream.indirect.gather [spmem:s2], $0x40, s23, s20, $0xb8;
	[tilespmem:$0x1E440] =	vst v63  }
0x98: {  	s23 =	sadd.s32 $0x1600, s1  }
0x99: {  	[spmem:s3] =	stream.indirect.scatter.add.f32 [tilespmem:s19], [sflag:$0x3], $0x40, s23, s20, $0xb8;
	[tilespmem:$0x1E440] =	vst v63  }
0x9a: {  	s23 =	sadd.s32 $0x1680, s1  }
0x9b: {  	[spmem:s3] =	stream.indirect.scatter.add.f32 [tilespmem:s21], [sflag:$0x3], $0x40, s23, s20, $0xb8;
	[tilespmem:$0x1E440] =	vst v63  }
0x9c: {  	_ =	swait.ge [sflag:s29], $0x2000  }
0x9d: {  	[sflag:s29] =	ssyncset.done $0x0  }
0x9e: {  	[sflag:s29] =	ssyncadd.s32 $0xFFFFE000  }
0x9f: {  	_ =	swait.ge [sflag:s29], $0x2000  }
0xa0: {  	[sflag:s29] =	ssyncset.done $0x0  }
0xa1: {  	[sflag:s29] =	ssyncadd.s32 $0xFFFFE000  }
0xa2: {  	_ =	swait.ge [sflag:s30], $0x2000  }
0xa3: {  	[sflag:s30] =	ssyncset.done $0x0  }
0xa4: {  	[sflag:s30] =	ssyncadd.s32 $0xFFFFE000  }
0xa5: {  	_ =	swait.ge [sflag:s30], $0x2000  }
0xa6: {  	[sflag:s30] =	ssyncset.done $0x0  }
0xa7: {  	s23 =	sadd.s32 $0x400, s1;
	[sflag:s30] =	ssyncadd.s32 $0xFFFFE000  }
0xa8: {  	[tilespmem:s19], [sflag:$0x1] =	stream.indirect.gather [spmem:s2], $0x40, s23, s20, $0xb8;
	[tilespmem:$0x1E440] =	vst v63  }
.Ltmp1:
0xa9: {  	s23 =	sadd.s32 $0x480, s1;
	(pc) =	sbr.rel @p0 .LBB2_4-.Ltmp1, $4  }
0xaa: {  	[tilespmem:s21], [sflag:$0x1] =	stream.indirect.gather [spmem:s2], $0x40, s23, s20, $0xb8;
	[tilespmem:$0x1E440] =	vst v63  }
0xab: {  	s23 =	sadd.s32 $0x1700, s1  }
0xac: {  	[spmem:s3] =	stream.indirect.scatter.add.f32 [tilespmem:s24], [sflag:$0x4], $0x40, s23, s20, $0xb8;
	[tilespmem:$0x1E440] =	vst v63  }
0xad: {  	s1 =	sadd.s32 $0x1780, s1  }
0xae: {  	[spmem:s3] =	stream.indirect.scatter.add.f32 [tilespmem:s26], [sflag:$0x4], $0x40, s1, s20, $0xb8;
	[tilespmem:$0x1E440] =	vst v63  }
0xaf: {  	_ =	swait.ge [sflag:s22], $0x2000  }
0xb0: {  	[sflag:s22] =	ssyncset.done $0x0  }
0xb1: {  	[sflag:s22] =	ssyncadd.s32 $0xFFFFE000  }
0xb2: {  	_ =	swait.ge [sflag:s22], $0x2000  }
0xb3: {  	[sflag:s22] =	ssyncset.done $0x0  }
0xb4: {  	[sflag:s22] =	ssyncadd.s32 $0xFFFFE000  }
0xb5: {  	_ =	swait.ge [sflag:s25], $0x2000  }
0xb6: {  	[sflag:s25] =	ssyncset.done $0x0  }
0xb7: {  	[sflag:s25] =	ssyncadd.s32 $0xFFFFE000  }
0xb8: {  	_ =	swait.ge [sflag:s25], $0x2000  }
0xb9: {  	[sflag:s25] =	ssyncset.done $0x0  }
0xba: {  	s0 =	simm.s32 $0x1300;
	[sflag:s25] =	ssyncadd.s32 $0xFFFFE000  }
0xbb: {  	[tilespmem:s24], [sflag:$0x2] =	stream.indirect.gather [spmem:s2], $0x40, s0, s20, $0xb8;
	[tilespmem:$0x1E440] =	vst v63  }
0xbc: {  	s23 =	simm.s32 $0x1380  }
0xbd: {  	[tilespmem:s26], [sflag:$0x2] =	stream.indirect.gather [spmem:s2], $0x40, s23, s20, $0xb8;
	[tilespmem:$0x1E440] =	vst v63  }
0xbe: {  	s1 =	simm.s32 $0x2600  }
0xbf: {  	[spmem:s3] =	stream.indirect.scatter.add.f32 [tilespmem:s19], [sflag:$0x3], $0x40, s1, s20, $0xb8;
	[tilespmem:$0x1E440] =	vst v63  }
0xc0: {  	s23 =	simm.s32 $0x2680  }
0xc1: {  	[spmem:s3] =	stream.indirect.scatter.add.f32 [tilespmem:s21], [sflag:$0x3], $0x40, s23, s20, $0xb8;
	[tilespmem:$0x1E440] =	vst v63  }
0xc2: {  	_ =	swait.ge [sflag:s29], $0x2000  }
0xc3: {  	[sflag:s29] =	ssyncset.done $0x0  }
0xc4: {  	[sflag:s29] =	ssyncadd.s32 $0xFFFFE000  }
0xc5: {  	_ =	swait.ge [sflag:s29], $0x2000  }
0xc6: {  	[sflag:s29] =	ssyncset.done $0x0  }
0xc7: {  	[sflag:s29] =	ssyncadd.s32 $0xFFFFE000  }
0xc8: {  	_ =	swait.ge [sflag:s30], $0x2000  }
0xc9: {  	[sflag:s30] =	ssyncset.done $0x0  }
0xca: {  	[sflag:s30] =	ssyncadd.s32 $0xFFFFE000  }
0xcb: {  	_ =	swait.ge [sflag:s30], $0x2000  }
0xcc: {  	[sflag:s30] =	ssyncset.done $0x0  }
0xcd: {  	[sflag:s30] =	ssyncadd.s32 $0xFFFFE000  }
0xce: {  	[tilespmem:s19], [sflag:$0x1] =	stream.indirect.gather [spmem:s2], $0x40, s4, s20, $0xb8;
	[tilespmem:$0x1E440] =	vst v63  }
0xcf: {  	_ = 	snop  }
0xd0: {  	[tilespmem:s21], [sflag:$0x1] =	stream.indirect.gather [spmem:s2], $0x40, s20, s20, $0xb8;
	[tilespmem:$0x1E440] =	vst v63  }
0xd1: {  	s1 =	simm.s32 $0x2700  }
0xd2: {  	[spmem:s3] =	stream.indirect.scatter.add.f32 [tilespmem:s24], [sflag:$0x4], $0x40, s1, s20, $0xb8;
	[tilespmem:$0x1E440] =	vst v63  }
0xd3: {  	_ = 	snop  }
0xd4: {  	[spmem:s3] =	stream.indirect.scatter.add.f32 [tilespmem:s26], [sflag:$0x4], $0x40, s28, s20, $0xb8;
	[tilespmem:$0x1E440] =	vst v63  }
0xd5: {  	_ =	swait.ge [sflag:s22], $0x2000  }
0xd6: {  	[sflag:s22] =	ssyncset.done $0x0  }
0xd7: {  	[sflag:s22] =	ssyncadd.s32 $0xFFFFE000  }
0xd8: {  	_ =	swait.ge [sflag:s22], $0x2000  }
0xd9: {  	[sflag:s22] =	ssyncset.done $0x0  }
0xda: {  	[sflag:s22] =	ssyncadd.s32 $0xFFFFE000  }
0xdb: {  	_ =	swait.ge [sflag:s25], $0x2000  }
0xdc: {  	[sflag:s25] =	ssyncset.done $0x0  }
0xdd: {  	[sflag:s25] =	ssyncadd.s32 $0xFFFFE000  }
0xde: {  	_ =	swait.ge [sflag:s25], $0x2000  }
0xdf: {  	s31 =	sadd.s32 $0x1, s31;
	[sflag:s25] =	ssyncset.done $0x0  }
0xe0: {  	p0 =	sne.s32 s31, s14;
	[sflag:s25] =	ssyncadd.s32 $0xFFFFE000  }
.Ltmp2:
0xe1: {  	s23 =	sshrl.u32 s8, $0x3;
	[bflag:$0x0] =	sbarrier.arrive $0xFFFF;
	(pc) =	sbr.rel @p0 .LBB2_1-.Ltmp2, $4  }
0xe2: {  	[hbm:s13], [sflag:s16] =	dma.local [spmem:s23], $0x1400  }
0xe3: {  	_ =	swait.ge [sflag:s15], $0x1400  }
0xe4: {  	[sflag:s15] =	ssyncset.done $0x0  }
0xe5: {  	[sflag:s15] =	ssyncadd.s32 $0xFFFFEC00  }
0xe6: {  	_ =	sfence.sel $0x180000  }
0xe7: {  	[bflag:$0x0] =	sbarrier.arrive $0xFFFF  }
0xe8: {  	_ =	strace $0x90000050  }
0xe9: {  	s0 =	stileid.u32;
	[bflag:$0x2] =	sbarrier.arrive $0xFFFF  }
0xea: {  	p0 =	sne.s32 s0, $0x0;
	s0 =	rddreg [dreg:$0x4]  }
0xeb: {  	s0 =	sadd.s32 @!p0 $0x100000, s0  }
0xec: {  	[sflag:s0] =	ssyncadd.tile.s32 @!p0 $0x1;
	_ =	shalt  }
.Lfunc_end2:
_tile_overlayer_lowered:
.L_overlay_start_2:
0xed: {  	(tag) =	ssettag $0x2  }
0xee: {  	s0 =	rddreg [dreg:$0x0];
	s2 =	stileid.u32  }
0xef: {  	s1 =	rddreg [dreg:$0x1];
	p0 =	sne.s32 s2, $0x0  }
0xf0: {  	s3 =	rddreg [dreg:$0x2];
	[bflag:$0x3] =	sbarrier.arrive $0xFFFF;
	s2 =	simm.s32 @!p0 $0x1C05  }
0xf1: {  	[timem:s3], [sflag:s2] =	dma.local @!p0 [hbm:s0], s1  }
0xf2: {  	s0 =	simm.s32 @!p0 $0x5  }
0xf3: {  	_ =	swait.ge @!p0 [sflag:s0], s1  }
0xf4: {  	s1 =	ssub.s32 @!p0 $0x0, s1;
	[sflag:s0] =	ssyncset.done @!p0 $0x0  }
0xf5: {  	[sflag:s0] =	ssyncadd.s32 @!p0 s1  }
0xf6: {  	[bflag:$0x3] =	sbarrier.arrive $0xFFFF  }
0xf7: {  	_ =	shalt  }

</sc_bundles>
